<compile_context>
chip_gen: v7x
topology: tpu7x:2x2x1
jax: 0.10.2.dev20260603
libtpu: 0.0.44.dev20260713+nightly
codegen_flags: <defaults>
</compile_context>

<pallas_src>
import functools
import jax
import jax.numpy as jnp
from jax import lax
from jax.experimental import pallas as pl
from jax.experimental.pallas import tpu as pltpu
from jax.experimental.pallas import tpu_sc as plsc

_N = 10000
_E = 160000
_H = 256
_HH = 128
_R = 8

_BN = 2000
_BE = 2000

_TPC = 16
_EPT = _E // (2 * _TPC)
_KC = 40
_NP = 10240
_RPT = _NP // _TPC
_ZB = 64


def _rel_mm_body(x_ref, w_ref, q_ref, k_ref, lo_ref, hi_ref, qn_ref, kn_ref):
    xt = jnp.dot(x_ref[...], w_ref[0], preferred_element_type=jnp.float32)
    lo_ref[0] = xt[:, :_HH]
    hi_ref[0] = xt[:, _HH:]
    qn_ref[0] = jnp.dot(xt, q_ref[...], preferred_element_type=jnp.float32)
    kn_ref[0] = jnp.dot(xt, k_ref[...], preferred_element_type=jnp.float32)


def _rel_transform(x, w, q, k):
    f_in = x.shape[1]
    grid = (_R, _N // _BN)
    return pl.pallas_call(
        _rel_mm_body,
        grid=grid,
        in_specs=[
            pl.BlockSpec((_BN, f_in), lambda r, n: (n, 0)),
            pl.BlockSpec((1, f_in, _H), lambda r, n: (r, 0, 0)),
            pl.BlockSpec((f_in, 1), lambda r, n: (0, 0)),
            pl.BlockSpec((f_in, 1), lambda r, n: (0, 0)),
        ],
        out_specs=[
            pl.BlockSpec((1, _BN, _HH), lambda r, n: (r, n, 0)),
            pl.BlockSpec((1, _BN, _HH), lambda r, n: (r, n, 0)),
            pl.BlockSpec((1, _BN, 1), lambda r, n: (r, n, 0)),
            pl.BlockSpec((1, _BN, 1), lambda r, n: (r, n, 0)),
        ],
        out_shape=[
            jax.ShapeDtypeStruct((_R, _N, _HH), jnp.float32),
            jax.ShapeDtypeStruct((_R, _N, _HH), jnp.float32),
            jax.ShapeDtypeStruct((_R, _N, 1), jnp.float32),
            jax.ShapeDtypeStruct((_R, _N, 1), jnp.float32),
        ],
    )(x, w, q, k)


def _sc_scatter_body(table, cid, dstr, wgtr, zr, out,
                     zbuf, rows, idxb, dstb, wgtb, shared, sem):
    c = lax.axis_index("c")
    s = lax.axis_index("s")
    base = (c * _TPC + s) * _EPT
    row0 = s * _RPT

    pltpu.sync_copy(zr, zbuf)
    for i in range(_RPT // _ZB):
        pltpu.sync_copy(zbuf, shared.at[pl.ds(row0 + i * _ZB, _ZB)])
    plsc.subcore_barrier()

    def chunk(ci, carry):
        off = base + ci * _KC
        pltpu.sync_copy(cid.at[pl.ds(off, _KC)], idxb)
        pltpu.sync_copy(dstr.at[pl.ds(off, _KC)], dstb)
        pltpu.sync_copy(wgtr.at[pl.ds(off, _KC), :], wgtb)
        pltpu.async_copy(table.at[idxb], rows, sem).wait()

        def scale(k, carry2):
            wv = wgtb[k, :]
            for j in range(_HH // 16):
                rows[k, pl.ds(j * 16, 16)] = rows[k, pl.ds(j * 16, 16)] * wv
            return carry2

        lax.fori_loop(0, _KC, scale, 0)
        pltpu.sync_copy(rows, shared.at[dstb], add=True)
        return carry

    lax.fori_loop(0, _EPT // _KC, chunk, 0)
    plsc.subcore_barrier()

    for i in range(_RPT // _ZB):
        pltpu.sync_copy(shared.at[pl.ds(row0 + i * _ZB, _ZB)], zbuf)
        pltpu.sync_copy(zbuf, out.at[c, pl.ds(row0 + i * _ZB, _ZB)])


def _sc_weighted_scatter(table_half, cid_src, dst, wgt, zeros):
    mesh = plsc.VectorSubcoreMesh(core_axis_name="c", subcore_axis_name="s")
    run = functools.partial(
        pl.kernel,
        mesh=mesh,
        out_type=jax.ShapeDtypeStruct((2, _NP, _HH), jnp.float32),
        scratch_types=[
            pltpu.VMEM((_ZB, _HH), jnp.float32),
            pltpu.VMEM((_KC, _HH), jnp.float32),
            pltpu.VMEM((_KC,), jnp.int32),
            pltpu.VMEM((_KC,), jnp.int32),
            pltpu.VMEM((_KC, 16), jnp.float32),
            pltpu.VMEM_SHARED((_NP, _HH), jnp.float32),
            pltpu.SemaphoreType.DMA,
        ],
    )(_sc_scatter_body)
    return run(table_half, cid_src, dst, wgt, zeros)


def _edge_mv_body(ea_ref, v_ref, ae_ref):
    ae_ref[...] = jnp.dot(ea_ref[...], v_ref[...],
                          preferred_element_type=jnp.float32)


def _edge_logit_bias(edge_attr, le, e):
    v = le @ e
    d = edge_attr.shape[1]
    return pl.pallas_call(
        _edge_mv_body,
        grid=(_E // _BE,),
        in_specs=[
            pl.BlockSpec((_BE, d), lambda i: (i, 0)),
            pl.BlockSpec((d, 1), lambda i: (0, 0)),
        ],
        out_specs=pl.BlockSpec((_BE, 1), lambda i: (i, 0)),
        out_shape=jax.ShapeDtypeStruct((_E, 1), jnp.float32),
    )(edge_attr, v)


def _final_mv_body(h_ref, w_ref, b_ref, y_ref):
    y_ref[...] = jnp.dot(h_ref[...], w_ref[...],
                         preferred_element_type=jnp.float32) + b_ref[0]


def _final_linear(h, w, b):
    return pl.pallas_call(
        _final_mv_body,
        grid=(_N // _BN,),
        in_specs=[
            pl.BlockSpec((_BN, _H), lambda i: (i, 0)),
            pl.BlockSpec((_H, 1), lambda i: (0, 0)),
            pl.BlockSpec((1,), lambda i: (0,)),
        ],
        out_specs=pl.BlockSpec((_BN, 1), lambda i: (i, 0)),
        out_shape=jax.ShapeDtypeStruct((_N, 1), jnp.float32),
    )(h, w, b)


def _rgat_layer(x, cid_dst, cid_src, dst, edge_attr, w, q, k, le, e, b):
    xt_lo, xt_hi, qn, kn = _rel_transform(x, w, q, k)
    ae = _edge_logit_bias(edge_attr, le, e)

    qnf = qn.reshape(_R * _N)
    knf = kn.reshape(_R * _N)
    alpha = qnf[cid_dst] + knf[cid_src] + ae[:, 0]
    alpha = jnp.where(alpha >= 0, alpha, 0.2 * alpha)
    ex = jnp.exp(alpha)
    denom = jax.ops.segment_sum(ex, dst, num_segments=_N)
    wgt = ex / (denom[dst] + 1e-16)

    zeros = jnp.zeros((_ZB, _HH), jnp.float32)
    wgt16 = jnp.broadcast_to(wgt[:, None], (_E, 16))
    lo = _sc_weighted_scatter(xt_lo.reshape(_R * _N, _HH),
                              cid_src, dst, wgt16, zeros)
    hi = _sc_weighted_scatter(xt_hi.reshape(_R * _N, _HH),
                              cid_src, dst, wgt16, zeros)
    out = jnp.concatenate([lo[0, :_N] + lo[1, :_N],
                            hi[0, :_N] + hi[1, :_N]], axis=1)
    return out + b


def kernel(x, edge_index, edge_type, edge_attr, w1, q1, k1, le1, e1, b1,
           w2, q2, k2, le2, e2, b2, lin2_w, lin2_b):
    src = edge_index[0]
    dst = edge_index[1].astype(jnp.int32)
    et = edge_type.astype(jnp.int32)
    cid_dst = et * _N + dst.astype(jnp.int32)
    cid_src = et * _N + src.astype(jnp.int32)

    h = jax.nn.relu(_rgat_layer(x, cid_dst, cid_src, dst, edge_attr,
                                w1, q1, k1, le1, e1, b1))
    h = jax.nn.relu(_rgat_layer(h, cid_dst, cid_src, dst, edge_attr,
                                w2, q2, k2, le2, e2, b2))
    return _final_linear(h, lin2_w, lin2_b)

# --- scband reference (transcript-rebuilt; emitter-appended) ---
"""Pipeline reference for scband-text-gcn-57440892617381 (READ-ONLY COPY).

The authoritative reference and input builder live on the scoring server;
editing this copy changes nothing except your own understanding.
"""

import jax, jax.numpy as jnp
import numpy as np

N = 10000
E = 160000
F_IN = 256
H = 256
R = 8
D_EDGE = 16


def rgat_layer(x, src, dst, edge_type, edge_attr, weight, q, k, le, e, b):
    # Per-relation dense transform: equivalent to PyG RGATConv's per-edge bmm
    # with weight gathered by edge_type, but computed as R dense matmuls.
    xt = jnp.einsum('ni,rio->rno', x, weight)  # [R, N, H]
    out_i = xt[edge_type, dst]  # [E, H]
    out_j = xt[edge_type, src]  # [E, H]
    qi = out_i @ q  # [E, 1]  (heads=1, dim=1)
    kj = out_j @ k  # [E, 1]
    alpha_edge = (edge_attr @ le) @ e  # [E, 1]
    alpha = jax.nn.leaky_relu(qi + kj + alpha_edge, negative_slope=0.2)
    # across-relation segment softmax over destination nodes
    amax = jax.ops.segment_max(alpha, dst, num_segments=N)
    amax = jnp.where(jnp.isfinite(amax), amax, 0.0)
    amax = jax.lax.stop_gradient(amax)
    ex = jnp.exp(alpha - amax[dst])
    denom = jax.ops.segment_sum(ex, dst, num_segments=N)
    alpha = ex / (denom[dst] + 1e-16)
    out = jax.ops.segment_sum(alpha * out_j, dst, num_segments=N)
    return out + b


def setup_inputs(seed: int = 0):
    key = jax.random.key(seed)
    ks = jax.random.split(key, 24)
    s1 = (2.0 / (F_IN + H)) ** 0.5
    s2 = (2.0 / (H + H)) ** 0.5
    inp = {}
    inp['x'] = jax.random.normal(ks[0], (N, F_IN), dtype=jnp.float32)
    inp['edge_index'] = jax.random.randint(ks[1], (2, E), 0, N)
    inp['edge_type'] = jax.random.randint(ks[2], (E,), 0, R)
    inp['edge_attr'] = jax.random.normal(ks[3], (E, D_EDGE), dtype=jnp.float32)
    inp['w1'] = jax.random.normal(ks[4], (R, F_IN, H), dtype=jnp.float32) * s1
    inp['q1'] = jax.random.normal(ks[5], (H, 1), dtype=jnp.float32) * s2
    inp['k1'] = jax.random.normal(ks[6], (H, 1), dtype=jnp.float32) * s2
    inp['le1'] = jax.random.normal(ks[7], (D_EDGE, H), dtype=jnp.float32) * s2
    inp['e1'] = jax.random.normal(ks[8], (H, 1), dtype=jnp.float32) * s2
    inp['b1'] = jnp.zeros((H,), dtype=jnp.float32)
    inp['w2'] = jax.random.normal(ks[9], (R, H, H), dtype=jnp.float32) * s2
    inp['q2'] = jax.random.normal(ks[10], (H, 1), dtype=jnp.float32) * s2
    inp['k2'] = jax.random.normal(ks[11], (H, 1), dtype=jnp.float32) * s2
    inp['le2'] = jax.random.normal(ks[12], (D_EDGE, H), dtype=jnp.float32) * s2
    inp['e2'] = jax.random.normal(ks[13], (H, 1), dtype=jnp.float32) * s2
    inp['b2'] = jnp.zeros((H,), dtype=jnp.float32)
    inp['lin2_w'] = jax.random.normal(ks[14], (H, 1), dtype=jnp.float32) * s2
    inp['lin2_b'] = jnp.zeros((1,), dtype=jnp.float32)
    return inp


def reference(x, edge_index, edge_type, edge_attr, w1, q1, k1, le1, e1, b1, w2, q2, k2, le2, e2, b2, lin2_w, lin2_b):
    src = edge_index[0]
    dst = edge_index[1]
    h = jax.nn.relu(rgat_layer(x, src, dst, edge_type, edge_attr, w1, q1, k1, le1, e1, b1))
    # dropout is a no-op in eval mode
    h = jax.nn.relu(rgat_layer(h, src, dst, edge_type, edge_attr, w2, q2, k2, le2, e2, b2))
    return h @ lin2_w + lin2_b

if __name__ == "__main__":
    import jax
    _d = setup_inputs()
    print(jax.jit(kernel)(*tuple(_d.values())))

</pallas_src>

<mosaic_0001>
#map = affine_map<(d0, d1) -> (0, 0)>
#map1 = affine_map<(d0, d1) -> (0)>
#map2 = affine_map<(d0, d1) -> (0, 0, 0)>
module attributes {stable_mosaic.version = 14 : i64} {
  func.func @_sc_scatter_body(%arg0: i32, %arg1: i32, %arg2: memref<80000x128xf32, #tpu.memory_space<hbm>>, %arg3: memref<160000xi32, #tpu.memory_space<hbm>>, %arg4: memref<160000xi32, #tpu.memory_space<hbm>>, %arg5: memref<160000x16xf32, #tpu.memory_space<hbm>>, %arg6: memref<64x128xf32, #tpu.memory_space<hbm>>, %arg7: memref<2x10240x128xf32, #tpu.memory_space<hbm>>, %arg8: memref<64x128xf32, #tpu.memory_space<vmem>>, %arg9: memref<40x128xf32, #tpu.memory_space<vmem>>, %arg10: memref<40xi32, #tpu.memory_space<vmem>>, %arg11: memref<40xi32, #tpu.memory_space<vmem>>, %arg12: memref<40x16xf32, #tpu.memory_space<vmem>>, %arg13: memref<10240x128xf32, #tpu.memory_space<vmem_shared>>, %arg14: memref<!tpu.dma_semaphore, #tpu.memory_space<semaphore_mem>>) attributes {dimension_semantics = [#tpu.dimension_semantics<core_parallel>, #tpu.dimension_semantics<subcore_parallel>], iteration_bounds = array<i64: 2, 16>, scalar_prefetch = 0 : i64, scratch_operands = 7 : i64, tpu.core_type = #tpu.core_type<sc_vector_subcore>, window_params = [{transform_indices = #map}, {transform_indices = #map1}, {transform_indices = #map1}, {transform_indices = #map}, {transform_indices = #map}, {transform_indices = #map2}]} {
    %mul3A = arith.constant 16 : i32
    %mul3A_0 = arith.muli %arg0, %mul3A : i32
    %add3A = arith.addi %mul3A_0, %arg1 : i32
    %mul3A_1 = arith.constant 5000 : i32
    %mul3A_2 = arith.muli %add3A, %mul3A_1 : i32
    %mul3A_3 = arith.constant 640 : i32
    %mul3A_4 = arith.muli %arg1, %mul3A_3 : i32
    "tpu.region"() ({
      %run_scoped3A = tpu.sem_alloc : memref<!tpu.dma_semaphore, #tpu.memory_space<semaphore_mem>>
      tpu.enqueue_dma source(%arg6 : memref<64x128xf32, #tpu.memory_space<hbm>>) target(%arg8 : memref<64x128xf32, #tpu.memory_space<vmem>>) target_semaphore(%run_scoped3A : memref<!tpu.dma_semaphore, #tpu.memory_space<semaphore_mem>>)
      tpu.wait_dma2 semaphore(%run_scoped3A : memref<!tpu.dma_semaphore, #tpu.memory_space<semaphore_mem>>) src(%arg6 : memref<64x128xf32, #tpu.memory_space<hbm>>) dst(%arg8 : memref<64x128xf32, #tpu.memory_space<vmem>>)
      tpu.yield
    }) : () -> ()
    %add3A_5 = arith.constant 0 : i32
    %add3A_6 = arith.addi %mul3A_4, %add3A_5 : i32
    "tpu.region"() ({
      %run_scoped3A = tpu.sem_alloc : memref<!tpu.dma_semaphore, #tpu.memory_space<semaphore_mem>>
      %dma_start3A = arith.constant 0 : i32
      %dma_start3A_71 = tpu.memref_slice %arg13[%add3A_6, %dma_start3A] : memref<10240x128xf32, #tpu.memory_space<vmem_shared>> -> memref<64x128xf32, #tpu.memory_space<vmem_shared>>
      %dma_start3A_72 = arith.constant 0 : i32
      %dma_start3A_73 = tpu.memref_slice %arg13[%add3A_6, %dma_start3A_72] : memref<10240x128xf32, #tpu.memory_space<vmem_shared>> -> memref<64x128xf32, #tpu.memory_space<vmem_shared>>
      tpu.enqueue_dma source(%arg8 : memref<64x128xf32, #tpu.memory_space<vmem>>) target(%dma_start3A_73 : memref<64x128xf32, #tpu.memory_space<vmem_shared>>) target_semaphore(%run_scoped3A : memref<!tpu.dma_semaphore, #tpu.memory_space<semaphore_mem>>)
      %dma_wait3A = arith.constant 0 : i32
      %dma_wait3A_74 = tpu.memref_slice %arg13[%add3A_6, %dma_wait3A] : memref<10240x128xf32, #tpu.memory_space<vmem_shared>> -> memref<64x128xf32, #tpu.memory_space<vmem_shared>>
      %dma_wait3A_75 = arith.constant 0 : i32
      %dma_wait3A_76 = tpu.memref_slice %arg13[%add3A_6, %dma_wait3A_75] : memref<10240x128xf32, #tpu.memory_space<vmem_shared>> -> memref<64x128xf32, #tpu.memory_space<vmem_shared>>
      tpu.wait_dma2 semaphore(%run_scoped3A : memref<!tpu.dma_semaphore, #tpu.memory_space<semaphore_mem>>) src(%arg8 : memref<64x128xf32, #tpu.memory_space<vmem>>) dst(%dma_wait3A_76 : memref<64x128xf32, #tpu.memory_space<vmem_shared>>)
      tpu.yield
    }) : () -> ()
    %add3A_7 = arith.constant 64 : i32
    %add3A_8 = arith.addi %mul3A_4, %add3A_7 : i32
    "tpu.region"() ({
      %run_scoped3A = tpu.sem_alloc : memref<!tpu.dma_semaphore, #tpu.memory_space<semaphore_mem>>
      %dma_start3A = arith.constant 0 : i32
      %dma_start3A_71 = tpu.memref_slice %arg13[%add3A_8, %dma_start3A] : memref<10240x128xf32, #tpu.memory_space<vmem_shared>> -> memref<64x128xf32, #tpu.memory_space<vmem_shared>>
      %dma_start3A_72 = arith.constant 0 : i32
      %dma_start3A_73 = tpu.memref_slice %arg13[%add3A_8, %dma_start3A_72] : memref<10240x128xf32, #tpu.memory_space<vmem_shared>> -> memref<64x128xf32, #tpu.memory_space<vmem_shared>>
      tpu.enqueue_dma source(%arg8 : memref<64x128xf32, #tpu.memory_space<vmem>>) target(%dma_start3A_73 : memref<64x128xf32, #tpu.memory_space<vmem_shared>>) target_semaphore(%run_scoped3A : memref<!tpu.dma_semaphore, #tpu.memory_space<semaphore_mem>>)
      %dma_wait3A = arith.constant 0 : i32
      %dma_wait3A_74 = tpu.memref_slice %arg13[%add3A_8, %dma_wait3A] : memref<10240x128xf32, #tpu.memory_space<vmem_shared>> -> memref<64x128xf32, #tpu.memory_space<vmem_shared>>
      %dma_wait3A_75 = arith.constant 0 : i32
      %dma_wait3A_76 = tpu.memref_slice %arg13[%add3A_8, %dma_wait3A_75] : memref<10240x128xf32, #tpu.memory_space<vmem_shared>> -> memref<64x128xf32, #tpu.memory_space<vmem_shared>>
      tpu.wait_dma2 semaphore(%run_scoped3A : memref<!tpu.dma_semaphore, #tpu.memory_space<semaphore_mem>>) src(%arg8 : memref<64x128xf32, #tpu.memory_space<vmem>>) dst(%dma_wait3A_76 : memref<64x128xf32, #tpu.memory_space<vmem_shared>>)
      tpu.yield
    }) : () -> ()
    %add3A_9 = arith.constant 128 : i32
    %add3A_10 = arith.addi %mul3A_4, %add3A_9 : i32
    "tpu.region"() ({
      %run_scoped3A = tpu.sem_alloc : memref<!tpu.dma_semaphore, #tpu.memory_space<semaphore_mem>>
      %dma_start3A = arith.constant 0 : i32
      %dma_start3A_71 = tpu.memref_slice %arg13[%add3A_10, %dma_start3A] : memref<10240x128xf32, #tpu.memory_space<vmem_shared>> -> memref<64x128xf32, #tpu.memory_space<vmem_shared>>
      %dma_start3A_72 = arith.constant 0 : i32
      %dma_start3A_73 = tpu.memref_slice %arg13[%add3A_10, %dma_start3A_72] : memref<10240x128xf32, #tpu.memory_space<vmem_shared>> -> memref<64x128xf32, #tpu.memory_space<vmem_shared>>
      tpu.enqueue_dma source(%arg8 : memref<64x128xf32, #tpu.memory_space<vmem>>) target(%dma_start3A_73 : memref<64x128xf32, #tpu.memory_space<vmem_shared>>) target_semaphore(%run_scoped3A : memref<!tpu.dma_semaphore, #tpu.memory_space<semaphore_mem>>)
      %dma_wait3A = arith.constant 0 : i32
      %dma_wait3A_74 = tpu.memref_slice %arg13[%add3A_10, %dma_wait3A] : memref<10240x128xf32, #tpu.memory_space<vmem_shared>> -> memref<64x128xf32, #tpu.memory_space<vmem_shared>>
      %dma_wait3A_75 = arith.constant 0 : i32
      %dma_wait3A_76 = tpu.memref_slice %arg13[%add3A_10, %dma_wait3A_75] : memref<10240x128xf32, #tpu.memory_space<vmem_shared>> -> memref<64x128xf32, #tpu.memory_space<vmem_shared>>
      tpu.wait_dma2 semaphore(%run_scoped3A : memref<!tpu.dma_semaphore, #tpu.memory_space<semaphore_mem>>) src(%arg8 : memref<64x128xf32, #tpu.memory_space<vmem>>) dst(%dma_wait3A_76 : memref<64x128xf32, #tpu.memory_space<vmem_shared>>)
      tpu.yield
    }) : () -> ()
    %add3A_11 = arith.constant 192 : i32
    %add3A_12 = arith.addi %mul3A_4, %add3A_11 : i32
    "tpu.region"() ({
      %run_scoped3A = tpu.sem_alloc : memref<!tpu.dma_semaphore, #tpu.memory_space<semaphore_mem>>
      %dma_start3A = arith.constant 0 : i32
      %dma_start3A_71 = tpu.memref_slice %arg13[%add3A_12, %dma_start3A] : memref<10240x128xf32, #tpu.memory_space<vmem_shared>> -> memref<64x128xf32, #tpu.memory_space<vmem_shared>>
      %dma_start3A_72 = arith.constant 0 : i32
      %dma_start3A_73 = tpu.memref_slice %arg13[%add3A_12, %dma_start3A_72] : memref<10240x128xf32, #tpu.memory_space<vmem_shared>> -> memref<64x128xf32, #tpu.memory_space<vmem_shared>>
      tpu.enqueue_dma source(%arg8 : memref<64x128xf32, #tpu.memory_space<vmem>>) target(%dma_start3A_73 : memref<64x128xf32, #tpu.memory_space<vmem_shared>>) target_semaphore(%run_scoped3A : memref<!tpu.dma_semaphore, #tpu.memory_space<semaphore_mem>>)
      %dma_wait3A = arith.constant 0 : i32
      %dma_wait3A_74 = tpu.memref_slice %arg13[%add3A_12, %dma_wait3A] : memref<10240x128xf32, #tpu.memory_space<vmem_shared>> -> memref<64x128xf32, #tpu.memory_space<vmem_shared>>
      %dma_wait3A_75 = arith.constant 0 : i32
      %dma_wait3A_76 = tpu.memref_slice %arg13[%add3A_12, %dma_wait3A_75] : memref<10240x128xf32, #tpu.memory_space<vmem_shared>> -> memref<64x128xf32, #tpu.memory_space<vmem_shared>>
      tpu.wait_dma2 semaphore(%run_scoped3A : memref<!tpu.dma_semaphore, #tpu.memory_space<semaphore_mem>>) src(%arg8 : memref<64x128xf32, #tpu.memory_space<vmem>>) dst(%dma_wait3A_76 : memref<64x128xf32, #tpu.memory_space<vmem_shared>>)
      tpu.yield
    }) : () -> ()
    %add3A_13 = arith.constant 256 : i32
    %add3A_14 = arith.addi %mul3A_4, %add3A_13 : i32
    "tpu.region"() ({
      %run_scoped3A = tpu.sem_alloc : memref<!tpu.dma_semaphore, #tpu.memory_space<semaphore_mem>>
      %dma_start3A = arith.constant 0 : i32
      %dma_start3A_71 = tpu.memref_slice %arg13[%add3A_14, %dma_start3A] : memref<10240x128xf32, #tpu.memory_space<vmem_shared>> -> memref<64x128xf32, #tpu.memory_space<vmem_shared>>
      %dma_start3A_72 = arith.constant 0 : i32
      %dma_start3A_73 = tpu.memref_slice %arg13[%add3A_14, %dma_start3A_72] : memref<10240x128xf32, #tpu.memory_space<vmem_shared>> -> memref<64x128xf32, #tpu.memory_space<vmem_shared>>
      tpu.enqueue_dma source(%arg8 : memref<64x128xf32, #tpu.memory_space<vmem>>) target(%dma_start3A_73 : memref<64x128xf32, #tpu.memory_space<vmem_shared>>) target_semaphore(%run_scoped3A : memref<!tpu.dma_semaphore, #tpu.memory_space<semaphore_mem>>)
      %dma_wait3A = arith.constant 0 : i32
      %dma_wait3A_74 = tpu.memref_slice %arg13[%add3A_14, %dma_wait3A] : memref<10240x128xf32, #tpu.memory_space<vmem_shared>> -> memref<64x128xf32, #tpu.memory_space<vmem_shared>>
      %dma_wait3A_75 = arith.constant 0 : i32
      %dma_wait3A_76 = tpu.memref_slice %arg13[%add3A_14, %dma_wait3A_75] : memref<10240x128xf32, #tpu.memory_space<vmem_shared>> -> memref<64x128xf32, #tpu.memory_space<vmem_shared>>
      tpu.wait_dma2 semaphore(%run_scoped3A : memref<!tpu.dma_semaphore, #tpu.memory_space<semaphore_mem>>) src(%arg8 : memref<64x128xf32, #tpu.memory_space<vmem>>) dst(%dma_wait3A_76 : memref<64x128xf32, #tpu.memory_space<vmem_shared>>)
      tpu.yield
    }) : () -> ()
    %add3A_15 = arith.constant 320 : i32
    %add3A_16 = arith.addi %mul3A_4, %add3A_15 : i32
    "tpu.region"() ({
      %run_scoped3A = tpu.sem_alloc : memref<!tpu.dma_semaphore, #tpu.memory_space<semaphore_mem>>
      %dma_start3A = arith.constant 0 : i32
      %dma_start3A_71 = tpu.memref_slice %arg13[%add3A_16, %dma_start3A] : memref<10240x128xf32, #tpu.memory_space<vmem_shared>> -> memref<64x128xf32, #tpu.memory_space<vmem_shared>>
      %dma_start3A_72 = arith.constant 0 : i32
      %dma_start3A_73 = tpu.memref_slice %arg13[%add3A_16, %dma_start3A_72] : memref<10240x128xf32, #tpu.memory_space<vmem_shared>> -> memref<64x128xf32, #tpu.memory_space<vmem_shared>>
      tpu.enqueue_dma source(%arg8 : memref<64x128xf32, #tpu.memory_space<vmem>>) target(%dma_start3A_73 : memref<64x128xf32, #tpu.memory_space<vmem_shared>>) target_semaphore(%run_scoped3A : memref<!tpu.dma_semaphore, #tpu.memory_space<semaphore_mem>>)
      %dma_wait3A = arith.constant 0 : i32
      %dma_wait3A_74 = tpu.memref_slice %arg13[%add3A_16, %dma_wait3A] : memref<10240x128xf32, #tpu.memory_space<vmem_shared>> -> memref<64x128xf32, #tpu.memory_space<vmem_shared>>
      %dma_wait3A_75 = arith.constant 0 : i32
      %dma_wait3A_76 = tpu.memref_slice %arg13[%add3A_16, %dma_wait3A_75] : memref<10240x128xf32, #tpu.memory_space<vmem_shared>> -> memref<64x128xf32, #tpu.memory_space<vmem_shared>>
      tpu.wait_dma2 semaphore(%run_scoped3A : memref<!tpu.dma_semaphore, #tpu.memory_space<semaphore_mem>>) src(%arg8 : memref<64x128xf32, #tpu.memory_space<vmem>>) dst(%dma_wait3A_76 : memref<64x128xf32, #tpu.memory_space<vmem_shared>>)
      tpu.yield
    }) : () -> ()
    %add3A_17 = arith.constant 384 : i32
    %add3A_18 = arith.addi %mul3A_4, %add3A_17 : i32
    "tpu.region"() ({
      %run_scoped3A = tpu.sem_alloc : memref<!tpu.dma_semaphore, #tpu.memory_space<semaphore_mem>>
      %dma_start3A = arith.constant 0 : i32
      %dma_start3A_71 = tpu.memref_slice %arg13[%add3A_18, %dma_start3A] : memref<10240x128xf32, #tpu.memory_space<vmem_shared>> -> memref<64x128xf32, #tpu.memory_space<vmem_shared>>
      %dma_start3A_72 = arith.constant 0 : i32
      %dma_start3A_73 = tpu.memref_slice %arg13[%add3A_18, %dma_start3A_72] : memref<10240x128xf32, #tpu.memory_space<vmem_shared>> -> memref<64x128xf32, #tpu.memory_space<vmem_shared>>
      tpu.enqueue_dma source(%arg8 : memref<64x128xf32, #tpu.memory_space<vmem>>) target(%dma_start3A_73 : memref<64x128xf32, #tpu.memory_space<vmem_shared>>) target_semaphore(%run_scoped3A : memref<!tpu.dma_semaphore, #tpu.memory_space<semaphore_mem>>)
      %dma_wait3A = arith.constant 0 : i32
      %dma_wait3A_74 = tpu.memref_slice %arg13[%add3A_18, %dma_wait3A] : memref<10240x128xf32, #tpu.memory_space<vmem_shared>> -> memref<64x128xf32, #tpu.memory_space<vmem_shared>>
      %dma_wait3A_75 = arith.constant 0 : i32
      %dma_wait3A_76 = tpu.memref_slice %arg13[%add3A_18, %dma_wait3A_75] : memref<10240x128xf32, #tpu.memory_space<vmem_shared>> -> memref<64x128xf32, #tpu.memory_space<vmem_shared>>
      tpu.wait_dma2 semaphore(%run_scoped3A : memref<!tpu.dma_semaphore, #tpu.memory_space<semaphore_mem>>) src(%arg8 : memref<64x128xf32, #tpu.memory_space<vmem>>) dst(%dma_wait3A_76 : memref<64x128xf32, #tpu.memory_space<vmem_shared>>)
      tpu.yield
    }) : () -> ()
    %add3A_19 = arith.constant 448 : i32
    %add3A_20 = arith.addi %mul3A_4, %add3A_19 : i32
    "tpu.region"() ({
      %run_scoped3A = tpu.sem_alloc : memref<!tpu.dma_semaphore, #tpu.memory_space<semaphore_mem>>
      %dma_start3A = arith.constant 0 : i32
      %dma_start3A_71 = tpu.memref_slice %arg13[%add3A_20, %dma_start3A] : memref<10240x128xf32, #tpu.memory_space<vmem_shared>> -> memref<64x128xf32, #tpu.memory_space<vmem_shared>>
      %dma_start3A_72 = arith.constant 0 : i32
      %dma_start3A_73 = tpu.memref_slice %arg13[%add3A_20, %dma_start3A_72] : memref<10240x128xf32, #tpu.memory_space<vmem_shared>> -> memref<64x128xf32, #tpu.memory_space<vmem_shared>>
      tpu.enqueue_dma source(%arg8 : memref<64x128xf32, #tpu.memory_space<vmem>>) target(%dma_start3A_73 : memref<64x128xf32, #tpu.memory_space<vmem_shared>>) target_semaphore(%run_scoped3A : memref<!tpu.dma_semaphore, #tpu.memory_space<semaphore_mem>>)
      %dma_wait3A = arith.constant 0 : i32
      %dma_wait3A_74 = tpu.memref_slice %arg13[%add3A_20, %dma_wait3A] : memref<10240x128xf32, #tpu.memory_space<vmem_shared>> -> memref<64x128xf32, #tpu.memory_space<vmem_shared>>
      %dma_wait3A_75 = arith.constant 0 : i32
      %dma_wait3A_76 = tpu.memref_slice %arg13[%add3A_20, %dma_wait3A_75] : memref<10240x128xf32, #tpu.memory_space<vmem_shared>> -> memref<64x128xf32, #tpu.memory_space<vmem_shared>>
      tpu.wait_dma2 semaphore(%run_scoped3A : memref<!tpu.dma_semaphore, #tpu.memory_space<semaphore_mem>>) src(%arg8 : memref<64x128xf32, #tpu.memory_space<vmem>>) dst(%dma_wait3A_76 : memref<64x128xf32, #tpu.memory_space<vmem_shared>>)
      tpu.yield
    }) : () -> ()
    %add3A_21 = arith.constant 512 : i32
    %add3A_22 = arith.addi %mul3A_4, %add3A_21 : i32
    "tpu.region"() ({
      %run_scoped3A = tpu.sem_alloc : memref<!tpu.dma_semaphore, #tpu.memory_space<semaphore_mem>>
      %dma_start3A = arith.constant 0 : i32
      %dma_start3A_71 = tpu.memref_slice %arg13[%add3A_22, %dma_start3A] : memref<10240x128xf32, #tpu.memory_space<vmem_shared>> -> memref<64x128xf32, #tpu.memory_space<vmem_shared>>
      %dma_start3A_72 = arith.constant 0 : i32
      %dma_start3A_73 = tpu.memref_slice %arg13[%add3A_22, %dma_start3A_72] : memref<10240x128xf32, #tpu.memory_space<vmem_shared>> -> memref<64x128xf32, #tpu.memory_space<vmem_shared>>
      tpu.enqueue_dma source(%arg8 : memref<64x128xf32, #tpu.memory_space<vmem>>) target(%dma_start3A_73 : memref<64x128xf32, #tpu.memory_space<vmem_shared>>) target_semaphore(%run_scoped3A : memref<!tpu.dma_semaphore, #tpu.memory_space<semaphore_mem>>)
      %dma_wait3A = arith.constant 0 : i32
      %dma_wait3A_74 = tpu.memref_slice %arg13[%add3A_22, %dma_wait3A] : memref<10240x128xf32, #tpu.memory_space<vmem_shared>> -> memref<64x128xf32, #tpu.memory_space<vmem_shared>>
      %dma_wait3A_75 = arith.constant 0 : i32
      %dma_wait3A_76 = tpu.memref_slice %arg13[%add3A_22, %dma_wait3A_75] : memref<10240x128xf32, #tpu.memory_space<vmem_shared>> -> memref<64x128xf32, #tpu.memory_space<vmem_shared>>
      tpu.wait_dma2 semaphore(%run_scoped3A : memref<!tpu.dma_semaphore, #tpu.memory_space<semaphore_mem>>) src(%arg8 : memref<64x128xf32, #tpu.memory_space<vmem>>) dst(%dma_wait3A_76 : memref<64x128xf32, #tpu.memory_space<vmem_shared>>)
      tpu.yield
    }) : () -> ()
    %add3A_23 = arith.constant 576 : i32
    %add3A_24 = arith.addi %mul3A_4, %add3A_23 : i32
    "tpu.region"() ({
      %run_scoped3A = tpu.sem_alloc : memref<!tpu.dma_semaphore, #tpu.memory_space<semaphore_mem>>
      %dma_start3A = arith.constant 0 : i32
      %dma_start3A_71 = tpu.memref_slice %arg13[%add3A_24, %dma_start3A] : memref<10240x128xf32, #tpu.memory_space<vmem_shared>> -> memref<64x128xf32, #tpu.memory_space<vmem_shared>>
      %dma_start3A_72 = arith.constant 0 : i32
      %dma_start3A_73 = tpu.memref_slice %arg13[%add3A_24, %dma_start3A_72] : memref<10240x128xf32, #tpu.memory_space<vmem_shared>> -> memref<64x128xf32, #tpu.memory_space<vmem_shared>>
      tpu.enqueue_dma source(%arg8 : memref<64x128xf32, #tpu.memory_space<vmem>>) target(%dma_start3A_73 : memref<64x128xf32, #tpu.memory_space<vmem_shared>>) target_semaphore(%run_scoped3A : memref<!tpu.dma_semaphore, #tpu.memory_space<semaphore_mem>>)
      %dma_wait3A = arith.constant 0 : i32
      %dma_wait3A_74 = tpu.memref_slice %arg13[%add3A_24, %dma_wait3A] : memref<10240x128xf32, #tpu.memory_space<vmem_shared>> -> memref<64x128xf32, #tpu.memory_space<vmem_shared>>
      %dma_wait3A_75 = arith.constant 0 : i32
      %dma_wait3A_76 = tpu.memref_slice %arg13[%add3A_24, %dma_wait3A_75] : memref<10240x128xf32, #tpu.memory_space<vmem_shared>> -> memref<64x128xf32, #tpu.memory_space<vmem_shared>>
      tpu.wait_dma2 semaphore(%run_scoped3A : memref<!tpu.dma_semaphore, #tpu.memory_space<semaphore_mem>>) src(%arg8 : memref<64x128xf32, #tpu.memory_space<vmem>>) dst(%dma_wait3A_76 : memref<64x128xf32, #tpu.memory_space<vmem_shared>>)
      tpu.yield
    }) : () -> ()
    %barrier3A = arith.constant 0 : index
    tpu.barrier barrier_id(%barrier3A)
    %scan3A = arith.constant 0 : i32
    %scan3A_25 = arith.constant 0 : i32
    %scan3A_26 = arith.constant 125 : i32
    %scan3A_27 = arith.addi %scan3A_25, %scan3A_26 : i32
    %scan3A_28 = arith.constant 1 : i32
    scf.for %scan3A_71 = %scan3A_25 to %scan3A_27 step %scan3A_28  : i32 {
      %mul3A_72 = arith.constant 40 : i32
      %mul3A_73 = arith.muli %scan3A_71, %mul3A_72 : i32
      %add3A_74 = arith.addi %mul3A_2, %mul3A_73 : i32
      "tpu.region"() ({
        %run_scoped3A = tpu.sem_alloc : memref<!tpu.dma_semaphore, #tpu.memory_space<semaphore_mem>>
        %dma_start3A_85 = tpu.memref_slice %arg3[%add3A_74] : memref<160000xi32, #tpu.memory_space<hbm>> -> memref<40xi32, #tpu.memory_space<hbm>>
        %dma_start3A_86 = tpu.memref_slice %arg3[%add3A_74] : memref<160000xi32, #tpu.memory_space<hbm>> -> memref<40xi32, #tpu.memory_space<hbm>>
        tpu.enqueue_dma source(%dma_start3A_86 : memref<40xi32, #tpu.memory_space<hbm>>) target(%arg10 : memref<40xi32, #tpu.memory_space<vmem>>) target_semaphore(%run_scoped3A : memref<!tpu.dma_semaphore, #tpu.memory_space<semaphore_mem>>)
        %dma_wait3A_87 = tpu.memref_slice %arg3[%add3A_74] : memref<160000xi32, #tpu.memory_space<hbm>> -> memref<40xi32, #tpu.memory_space<hbm>>
        %dma_wait3A_88 = tpu.memref_slice %arg3[%add3A_74] : memref<160000xi32, #tpu.memory_space<hbm>> -> memref<40xi32, #tpu.memory_space<hbm>>
        tpu.wait_dma2 semaphore(%run_scoped3A : memref<!tpu.dma_semaphore, #tpu.memory_space<semaphore_mem>>) src(%dma_wait3A_88 : memref<40xi32, #tpu.memory_space<hbm>>) dst(%arg10 : memref<40xi32, #tpu.memory_space<vmem>>)
        tpu.yield
      }) : () -> ()
      "tpu.region"() ({
        %run_scoped3A = tpu.sem_alloc : memref<!tpu.dma_semaphore, #tpu.memory_space<semaphore_mem>>
        %dma_start3A_85 = tpu.memref_slice %arg4[%add3A_74] : memref<160000xi32, #tpu.memory_space<hbm>> -> memref<40xi32, #tpu.memory_space<hbm>>
        %dma_start3A_86 = tpu.memref_slice %arg4[%add3A_74] : memref<160000xi32, #tpu.memory_space<hbm>> -> memref<40xi32, #tpu.memory_space<hbm>>
        tpu.enqueue_dma source(%dma_start3A_86 : memref<40xi32, #tpu.memory_space<hbm>>) target(%arg11 : memref<40xi32, #tpu.memory_space<vmem>>) target_semaphore(%run_scoped3A : memref<!tpu.dma_semaphore, #tpu.memory_space<semaphore_mem>>)
        %dma_wait3A_87 = tpu.memref_slice %arg4[%add3A_74] : memref<160000xi32, #tpu.memory_space<hbm>> -> memref<40xi32, #tpu.memory_space<hbm>>
        %dma_wait3A_88 = tpu.memref_slice %arg4[%add3A_74] : memref<160000xi32, #tpu.memory_space<hbm>> -> memref<40xi32, #tpu.memory_space<hbm>>
        tpu.wait_dma2 semaphore(%run_scoped3A : memref<!tpu.dma_semaphore, #tpu.memory_space<semaphore_mem>>) src(%dma_wait3A_88 : memref<40xi32, #tpu.memory_space<hbm>>) dst(%arg11 : memref<40xi32, #tpu.memory_space<vmem>>)
        tpu.yield
      }) : () -> ()
      "tpu.region"() ({
        %run_scoped3A = tpu.sem_alloc : memref<!tpu.dma_semaphore, #tpu.memory_space<semaphore_mem>>
        %dma_start3A_85 = arith.constant 0 : i32
        %dma_start3A_86 = tpu.memref_slice %arg5[%add3A_74, %dma_start3A_85] : memref<160000x16xf32, #tpu.memory_space<hbm>> -> memref<40x16xf32, #tpu.memory_space<hbm>>
        %dma_start3A_87 = arith.constant 0 : i32
        %dma_start3A_88 = tpu.memref_slice %arg5[%add3A_74, %dma_start3A_87] : memref<160000x16xf32, #tpu.memory_space<hbm>> -> memref<40x16xf32, #tpu.memory_space<hbm>>
        tpu.enqueue_dma source(%dma_start3A_88 : memref<40x16xf32, #tpu.memory_space<hbm>>) target(%arg12 : memref<40x16xf32, #tpu.memory_space<vmem>>) target_semaphore(%run_scoped3A : memref<!tpu.dma_semaphore, #tpu.memory_space<semaphore_mem>>)
        %dma_wait3A_89 = arith.constant 0 : i32
        %dma_wait3A_90 = tpu.memref_slice %arg5[%add3A_74, %dma_wait3A_89] : memref<160000x16xf32, #tpu.memory_space<hbm>> -> memref<40x16xf32, #tpu.memory_space<hbm>>
        %dma_wait3A_91 = arith.constant 0 : i32
        %dma_wait3A_92 = tpu.memref_slice %arg5[%add3A_74, %dma_wait3A_91] : memref<160000x16xf32, #tpu.memory_space<hbm>> -> memref<40x16xf32, #tpu.memory_space<hbm>>
        tpu.wait_dma2 semaphore(%run_scoped3A : memref<!tpu.dma_semaphore, #tpu.memory_space<semaphore_mem>>) src(%dma_wait3A_92 : memref<40x16xf32, #tpu.memory_space<hbm>>) dst(%arg12 : memref<40x16xf32, #tpu.memory_space<vmem>>)
        tpu.yield
      }) : () -> ()
      %dma_start3A = arith.constant 0 : i32
      %dma_start3A_75 = arith.constant 0 : i32
      %dma_start3A_76 = tpu.memref_slice %arg2[%dma_start3A, %dma_start3A_75] : memref<80000x128xf32, #tpu.memory_space<hbm>> -> memref<80000x128xf32, #tpu.memory_space<hbm>>
      tpu.enqueue_indirect_dma source(%dma_start3A_76 : memref<80000x128xf32, #tpu.memory_space<hbm>>) target(%arg9 : memref<40x128xf32, #tpu.memory_space<vmem>>) offsets(%arg10 : memref<40xi32, #tpu.memory_space<vmem>>) semaphore(%arg14 : memref<!tpu.dma_semaphore, #tpu.memory_space<semaphore_mem>>)
      %dma_wait3A = arith.constant 0 : i32
      %dma_wait3A_77 = arith.constant 0 : i32
      %dma_wait3A_78 = tpu.memref_slice %arg2[%dma_wait3A, %dma_wait3A_77] : memref<80000x128xf32, #tpu.memory_space<hbm>> -> memref<80000x128xf32, #tpu.memory_space<hbm>>
      tpu.wait_indirect_dma semaphore(%arg14 : memref<!tpu.dma_semaphore, #tpu.memory_space<semaphore_mem>>) src(%dma_wait3A_78 : memref<80000x128xf32, #tpu.memory_space<hbm>>) dst(%arg9 : memref<40x128xf32, #tpu.memory_space<vmem>>)
      %scan3A_79 = arith.constant 0 : i32
      %scan3A_80 = arith.constant 0 : i32
      %scan3A_81 = arith.constant 40 : i32
      %scan3A_82 = arith.addi %scan3A_80, %scan3A_81 : i32
      %scan3A_83 = arith.constant 1 : i32
      scf.for %scan3A_85 = %scan3A_80 to %scan3A_82 step %scan3A_83  : i32 {
        %get3A = arith.index_cast %scan3A_85 : i32 to index
        %get3A_86 = arith.constant 0 : index
        %get3A_87 = tpu.vector_load %arg12[%get3A, %get3A_86] {strides = array<i32>} : memref<40x16xf32, #tpu.memory_space<vmem>>, vector<1x16xf32>,
        %get3A_88 = vector.shape_cast %get3A_87 : vector<1x16xf32> to vector<16xf32>
        %get3A_89 = arith.index_cast %scan3A_85 : i32 to index
        %get3A_90 = arith.constant 0 : index
        %get3A_91 = tpu.vector_load %arg9[%get3A_89, %get3A_90] {strides = array<i32>} : memref<40x128xf32, #tpu.memory_space<vmem>>, vector<1x16xf32>,
        %get3A_92 = vector.shape_cast %get3A_91 : vector<1x16xf32> to vector<16xf32>
        %mul3A_93 = arith.mulf %get3A_92, %get3A_88 : vector<16xf32>
        %swap3A = arith.index_cast %scan3A_85 : i32 to index
        %swap3A_94 = arith.constant 0 : index
        %swap3A_95 = tpu.vector_load %arg9[%swap3A, %swap3A_94] {strides = array<i32>} : memref<40x128xf32, #tpu.memory_space<vmem>>, vector<1x16xf32>,
        %swap3A_96 = vector.shape_cast %swap3A_95 : vector<1x16xf32> to vector<16xf32>
        %swap3A_97 = vector.shape_cast %mul3A_93 : vector<16xf32> to vector<1x16xf32>
        tpu.vector_store %arg9[%swap3A, %swap3A_94], %swap3A_97 {strides = array<i32>} : memref<40x128xf32, #tpu.memory_space<vmem>>, vector<1x16xf32>,
        %get3A_98 = arith.index_cast %scan3A_85 : i32 to index
        %get3A_99 = arith.constant 16 : index
        %get3A_100 = tpu.vector_load %arg9[%get3A_98, %get3A_99] {strides = array<i32>} : memref<40x128xf32, #tpu.memory_space<vmem>>, vector<1x16xf32>,
        %get3A_101 = vector.shape_cast %get3A_100 : vector<1x16xf32> to vector<16xf32>
        %mul3A_102 = arith.mulf %get3A_101, %get3A_88 : vector<16xf32>
        %swap3A_103 = arith.index_cast %scan3A_85 : i32 to index
        %swap3A_104 = arith.constant 16 : index
        %swap3A_105 = tpu.vector_load %arg9[%swap3A_103, %swap3A_104] {strides = array<i32>} : memref<40x128xf32, #tpu.memory_space<vmem>>, vector<1x16xf32>,
        %swap3A_106 = vector.shape_cast %swap3A_105 : vector<1x16xf32> to vector<16xf32>
        %swap3A_107 = vector.shape_cast %mul3A_102 : vector<16xf32> to vector<1x16xf32>
        tpu.vector_store %arg9[%swap3A_103, %swap3A_104], %swap3A_107 {strides = array<i32>} : memref<40x128xf32, #tpu.memory_space<vmem>>, vector<1x16xf32>,
        %get3A_108 = arith.index_cast %scan3A_85 : i32 to index
        %get3A_109 = arith.constant 32 : index
        %get3A_110 = tpu.vector_load %arg9[%get3A_108, %get3A_109] {strides = array<i32>} : memref<40x128xf32, #tpu.memory_space<vmem>>, vector<1x16xf32>,
        %get3A_111 = vector.shape_cast %get3A_110 : vector<1x16xf32> to vector<16xf32>
        %mul3A_112 = arith.mulf %get3A_111, %get3A_88 : vector<16xf32>
        %swap3A_113 = arith.index_cast %scan3A_85 : i32 to index
        %swap3A_114 = arith.constant 32 : index
        %swap3A_115 = tpu.vector_load %arg9[%swap3A_113, %swap3A_114] {strides = array<i32>} : memref<40x128xf32, #tpu.memory_space<vmem>>, vector<1x16xf32>,
        %swap3A_116 = vector.shape_cast %swap3A_115 : vector<1x16xf32> to vector<16xf32>
        %swap3A_117 = vector.shape_cast %mul3A_112 : vector<16xf32> to vector<1x16xf32>
        tpu.vector_store %arg9[%swap3A_113, %swap3A_114], %swap3A_117 {strides = array<i32>} : memref<40x128xf32, #tpu.memory_space<vmem>>, vector<1x16xf32>,
        %get3A_118 = arith.index_cast %scan3A_85 : i32 to index
        %get3A_119 = arith.constant 48 : index
        %get3A_120 = tpu.vector_load %arg9[%get3A_118, %get3A_119] {strides = array<i32>} : memref<40x128xf32, #tpu.memory_space<vmem>>, vector<1x16xf32>,
        %get3A_121 = vector.shape_cast %get3A_120 : vector<1x16xf32> to vector<16xf32>
        %mul3A_122 = arith.mulf %get3A_121, %get3A_88 : vector<16xf32>
        %swap3A_123 = arith.index_cast %scan3A_85 : i32 to index
        %swap3A_124 = arith.constant 48 : index
        %swap3A_125 = tpu.vector_load %arg9[%swap3A_123, %swap3A_124] {strides = array<i32>} : memref<40x128xf32, #tpu.memory_space<vmem>>, vector<1x16xf32>,
        %swap3A_126 = vector.shape_cast %swap3A_125 : vector<1x16xf32> to vector<16xf32>
        %swap3A_127 = vector.shape_cast %mul3A_122 : vector<16xf32> to vector<1x16xf32>
        tpu.vector_store %arg9[%swap3A_123, %swap3A_124], %swap3A_127 {strides = array<i32>} : memref<40x128xf32, #tpu.memory_space<vmem>>, vector<1x16xf32>,
        %get3A_128 = arith.index_cast %scan3A_85 : i32 to index
        %get3A_129 = arith.constant 64 : index
        %get3A_130 = tpu.vector_load %arg9[%get3A_128, %get3A_129] {strides = array<i32>} : memref<40x128xf32, #tpu.memory_space<vmem>>, vector<1x16xf32>,
        %get3A_131 = vector.shape_cast %get3A_130 : vector<1x16xf32> to vector<16xf32>
        %mul3A_132 = arith.mulf %get3A_131, %get3A_88 : vector<16xf32>
        %swap3A_133 = arith.index_cast %scan3A_85 : i32 to index
        %swap3A_134 = arith.constant 64 : index
        %swap3A_135 = tpu.vector_load %arg9[%swap3A_133, %swap3A_134] {strides = array<i32>} : memref<40x128xf32, #tpu.memory_space<vmem>>, vector<1x16xf32>,
        %swap3A_136 = vector.shape_cast %swap3A_135 : vector<1x16xf32> to vector<16xf32>
        %swap3A_137 = vector.shape_cast %mul3A_132 : vector<16xf32> to vector<1x16xf32>
        tpu.vector_store %arg9[%swap3A_133, %swap3A_134], %swap3A_137 {strides = array<i32>} : memref<40x128xf32, #tpu.memory_space<vmem>>, vector<1x16xf32>,
        %get3A_138 = arith.index_cast %scan3A_85 : i32 to index
        %get3A_139 = arith.constant 80 : index
        %get3A_140 = tpu.vector_load %arg9[%get3A_138, %get3A_139] {strides = array<i32>} : memref<40x128xf32, #tpu.memory_space<vmem>>, vector<1x16xf32>,
        %get3A_141 = vector.shape_cast %get3A_140 : vector<1x16xf32> to vector<16xf32>
        %mul3A_142 = arith.mulf %get3A_141, %get3A_88 : vector<16xf32>
        %swap3A_143 = arith.index_cast %scan3A_85 : i32 to index
        %swap3A_144 = arith.constant 80 : index
        %swap3A_145 = tpu.vector_load %arg9[%swap3A_143, %swap3A_144] {strides = array<i32>} : memref<40x128xf32, #tpu.memory_space<vmem>>, vector<1x16xf32>,
        %swap3A_146 = vector.shape_cast %swap3A_145 : vector<1x16xf32> to vector<16xf32>
        %swap3A_147 = vector.shape_cast %mul3A_142 : vector<16xf32> to vector<1x16xf32>
        tpu.vector_store %arg9[%swap3A_143, %swap3A_144], %swap3A_147 {strides = array<i32>} : memref<40x128xf32, #tpu.memory_space<vmem>>, vector<1x16xf32>,
        %get3A_148 = arith.index_cast %scan3A_85 : i32 to index
        %get3A_149 = arith.constant 96 : index
        %get3A_150 = tpu.vector_load %arg9[%get3A_148, %get3A_149] {strides = array<i32>} : memref<40x128xf32, #tpu.memory_space<vmem>>, vector<1x16xf32>,
        %get3A_151 = vector.shape_cast %get3A_150 : vector<1x16xf32> to vector<16xf32>
        %mul3A_152 = arith.mulf %get3A_151, %get3A_88 : vector<16xf32>
        %swap3A_153 = arith.index_cast %scan3A_85 : i32 to index
        %swap3A_154 = arith.constant 96 : index
        %swap3A_155 = tpu.vector_load %arg9[%swap3A_153, %swap3A_154] {strides = array<i32>} : memref<40x128xf32, #tpu.memory_space<vmem>>, vector<1x16xf32>,
        %swap3A_156 = vector.shape_cast %swap3A_155 : vector<1x16xf32> to vector<16xf32>
        %swap3A_157 = vector.shape_cast %mul3A_152 : vector<16xf32> to vector<1x16xf32>
        tpu.vector_store %arg9[%swap3A_153, %swap3A_154], %swap3A_157 {strides = array<i32>} : memref<40x128xf32, #tpu.memory_space<vmem>>, vector<1x16xf32>,
        %get3A_158 = arith.index_cast %scan3A_85 : i32 to index
        %get3A_159 = arith.constant 112 : index
        %get3A_160 = tpu.vector_load %arg9[%get3A_158, %get3A_159] {strides = array<i32>} : memref<40x128xf32, #tpu.memory_space<vmem>>, vector<1x16xf32>,
        %get3A_161 = vector.shape_cast %get3A_160 : vector<1x16xf32> to vector<16xf32>
        %mul3A_162 = arith.mulf %get3A_161, %get3A_88 : vector<16xf32>
        %swap3A_163 = arith.index_cast %scan3A_85 : i32 to index
        %swap3A_164 = arith.constant 112 : index
        %swap3A_165 = tpu.vector_load %arg9[%swap3A_163, %swap3A_164] {strides = array<i32>} : memref<40x128xf32, #tpu.memory_space<vmem>>, vector<1x16xf32>,
        %swap3A_166 = vector.shape_cast %swap3A_165 : vector<1x16xf32> to vector<16xf32>
        %swap3A_167 = vector.shape_cast %mul3A_162 : vector<16xf32> to vector<1x16xf32>
        tpu.vector_store %arg9[%swap3A_163, %swap3A_164], %swap3A_167 {strides = array<i32>} : memref<40x128xf32, #tpu.memory_space<vmem>>, vector<1x16xf32>,
      }
      %scan3A_84 = arith.constant 40 : i32
      "tpu.region"() ({
        %run_scoped3A = tpu.sem_alloc : memref<!tpu.dma_semaphore, #tpu.memory_space<semaphore_mem>>
        %dma_start3A_85 = arith.constant 0 : i32
        %dma_start3A_86 = arith.constant 0 : i32
        %dma_start3A_87 = tpu.memref_slice %arg13[%dma_start3A_85, %dma_start3A_86] : memref<10240x128xf32, #tpu.memory_space<vmem_shared>> -> memref<10240x128xf32, #tpu.memory_space<vmem_shared>>
        tpu.enqueue_indirect_dma source(%arg9 : memref<40x128xf32, #tpu.memory_space<vmem>>) target(%dma_start3A_87 : memref<10240x128xf32, #tpu.memory_space<vmem_shared>>) offsets(%arg11 : memref<40xi32, #tpu.memory_space<vmem>>) semaphore(%run_scoped3A : memref<!tpu.dma_semaphore, #tpu.memory_space<semaphore_mem>>) {add = true}
        %dma_wait3A_88 = arith.constant 0 : i32
        %dma_wait3A_89 = arith.constant 0 : i32
        %dma_wait3A_90 = tpu.memref_slice %arg13[%dma_wait3A_88, %dma_wait3A_89] : memref<10240x128xf32, #tpu.memory_space<vmem_shared>> -> memref<10240x128xf32, #tpu.memory_space<vmem_shared>>
        tpu.wait_indirect_dma semaphore(%run_scoped3A : memref<!tpu.dma_semaphore, #tpu.memory_space<semaphore_mem>>) src(%arg9 : memref<40x128xf32, #tpu.memory_space<vmem>>) dst(%dma_wait3A_90 : memref<10240x128xf32, #tpu.memory_space<vmem_shared>>)
        tpu.yield
      }) : () -> ()
    }
    %scan3A_29 = arith.constant 125 : i32
    %barrier3A_30 = arith.constant 0 : index
    tpu.barrier barrier_id(%barrier3A_30)
    %add3A_31 = arith.constant 0 : i32
    %add3A_32 = arith.addi %mul3A_4, %add3A_31 : i32
    "tpu.region"() ({
      %run_scoped3A = tpu.sem_alloc : memref<!tpu.dma_semaphore, #tpu.memory_space<semaphore_mem>>
      %dma_start3A = arith.constant 0 : i32
      %dma_start3A_71 = tpu.memref_slice %arg13[%add3A_32, %dma_start3A] : memref<10240x128xf32, #tpu.memory_space<vmem_shared>> -> memref<64x128xf32, #tpu.memory_space<vmem_shared>>
      %dma_start3A_72 = arith.constant 0 : i32
      %dma_start3A_73 = tpu.memref_slice %arg13[%add3A_32, %dma_start3A_72] : memref<10240x128xf32, #tpu.memory_space<vmem_shared>> -> memref<64x128xf32, #tpu.memory_space<vmem_shared>>
      tpu.enqueue_dma source(%dma_start3A_73 : memref<64x128xf32, #tpu.memory_space<vmem_shared>>) target(%arg8 : memref<64x128xf32, #tpu.memory_space<vmem>>) target_semaphore(%run_scoped3A : memref<!tpu.dma_semaphore, #tpu.memory_space<semaphore_mem>>)
      %dma_wait3A = arith.constant 0 : i32
      %dma_wait3A_74 = tpu.memref_slice %arg13[%add3A_32, %dma_wait3A] : memref<10240x128xf32, #tpu.memory_space<vmem_shared>> -> memref<64x128xf32, #tpu.memory_space<vmem_shared>>
      %dma_wait3A_75 = arith.constant 0 : i32
      %dma_wait3A_76 = tpu.memref_slice %arg13[%add3A_32, %dma_wait3A_75] : memref<10240x128xf32, #tpu.memory_space<vmem_shared>> -> memref<64x128xf32, #tpu.memory_space<vmem_shared>>
      tpu.wait_dma2 semaphore(%run_scoped3A : memref<!tpu.dma_semaphore, #tpu.memory_space<semaphore_mem>>) src(%dma_wait3A_76 : memref<64x128xf32, #tpu.memory_space<vmem_shared>>) dst(%arg8 : memref<64x128xf32, #tpu.memory_space<vmem>>)
      tpu.yield
    }) : () -> ()
    %add3A_33 = arith.constant 0 : i32
    %add3A_34 = arith.addi %mul3A_4, %add3A_33 : i32
    "tpu.region"() ({
      %run_scoped3A = tpu.sem_alloc : memref<!tpu.dma_semaphore, #tpu.memory_space<semaphore_mem>>
      %dma_start3A = arith.constant 0 : i32
      %dma_start3A_71 = tpu.memref_slice %arg7[%arg0, %add3A_34, %dma_start3A] : memref<2x10240x128xf32, #tpu.memory_space<hbm>> -> memref<1x64x128xf32, #tpu.memory_space<hbm>>
      %dma_start3A_72 = tpu.memref_squeeze %dma_start3A_71 : memref<1x64x128xf32, #tpu.memory_space<hbm>> -> memref<64x128xf32, #tpu.memory_space<hbm>>
      %dma_start3A_73 = arith.constant 0 : i32
      %dma_start3A_74 = tpu.memref_slice %arg7[%arg0, %add3A_34, %dma_start3A_73] : memref<2x10240x128xf32, #tpu.memory_space<hbm>> -> memref<1x64x128xf32, #tpu.memory_space<hbm>>
      %dma_start3A_75 = tpu.memref_squeeze %dma_start3A_74 : memref<1x64x128xf32, #tpu.memory_space<hbm>> -> memref<64x128xf32, #tpu.memory_space<hbm>>
      tpu.enqueue_dma source(%arg8 : memref<64x128xf32, #tpu.memory_space<vmem>>) target(%dma_start3A_75 : memref<64x128xf32, #tpu.memory_space<hbm>>) target_semaphore(%run_scoped3A : memref<!tpu.dma_semaphore, #tpu.memory_space<semaphore_mem>>)
      %dma_wait3A = arith.constant 0 : i32
      %dma_wait3A_76 = tpu.memref_slice %arg7[%arg0, %add3A_34, %dma_wait3A] : memref<2x10240x128xf32, #tpu.memory_space<hbm>> -> memref<1x64x128xf32, #tpu.memory_space<hbm>>
      %dma_wait3A_77 = tpu.memref_squeeze %dma_wait3A_76 : memref<1x64x128xf32, #tpu.memory_space<hbm>> -> memref<64x128xf32, #tpu.memory_space<hbm>>
      %dma_wait3A_78 = arith.constant 0 : i32
      %dma_wait3A_79 = tpu.memref_slice %arg7[%arg0, %add3A_34, %dma_wait3A_78] : memref<2x10240x128xf32, #tpu.memory_space<hbm>> -> memref<1x64x128xf32, #tpu.memory_space<hbm>>
      %dma_wait3A_80 = tpu.memref_squeeze %dma_wait3A_79 : memref<1x64x128xf32, #tpu.memory_space<hbm>> -> memref<64x128xf32, #tpu.memory_space<hbm>>
      tpu.wait_dma2 semaphore(%run_scoped3A : memref<!tpu.dma_semaphore, #tpu.memory_space<semaphore_mem>>) src(%arg8 : memref<64x128xf32, #tpu.memory_space<vmem>>) dst(%dma_wait3A_80 : memref<64x128xf32, #tpu.memory_space<hbm>>)
      tpu.yield
    }) : () -> ()
    %add3A_35 = arith.constant 64 : i32
    %add3A_36 = arith.addi %mul3A_4, %add3A_35 : i32
    "tpu.region"() ({
      %run_scoped3A = tpu.sem_alloc : memref<!tpu.dma_semaphore, #tpu.memory_space<semaphore_mem>>
      %dma_start3A = arith.constant 0 : i32
      %dma_start3A_71 = tpu.memref_slice %arg13[%add3A_36, %dma_start3A] : memref<10240x128xf32, #tpu.memory_space<vmem_shared>> -> memref<64x128xf32, #tpu.memory_space<vmem_shared>>
      %dma_start3A_72 = arith.constant 0 : i32
      %dma_start3A_73 = tpu.memref_slice %arg13[%add3A_36, %dma_start3A_72] : memref<10240x128xf32, #tpu.memory_space<vmem_shared>> -> memref<64x128xf32, #tpu.memory_space<vmem_shared>>
      tpu.enqueue_dma source(%dma_start3A_73 : memref<64x128xf32, #tpu.memory_space<vmem_shared>>) target(%arg8 : memref<64x128xf32, #tpu.memory_space<vmem>>) target_semaphore(%run_scoped3A : memref<!tpu.dma_semaphore, #tpu.memory_space<semaphore_mem>>)
      %dma_wait3A = arith.constant 0 : i32
      %dma_wait3A_74 = tpu.memref_slice %arg13[%add3A_36, %dma_wait3A] : memref<10240x128xf32, #tpu.memory_space<vmem_shared>> -> memref<64x128xf32, #tpu.memory_space<vmem_shared>>
      %dma_wait3A_75 = arith.constant 0 : i32
      %dma_wait3A_76 = tpu.memref_slice %arg13[%add3A_36, %dma_wait3A_75] : memref<10240x128xf32, #tpu.memory_space<vmem_shared>> -> memref<64x128xf32, #tpu.memory_space<vmem_shared>>
      tpu.wait_dma2 semaphore(%run_scoped3A : memref<!tpu.dma_semaphore, #tpu.memory_space<semaphore_mem>>) src(%dma_wait3A_76 : memref<64x128xf32, #tpu.memory_space<vmem_shared>>) dst(%arg8 : memref<64x128xf32, #tpu.memory_space<vmem>>)
      tpu.yield
    }) : () -> ()
    %add3A_37 = arith.constant 64 : i32
    %add3A_38 = arith.addi %mul3A_4, %add3A_37 : i32
    "tpu.region"() ({
      %run_scoped3A = tpu.sem_alloc : memref<!tpu.dma_semaphore, #tpu.memory_space<semaphore_mem>>
      %dma_start3A = arith.constant 0 : i32
      %dma_start3A_71 = tpu.memref_slice %arg7[%arg0, %add3A_38, %dma_start3A] : memref<2x10240x128xf32, #tpu.memory_space<hbm>> -> memref<1x64x128xf32, #tpu.memory_space<hbm>>
      %dma_start3A_72 = tpu.memref_squeeze %dma_start3A_71 : memref<1x64x128xf32, #tpu.memory_space<hbm>> -> memref<64x128xf32, #tpu.memory_space<hbm>>
      %dma_start3A_73 = arith.constant 0 : i32
      %dma_start3A_74 = tpu.memref_slice %arg7[%arg0, %add3A_38, %dma_start3A_73] : memref<2x10240x128xf32, #tpu.memory_space<hbm>> -> memref<1x64x128xf32, #tpu.memory_space<hbm>>
      %dma_start3A_75 = tpu.memref_squeeze %dma_start3A_74 : memref<1x64x128xf32, #tpu.memory_space<hbm>> -> memref<64x128xf32, #tpu.memory_space<hbm>>
      tpu.enqueue_dma source(%arg8 : memref<64x128xf32, #tpu.memory_space<vmem>>) target(%dma_start3A_75 : memref<64x128xf32, #tpu.memory_space<hbm>>) target_semaphore(%run_scoped3A : memref<!tpu.dma_semaphore, #tpu.memory_space<semaphore_mem>>)
      %dma_wait3A = arith.constant 0 : i32
      %dma_wait3A_76 = tpu.memref_slice %arg7[%arg0, %add3A_38, %dma_wait3A] : memref<2x10240x128xf32, #tpu.memory_space<hbm>> -> memref<1x64x128xf32, #tpu.memory_space<hbm>>
      %dma_wait3A_77 = tpu.memref_squeeze %dma_wait3A_76 : memref<1x64x128xf32, #tpu.memory_space<hbm>> -> memref<64x128xf32, #tpu.memory_space<hbm>>
      %dma_wait3A_78 = arith.constant 0 : i32
      %dma_wait3A_79 = tpu.memref_slice %arg7[%arg0, %add3A_38, %dma_wait3A_78] : memref<2x10240x128xf32, #tpu.memory_space<hbm>> -> memref<1x64x128xf32, #tpu.memory_space<hbm>>
      %dma_wait3A_80 = tpu.memref_squeeze %dma_wait3A_79 : memref<1x64x128xf32, #tpu.memory_space<hbm>> -> memref<64x128xf32, #tpu.memory_space<hbm>>
      tpu.wait_dma2 semaphore(%run_scoped3A : memref<!tpu.dma_semaphore, #tpu.memory_space<semaphore_mem>>) src(%arg8 : memref<64x128xf32, #tpu.memory_space<vmem>>) dst(%dma_wait3A_80 : memref<64x128xf32, #tpu.memory_space<hbm>>)
      tpu.yield
    }) : () -> ()
    %add3A_39 = arith.constant 128 : i32
    %add3A_40 = arith.addi %mul3A_4, %add3A_39 : i32
    "tpu.region"() ({
      %run_scoped3A = tpu.sem_alloc : memref<!tpu.dma_semaphore, #tpu.memory_space<semaphore_mem>>
      %dma_start3A = arith.constant 0 : i32
      %dma_start3A_71 = tpu.memref_slice %arg13[%add3A_40, %dma_start3A] : memref<10240x128xf32, #tpu.memory_space<vmem_shared>> -> memref<64x128xf32, #tpu.memory_space<vmem_shared>>
      %dma_start3A_72 = arith.constant 0 : i32
      %dma_start3A_73 = tpu.memref_slice %arg13[%add3A_40, %dma_start3A_72] : memref<10240x128xf32, #tpu.memory_space<vmem_shared>> -> memref<64x128xf32, #tpu.memory_space<vmem_shared>>
      tpu.enqueue_dma source(%dma_start3A_73 : memref<64x128xf32, #tpu.memory_space<vmem_shared>>) target(%arg8 : memref<64x128xf32, #tpu.memory_space<vmem>>) target_semaphore(%run_scoped3A : memref<!tpu.dma_semaphore, #tpu.memory_space<semaphore_mem>>)
      %dma_wait3A = arith.constant 0 : i32
      %dma_wait3A_74 = tpu.memref_slice %arg13[%add3A_40, %dma_wait3A] : memref<10240x128xf32, #tpu.memory_space<vmem_shared>> -> memref<64x128xf32, #tpu.memory_space<vmem_shared>>
      %dma_wait3A_75 = arith.constant 0 : i32
      %dma_wait3A_76 = tpu.memref_slice %arg13[%add3A_40, %dma_wait3A_75] : memref<10240x128xf32, #tpu.memory_space<vmem_shared>> -> memref<64x128xf32, #tpu.memory_space<vmem_shared>>
      tpu.wait_dma2 semaphore(%run_scoped3A : memref<!tpu.dma_semaphore, #tpu.memory_space<semaphore_mem>>) src(%dma_wait3A_76 : memref<64x128xf32, #tpu.memory_space<vmem_shared>>) dst(%arg8 : memref<64x128xf32, #tpu.memory_space<vmem>>)
      tpu.yield
    }) : () -> ()
    %add3A_41 = arith.constant 128 : i32
    %add3A_42 = arith.addi %mul3A_4, %add3A_41 : i32
    "tpu.region"() ({
      %run_scoped3A = tpu.sem_alloc : memref<!tpu.dma_semaphore, #tpu.memory_space<semaphore_mem>>
      %dma_start3A = arith.constant 0 : i32
      %dma_start3A_71 = tpu.memref_slice %arg7[%arg0, %add3A_42, %dma_start3A] : memref<2x10240x128xf32, #tpu.memory_space<hbm>> -> memref<1x64x128xf32, #tpu.memory_space<hbm>>
      %dma_start3A_72 = tpu.memref_squeeze %dma_start3A_71 : memref<1x64x128xf32, #tpu.memory_space<hbm>> -> memref<64x128xf32, #tpu.memory_space<hbm>>
      %dma_start3A_73 = arith.constant 0 : i32
      %dma_start3A_74 = tpu.memref_slice %arg7[%arg0, %add3A_42, %dma_start3A_73] : memref<2x10240x128xf32, #tpu.memory_space<hbm>> -> memref<1x64x128xf32, #tpu.memory_space<hbm>>
      %dma_start3A_75 = tpu.memref_squeeze %dma_start3A_74 : memref<1x64x128xf32, #tpu.memory_space<hbm>> -> memref<64x128xf32, #tpu.memory_space<hbm>>
      tpu.enqueue_dma source(%arg8 : memref<64x128xf32, #tpu.memory_space<vmem>>) target(%dma_start3A_75 : memref<64x128xf32, #tpu.memory_space<hbm>>) target_semaphore(%run_scoped3A : memref<!tpu.dma_semaphore, #tpu.memory_space<semaphore_mem>>)
      %dma_wait3A = arith.constant 0 : i32
      %dma_wait3A_76 = tpu.memref_slice %arg7[%arg0, %add3A_42, %dma_wait3A] : memref<2x10240x128xf32, #tpu.memory_space<hbm>> -> memref<1x64x128xf32, #tpu.memory_space<hbm>>
      %dma_wait3A_77 = tpu.memref_squeeze %dma_wait3A_76 : memref<1x64x128xf32, #tpu.memory_space<hbm>> -> memref<64x128xf32, #tpu.memory_space<hbm>>
      %dma_wait3A_78 = arith.constant 0 : i32
      %dma_wait3A_79 = tpu.memref_slice %arg7[%arg0, %add3A_42, %dma_wait3A_78] : memref<2x10240x128xf32, #tpu.memory_space<hbm>> -> memref<1x64x128xf32, #tpu.memory_space<hbm>>
      %dma_wait3A_80 = tpu.memref_squeeze %dma_wait3A_79 : memref<1x64x128xf32, #tpu.memory_space<hbm>> -> memref<64x128xf32, #tpu.memory_space<hbm>>
      tpu.wait_dma2 semaphore(%run_scoped3A : memref<!tpu.dma_semaphore, #tpu.memory_space<semaphore_mem>>) src(%arg8 : memref<64x128xf32, #tpu.memory_space<vmem>>) dst(%dma_wait3A_80 : memref<64x128xf32, #tpu.memory_space<hbm>>)
      tpu.yield
    }) : () -> ()
    %add3A_43 = arith.constant 192 : i32
    %add3A_44 = arith.addi %mul3A_4, %add3A_43 : i32
    "tpu.region"() ({
      %run_scoped3A = tpu.sem_alloc : memref<!tpu.dma_semaphore, #tpu.memory_space<semaphore_mem>>
      %dma_start3A = arith.constant 0 : i32
      %dma_start3A_71 = tpu.memref_slice %arg13[%add3A_44, %dma_start3A] : memref<10240x128xf32, #tpu.memory_space<vmem_shared>> -> memref<64x128xf32, #tpu.memory_space<vmem_shared>>
      %dma_start3A_72 = arith.constant 0 : i32
      %dma_start3A_73 = tpu.memref_slice %arg13[%add3A_44, %dma_start3A_72] : memref<10240x128xf32, #tpu.memory_space<vmem_shared>> -> memref<64x128xf32, #tpu.memory_space<vmem_shared>>
      tpu.enqueue_dma source(%dma_start3A_73 : memref<64x128xf32, #tpu.memory_space<vmem_shared>>) target(%arg8 : memref<64x128xf32, #tpu.memory_space<vmem>>) target_semaphore(%run_scoped3A : memref<!tpu.dma_semaphore, #tpu.memory_space<semaphore_mem>>)
      %dma_wait3A = arith.constant 0 : i32
      %dma_wait3A_74 = tpu.memref_slice %arg13[%add3A_44, %dma_wait3A] : memref<10240x128xf32, #tpu.memory_space<vmem_shared>> -> memref<64x128xf32, #tpu.memory_space<vmem_shared>>
      %dma_wait3A_75 = arith.constant 0 : i32
      %dma_wait3A_76 = tpu.memref_slice %arg13[%add3A_44, %dma_wait3A_75] : memref<10240x128xf32, #tpu.memory_space<vmem_shared>> -> memref<64x128xf32, #tpu.memory_space<vmem_shared>>
      tpu.wait_dma2 semaphore(%run_scoped3A : memref<!tpu.dma_semaphore, #tpu.memory_space<semaphore_mem>>) src(%dma_wait3A_76 : memref<64x128xf32, #tpu.memory_space<vmem_shared>>) dst(%arg8 : memref<64x128xf32, #tpu.memory_space<vmem>>)
      tpu.yield
    }) : () -> ()
    %add3A_45 = arith.constant 192 : i32
    %add3A_46 = arith.addi %mul3A_4, %add3A_45 : i32
    "tpu.region"() ({
      %run_scoped3A = tpu.sem_alloc : memref<!tpu.dma_semaphore, #tpu.memory_space<semaphore_mem>>
      %dma_start3A = arith.constant 0 : i32
      %dma_start3A_71 = tpu.memref_slice %arg7[%arg0, %add3A_46, %dma_start3A] : memref<2x10240x128xf32, #tpu.memory_space<hbm>> -> memref<1x64x128xf32, #tpu.memory_space<hbm>>
      %dma_start3A_72 = tpu.memref_squeeze %dma_start3A_71 : memref<1x64x128xf32, #tpu.memory_space<hbm>> -> memref<64x128xf32, #tpu.memory_space<hbm>>
      %dma_start3A_73 = arith.constant 0 : i32
      %dma_start3A_74 = tpu.memref_slice %arg7[%arg0, %add3A_46, %dma_start3A_73] : memref<2x10240x128xf32, #tpu.memory_space<hbm>> -> memref<1x64x128xf32, #tpu.memory_space<hbm>>
      %dma_start3A_75 = tpu.memref_squeeze %dma_start3A_74 : memref<1x64x128xf32, #tpu.memory_space<hbm>> -> memref<64x128xf32, #tpu.memory_space<hbm>>
      tpu.enqueue_dma source(%arg8 : memref<64x128xf32, #tpu.memory_space<vmem>>) target(%dma_start3A_75 : memref<64x128xf32, #tpu.memory_space<hbm>>) target_semaphore(%run_scoped3A : memref<!tpu.dma_semaphore, #tpu.memory_space<semaphore_mem>>)
      %dma_wait3A = arith.constant 0 : i32
      %dma_wait3A_76 = tpu.memref_slice %arg7[%arg0, %add3A_46, %dma_wait3A] : memref<2x10240x128xf32, #tpu.memory_space<hbm>> -> memref<1x64x128xf32, #tpu.memory_space<hbm>>
      %dma_wait3A_77 = tpu.memref_squeeze %dma_wait3A_76 : memref<1x64x128xf32, #tpu.memory_space<hbm>> -> memref<64x128xf32, #tpu.memory_space<hbm>>
      %dma_wait3A_78 = arith.constant 0 : i32
      %dma_wait3A_79 = tpu.memref_slice %arg7[%arg0, %add3A_46, %dma_wait3A_78] : memref<2x10240x128xf32, #tpu.memory_space<hbm>> -> memref<1x64x128xf32, #tpu.memory_space<hbm>>
      %dma_wait3A_80 = tpu.memref_squeeze %dma_wait3A_79 : memref<1x64x128xf32, #tpu.memory_space<hbm>> -> memref<64x128xf32, #tpu.memory_space<hbm>>
      tpu.wait_dma2 semaphore(%run_scoped3A : memref<!tpu.dma_semaphore, #tpu.memory_space<semaphore_mem>>) src(%arg8 : memref<64x128xf32, #tpu.memory_space<vmem>>) dst(%dma_wait3A_80 : memref<64x128xf32, #tpu.memory_space<hbm>>)
      tpu.yield
    }) : () -> ()
    %add3A_47 = arith.constant 256 : i32
    %add3A_48 = arith.addi %mul3A_4, %add3A_47 : i32
    "tpu.region"() ({
      %run_scoped3A = tpu.sem_alloc : memref<!tpu.dma_semaphore, #tpu.memory_space<semaphore_mem>>
      %dma_start3A = arith.constant 0 : i32
      %dma_start3A_71 = tpu.memref_slice %arg13[%add3A_48, %dma_start3A] : memref<10240x128xf32, #tpu.memory_space<vmem_shared>> -> memref<64x128xf32, #tpu.memory_space<vmem_shared>>
      %dma_start3A_72 = arith.constant 0 : i32
      %dma_start3A_73 = tpu.memref_slice %arg13[%add3A_48, %dma_start3A_72] : memref<10240x128xf32, #tpu.memory_space<vmem_shared>> -> memref<64x128xf32, #tpu.memory_space<vmem_shared>>
      tpu.enqueue_dma source(%dma_start3A_73 : memref<64x128xf32, #tpu.memory_space<vmem_shared>>) target(%arg8 : memref<64x128xf32, #tpu.memory_space<vmem>>) target_semaphore(%run_scoped3A : memref<!tpu.dma_semaphore, #tpu.memory_space<semaphore_mem>>)
      %dma_wait3A = arith.constant 0 : i32
      %dma_wait3A_74 = tpu.memref_slice %arg13[%add3A_48, %dma_wait3A] : memref<10240x128xf32, #tpu.memory_space<vmem_shared>> -> memref<64x128xf32, #tpu.memory_space<vmem_shared>>
      %dma_wait3A_75 = arith.constant 0 : i32
      %dma_wait3A_76 = tpu.memref_slice %arg13[%add3A_48, %dma_wait3A_75] : memref<10240x128xf32, #tpu.memory_space<vmem_shared>> -> memref<64x128xf32, #tpu.memory_space<vmem_shared>>
      tpu.wait_dma2 semaphore(%run_scoped3A : memref<!tpu.dma_semaphore, #tpu.memory_space<semaphore_mem>>) src(%dma_wait3A_76 : memref<64x128xf32, #tpu.memory_space<vmem_shared>>) dst(%arg8 : memref<64x128xf32, #tpu.memory_space<vmem>>)
      tpu.yield
    }) : () -> ()
    %add3A_49 = arith.constant 256 : i32
    %add3A_50 = arith.addi %mul3A_4, %add3A_49 : i32
    "tpu.region"() ({
      %run_scoped3A = tpu.sem_alloc : memref<!tpu.dma_semaphore, #tpu.memory_space<semaphore_mem>>
      %dma_start3A = arith.constant 0 : i32
      %dma_start3A_71 = tpu.memref_slice %arg7[%arg0, %add3A_50, %dma_start3A] : memref<2x10240x128xf32, #tpu.memory_space<hbm>> -> memref<1x64x128xf32, #tpu.memory_space<hbm>>
      %dma_start3A_72 = tpu.memref_squeeze %dma_start3A_71 : memref<1x64x128xf32, #tpu.memory_space<hbm>> -> memref<64x128xf32, #tpu.memory_space<hbm>>
      %dma_start3A_73 = arith.constant 0 : i32
      %dma_start3A_74 = tpu.memref_slice %arg7[%arg0, %add3A_50, %dma_start3A_73] : memref<2x10240x128xf32, #tpu.memory_space<hbm>> -> memref<1x64x128xf32, #tpu.memory_space<hbm>>
      %dma_start3A_75 = tpu.memref_squeeze %dma_start3A_74 : memref<1x64x128xf32, #tpu.memory_space<hbm>> -> memref<64x128xf32, #tpu.memory_space<hbm>>
      tpu.enqueue_dma source(%arg8 : memref<64x128xf32, #tpu.memory_space<vmem>>) target(%dma_start3A_75 : memref<64x128xf32, #tpu.memory_space<hbm>>) target_semaphore(%run_scoped3A : memref<!tpu.dma_semaphore, #tpu.memory_space<semaphore_mem>>)
      %dma_wait3A = arith.constant 0 : i32
      %dma_wait3A_76 = tpu.memref_slice %arg7[%arg0, %add3A_50, %dma_wait3A] : memref<2x10240x128xf32, #tpu.memory_space<hbm>> -> memref<1x64x128xf32, #tpu.memory_space<hbm>>
      %dma_wait3A_77 = tpu.memref_squeeze %dma_wait3A_76 : memref<1x64x128xf32, #tpu.memory_space<hbm>> -> memref<64x128xf32, #tpu.memory_space<hbm>>
      %dma_wait3A_78 = arith.constant 0 : i32
      %dma_wait3A_79 = tpu.memref_slice %arg7[%arg0, %add3A_50, %dma_wait3A_78] : memref<2x10240x128xf32, #tpu.memory_space<hbm>> -> memref<1x64x128xf32, #tpu.memory_space<hbm>>
      %dma_wait3A_80 = tpu.memref_squeeze %dma_wait3A_79 : memref<1x64x128xf32, #tpu.memory_space<hbm>> -> memref<64x128xf32, #tpu.memory_space<hbm>>
      tpu.wait_dma2 semaphore(%run_scoped3A : memref<!tpu.dma_semaphore, #tpu.memory_space<semaphore_mem>>) src(%arg8 : memref<64x128xf32, #tpu.memory_space<vmem>>) dst(%dma_wait3A_80 : memref<64x128xf32, #tpu.memory_space<hbm>>)
      tpu.yield
    }) : () -> ()
    %add3A_51 = arith.constant 320 : i32
    %add3A_52 = arith.addi %mul3A_4, %add3A_51 : i32
    "tpu.region"() ({
      %run_scoped3A = tpu.sem_alloc : memref<!tpu.dma_semaphore, #tpu.memory_space<semaphore_mem>>
      %dma_start3A = arith.constant 0 : i32
      %dma_start3A_71 = tpu.memref_slice %arg13[%add3A_52, %dma_start3A] : memref<10240x128xf32, #tpu.memory_space<vmem_shared>> -> memref<64x128xf32, #tpu.memory_space<vmem_shared>>
      %dma_start3A_72 = arith.constant 0 : i32
      %dma_start3A_73 = tpu.memref_slice %arg13[%add3A_52, %dma_start3A_72] : memref<10240x128xf32, #tpu.memory_space<vmem_shared>> -> memref<64x128xf32, #tpu.memory_space<vmem_shared>>
      tpu.enqueue_dma source(%dma_start3A_73 : memref<64x128xf32, #tpu.memory_space<vmem_shared>>) target(%arg8 : memref<64x128xf32, #tpu.memory_space<vmem>>) target_semaphore(%run_scoped3A : memref<!tpu.dma_semaphore, #tpu.memory_space<semaphore_mem>>)
      %dma_wait3A = arith.constant 0 : i32
      %dma_wait3A_74 = tpu.memref_slice %arg13[%add3A_52, %dma_wait3A] : memref<10240x128xf32, #tpu.memory_space<vmem_shared>> -> memref<64x128xf32, #tpu.memory_space<vmem_shared>>
      %dma_wait3A_75 = arith.constant 0 : i32
      %dma_wait3A_76 = tpu.memref_slice %arg13[%add3A_52, %dma_wait3A_75] : memref<10240x128xf32, #tpu.memory_space<vmem_shared>> -> memref<64x128xf32, #tpu.memory_space<vmem_shared>>
      tpu.wait_dma2 semaphore(%run_scoped3A : memref<!tpu.dma_semaphore, #tpu.memory_space<semaphore_mem>>) src(%dma_wait3A_76 : memref<64x128xf32, #tpu.memory_space<vmem_shared>>) dst(%arg8 : memref<64x128xf32, #tpu.memory_space<vmem>>)
      tpu.yield
    }) : () -> ()
    %add3A_53 = arith.constant 320 : i32
    %add3A_54 = arith.addi %mul3A_4, %add3A_53 : i32
    "tpu.region"() ({
      %run_scoped3A = tpu.sem_alloc : memref<!tpu.dma_semaphore, #tpu.memory_space<semaphore_mem>>
      %dma_start3A = arith.constant 0 : i32
      %dma_start3A_71 = tpu.memref_slice %arg7[%arg0, %add3A_54, %dma_start3A] : memref<2x10240x128xf32, #tpu.memory_space<hbm>> -> memref<1x64x128xf32, #tpu.memory_space<hbm>>
      %dma_start3A_72 = tpu.memref_squeeze %dma_start3A_71 : memref<1x64x128xf32, #tpu.memory_space<hbm>> -> memref<64x128xf32, #tpu.memory_space<hbm>>
      %dma_start3A_73 = arith.constant 0 : i32
      %dma_start3A_74 = tpu.memref_slice %arg7[%arg0, %add3A_54, %dma_start3A_73] : memref<2x10240x128xf32, #tpu.memory_space<hbm>> -> memref<1x64x128xf32, #tpu.memory_space<hbm>>
      %dma_start3A_75 = tpu.memref_squeeze %dma_start3A_74 : memref<1x64x128xf32, #tpu.memory_space<hbm>> -> memref<64x128xf32, #tpu.memory_space<hbm>>
      tpu.enqueue_dma source(%arg8 : memref<64x128xf32, #tpu.memory_space<vmem>>) target(%dma_start3A_75 : memref<64x128xf32, #tpu.memory_space<hbm>>) target_semaphore(%run_scoped3A : memref<!tpu.dma_semaphore, #tpu.memory_space<semaphore_mem>>)
      %dma_wait3A = arith.constant 0 : i32
      %dma_wait3A_76 = tpu.memref_slice %arg7[%arg0, %add3A_54, %dma_wait3A] : memref<2x10240x128xf32, #tpu.memory_space<hbm>> -> memref<1x64x128xf32, #tpu.memory_space<hbm>>
      %dma_wait3A_77 = tpu.memref_squeeze %dma_wait3A_76 : memref<1x64x128xf32, #tpu.memory_space<hbm>> -> memref<64x128xf32, #tpu.memory_space<hbm>>
      %dma_wait3A_78 = arith.constant 0 : i32
      %dma_wait3A_79 = tpu.memref_slice %arg7[%arg0, %add3A_54, %dma_wait3A_78] : memref<2x10240x128xf32, #tpu.memory_space<hbm>> -> memref<1x64x128xf32, #tpu.memory_space<hbm>>
      %dma_wait3A_80 = tpu.memref_squeeze %dma_wait3A_79 : memref<1x64x128xf32, #tpu.memory_space<hbm>> -> memref<64x128xf32, #tpu.memory_space<hbm>>
      tpu.wait_dma2 semaphore(%run_scoped3A : memref<!tpu.dma_semaphore, #tpu.memory_space<semaphore_mem>>) src(%arg8 : memref<64x128xf32, #tpu.memory_space<vmem>>) dst(%dma_wait3A_80 : memref<64x128xf32, #tpu.memory_space<hbm>>)
      tpu.yield
    }) : () -> ()
    %add3A_55 = arith.constant 384 : i32
    %add3A_56 = arith.addi %mul3A_4, %add3A_55 : i32
    "tpu.region"() ({
      %run_scoped3A = tpu.sem_alloc : memref<!tpu.dma_semaphore, #tpu.memory_space<semaphore_mem>>
      %dma_start3A = arith.constant 0 : i32
      %dma_start3A_71 = tpu.memref_slice %arg13[%add3A_56, %dma_start3A] : memref<10240x128xf32, #tpu.memory_space<vmem_shared>> -> memref<64x128xf32, #tpu.memory_space<vmem_shared>>
      %dma_start3A_72 = arith.constant 0 : i32
      %dma_start3A_73 = tpu.memref_slice %arg13[%add3A_56, %dma_start3A_72] : memref<10240x128xf32, #tpu.memory_space<vmem_shared>> -> memref<64x128xf32, #tpu.memory_space<vmem_shared>>
      tpu.enqueue_dma source(%dma_start3A_73 : memref<64x128xf32, #tpu.memory_space<vmem_shared>>) target(%arg8 : memref<64x128xf32, #tpu.memory_space<vmem>>) target_semaphore(%run_scoped3A : memref<!tpu.dma_semaphore, #tpu.memory_space<semaphore_mem>>)
      %dma_wait3A = arith.constant 0 : i32
      %dma_wait3A_74 = tpu.memref_slice %arg13[%add3A_56, %dma_wait3A] : memref<10240x128xf32, #tpu.memory_space<vmem_shared>> -> memref<64x128xf32, #tpu.memory_space<vmem_shared>>
      %dma_wait3A_75 = arith.constant 0 : i32
      %dma_wait3A_76 = tpu.memref_slice %arg13[%add3A_56, %dma_wait3A_75] : memref<10240x128xf32, #tpu.memory_space<vmem_shared>> -> memref<64x128xf32, #tpu.memory_space<vmem_shared>>
      tpu.wait_dma2 semaphore(%run_scoped3A : memref<!tpu.dma_semaphore, #tpu.memory_space<semaphore_mem>>) src(%dma_wait3A_76 : memref<64x128xf32, #tpu.memory_space<vmem_shared>>) dst(%arg8 : memref<64x128xf32, #tpu.memory_space<vmem>>)
      tpu.yield
    }) : () -> ()
    %add3A_57 = arith.constant 384 : i32
    %add3A_58 = arith.addi %mul3A_4, %add3A_57 : i32
    "tpu.region"() ({
      %run_scoped3A = tpu.sem_alloc : memref<!tpu.dma_semaphore, #tpu.memory_space<semaphore_mem>>
      %dma_start3A = arith.constant 0 : i32
      %dma_start3A_71 = tpu.memref_slice %arg7[%arg0, %add3A_58, %dma_start3A] : memref<2x10240x128xf32, #tpu.memory_space<hbm>> -> memref<1x64x128xf32, #tpu.memory_space<hbm>>
      %dma_start3A_72 = tpu.memref_squeeze %dma_start3A_71 : memref<1x64x128xf32, #tpu.memory_space<hbm>> -> memref<64x128xf32, #tpu.memory_space<hbm>>
      %dma_start3A_73 = arith.constant 0 : i32
      %dma_start3A_74 = tpu.memref_slice %arg7[%arg0, %add3A_58, %dma_start3A_73] : memref<2x10240x128xf32, #tpu.memory_space<hbm>> -> memref<1x64x128xf32, #tpu.memory_space<hbm>>
      %dma_start3A_75 = tpu.memref_squeeze %dma_start3A_74 : memref<1x64x128xf32, #tpu.memory_space<hbm>> -> memref<64x128xf32, #tpu.memory_space<hbm>>
      tpu.enqueue_dma source(%arg8 : memref<64x128xf32, #tpu.memory_space<vmem>>) target(%dma_start3A_75 : memref<64x128xf32, #tpu.memory_space<hbm>>) target_semaphore(%run_scoped3A : memref<!tpu.dma_semaphore, #tpu.memory_space<semaphore_mem>>)
      %dma_wait3A = arith.constant 0 : i32
      %dma_wait3A_76 = tpu.memref_slice %arg7[%arg0, %add3A_58, %dma_wait3A] : memref<2x10240x128xf32, #tpu.memory_space<hbm>> -> memref<1x64x128xf32, #tpu.memory_space<hbm>>
      %dma_wait3A_77 = tpu.memref_squeeze %dma_wait3A_76 : memref<1x64x128xf32, #tpu.memory_space<hbm>> -> memref<64x128xf32, #tpu.memory_space<hbm>>
      %dma_wait3A_78 = arith.constant 0 : i32
      %dma_wait3A_79 = tpu.memref_slice %arg7[%arg0, %add3A_58, %dma_wait3A_78] : memref<2x10240x128xf32, #tpu.memory_space<hbm>> -> memref<1x64x128xf32, #tpu.memory_space<hbm>>
      %dma_wait3A_80 = tpu.memref_squeeze %dma_wait3A_79 : memref<1x64x128xf32, #tpu.memory_space<hbm>> -> memref<64x128xf32, #tpu.memory_space<hbm>>
      tpu.wait_dma2 semaphore(%run_scoped3A : memref<!tpu.dma_semaphore, #tpu.memory_space<semaphore_mem>>) src(%arg8 : memref<64x128xf32, #tpu.memory_space<vmem>>) dst(%dma_wait3A_80 : memref<64x128xf32, #tpu.memory_space<hbm>>)
      tpu.yield
    }) : () -> ()
    %add3A_59 = arith.constant 448 : i32
    %add3A_60 = arith.addi %mul3A_4, %add3A_59 : i32
    "tpu.region"() ({
      %run_scoped3A = tpu.sem_alloc : memref<!tpu.dma_semaphore, #tpu.memory_space<semaphore_mem>>
      %dma_start3A = arith.constant 0 : i32
      %dma_start3A_71 = tpu.memref_slice %arg13[%add3A_60, %dma_start3A] : memref<10240x128xf32, #tpu.memory_space<vmem_shared>> -> memref<64x128xf32, #tpu.memory_space<vmem_shared>>
      %dma_start3A_72 = arith.constant 0 : i32
      %dma_start3A_73 = tpu.memref_slice %arg13[%add3A_60, %dma_start3A_72] : memref<10240x128xf32, #tpu.memory_space<vmem_shared>> -> memref<64x128xf32, #tpu.memory_space<vmem_shared>>
      tpu.enqueue_dma source(%dma_start3A_73 : memref<64x128xf32, #tpu.memory_space<vmem_shared>>) target(%arg8 : memref<64x128xf32, #tpu.memory_space<vmem>>) target_semaphore(%run_scoped3A : memref<!tpu.dma_semaphore, #tpu.memory_space<semaphore_mem>>)
      %dma_wait3A = arith.constant 0 : i32
      %dma_wait3A_74 = tpu.memref_slice %arg13[%add3A_60, %dma_wait3A] : memref<10240x128xf32, #tpu.memory_space<vmem_shared>> -> memref<64x128xf32, #tpu.memory_space<vmem_shared>>
      %dma_wait3A_75 = arith.constant 0 : i32
      %dma_wait3A_76 = tpu.memref_slice %arg13[%add3A_60, %dma_wait3A_75] : memref<10240x128xf32, #tpu.memory_space<vmem_shared>> -> memref<64x128xf32, #tpu.memory_space<vmem_shared>>
      tpu.wait_dma2 semaphore(%run_scoped3A : memref<!tpu.dma_semaphore, #tpu.memory_space<semaphore_mem>>) src(%dma_wait3A_76 : memref<64x128xf32, #tpu.memory_space<vmem_shared>>) dst(%arg8 : memref<64x128xf32, #tpu.memory_space<vmem>>)
      tpu.yield
    }) : () -> ()
    %add3A_61 = arith.constant 448 : i32
    %add3A_62 = arith.addi %mul3A_4, %add3A_61 : i32
    "tpu.region"() ({
      %run_scoped3A = tpu.sem_alloc : memref<!tpu.dma_semaphore, #tpu.memory_space<semaphore_mem>>
      %dma_start3A = arith.constant 0 : i32
      %dma_start3A_71 = tpu.memref_slice %arg7[%arg0, %add3A_62, %dma_start3A] : memref<2x10240x128xf32, #tpu.memory_space<hbm>> -> memref<1x64x128xf32, #tpu.memory_space<hbm>>
      %dma_start3A_72 = tpu.memref_squeeze %dma_start3A_71 : memref<1x64x128xf32, #tpu.memory_space<hbm>> -> memref<64x128xf32, #tpu.memory_space<hbm>>
      %dma_start3A_73 = arith.constant 0 : i32
      %dma_start3A_74 = tpu.memref_slice %arg7[%arg0, %add3A_62, %dma_start3A_73] : memref<2x10240x128xf32, #tpu.memory_space<hbm>> -> memref<1x64x128xf32, #tpu.memory_space<hbm>>
      %dma_start3A_75 = tpu.memref_squeeze %dma_start3A_74 : memref<1x64x128xf32, #tpu.memory_space<hbm>> -> memref<64x128xf32, #tpu.memory_space<hbm>>
      tpu.enqueue_dma source(%arg8 : memref<64x128xf32, #tpu.memory_space<vmem>>) target(%dma_start3A_75 : memref<64x128xf32, #tpu.memory_space<hbm>>) target_semaphore(%run_scoped3A : memref<!tpu.dma_semaphore, #tpu.memory_space<semaphore_mem>>)
      %dma_wait3A = arith.constant 0 : i32
      %dma_wait3A_76 = tpu.memref_slice %arg7[%arg0, %add3A_62, %dma_wait3A] : memref<2x10240x128xf32, #tpu.memory_space<hbm>> -> memref<1x64x128xf32, #tpu.memory_space<hbm>>
      %dma_wait3A_77 = tpu.memref_squeeze %dma_wait3A_76 : memref<1x64x128xf32, #tpu.memory_space<hbm>> -> memref<64x128xf32, #tpu.memory_space<hbm>>
      %dma_wait3A_78 = arith.constant 0 : i32
      %dma_wait3A_79 = tpu.memref_slice %arg7[%arg0, %add3A_62, %dma_wait3A_78] : memref<2x10240x128xf32, #tpu.memory_space<hbm>> -> memref<1x64x128xf32, #tpu.memory_space<hbm>>
      %dma_wait3A_80 = tpu.memref_squeeze %dma_wait3A_79 : memref<1x64x128xf32, #tpu.memory_space<hbm>> -> memref<64x128xf32, #tpu.memory_space<hbm>>
      tpu.wait_dma2 semaphore(%run_scoped3A : memref<!tpu.dma_semaphore, #tpu.memory_space<semaphore_mem>>) src(%arg8 : memref<64x128xf32, #tpu.memory_space<vmem>>) dst(%dma_wait3A_80 : memref<64x128xf32, #tpu.memory_space<hbm>>)
      tpu.yield
    }) : () -> ()
    %add3A_63 = arith.constant 512 : i32
    %add3A_64 = arith.addi %mul3A_4, %add3A_63 : i32
    "tpu.region"() ({
      %run_scoped3A = tpu.sem_alloc : memref<!tpu.dma_semaphore, #tpu.memory_space<semaphore_mem>>
      %dma_start3A = arith.constant 0 : i32
      %dma_start3A_71 = tpu.memref_slice %arg13[%add3A_64, %dma_start3A] : memref<10240x128xf32, #tpu.memory_space<vmem_shared>> -> memref<64x128xf32, #tpu.memory_space<vmem_shared>>
      %dma_start3A_72 = arith.constant 0 : i32
      %dma_start3A_73 = tpu.memref_slice %arg13[%add3A_64, %dma_start3A_72] : memref<10240x128xf32, #tpu.memory_space<vmem_shared>> -> memref<64x128xf32, #tpu.memory_space<vmem_shared>>
      tpu.enqueue_dma source(%dma_start3A_73 : memref<64x128xf32, #tpu.memory_space<vmem_shared>>) target(%arg8 : memref<64x128xf32, #tpu.memory_space<vmem>>) target_semaphore(%run_scoped3A : memref<!tpu.dma_semaphore, #tpu.memory_space<semaphore_mem>>)
      %dma_wait3A = arith.constant 0 : i32
      %dma_wait3A_74 = tpu.memref_slice %arg13[%add3A_64, %dma_wait3A] : memref<10240x128xf32, #tpu.memory_space<vmem_shared>> -> memref<64x128xf32, #tpu.memory_space<vmem_shared>>
      %dma_wait3A_75 = arith.constant 0 : i32
      %dma_wait3A_76 = tpu.memref_slice %arg13[%add3A_64, %dma_wait3A_75] : memref<10240x128xf32, #tpu.memory_space<vmem_shared>> -> memref<64x128xf32, #tpu.memory_space<vmem_shared>>
      tpu.wait_dma2 semaphore(%run_scoped3A : memref<!tpu.dma_semaphore, #tpu.memory_space<semaphore_mem>>) src(%dma_wait3A_76 : memref<64x128xf32, #tpu.memory_space<vmem_shared>>) dst(%arg8 : memref<64x128xf32, #tpu.memory_space<vmem>>)
      tpu.yield
    }) : () -> ()
    %add3A_65 = arith.constant 512 : i32
    %add3A_66 = arith.addi %mul3A_4, %add3A_65 : i32
    "tpu.region"() ({
      %run_scoped3A = tpu.sem_alloc : memref<!tpu.dma_semaphore, #tpu.memory_space<semaphore_mem>>
      %dma_start3A = arith.constant 0 : i32
      %dma_start3A_71 = tpu.memref_slice %arg7[%arg0, %add3A_66, %dma_start3A] : memref<2x10240x128xf32, #tpu.memory_space<hbm>> -> memref<1x64x128xf32, #tpu.memory_space<hbm>>
      %dma_start3A_72 = tpu.memref_squeeze %dma_start3A_71 : memref<1x64x128xf32, #tpu.memory_space<hbm>> -> memref<64x128xf32, #tpu.memory_space<hbm>>
      %dma_start3A_73 = arith.constant 0 : i32
      %dma_start3A_74 = tpu.memref_slice %arg7[%arg0, %add3A_66, %dma_start3A_73] : memref<2x10240x128xf32, #tpu.memory_space<hbm>> -> memref<1x64x128xf32, #tpu.memory_space<hbm>>
      %dma_start3A_75 = tpu.memref_squeeze %dma_start3A_74 : memref<1x64x128xf32, #tpu.memory_space<hbm>> -> memref<64x128xf32, #tpu.memory_space<hbm>>
      tpu.enqueue_dma source(%arg8 : memref<64x128xf32, #tpu.memory_space<vmem>>) target(%dma_start3A_75 : memref<64x128xf32, #tpu.memory_space<hbm>>) target_semaphore(%run_scoped3A : memref<!tpu.dma_semaphore, #tpu.memory_space<semaphore_mem>>)
      %dma_wait3A = arith.constant 0 : i32
      %dma_wait3A_76 = tpu.memref_slice %arg7[%arg0, %add3A_66, %dma_wait3A] : memref<2x10240x128xf32, #tpu.memory_space<hbm>> -> memref<1x64x128xf32, #tpu.memory_space<hbm>>
      %dma_wait3A_77 = tpu.memref_squeeze %dma_wait3A_76 : memref<1x64x128xf32, #tpu.memory_space<hbm>> -> memref<64x128xf32, #tpu.memory_space<hbm>>
      %dma_wait3A_78 = arith.constant 0 : i32
      %dma_wait3A_79 = tpu.memref_slice %arg7[%arg0, %add3A_66, %dma_wait3A_78] : memref<2x10240x128xf32, #tpu.memory_space<hbm>> -> memref<1x64x128xf32, #tpu.memory_space<hbm>>
      %dma_wait3A_80 = tpu.memref_squeeze %dma_wait3A_79 : memref<1x64x128xf32, #tpu.memory_space<hbm>> -> memref<64x128xf32, #tpu.memory_space<hbm>>
      tpu.wait_dma2 semaphore(%run_scoped3A : memref<!tpu.dma_semaphore, #tpu.memory_space<semaphore_mem>>) src(%arg8 : memref<64x128xf32, #tpu.memory_space<vmem>>) dst(%dma_wait3A_80 : memref<64x128xf32, #tpu.memory_space<hbm>>)
      tpu.yield
    }) : () -> ()
    %add3A_67 = arith.constant 576 : i32
    %add3A_68 = arith.addi %mul3A_4, %add3A_67 : i32
    "tpu.region"() ({
      %run_scoped3A = tpu.sem_alloc : memref<!tpu.dma_semaphore, #tpu.memory_space<semaphore_mem>>
      %dma_start3A = arith.constant 0 : i32
      %dma_start3A_71 = tpu.memref_slice %arg13[%add3A_68, %dma_start3A] : memref<10240x128xf32, #tpu.memory_space<vmem_shared>> -> memref<64x128xf32, #tpu.memory_space<vmem_shared>>
      %dma_start3A_72 = arith.constant 0 : i32
      %dma_start3A_73 = tpu.memref_slice %arg13[%add3A_68, %dma_start3A_72] : memref<10240x128xf32, #tpu.memory_space<vmem_shared>> -> memref<64x128xf32, #tpu.memory_space<vmem_shared>>
      tpu.enqueue_dma source(%dma_start3A_73 : memref<64x128xf32, #tpu.memory_space<vmem_shared>>) target(%arg8 : memref<64x128xf32, #tpu.memory_space<vmem>>) target_semaphore(%run_scoped3A : memref<!tpu.dma_semaphore, #tpu.memory_space<semaphore_mem>>)
      %dma_wait3A = arith.constant 0 : i32
      %dma_wait3A_74 = tpu.memref_slice %arg13[%add3A_68, %dma_wait3A] : memref<10240x128xf32, #tpu.memory_space<vmem_shared>> -> memref<64x128xf32, #tpu.memory_space<vmem_shared>>
      %dma_wait3A_75 = arith.constant 0 : i32
      %dma_wait3A_76 = tpu.memref_slice %arg13[%add3A_68, %dma_wait3A_75] : memref<10240x128xf32, #tpu.memory_space<vmem_shared>> -> memref<64x128xf32, #tpu.memory_space<vmem_shared>>
      tpu.wait_dma2 semaphore(%run_scoped3A : memref<!tpu.dma_semaphore, #tpu.memory_space<semaphore_mem>>) src(%dma_wait3A_76 : memref<64x128xf32, #tpu.memory_space<vmem_shared>>) dst(%arg8 : memref<64x128xf32, #tpu.memory_space<vmem>>)
      tpu.yield
    }) : () -> ()
    %add3A_69 = arith.constant 576 : i32
    %add3A_70 = arith.addi %mul3A_4, %add3A_69 : i32
    "tpu.region"() ({
      %run_scoped3A = tpu.sem_alloc : memref<!tpu.dma_semaphore, #tpu.memory_space<semaphore_mem>>
      %dma_start3A = arith.constant 0 : i32
      %dma_start3A_71 = tpu.memref_slice %arg7[%arg0, %add3A_70, %dma_start3A] : memref<2x10240x128xf32, #tpu.memory_space<hbm>> -> memref<1x64x128xf32, #tpu.memory_space<hbm>>
      %dma_start3A_72 = tpu.memref_squeeze %dma_start3A_71 : memref<1x64x128xf32, #tpu.memory_space<hbm>> -> memref<64x128xf32, #tpu.memory_space<hbm>>
      %dma_start3A_73 = arith.constant 0 : i32
      %dma_start3A_74 = tpu.memref_slice %arg7[%arg0, %add3A_70, %dma_start3A_73] : memref<2x10240x128xf32, #tpu.memory_space<hbm>> -> memref<1x64x128xf32, #tpu.memory_space<hbm>>
      %dma_start3A_75 = tpu.memref_squeeze %dma_start3A_74 : memref<1x64x128xf32, #tpu.memory_space<hbm>> -> memref<64x128xf32, #tpu.memory_space<hbm>>
      tpu.enqueue_dma source(%arg8 : memref<64x128xf32, #tpu.memory_space<vmem>>) target(%dma_start3A_75 : memref<64x128xf32, #tpu.memory_space<hbm>>) target_semaphore(%run_scoped3A : memref<!tpu.dma_semaphore, #tpu.memory_space<semaphore_mem>>)
      %dma_wait3A = arith.constant 0 : i32
      %dma_wait3A_76 = tpu.memref_slice %arg7[%arg0, %add3A_70, %dma_wait3A] : memref<2x10240x128xf32, #tpu.memory_space<hbm>> -> memref<1x64x128xf32, #tpu.memory_space<hbm>>
      %dma_wait3A_77 = tpu.memref_squeeze %dma_wait3A_76 : memref<1x64x128xf32, #tpu.memory_space<hbm>> -> memref<64x128xf32, #tpu.memory_space<hbm>>
      %dma_wait3A_78 = arith.constant 0 : i32
      %dma_wait3A_79 = tpu.memref_slice %arg7[%arg0, %add3A_70, %dma_wait3A_78] : memref<2x10240x128xf32, #tpu.memory_space<hbm>> -> memref<1x64x128xf32, #tpu.memory_space<hbm>>
      %dma_wait3A_80 = tpu.memref_squeeze %dma_wait3A_79 : memref<1x64x128xf32, #tpu.memory_space<hbm>> -> memref<64x128xf32, #tpu.memory_space<hbm>>
      tpu.wait_dma2 semaphore(%run_scoped3A : memref<!tpu.dma_semaphore, #tpu.memory_space<semaphore_mem>>) src(%arg8 : memref<64x128xf32, #tpu.memory_space<vmem>>) dst(%dma_wait3A_80 : memref<64x128xf32, #tpu.memory_space<hbm>>)
      tpu.yield
    }) : () -> ()
    return
  }
}

#map = affine_map<(d0, d1) -> (0, 0)>
#map1 = affine_map<(d0, d1) -> (0)>
#map2 = affine_map<(d0, d1) -> (0, 0, 0)>
module attributes {stable_mosaic.version = 14 : i64} {
  func.func @_sc_scatter_body(%arg0: i32, %arg1: i32, %arg2: memref<80000x128xf32, #tpu.memory_space<hbm>>, %arg3: memref<160000xi32, #tpu.memory_space<hbm>>, %arg4: memref<160000xi32, #tpu.memory_space<hbm>>, %arg5: memref<160000x16xf32, #tpu.memory_space<hbm>>, %arg6: memref<64x128xf32, #tpu.memory_space<hbm>>, %arg7: memref<2x10240x128xf32, #tpu.memory_space<hbm>>, %arg8: memref<64x128xf32, #tpu.memory_space<vmem>>, %arg9: memref<40x128xf32, #tpu.memory_space<vmem>>, %arg10: memref<40xi32, #tpu.memory_space<vmem>>, %arg11: memref<40xi32, #tpu.memory_space<vmem>>, %arg12: memref<40x16xf32, #tpu.memory_space<vmem>>, %arg13: memref<10240x128xf32, #tpu.memory_space<vmem_shared>>, %arg14: memref<!tpu.dma_semaphore, #tpu.memory_space<semaphore_mem>>) attributes {dimension_semantics = [#tpu.dimension_semantics<core_parallel>, #tpu.dimension_semantics<subcore_parallel>], iteration_bounds = array<i64: 2, 16>, scalar_prefetch = 0 : i64, scratch_operands = 7 : i64, tpu.core_type = #tpu.core_type<sc_vector_subcore>, window_params = [{transform_indices = #map}, {transform_indices = #map1}, {transform_indices = #map1}, {transform_indices = #map}, {transform_indices = #map}, {transform_indices = #map2}]} {
    %mul3A = arith.constant 16 : i32
    %mul3A_0 = arith.muli %arg0, %mul3A : i32
    %add3A = arith.addi %mul3A_0, %arg1 : i32
    %mul3A_1 = arith.constant 5000 : i32
    %mul3A_2 = arith.muli %add3A, %mul3A_1 : i32
    %mul3A_3 = arith.constant 640 : i32
    %mul3A_4 = arith.muli %arg1, %mul3A_3 : i32
    "tpu.region"() ({
      %run_scoped3A = tpu.sem_alloc : memref<!tpu.dma_semaphore, #tpu.memory_space<semaphore_mem>>
      tpu.enqueue_dma source(%arg6 : memref<64x128xf32, #tpu.memory_space<hbm>>) target(%arg8 : memref<64x128xf32, #tpu.memory_space<vmem>>) target_semaphore(%run_scoped3A : memref<!tpu.dma_semaphore, #tpu.memory_space<semaphore_mem>>)
      tpu.wait_dma2 semaphore(%run_scoped3A : memref<!tpu.dma_semaphore, #tpu.memory_space<semaphore_mem>>) src(%arg6 : memref<64x128xf32, #tpu.memory_space<hbm>>) dst(%arg8 : memref<64x128xf32, #tpu.memory_space<vmem>>)
      tpu.yield
    }) : () -> ()
    %add3A_5 = arith.constant 0 : i32
    %add3A_6 = arith.addi %mul3A_4, %add3A_5 : i32
    "tpu.region"() ({
      %run_scoped3A = tpu.sem_alloc : memref<!tpu.dma_semaphore, #tpu.memory_space<semaphore_mem>>
      %dma_start3A = arith.constant 0 : i32
      %dma_start3A_71 = tpu.memref_slice %arg13[%add3A_6, %dma_start3A] : memref<10240x128xf32, #tpu.memory_space<vmem_shared>> -> memref<64x128xf32, #tpu.memory_space<vmem_shared>>
      %dma_start3A_72 = arith.constant 0 : i32
      %dma_start3A_73 = tpu.memref_slice %arg13[%add3A_6, %dma_start3A_72] : memref<10240x128xf32, #tpu.memory_space<vmem_shared>> -> memref<64x128xf32, #tpu.memory_space<vmem_shared>>
      tpu.enqueue_dma source(%arg8 : memref<64x128xf32, #tpu.memory_space<vmem>>) target(%dma_start3A_73 : memref<64x128xf32, #tpu.memory_space<vmem_shared>>) target_semaphore(%run_scoped3A : memref<!tpu.dma_semaphore, #tpu.memory_space<semaphore_mem>>)
      %dma_wait3A = arith.constant 0 : i32
      %dma_wait3A_74 = tpu.memref_slice %arg13[%add3A_6, %dma_wait3A] : memref<10240x128xf32, #tpu.memory_space<vmem_shared>> -> memref<64x128xf32, #tpu.memory_space<vmem_shared>>
      %dma_wait3A_75 = arith.constant 0 : i32
      %dma_wait3A_76 = tpu.memref_slice %arg13[%add3A_6, %dma_wait3A_75] : memref<10240x128xf32, #tpu.memory_space<vmem_shared>> -> memref<64x128xf32, #tpu.memory_space<vmem_shared>>
      tpu.wait_dma2 semaphore(%run_scoped3A : memref<!tpu.dma_semaphore, #tpu.memory_space<semaphore_mem>>) src(%arg8 : memref<64x128xf32, #tpu.memory_space<vmem>>) dst(%dma_wait3A_76 : memref<64x128xf32, #tpu.memory_space<vmem_shared>>)
      tpu.yield
    }) : () -> ()
    %add3A_7 = arith.constant 64 : i32
    %add3A_8 = arith.addi %mul3A_4, %add3A_7 : i32
    "tpu.region"() ({
      %run_scoped3A = tpu.sem_alloc : memref<!tpu.dma_semaphore, #tpu.memory_space<semaphore_mem>>
      %dma_start3A = arith.constant 0 : i32
      %dma_start3A_71 = tpu.memref_slice %arg13[%add3A_8, %dma_start3A] : memref<10240x128xf32, #tpu.memory_space<vmem_shared>> -> memref<64x128xf32, #tpu.memory_space<vmem_shared>>
      %dma_start3A_72 = arith.constant 0 : i32
      %dma_start3A_73 = tpu.memref_slice %arg13[%add3A_8, %dma_start3A_72] : memref<10240x128xf32, #tpu.memory_space<vmem_shared>> -> memref<64x128xf32, #tpu.memory_space<vmem_shared>>
      tpu.enqueue_dma source(%arg8 : memref<64x128xf32, #tpu.memory_space<vmem>>) target(%dma_start3A_73 : memref<64x128xf32, #tpu.memory_space<vmem_shared>>) target_semaphore(%run_scoped3A : memref<!tpu.dma_semaphore, #tpu.memory_space<semaphore_mem>>)
      %dma_wait3A = arith.constant 0 : i32
      %dma_wait3A_74 = tpu.memref_slice %arg13[%add3A_8, %dma_wait3A] : memref<10240x128xf32, #tpu.memory_space<vmem_shared>> -> memref<64x128xf32, #tpu.memory_space<vmem_shared>>
      %dma_wait3A_75 = arith.constant 0 : i32
      %dma_wait3A_76 = tpu.memref_slice %arg13[%add3A_8, %dma_wait3A_75] : memref<10240x128xf32, #tpu.memory_space<vmem_shared>> -> memref<64x128xf32, #tpu.memory_space<vmem_shared>>
      tpu.wait_dma2 semaphore(%run_scoped3A : memref<!tpu.dma_semaphore, #tpu.memory_space<semaphore_mem>>) src(%arg8 : memref<64x128xf32, #tpu.memory_space<vmem>>) dst(%dma_wait3A_76 : memref<64x128xf32, #tpu.memory_space<vmem_shared>>)
      tpu.yield
    }) : () -> ()
    %add3A_9 = arith.constant 128 : i32
    %add3A_10 = arith.addi %mul3A_4, %add3A_9 : i32
    "tpu.region"() ({
      %run_scoped3A = tpu.sem_alloc : memref<!tpu.dma_semaphore, #tpu.memory_space<semaphore_mem>>
      %dma_start3A = arith.constant 0 : i32
      %dma_start3A_71 = tpu.memref_slice %arg13[%add3A_10, %dma_start3A] : memref<10240x128xf32, #tpu.memory_space<vmem_shared>> -> memref<64x128xf32, #tpu.memory_space<vmem_shared>>
      %dma_start3A_72 = arith.constant 0 : i32
      %dma_start3A_73 = tpu.memref_slice %arg13[%add3A_10, %dma_start3A_72] : memref<10240x128xf32, #tpu.memory_space<vmem_shared>> -> memref<64x128xf32, #tpu.memory_space<vmem_shared>>
      tpu.enqueue_dma source(%arg8 : memref<64x128xf32, #tpu.memory_space<vmem>>) target(%dma_start3A_73 : memref<64x128xf32, #tpu.memory_space<vmem_shared>>) target_semaphore(%run_scoped3A : memref<!tpu.dma_semaphore, #tpu.memory_space<semaphore_mem>>)
      %dma_wait3A = arith.constant 0 : i32
      %dma_wait3A_74 = tpu.memref_slice %arg13[%add3A_10, %dma_wait3A] : memref<10240x128xf32, #tpu.memory_space<vmem_shared>> -> memref<64x128xf32, #tpu.memory_space<vmem_shared>>
      %dma_wait3A_75 = arith.constant 0 : i32
      %dma_wait3A_76 = tpu.memref_slice %arg13[%add3A_10, %dma_wait3A_75] : memref<10240x128xf32, #tpu.memory_space<vmem_shared>> -> memref<64x128xf32, #tpu.memory_space<vmem_shared>>
      tpu.wait_dma2 semaphore(%run_scoped3A : memref<!tpu.dma_semaphore, #tpu.memory_space<semaphore_mem>>) src(%arg8 : memref<64x128xf32, #tpu.memory_space<vmem>>) dst(%dma_wait3A_76 : memref<64x128xf32, #tpu.memory_space<vmem_shared>>)
      tpu.yield
    }) : () -> ()
    %add3A_11 = arith.constant 192 : i32
    %add3A_12 = arith.addi %mul3A_4, %add3A_11 : i32
    "tpu.region"() ({
      %run_scoped3A = tpu.sem_alloc : memref<!tpu.dma_semaphore, #tpu.memory_space<semaphore_mem>>
      %dma_start3A = arith.constant 0 : i32
      %dma_start3A_71 = tpu.memref_slice %arg13[%add3A_12, %dma_start3A] : memref<10240x128xf32, #tpu.memory_space<vmem_shared>> -> memref<64x128xf32, #tpu.memory_space<vmem_shared>>
      %dma_start3A_72 = arith.constant 0 : i32
      %dma_start3A_73 = tpu.memref_slice %arg13[%add3A_12, %dma_start3A_72] : memref<10240x128xf32, #tpu.memory_space<vmem_shared>> -> memref<64x128xf32, #tpu.memory_space<vmem_shared>>
      tpu.enqueue_dma source(%arg8 : memref<64x128xf32, #tpu.memory_space<vmem>>) target(%dma_start3A_73 : memref<64x128xf32, #tpu.memory_space<vmem_shared>>) target_semaphore(%run_scoped3A : memref<!tpu.dma_semaphore, #tpu.memory_space<semaphore_mem>>)
      %dma_wait3A = arith.constant 0 : i32
      %dma_wait3A_74 = tpu.memref_slice %arg13[%add3A_12, %dma_wait3A] : memref<10240x128xf32, #tpu.memory_space<vmem_shared>> -> memref<64x128xf32, #tpu.memory_space<vmem_shared>>
      %dma_wait3A_75 = arith.constant 0 : i32
      %dma_wait3A_76 = tpu.memref_slice %arg13[%add3A_12, %dma_wait3A_75] : memref<10240x128xf32, #tpu.memory_space<vmem_shared>> -> memref<64x128xf32, #tpu.memory_space<vmem_shared>>
      tpu.wait_dma2 semaphore(%run_scoped3A : memref<!tpu.dma_semaphore, #tpu.memory_space<semaphore_mem>>) src(%arg8 : memref<64x128xf32, #tpu.memory_space<vmem>>) dst(%dma_wait3A_76 : memref<64x128xf32, #tpu.memory_space<vmem_shared>>)
      tpu.yield
    }) : () -> ()
    %add3A_13 = arith.constant 256 : i32
    %add3A_14 = arith.addi %mul3A_4, %add3A_13 : i32
    "tpu.region"() ({
      %run_scoped3A = tpu.sem_alloc : memref<!tpu.dma_semaphore, #tpu.memory_space<semaphore_mem>>
      %dma_start3A = arith.constant 0 : i32
      %dma_start3A_71 = tpu.memref_slice %arg13[%add3A_14, %dma_start3A] : memref<10240x128xf32, #tpu.memory_space<vmem_shared>> -> memref<64x128xf32, #tpu.memory_space<vmem_shared>>
      %dma_start3A_72 = arith.constant 0 : i32
      %dma_start3A_73 = tpu.memref_slice %arg13[%add3A_14, %dma_start3A_72] : memref<10240x128xf32, #tpu.memory_space<vmem_shared>> -> memref<64x128xf32, #tpu.memory_space<vmem_shared>>
      tpu.enqueue_dma source(%arg8 : memref<64x128xf32, #tpu.memory_space<vmem>>) target(%dma_start3A_73 : memref<64x128xf32, #tpu.memory_space<vmem_shared>>) target_semaphore(%run_scoped3A : memref<!tpu.dma_semaphore, #tpu.memory_space<semaphore_mem>>)
      %dma_wait3A = arith.constant 0 : i32
      %dma_wait3A_74 = tpu.memref_slice %arg13[%add3A_14, %dma_wait3A] : memref<10240x128xf32, #tpu.memory_space<vmem_shared>> -> memref<64x128xf32, #tpu.memory_space<vmem_shared>>
      %dma_wait3A_75 = arith.constant 0 : i32
      %dma_wait3A_76 = tpu.memref_slice %arg13[%add3A_14, %dma_wait3A_75] : memref<10240x128xf32, #tpu.memory_space<vmem_shared>> -> memref<64x128xf32, #tpu.memory_space<vmem_shared>>
      tpu.wait_dma2 semaphore(%run_scoped3A : memref<!tpu.dma_semaphore, #tpu.memory_space<semaphore_mem>>) src(%arg8 : memref<64x128xf32, #tpu.memory_space<vmem>>) dst(%dma_wait3A_76 : memref<64x128xf32, #tpu.memory_space<vmem_shared>>)
      tpu.yield
    }) : () -> ()
    %add3A_15 = arith.constant 320 : i32
    %add3A_16 = arith.addi %mul3A_4, %add3A_15 : i32
    "tpu.region"() ({
      %run_scoped3A = tpu.sem_alloc : memref<!tpu.dma_semaphore, #tpu.memory_space<semaphore_mem>>
      %dma_start3A = arith.constant 0 : i32
      %dma_start3A_71 = tpu.memref_slice %arg13[%add3A_16, %dma_start3A] : memref<10240x128xf32, #tpu.memory_space<vmem_shared>> -> memref<64x128xf32, #tpu.memory_space<vmem_shared>>
      %dma_start3A_72 = arith.constant 0 : i32
      %dma_start3A_73 = tpu.memref_slice %arg13[%add3A_16, %dma_start3A_72] : memref<10240x128xf32, #tpu.memory_space<vmem_shared>> -> memref<64x128xf32, #tpu.memory_space<vmem_shared>>
      tpu.enqueue_dma source(%arg8 : memref<64x128xf32, #tpu.memory_space<vmem>>) target(%dma_start3A_73 : memref<64x128xf32, #tpu.memory_space<vmem_shared>>) target_semaphore(%run_scoped3A : memref<!tpu.dma_semaphore, #tpu.memory_space<semaphore_mem>>)
      %dma_wait3A = arith.constant 0 : i32
      %dma_wait3A_74 = tpu.memref_slice %arg13[%add3A_16, %dma_wait3A] : memref<10240x128xf32, #tpu.memory_space<vmem_shared>> -> memref<64x128xf32, #tpu.memory_space<vmem_shared>>
      %dma_wait3A_75 = arith.constant 0 : i32
      %dma_wait3A_76 = tpu.memref_slice %arg13[%add3A_16, %dma_wait3A_75] : memref<10240x128xf32, #tpu.memory_space<vmem_shared>> -> memref<64x128xf32, #tpu.memory_space<vmem_shared>>
      tpu.wait_dma2 semaphore(%run_scoped3A : memref<!tpu.dma_semaphore, #tpu.memory_space<semaphore_mem>>) src(%arg8 : memref<64x128xf32, #tpu.memory_space<vmem>>) dst(%dma_wait3A_76 : memref<64x128xf32, #tpu.memory_space<vmem_shared>>)
      tpu.yield
    }) : () -> ()
    %add3A_17 = arith.constant 384 : i32
    %add3A_18 = arith.addi %mul3A_4, %add3A_17 : i32
    "tpu.region"() ({
      %run_scoped3A = tpu.sem_alloc : memref<!tpu.dma_semaphore, #tpu.memory_space<semaphore_mem>>
      %dma_start3A = arith.constant 0 : i32
      %dma_start3A_71 = tpu.memref_slice %arg13[%add3A_18, %dma_start3A] : memref<10240x128xf32, #tpu.memory_space<vmem_shared>> -> memref<64x128xf32, #tpu.memory_space<vmem_shared>>
      %dma_start3A_72 = arith.constant 0 : i32
      %dma_start3A_73 = tpu.memref_slice %arg13[%add3A_18, %dma_start3A_72] : memref<10240x128xf32, #tpu.memory_space<vmem_shared>> -> memref<64x128xf32, #tpu.memory_space<vmem_shared>>
      tpu.enqueue_dma source(%arg8 : memref<64x128xf32, #tpu.memory_space<vmem>>) target(%dma_start3A_73 : memref<64x128xf32, #tpu.memory_space<vmem_shared>>) target_semaphore(%run_scoped3A : memref<!tpu.dma_semaphore, #tpu.memory_space<semaphore_mem>>)
      %dma_wait3A = arith.constant 0 : i32
      %dma_wait3A_74 = tpu.memref_slice %arg13[%add3A_18, %dma_wait3A] : memref<10240x128xf32, #tpu.memory_space<vmem_shared>> -> memref<64x128xf32, #tpu.memory_space<vmem_shared>>
      %dma_wait3A_75 = arith.constant 0 : i32
      %dma_wait3A_76 = tpu.memref_slice %arg13[%add3A_18, %dma_wait3A_75] : memref<10240x128xf32, #tpu.memory_space<vmem_shared>> -> memref<64x128xf32, #tpu.memory_space<vmem_shared>>
      tpu.wait_dma2 semaphore(%run_scoped3A : memref<!tpu.dma_semaphore, #tpu.memory_space<semaphore_mem>>) src(%arg8 : memref<64x128xf32, #tpu.memory_space<vmem>>) dst(%dma_wait3A_76 : memref<64x128xf32, #tpu.memory_space<vmem_shared>>)
      tpu.yield
    }) : () -> ()
    %add3A_19 = arith.constant 448 : i32
    %add3A_20 = arith.addi %mul3A_4, %add3A_19 : i32
    "tpu.region"() ({
      %run_scoped3A = tpu.sem_alloc : memref<!tpu.dma_semaphore, #tpu.memory_space<semaphore_mem>>
      %dma_start3A = arith.constant 0 : i32
      %dma_start3A_71 = tpu.memref_slice %arg13[%add3A_20, %dma_start3A] : memref<10240x128xf32, #tpu.memory_space<vmem_shared>> -> memref<64x128xf32, #tpu.memory_space<vmem_shared>>
      %dma_start3A_72 = arith.constant 0 : i32
      %dma_start3A_73 = tpu.memref_slice %arg13[%add3A_20, %dma_start3A_72] : memref<10240x128xf32, #tpu.memory_space<vmem_shared>> -> memref<64x128xf32, #tpu.memory_space<vmem_shared>>
      tpu.enqueue_dma source(%arg8 : memref<64x128xf32, #tpu.memory_space<vmem>>) target(%dma_start3A_73 : memref<64x128xf32, #tpu.memory_space<vmem_shared>>) target_semaphore(%run_scoped3A : memref<!tpu.dma_semaphore, #tpu.memory_space<semaphore_mem>>)
      %dma_wait3A = arith.constant 0 : i32
      %dma_wait3A_74 = tpu.memref_slice %arg13[%add3A_20, %dma_wait3A] : memref<10240x128xf32, #tpu.memory_space<vmem_shared>> -> memref<64x128xf32, #tpu.memory_space<vmem_shared>>
      %dma_wait3A_75 = arith.constant 0 : i32
      %dma_wait3A_76 = tpu.memref_slice %arg13[%add3A_20, %dma_wait3A_75] : memref<10240x128xf32, #tpu.memory_space<vmem_shared>> -> memref<64x128xf32, #tpu.memory_space<vmem_shared>>
      tpu.wait_dma2 semaphore(%run_scoped3A : memref<!tpu.dma_semaphore, #tpu.memory_space<semaphore_mem>>) src(%arg8 : memref<64x128xf32, #tpu.memory_space<vmem>>) dst(%dma_wait3A_76 : memref<64x128xf32, #tpu.memory_space<vmem_shared>>)
      tpu.yield
    }) : () -> ()
    %add3A_21 = arith.constant 512 : i32
    %add3A_22 = arith.addi %mul3A_4, %add3A_21 : i32
    "tpu.region"() ({
      %run_scoped3A = tpu.sem_alloc : memref<!tpu.dma_semaphore, #tpu.memory_space<semaphore_mem>>
      %dma_start3A = arith.constant 0 : i32
      %dma_start3A_71 = tpu.memref_slice %arg13[%add3A_22, %dma_start3A] : memref<10240x128xf32, #tpu.memory_space<vmem_shared>> -> memref<64x128xf32, #tpu.memory_space<vmem_shared>>
      %dma_start3A_72 = arith.constant 0 : i32
      %dma_start3A_73 = tpu.memref_slice %arg13[%add3A_22, %dma_start3A_72] : memref<10240x128xf32, #tpu.memory_space<vmem_shared>> -> memref<64x128xf32, #tpu.memory_space<vmem_shared>>
      tpu.enqueue_dma source(%arg8 : memref<64x128xf32, #tpu.memory_space<vmem>>) target(%dma_start3A_73 : memref<64x128xf32, #tpu.memory_space<vmem_shared>>) target_semaphore(%run_scoped3A : memref<!tpu.dma_semaphore, #tpu.memory_space<semaphore_mem>>)
      %dma_wait3A = arith.constant 0 : i32
      %dma_wait3A_74 = tpu.memref_slice %arg13[%add3A_22, %dma_wait3A] : memref<10240x128xf32, #tpu.memory_space<vmem_shared>> -> memref<64x128xf32, #tpu.memory_space<vmem_shared>>
      %dma_wait3A_75 = arith.constant 0 : i32
      %dma_wait3A_76 = tpu.memref_slice %arg13[%add3A_22, %dma_wait3A_75] : memref<10240x128xf32, #tpu.memory_space<vmem_shared>> -> memref<64x128xf32, #tpu.memory_space<vmem_shared>>
      tpu.wait_dma2 semaphore(%run_scoped3A : memref<!tpu.dma_semaphore, #tpu.memory_space<semaphore_mem>>) src(%arg8 : memref<64x128xf32, #tpu.memory_space<vmem>>) dst(%dma_wait3A_76 : memref<64x128xf32, #tpu.memory_space<vmem_shared>>)
      tpu.yield
    }) : () -> ()
    %add3A_23 = arith.constant 576 : i32
    %add3A_24 = arith.addi %mul3A_4, %add3A_23 : i32
    "tpu.region"() ({
      %run_scoped3A = tpu.sem_alloc : memref<!tpu.dma_semaphore, #tpu.memory_space<semaphore_mem>>
      %dma_start3A = arith.constant 0 : i32
      %dma_start3A_71 = tpu.memref_slice %arg13[%add3A_24, %dma_start3A] : memref<10240x128xf32, #tpu.memory_space<vmem_shared>> -> memref<64x128xf32, #tpu.memory_space<vmem_shared>>
      %dma_start3A_72 = arith.constant 0 : i32
      %dma_start3A_73 = tpu.memref_slice %arg13[%add3A_24, %dma_start3A_72] : memref<10240x128xf32, #tpu.memory_space<vmem_shared>> -> memref<64x128xf32, #tpu.memory_space<vmem_shared>>
      tpu.enqueue_dma source(%arg8 : memref<64x128xf32, #tpu.memory_space<vmem>>) target(%dma_start3A_73 : memref<64x128xf32, #tpu.memory_space<vmem_shared>>) target_semaphore(%run_scoped3A : memref<!tpu.dma_semaphore, #tpu.memory_space<semaphore_mem>>)
      %dma_wait3A = arith.constant 0 : i32
      %dma_wait3A_74 = tpu.memref_slice %arg13[%add3A_24, %dma_wait3A] : memref<10240x128xf32, #tpu.memory_space<vmem_shared>> -> memref<64x128xf32, #tpu.memory_space<vmem_shared>>
      %dma_wait3A_75 = arith.constant 0 : i32
      %dma_wait3A_76 = tpu.memref_slice %arg13[%add3A_24, %dma_wait3A_75] : memref<10240x128xf32, #tpu.memory_space<vmem_shared>> -> memref<64x128xf32, #tpu.memory_space<vmem_shared>>
      tpu.wait_dma2 semaphore(%run_scoped3A : memref<!tpu.dma_semaphore, #tpu.memory_space<semaphore_mem>>) src(%arg8 : memref<64x128xf32, #tpu.memory_space<vmem>>) dst(%dma_wait3A_76 : memref<64x128xf32, #tpu.memory_space<vmem_shared>>)
      tpu.yield
    }) : () -> ()
    %barrier3A = arith.constant 0 : index
    tpu.barrier barrier_id(%barrier3A)
    %scan3A = arith.constant 0 : i32
    %scan3A_25 = arith.constant 0 : i32
    %scan3A_26 = arith.constant 125 : i32
    %scan3A_27 = arith.addi %scan3A_25, %scan3A_26 : i32
    %scan3A_28 = arith.constant 1 : i32
    scf.for %scan3A_71 = %scan3A_25 to %scan3A_27 step %scan3A_28  : i32 {
      %mul3A_72 = arith.constant 40 : i32
      %mul3A_73 = arith.muli %scan3A_71, %mul3A_72 : i32
      %add3A_74 = arith.addi %mul3A_2, %mul3A_73 : i32
      "tpu.region"() ({
        %run_scoped3A = tpu.sem_alloc : memref<!tpu.dma_semaphore, #tpu.memory_space<semaphore_mem>>
        %dma_start3A_85 = tpu.memref_slice %arg3[%add3A_74] : memref<160000xi32, #tpu.memory_space<hbm>> -> memref<40xi32, #tpu.memory_space<hbm>>
        %dma_start3A_86 = tpu.memref_slice %arg3[%add3A_74] : memref<160000xi32, #tpu.memory_space<hbm>> -> memref<40xi32, #tpu.memory_space<hbm>>
        tpu.enqueue_dma source(%dma_start3A_86 : memref<40xi32, #tpu.memory_space<hbm>>) target(%arg10 : memref<40xi32, #tpu.memory_space<vmem>>) target_semaphore(%run_scoped3A : memref<!tpu.dma_semaphore, #tpu.memory_space<semaphore_mem>>)
        %dma_wait3A_87 = tpu.memref_slice %arg3[%add3A_74] : memref<160000xi32, #tpu.memory_space<hbm>> -> memref<40xi32, #tpu.memory_space<hbm>>
        %dma_wait3A_88 = tpu.memref_slice %arg3[%add3A_74] : memref<160000xi32, #tpu.memory_space<hbm>> -> memref<40xi32, #tpu.memory_space<hbm>>
        tpu.wait_dma2 semaphore(%run_scoped3A : memref<!tpu.dma_semaphore, #tpu.memory_space<semaphore_mem>>) src(%dma_wait3A_88 : memref<40xi32, #tpu.memory_space<hbm>>) dst(%arg10 : memref<40xi32, #tpu.memory_space<vmem>>)
        tpu.yield
      }) : () -> ()
      "tpu.region"() ({
        %run_scoped3A = tpu.sem_alloc : memref<!tpu.dma_semaphore, #tpu.memory_space<semaphore_mem>>
        %dma_start3A_85 = tpu.memref_slice %arg4[%add3A_74] : memref<160000xi32, #tpu.memory_space<hbm>> -> memref<40xi32, #tpu.memory_space<hbm>>
        %dma_start3A_86 = tpu.memref_slice %arg4[%add3A_74] : memref<160000xi32, #tpu.memory_space<hbm>> -> memref<40xi32, #tpu.memory_space<hbm>>
        tpu.enqueue_dma source(%dma_start3A_86 : memref<40xi32, #tpu.memory_space<hbm>>) target(%arg11 : memref<40xi32, #tpu.memory_space<vmem>>) target_semaphore(%run_scoped3A : memref<!tpu.dma_semaphore, #tpu.memory_space<semaphore_mem>>)
        %dma_wait3A_87 = tpu.memref_slice %arg4[%add3A_74] : memref<160000xi32, #tpu.memory_space<hbm>> -> memref<40xi32, #tpu.memory_space<hbm>>
        %dma_wait3A_88 = tpu.memref_slice %arg4[%add3A_74] : memref<160000xi32, #tpu.memory_space<hbm>> -> memref<40xi32, #tpu.memory_space<hbm>>
        tpu.wait_dma2 semaphore(%run_scoped3A : memref<!tpu.dma_semaphore, #tpu.memory_space<semaphore_mem>>) src(%dma_wait3A_88 : memref<40xi32, #tpu.memory_space<hbm>>) dst(%arg11 : memref<40xi32, #tpu.memory_space<vmem>>)
        tpu.yield
      }) : () -> ()
      "tpu.region"() ({
        %run_scoped3A = tpu.sem_alloc : memref<!tpu.dma_semaphore, #tpu.memory_space<semaphore_mem>>
        %dma_start3A_85 = arith.constant 0 : i32
        %dma_start3A_86 = tpu.memref_slice %arg5[%add3A_74, %dma_start3A_85] : memref<160000x16xf32, #tpu.memory_space<hbm>> -> memref<40x16xf32, #tpu.memory_space<hbm>>
        %dma_start3A_87 = arith.constant 0 : i32
        %dma_start3A_88 = tpu.memref_slice %arg5[%add3A_74, %dma_start3A_87] : memref<160000x16xf32, #tpu.memory_space<hbm>> -> memref<40x16xf32, #tpu.memory_space<hbm>>
        tpu.enqueue_dma source(%dma_start3A_88 : memref<40x16xf32, #tpu.memory_space<hbm>>) target(%arg12 : memref<40x16xf32, #tpu.memory_space<vmem>>) target_semaphore(%run_scoped3A : memref<!tpu.dma_semaphore, #tpu.memory_space<semaphore_mem>>)
        %dma_wait3A_89 = arith.constant 0 : i32
        %dma_wait3A_90 = tpu.memref_slice %arg5[%add3A_74, %dma_wait3A_89] : memref<160000x16xf32, #tpu.memory_space<hbm>> -> memref<40x16xf32, #tpu.memory_space<hbm>>
        %dma_wait3A_91 = arith.constant 0 : i32
        %dma_wait3A_92 = tpu.memref_slice %arg5[%add3A_74, %dma_wait3A_91] : memref<160000x16xf32, #tpu.memory_space<hbm>> -> memref<40x16xf32, #tpu.memory_space<hbm>>
        tpu.wait_dma2 semaphore(%run_scoped3A : memref<!tpu.dma_semaphore, #tpu.memory_space<semaphore_mem>>) src(%dma_wait3A_92 : memref<40x16xf32, #tpu.memory_space<hbm>>) dst(%arg12 : memref<40x16xf32, #tpu.memory_space<vmem>>)
        tpu.yield
      }) : () -> ()
      %dma_start3A = arith.constant 0 : i32
      %dma_start3A_75 = arith.constant 0 : i32
      %dma_start3A_76 = tpu.memref_slice %arg2[%dma_start3A, %dma_start3A_75] : memref<80000x128xf32, #tpu.memory_space<hbm>> -> memref<80000x128xf32, #tpu.memory_space<hbm>>
      tpu.enqueue_indirect_dma source(%dma_start3A_76 : memref<80000x128xf32, #tpu.memory_space<hbm>>) target(%arg9 : memref<40x128xf32, #tpu.memory_space<vmem>>) offsets(%arg10 : memref<40xi32, #tpu.memory_space<vmem>>) semaphore(%arg14 : memref<!tpu.dma_semaphore, #tpu.memory_space<semaphore_mem>>)
      %dma_wait3A = arith.constant 0 : i32
      %dma_wait3A_77 = arith.constant 0 : i32
      %dma_wait3A_78 = tpu.memref_slice %arg2[%dma_wait3A, %dma_wait3A_77] : memref<80000x128xf32, #tpu.memory_space<hbm>> -> memref<80000x128xf32, #tpu.memory_space<hbm>>
      tpu.wait_indirect_dma semaphore(%arg14 : memref<!tpu.dma_semaphore, #tpu.memory_space<semaphore_mem>>) src(%dma_wait3A_78 : memref<80000x128xf32, #tpu.memory_space<hbm>>) dst(%arg9 : memref<40x128xf32, #tpu.memory_space<vmem>>)
      %scan3A_79 = arith.constant 0 : i32
      %scan3A_80 = arith.constant 0 : i32
      %scan3A_81 = arith.constant 40 : i32
      %scan3A_82 = arith.addi %scan3A_80, %scan3A_81 : i32
      %scan3A_83 = arith.constant 1 : i32
      scf.for %scan3A_85 = %scan3A_80 to %scan3A_82 step %scan3A_83  : i32 {
        %get3A = arith.index_cast %scan3A_85 : i32 to index
        %get3A_86 = arith.constant 0 : index
        %get3A_87 = tpu.vector_load %arg12[%get3A, %get3A_86] {strides = array<i32>} : memref<40x16xf32, #tpu.memory_space<vmem>>, vector<1x16xf32>,
        %get3A_88 = vector.shape_cast %get3A_87 : vector<1x16xf32> to vector<16xf32>
        %get3A_89 = arith.index_cast %scan3A_85 : i32 to index
        %get3A_90 = arith.constant 0 : index
        %get3A_91 = tpu.vector_load %arg9[%get3A_89, %get3A_90] {strides = array<i32>} : memref<40x128xf32, #tpu.memory_space<vmem>>, vector<1x16xf32>,
        %get3A_92 = vector.shape_cast %get3A_91 : vector<1x16xf32> to vector<16xf32>
        %mul3A_93 = arith.mulf %get3A_92, %get3A_88 : vector<16xf32>
        %swap3A = arith.index_cast %scan3A_85 : i32 to index
        %swap3A_94 = arith.constant 0 : index
        %swap3A_95 = tpu.vector_load %arg9[%swap3A, %swap3A_94] {strides = array<i32>} : memref<40x128xf32, #tpu.memory_space<vmem>>, vector<1x16xf32>,
        %swap3A_96 = vector.shape_cast %swap3A_95 : vector<1x16xf32> to vector<16xf32>
        %swap3A_97 = vector.shape_cast %mul3A_93 : vector<16xf32> to vector<1x16xf32>
        tpu.vector_store %arg9[%swap3A, %swap3A_94], %swap3A_97 {strides = array<i32>} : memref<40x128xf32, #tpu.memory_space<vmem>>, vector<1x16xf32>,
        %get3A_98 = arith.index_cast %scan3A_85 : i32 to index
        %get3A_99 = arith.constant 16 : index
        %get3A_100 = tpu.vector_load %arg9[%get3A_98, %get3A_99] {strides = array<i32>} : memref<40x128xf32, #tpu.memory_space<vmem>>, vector<1x16xf32>,
        %get3A_101 = vector.shape_cast %get3A_100 : vector<1x16xf32> to vector<16xf32>
        %mul3A_102 = arith.mulf %get3A_101, %get3A_88 : vector<16xf32>
        %swap3A_103 = arith.index_cast %scan3A_85 : i32 to index
        %swap3A_104 = arith.constant 16 : index
        %swap3A_105 = tpu.vector_load %arg9[%swap3A_103, %swap3A_104] {strides = array<i32>} : memref<40x128xf32, #tpu.memory_space<vmem>>, vector<1x16xf32>,
        %swap3A_106 = vector.shape_cast %swap3A_105 : vector<1x16xf32> to vector<16xf32>
        %swap3A_107 = vector.shape_cast %mul3A_102 : vector<16xf32> to vector<1x16xf32>
        tpu.vector_store %arg9[%swap3A_103, %swap3A_104], %swap3A_107 {strides = array<i32>} : memref<40x128xf32, #tpu.memory_space<vmem>>, vector<1x16xf32>,
        %get3A_108 = arith.index_cast %scan3A_85 : i32 to index
        %get3A_109 = arith.constant 32 : index
        %get3A_110 = tpu.vector_load %arg9[%get3A_108, %get3A_109] {strides = array<i32>} : memref<40x128xf32, #tpu.memory_space<vmem>>, vector<1x16xf32>,
        %get3A_111 = vector.shape_cast %get3A_110 : vector<1x16xf32> to vector<16xf32>
        %mul3A_112 = arith.mulf %get3A_111, %get3A_88 : vector<16xf32>
        %swap3A_113 = arith.index_cast %scan3A_85 : i32 to index
        %swap3A_114 = arith.constant 32 : index
        %swap3A_115 = tpu.vector_load %arg9[%swap3A_113, %swap3A_114] {strides = array<i32>} : memref<40x128xf32, #tpu.memory_space<vmem>>, vector<1x16xf32>,
        %swap3A_116 = vector.shape_cast %swap3A_115 : vector<1x16xf32> to vector<16xf32>
        %swap3A_117 = vector.shape_cast %mul3A_112 : vector<16xf32> to vector<1x16xf32>
        tpu.vector_store %arg9[%swap3A_113, %swap3A_114], %swap3A_117 {strides = array<i32>} : memref<40x128xf32, #tpu.memory_space<vmem>>, vector<1x16xf32>,
        %get3A_118 = arith.index_cast %scan3A_85 : i32 to index
        %get3A_119 = arith.constant 48 : index
        %get3A_120 = tpu.vector_load %arg9[%get3A_118, %get3A_119] {strides = array<i32>} : memref<40x128xf32, #tpu.memory_space<vmem>>, vector<1x16xf32>,
        %get3A_121 = vector.shape_cast %get3A_120 : vector<1x16xf32> to vector<16xf32>
        %mul3A_122 = arith.mulf %get3A_121, %get3A_88 : vector<16xf32>
        %swap3A_123 = arith.index_cast %scan3A_85 : i32 to index
        %swap3A_124 = arith.constant 48 : index
        %swap3A_125 = tpu.vector_load %arg9[%swap3A_123, %swap3A_124] {strides = array<i32>} : memref<40x128xf32, #tpu.memory_space<vmem>>, vector<1x16xf32>,
        %swap3A_126 = vector.shape_cast %swap3A_125 : vector<1x16xf32> to vector<16xf32>
        %swap3A_127 = vector.shape_cast %mul3A_122 : vector<16xf32> to vector<1x16xf32>
        tpu.vector_store %arg9[%swap3A_123, %swap3A_124], %swap3A_127 {strides = array<i32>} : memref<40x128xf32, #tpu.memory_space<vmem>>, vector<1x16xf32>,
        %get3A_128 = arith.index_cast %scan3A_85 : i32 to index
        %get3A_129 = arith.constant 64 : index
        %get3A_130 = tpu.vector_load %arg9[%get3A_128, %get3A_129] {strides = array<i32>} : memref<40x128xf32, #tpu.memory_space<vmem>>, vector<1x16xf32>,
        %get3A_131 = vector.shape_cast %get3A_130 : vector<1x16xf32> to vector<16xf32>
        %mul3A_132 = arith.mulf %get3A_131, %get3A_88 : vector<16xf32>
        %swap3A_133 = arith.index_cast %scan3A_85 : i32 to index
        %swap3A_134 = arith.constant 64 : index
        %swap3A_135 = tpu.vector_load %arg9[%swap3A_133, %swap3A_134] {strides = array<i32>} : memref<40x128xf32, #tpu.memory_space<vmem>>, vector<1x16xf32>,
        %swap3A_136 = vector.shape_cast %swap3A_135 : vector<1x16xf32> to vector<16xf32>
        %swap3A_137 = vector.shape_cast %mul3A_132 : vector<16xf32> to vector<1x16xf32>
        tpu.vector_store %arg9[%swap3A_133, %swap3A_134], %swap3A_137 {strides = array<i32>} : memref<40x128xf32, #tpu.memory_space<vmem>>, vector<1x16xf32>,
        %get3A_138 = arith.index_cast %scan3A_85 : i32 to index
        %get3A_139 = arith.constant 80 : index
        %get3A_140 = tpu.vector_load %arg9[%get3A_138, %get3A_139] {strides = array<i32>} : memref<40x128xf32, #tpu.memory_space<vmem>>, vector<1x16xf32>,
        %get3A_141 = vector.shape_cast %get3A_140 : vector<1x16xf32> to vector<16xf32>
        %mul3A_142 = arith.mulf %get3A_141, %get3A_88 : vector<16xf32>
        %swap3A_143 = arith.index_cast %scan3A_85 : i32 to index
        %swap3A_144 = arith.constant 80 : index
        %swap3A_145 = tpu.vector_load %arg9[%swap3A_143, %swap3A_144] {strides = array<i32>} : memref<40x128xf32, #tpu.memory_space<vmem>>, vector<1x16xf32>,
        %swap3A_146 = vector.shape_cast %swap3A_145 : vector<1x16xf32> to vector<16xf32>
        %swap3A_147 = vector.shape_cast %mul3A_142 : vector<16xf32> to vector<1x16xf32>
        tpu.vector_store %arg9[%swap3A_143, %swap3A_144], %swap3A_147 {strides = array<i32>} : memref<40x128xf32, #tpu.memory_space<vmem>>, vector<1x16xf32>,
        %get3A_148 = arith.index_cast %scan3A_85 : i32 to index
        %get3A_149 = arith.constant 96 : index
        %get3A_150 = tpu.vector_load %arg9[%get3A_148, %get3A_149] {strides = array<i32>} : memref<40x128xf32, #tpu.memory_space<vmem>>, vector<1x16xf32>,
        %get3A_151 = vector.shape_cast %get3A_150 : vector<1x16xf32> to vector<16xf32>
        %mul3A_152 = arith.mulf %get3A_151, %get3A_88 : vector<16xf32>
        %swap3A_153 = arith.index_cast %scan3A_85 : i32 to index
        %swap3A_154 = arith.constant 96 : index
        %swap3A_155 = tpu.vector_load %arg9[%swap3A_153, %swap3A_154] {strides = array<i32>} : memref<40x128xf32, #tpu.memory_space<vmem>>, vector<1x16xf32>,
        %swap3A_156 = vector.shape_cast %swap3A_155 : vector<1x16xf32> to vector<16xf32>
        %swap3A_157 = vector.shape_cast %mul3A_152 : vector<16xf32> to vector<1x16xf32>
        tpu.vector_store %arg9[%swap3A_153, %swap3A_154], %swap3A_157 {strides = array<i32>} : memref<40x128xf32, #tpu.memory_space<vmem>>, vector<1x16xf32>,
        %get3A_158 = arith.index_cast %scan3A_85 : i32 to index
        %get3A_159 = arith.constant 112 : index
        %get3A_160 = tpu.vector_load %arg9[%get3A_158, %get3A_159] {strides = array<i32>} : memref<40x128xf32, #tpu.memory_space<vmem>>, vector<1x16xf32>,
        %get3A_161 = vector.shape_cast %get3A_160 : vector<1x16xf32> to vector<16xf32>
        %mul3A_162 = arith.mulf %get3A_161, %get3A_88 : vector<16xf32>
        %swap3A_163 = arith.index_cast %scan3A_85 : i32 to index
        %swap3A_164 = arith.constant 112 : index
        %swap3A_165 = tpu.vector_load %arg9[%swap3A_163, %swap3A_164] {strides = array<i32>} : memref<40x128xf32, #tpu.memory_space<vmem>>, vector<1x16xf32>,
        %swap3A_166 = vector.shape_cast %swap3A_165 : vector<1x16xf32> to vector<16xf32>
        %swap3A_167 = vector.shape_cast %mul3A_162 : vector<16xf32> to vector<1x16xf32>
        tpu.vector_store %arg9[%swap3A_163, %swap3A_164], %swap3A_167 {strides = array<i32>} : memref<40x128xf32, #tpu.memory_space<vmem>>, vector<1x16xf32>,
      }
      %scan3A_84 = arith.constant 40 : i32
      "tpu.region"() ({
        %run_scoped3A = tpu.sem_alloc : memref<!tpu.dma_semaphore, #tpu.memory_space<semaphore_mem>>
        %dma_start3A_85 = arith.constant 0 : i32
        %dma_start3A_86 = arith.constant 0 : i32
        %dma_start3A_87 = tpu.memref_slice %arg13[%dma_start3A_85, %dma_start3A_86] : memref<10240x128xf32, #tpu.memory_space<vmem_shared>> -> memref<10240x128xf32, #tpu.memory_space<vmem_shared>>
        tpu.enqueue_indirect_dma source(%arg9 : memref<40x128xf32, #tpu.memory_space<vmem>>) target(%dma_start3A_87 : memref<10240x128xf32, #tpu.memory_space<vmem_shared>>) offsets(%arg11 : memref<40xi32, #tpu.memory_space<vmem>>) semaphore(%run_scoped3A : memref<!tpu.dma_semaphore, #tpu.memory_space<semaphore_mem>>) {add = true}
        %dma_wait3A_88 = arith.constant 0 : i32
        %dma_wait3A_89 = arith.constant 0 : i32
        %dma_wait3A_90 = tpu.memref_slice %arg13[%dma_wait3A_88, %dma_wait3A_89] : memref<10240x128xf32, #tpu.memory_space<vmem_shared>> -> memref<10240x128xf32, #tpu.memory_space<vmem_shared>>
        tpu.wait_indirect_dma semaphore(%run_scoped3A : memref<!tpu.dma_semaphore, #tpu.memory_space<semaphore_mem>>) src(%arg9 : memref<40x128xf32, #tpu.memory_space<vmem>>) dst(%dma_wait3A_90 : memref<10240x128xf32, #tpu.memory_space<vmem_shared>>)
        tpu.yield
      }) : () -> ()
    }
    %scan3A_29 = arith.constant 125 : i32
    %barrier3A_30 = arith.constant 0 : index
    tpu.barrier barrier_id(%barrier3A_30)
    %add3A_31 = arith.constant 0 : i32
    %add3A_32 = arith.addi %mul3A_4, %add3A_31 : i32
    "tpu.region"() ({
      %run_scoped3A = tpu.sem_alloc : memref<!tpu.dma_semaphore, #tpu.memory_space<semaphore_mem>>
      %dma_start3A = arith.constant 0 : i32
      %dma_start3A_71 = tpu.memref_slice %arg13[%add3A_32, %dma_start3A] : memref<10240x128xf32, #tpu.memory_space<vmem_shared>> -> memref<64x128xf32, #tpu.memory_space<vmem_shared>>
      %dma_start3A_72 = arith.constant 0 : i32
      %dma_start3A_73 = tpu.memref_slice %arg13[%add3A_32, %dma_start3A_72] : memref<10240x128xf32, #tpu.memory_space<vmem_shared>> -> memref<64x128xf32, #tpu.memory_space<vmem_shared>>
      tpu.enqueue_dma source(%dma_start3A_73 : memref<64x128xf32, #tpu.memory_space<vmem_shared>>) target(%arg8 : memref<64x128xf32, #tpu.memory_space<vmem>>) target_semaphore(%run_scoped3A : memref<!tpu.dma_semaphore, #tpu.memory_space<semaphore_mem>>)
      %dma_wait3A = arith.constant 0 : i32
      %dma_wait3A_74 = tpu.memref_slice %arg13[%add3A_32, %dma_wait3A] : memref<10240x128xf32, #tpu.memory_space<vmem_shared>> -> memref<64x128xf32, #tpu.memory_space<vmem_shared>>
      %dma_wait3A_75 = arith.constant 0 : i32
      %dma_wait3A_76 = tpu.memref_slice %arg13[%add3A_32, %dma_wait3A_75] : memref<10240x128xf32, #tpu.memory_space<vmem_shared>> -> memref<64x128xf32, #tpu.memory_space<vmem_shared>>
      tpu.wait_dma2 semaphore(%run_scoped3A : memref<!tpu.dma_semaphore, #tpu.memory_space<semaphore_mem>>) src(%dma_wait3A_76 : memref<64x128xf32, #tpu.memory_space<vmem_shared>>) dst(%arg8 : memref<64x128xf32, #tpu.memory_space<vmem>>)
      tpu.yield
    }) : () -> ()
    %add3A_33 = arith.constant 0 : i32
    %add3A_34 = arith.addi %mul3A_4, %add3A_33 : i32
    "tpu.region"() ({
      %run_scoped3A = tpu.sem_alloc : memref<!tpu.dma_semaphore, #tpu.memory_space<semaphore_mem>>
      %dma_start3A = arith.constant 0 : i32
      %dma_start3A_71 = tpu.memref_slice %arg7[%arg0, %add3A_34, %dma_start3A] : memref<2x10240x128xf32, #tpu.memory_space<hbm>> -> memref<1x64x128xf32, #tpu.memory_space<hbm>>
      %dma_start3A_72 = tpu.memref_squeeze %dma_start3A_71 : memref<1x64x128xf32, #tpu.memory_space<hbm>> -> memref<64x128xf32, #tpu.memory_space<hbm>>
      %dma_start3A_73 = arith.constant 0 : i32
      %dma_start3A_74 = tpu.memref_slice %arg7[%arg0, %add3A_34, %dma_start3A_73] : memref<2x10240x128xf32, #tpu.memory_space<hbm>> -> memref<1x64x128xf32, #tpu.memory_space<hbm>>
      %dma_start3A_75 = tpu.memref_squeeze %dma_start3A_74 : memref<1x64x128xf32, #tpu.memory_space<hbm>> -> memref<64x128xf32, #tpu.memory_space<hbm>>
      tpu.enqueue_dma source(%arg8 : memref<64x128xf32, #tpu.memory_space<vmem>>) target(%dma_start3A_75 : memref<64x128xf32, #tpu.memory_space<hbm>>) target_semaphore(%run_scoped3A : memref<!tpu.dma_semaphore, #tpu.memory_space<semaphore_mem>>)
      %dma_wait3A = arith.constant 0 : i32
      %dma_wait3A_76 = tpu.memref_slice %arg7[%arg0, %add3A_34, %dma_wait3A] : memref<2x10240x128xf32, #tpu.memory_space<hbm>> -> memref<1x64x128xf32, #tpu.memory_space<hbm>>
      %dma_wait3A_77 = tpu.memref_squeeze %dma_wait3A_76 : memref<1x64x128xf32, #tpu.memory_space<hbm>> -> memref<64x128xf32, #tpu.memory_space<hbm>>
      %dma_wait3A_78 = arith.constant 0 : i32
      %dma_wait3A_79 = tpu.memref_slice %arg7[%arg0, %add3A_34, %dma_wait3A_78] : memref<2x10240x128xf32, #tpu.memory_space<hbm>> -> memref<1x64x128xf32, #tpu.memory_space<hbm>>
      %dma_wait3A_80 = tpu.memref_squeeze %dma_wait3A_79 : memref<1x64x128xf32, #tpu.memory_space<hbm>> -> memref<64x128xf32, #tpu.memory_space<hbm>>
      tpu.wait_dma2 semaphore(%run_scoped3A : memref<!tpu.dma_semaphore, #tpu.memory_space<semaphore_mem>>) src(%arg8 : memref<64x128xf32, #tpu.memory_space<vmem>>) dst(%dma_wait3A_80 : memref<64x128xf32, #tpu.memory_space<hbm>>)
      tpu.yield
    }) : () -> ()
    %add3A_35 = arith.constant 64 : i32
    %add3A_36 = arith.addi %mul3A_4, %add3A_35 : i32
    "tpu.region"() ({
      %run_scoped3A = tpu.sem_alloc : memref<!tpu.dma_semaphore, #tpu.memory_space<semaphore_mem>>
      %dma_start3A = arith.constant 0 : i32
      %dma_start3A_71 = tpu.memref_slice %arg13[%add3A_36, %dma_start3A] : memref<10240x128xf32, #tpu.memory_space<vmem_shared>> -> memref<64x128xf32, #tpu.memory_space<vmem_shared>>
      %dma_start3A_72 = arith.constant 0 : i32
      %dma_start3A_73 = tpu.memref_slice %arg13[%add3A_36, %dma_start3A_72] : memref<10240x128xf32, #tpu.memory_space<vmem_shared>> -> memref<64x128xf32, #tpu.memory_space<vmem_shared>>
      tpu.enqueue_dma source(%dma_start3A_73 : memref<64x128xf32, #tpu.memory_space<vmem_shared>>) target(%arg8 : memref<64x128xf32, #tpu.memory_space<vmem>>) target_semaphore(%run_scoped3A : memref<!tpu.dma_semaphore, #tpu.memory_space<semaphore_mem>>)
      %dma_wait3A = arith.constant 0 : i32
      %dma_wait3A_74 = tpu.memref_slice %arg13[%add3A_36, %dma_wait3A] : memref<10240x128xf32, #tpu.memory_space<vmem_shared>> -> memref<64x128xf32, #tpu.memory_space<vmem_shared>>
      %dma_wait3A_75 = arith.constant 0 : i32
      %dma_wait3A_76 = tpu.memref_slice %arg13[%add3A_36, %dma_wait3A_75] : memref<10240x128xf32, #tpu.memory_space<vmem_shared>> -> memref<64x128xf32, #tpu.memory_space<vmem_shared>>
      tpu.wait_dma2 semaphore(%run_scoped3A : memref<!tpu.dma_semaphore, #tpu.memory_space<semaphore_mem>>) src(%dma_wait3A_76 : memref<64x128xf32, #tpu.memory_space<vmem_shared>>) dst(%arg8 : memref<64x128xf32, #tpu.memory_space<vmem>>)
      tpu.yield
    }) : () -> ()
    %add3A_37 = arith.constant 64 : i32
    %add3A_38 = arith.addi %mul3A_4, %add3A_37 : i32
    "tpu.region"() ({
      %run_scoped3A = tpu.sem_alloc : memref<!tpu.dma_semaphore, #tpu.memory_space<semaphore_mem>>
      %dma_start3A = arith.constant 0 : i32
      %dma_start3A_71 = tpu.memref_slice %arg7[%arg0, %add3A_38, %dma_start3A] : memref<2x10240x128xf32, #tpu.memory_space<hbm>> -> memref<1x64x128xf32, #tpu.memory_space<hbm>>
      %dma_start3A_72 = tpu.memref_squeeze %dma_start3A_71 : memref<1x64x128xf32, #tpu.memory_space<hbm>> -> memref<64x128xf32, #tpu.memory_space<hbm>>
      %dma_start3A_73 = arith.constant 0 : i32
      %dma_start3A_74 = tpu.memref_slice %arg7[%arg0, %add3A_38, %dma_start3A_73] : memref<2x10240x128xf32, #tpu.memory_space<hbm>> -> memref<1x64x128xf32, #tpu.memory_space<hbm>>
      %dma_start3A_75 = tpu.memref_squeeze %dma_start3A_74 : memref<1x64x128xf32, #tpu.memory_space<hbm>> -> memref<64x128xf32, #tpu.memory_space<hbm>>
      tpu.enqueue_dma source(%arg8 : memref<64x128xf32, #tpu.memory_space<vmem>>) target(%dma_start3A_75 : memref<64x128xf32, #tpu.memory_space<hbm>>) target_semaphore(%run_scoped3A : memref<!tpu.dma_semaphore, #tpu.memory_space<semaphore_mem>>)
      %dma_wait3A = arith.constant 0 : i32
      %dma_wait3A_76 = tpu.memref_slice %arg7[%arg0, %add3A_38, %dma_wait3A] : memref<2x10240x128xf32, #tpu.memory_space<hbm>> -> memref<1x64x128xf32, #tpu.memory_space<hbm>>
      %dma_wait3A_77 = tpu.memref_squeeze %dma_wait3A_76 : memref<1x64x128xf32, #tpu.memory_space<hbm>> -> memref<64x128xf32, #tpu.memory_space<hbm>>
      %dma_wait3A_78 = arith.constant 0 : i32
      %dma_wait3A_79 = tpu.memref_slice %arg7[%arg0, %add3A_38, %dma_wait3A_78] : memref<2x10240x128xf32, #tpu.memory_space<hbm>> -> memref<1x64x128xf32, #tpu.memory_space<hbm>>
      %dma_wait3A_80 = tpu.memref_squeeze %dma_wait3A_79 : memref<1x64x128xf32, #tpu.memory_space<hbm>> -> memref<64x128xf32, #tpu.memory_space<hbm>>
      tpu.wait_dma2 semaphore(%run_scoped3A : memref<!tpu.dma_semaphore, #tpu.memory_space<semaphore_mem>>) src(%arg8 : memref<64x128xf32, #tpu.memory_space<vmem>>) dst(%dma_wait3A_80 : memref<64x128xf32, #tpu.memory_space<hbm>>)
      tpu.yield
    }) : () -> ()
    %add3A_39 = arith.constant 128 : i32
    %add3A_40 = arith.addi %mul3A_4, %add3A_39 : i32
    "tpu.region"() ({
      %run_scoped3A = tpu.sem_alloc : memref<!tpu.dma_semaphore, #tpu.memory_space<semaphore_mem>>
      %dma_start3A = arith.constant 0 : i32
      %dma_start3A_71 = tpu.memref_slice %arg13[%add3A_40, %dma_start3A] : memref<10240x128xf32, #tpu.memory_space<vmem_shared>> -> memref<64x128xf32, #tpu.memory_space<vmem_shared>>
      %dma_start3A_72 = arith.constant 0 : i32
      %dma_start3A_73 = tpu.memref_slice %arg13[%add3A_40, %dma_start3A_72] : memref<10240x128xf32, #tpu.memory_space<vmem_shared>> -> memref<64x128xf32, #tpu.memory_space<vmem_shared>>
      tpu.enqueue_dma source(%dma_start3A_73 : memref<64x128xf32, #tpu.memory_space<vmem_shared>>) target(%arg8 : memref<64x128xf32, #tpu.memory_space<vmem>>) target_semaphore(%run_scoped3A : memref<!tpu.dma_semaphore, #tpu.memory_space<semaphore_mem>>)
      %dma_wait3A = arith.constant 0 : i32
      %dma_wait3A_74 = tpu.memref_slice %arg13[%add3A_40, %dma_wait3A] : memref<10240x128xf32, #tpu.memory_space<vmem_shared>> -> memref<64x128xf32, #tpu.memory_space<vmem_shared>>
      %dma_wait3A_75 = arith.constant 0 : i32
      %dma_wait3A_76 = tpu.memref_slice %arg13[%add3A_40, %dma_wait3A_75] : memref<10240x128xf32, #tpu.memory_space<vmem_shared>> -> memref<64x128xf32, #tpu.memory_space<vmem_shared>>
      tpu.wait_dma2 semaphore(%run_scoped3A : memref<!tpu.dma_semaphore, #tpu.memory_space<semaphore_mem>>) src(%dma_wait3A_76 : memref<64x128xf32, #tpu.memory_space<vmem_shared>>) dst(%arg8 : memref<64x128xf32, #tpu.memory_space<vmem>>)
      tpu.yield
    }) : () -> ()
    %add3A_41 = arith.constant 128 : i32
    %add3A_42 = arith.addi %mul3A_4, %add3A_41 : i32
    "tpu.region"() ({
      %run_scoped3A = tpu.sem_alloc : memref<!tpu.dma_semaphore, #tpu.memory_space<semaphore_mem>>
      %dma_start3A = arith.constant 0 : i32
      %dma_start3A_71 = tpu.memref_slice %arg7[%arg0, %add3A_42, %dma_start3A] : memref<2x10240x128xf32, #tpu.memory_space<hbm>> -> memref<1x64x128xf32, #tpu.memory_space<hbm>>
      %dma_start3A_72 = tpu.memref_squeeze %dma_start3A_71 : memref<1x64x128xf32, #tpu.memory_space<hbm>> -> memref<64x128xf32, #tpu.memory_space<hbm>>
      %dma_start3A_73 = arith.constant 0 : i32
      %dma_start3A_74 = tpu.memref_slice %arg7[%arg0, %add3A_42, %dma_start3A_73] : memref<2x10240x128xf32, #tpu.memory_space<hbm>> -> memref<1x64x128xf32, #tpu.memory_space<hbm>>
      %dma_start3A_75 = tpu.memref_squeeze %dma_start3A_74 : memref<1x64x128xf32, #tpu.memory_space<hbm>> -> memref<64x128xf32, #tpu.memory_space<hbm>>
      tpu.enqueue_dma source(%arg8 : memref<64x128xf32, #tpu.memory_space<vmem>>) target(%dma_start3A_75 : memref<64x128xf32, #tpu.memory_space<hbm>>) target_semaphore(%run_scoped3A : memref<!tpu.dma_semaphore, #tpu.memory_space<semaphore_mem>>)
      %dma_wait3A = arith.constant 0 : i32
      %dma_wait3A_76 = tpu.memref_slice %arg7[%arg0, %add3A_42, %dma_wait3A] : memref<2x10240x128xf32, #tpu.memory_space<hbm>> -> memref<1x64x128xf32, #tpu.memory_space<hbm>>
      %dma_wait3A_77 = tpu.memref_squeeze %dma_wait3A_76 : memref<1x64x128xf32, #tpu.memory_space<hbm>> -> memref<64x128xf32, #tpu.memory_space<hbm>>
      %dma_wait3A_78 = arith.constant 0 : i32
      %dma_wait3A_79 = tpu.memref_slice %arg7[%arg0, %add3A_42, %dma_wait3A_78] : memref<2x10240x128xf32, #tpu.memory_space<hbm>> -> memref<1x64x128xf32, #tpu.memory_space<hbm>>
      %dma_wait3A_80 = tpu.memref_squeeze %dma_wait3A_79 : memref<1x64x128xf32, #tpu.memory_space<hbm>> -> memref<64x128xf32, #tpu.memory_space<hbm>>
      tpu.wait_dma2 semaphore(%run_scoped3A : memref<!tpu.dma_semaphore, #tpu.memory_space<semaphore_mem>>) src(%arg8 : memref<64x128xf32, #tpu.memory_space<vmem>>) dst(%dma_wait3A_80 : memref<64x128xf32, #tpu.memory_space<hbm>>)
      tpu.yield
    }) : () -> ()
    %add3A_43 = arith.constant 192 : i32
    %add3A_44 = arith.addi %mul3A_4, %add3A_43 : i32
    "tpu.region"() ({
      %run_scoped3A = tpu.sem_alloc : memref<!tpu.dma_semaphore, #tpu.memory_space<semaphore_mem>>
      %dma_start3A = arith.constant 0 : i32
      %dma_start3A_71 = tpu.memref_slice %arg13[%add3A_44, %dma_start3A] : memref<10240x128xf32, #tpu.memory_space<vmem_shared>> -> memref<64x128xf32, #tpu.memory_space<vmem_shared>>
      %dma_start3A_72 = arith.constant 0 : i32
      %dma_start3A_73 = tpu.memref_slice %arg13[%add3A_44, %dma_start3A_72] : memref<10240x128xf32, #tpu.memory_space<vmem_shared>> -> memref<64x128xf32, #tpu.memory_space<vmem_shared>>
      tpu.enqueue_dma source(%dma_start3A_73 : memref<64x128xf32, #tpu.memory_space<vmem_shared>>) target(%arg8 : memref<64x128xf32, #tpu.memory_space<vmem>>) target_semaphore(%run_scoped3A : memref<!tpu.dma_semaphore, #tpu.memory_space<semaphore_mem>>)
      %dma_wait3A = arith.constant 0 : i32
      %dma_wait3A_74 = tpu.memref_slice %arg13[%add3A_44, %dma_wait3A] : memref<10240x128xf32, #tpu.memory_space<vmem_shared>> -> memref<64x128xf32, #tpu.memory_space<vmem_shared>>
      %dma_wait3A_75 = arith.constant 0 : i32
      %dma_wait3A_76 = tpu.memref_slice %arg13[%add3A_44, %dma_wait3A_75] : memref<10240x128xf32, #tpu.memory_space<vmem_shared>> -> memref<64x128xf32, #tpu.memory_space<vmem_shared>>
      tpu.wait_dma2 semaphore(%run_scoped3A : memref<!tpu.dma_semaphore, #tpu.memory_space<semaphore_mem>>) src(%dma_wait3A_76 : memref<64x128xf32, #tpu.memory_space<vmem_shared>>) dst(%arg8 : memref<64x128xf32, #tpu.memory_space<vmem>>)
      tpu.yield
    }) : () -> ()
    %add3A_45 = arith.constant 192 : i32
    %add3A_46 = arith.addi %mul3A_4, %add3A_45 : i32
    "tpu.region"() ({
      %run_scoped3A = tpu.sem_alloc : memref<!tpu.dma_semaphore, #tpu.memory_space<semaphore_mem>>
      %dma_start3A = arith.constant 0 : i32
      %dma_start3A_71 = tpu.memref_slice %arg7[%arg0, %add3A_46, %dma_start3A] : memref<2x10240x128xf32, #tpu.memory_space<hbm>> -> memref<1x64x128xf32, #tpu.memory_space<hbm>>
      %dma_start3A_72 = tpu.memref_squeeze %dma_start3A_71 : memref<1x64x128xf32, #tpu.memory_space<hbm>> -> memref<64x128xf32, #tpu.memory_space<hbm>>
      %dma_start3A_73 = arith.constant 0 : i32
      %dma_start3A_74 = tpu.memref_slice %arg7[%arg0, %add3A_46, %dma_start3A_73] : memref<2x10240x128xf32, #tpu.memory_space<hbm>> -> memref<1x64x128xf32, #tpu.memory_space<hbm>>
      %dma_start3A_75 = tpu.memref_squeeze %dma_start3A_74 : memref<1x64x128xf32, #tpu.memory_space<hbm>> -> memref<64x128xf32, #tpu.memory_space<hbm>>
      tpu.enqueue_dma source(%arg8 : memref<64x128xf32, #tpu.memory_space<vmem>>) target(%dma_start3A_75 : memref<64x128xf32, #tpu.memory_space<hbm>>) target_semaphore(%run_scoped3A : memref<!tpu.dma_semaphore, #tpu.memory_space<semaphore_mem>>)
      %dma_wait3A = arith.constant 0 : i32
      %dma_wait3A_76 = tpu.memref_slice %arg7[%arg0, %add3A_46, %dma_wait3A] : memref<2x10240x128xf32, #tpu.memory_space<hbm>> -> memref<1x64x128xf32, #tpu.memory_space<hbm>>
      %dma_wait3A_77 = tpu.memref_squeeze %dma_wait3A_76 : memref<1x64x128xf32, #tpu.memory_space<hbm>> -> memref<64x128xf32, #tpu.memory_space<hbm>>
      %dma_wait3A_78 = arith.constant 0 : i32
      %dma_wait3A_79 = tpu.memref_slice %arg7[%arg0, %add3A_46, %dma_wait3A_78] : memref<2x10240x128xf32, #tpu.memory_space<hbm>> -> memref<1x64x128xf32, #tpu.memory_space<hbm>>
      %dma_wait3A_80 = tpu.memref_squeeze %dma_wait3A_79 : memref<1x64x128xf32, #tpu.memory_space<hbm>> -> memref<64x128xf32, #tpu.memory_space<hbm>>
      tpu.wait_dma2 semaphore(%run_scoped3A : memref<!tpu.dma_semaphore, #tpu.memory_space<semaphore_mem>>) src(%arg8 : memref<64x128xf32, #tpu.memory_space<vmem>>) dst(%dma_wait3A_80 : memref<64x128xf32, #tpu.memory_space<hbm>>)
      tpu.yield
    }) : () -> ()
    %add3A_47 = arith.constant 256 : i32
    %add3A_48 = arith.addi %mul3A_4, %add3A_47 : i32
    "tpu.region"() ({
      %run_scoped3A = tpu.sem_alloc : memref<!tpu.dma_semaphore, #tpu.memory_space<semaphore_mem>>
      %dma_start3A = arith.constant 0 : i32
      %dma_start3A_71 = tpu.memref_slice %arg13[%add3A_48, %dma_start3A] : memref<10240x128xf32, #tpu.memory_space<vmem_shared>> -> memref<64x128xf32, #tpu.memory_space<vmem_shared>>
      %dma_start3A_72 = arith.constant 0 : i32
      %dma_start3A_73 = tpu.memref_slice %arg13[%add3A_48, %dma_start3A_72] : memref<10240x128xf32, #tpu.memory_space<vmem_shared>> -> memref<64x128xf32, #tpu.memory_space<vmem_shared>>
      tpu.enqueue_dma source(%dma_start3A_73 : memref<64x128xf32, #tpu.memory_space<vmem_shared>>) target(%arg8 : memref<64x128xf32, #tpu.memory_space<vmem>>) target_semaphore(%run_scoped3A : memref<!tpu.dma_semaphore, #tpu.memory_space<semaphore_mem>>)
      %dma_wait3A = arith.constant 0 : i32
      %dma_wait3A_74 = tpu.memref_slice %arg13[%add3A_48, %dma_wait3A] : memref<10240x128xf32, #tpu.memory_space<vmem_shared>> -> memref<64x128xf32, #tpu.memory_space<vmem_shared>>
      %dma_wait3A_75 = arith.constant 0 : i32
      %dma_wait3A_76 = tpu.memref_slice %arg13[%add3A_48, %dma_wait3A_75] : memref<10240x128xf32, #tpu.memory_space<vmem_shared>> -> memref<64x128xf32, #tpu.memory_space<vmem_shared>>
      tpu.wait_dma2 semaphore(%run_scoped3A : memref<!tpu.dma_semaphore, #tpu.memory_space<semaphore_mem>>) src(%dma_wait3A_76 : memref<64x128xf32, #tpu.memory_space<vmem_shared>>) dst(%arg8 : memref<64x128xf32, #tpu.memory_space<vmem>>)
      tpu.yield
    }) : () -> ()
    %add3A_49 = arith.constant 256 : i32
    %add3A_50 = arith.addi %mul3A_4, %add3A_49 : i32
    "tpu.region"() ({
      %run_scoped3A = tpu.sem_alloc : memref<!tpu.dma_semaphore, #tpu.memory_space<semaphore_mem>>
      %dma_start3A = arith.constant 0 : i32
      %dma_start3A_71 = tpu.memref_slice %arg7[%arg0, %add3A_50, %dma_start3A] : memref<2x10240x128xf32, #tpu.memory_space<hbm>> -> memref<1x64x128xf32, #tpu.memory_space<hbm>>
      %dma_start3A_72 = tpu.memref_squeeze %dma_start3A_71 : memref<1x64x128xf32, #tpu.memory_space<hbm>> -> memref<64x128xf32, #tpu.memory_space<hbm>>
      %dma_start3A_73 = arith.constant 0 : i32
      %dma_start3A_74 = tpu.memref_slice %arg7[%arg0, %add3A_50, %dma_start3A_73] : memref<2x10240x128xf32, #tpu.memory_space<hbm>> -> memref<1x64x128xf32, #tpu.memory_space<hbm>>
      %dma_start3A_75 = tpu.memref_squeeze %dma_start3A_74 : memref<1x64x128xf32, #tpu.memory_space<hbm>> -> memref<64x128xf32, #tpu.memory_space<hbm>>
      tpu.enqueue_dma source(%arg8 : memref<64x128xf32, #tpu.memory_space<vmem>>) target(%dma_start3A_75 : memref<64x128xf32, #tpu.memory_space<hbm>>) target_semaphore(%run_scoped3A : memref<!tpu.dma_semaphore, #tpu.memory_space<semaphore_mem>>)
      %dma_wait3A = arith.constant 0 : i32
      %dma_wait3A_76 = tpu.memref_slice %arg7[%arg0, %add3A_50, %dma_wait3A] : memref<2x10240x128xf32, #tpu.memory_space<hbm>> -> memref<1x64x128xf32, #tpu.memory_space<hbm>>
      %dma_wait3A_77 = tpu.memref_squeeze %dma_wait3A_76 : memref<1x64x128xf32, #tpu.memory_space<hbm>> -> memref<64x128xf32, #tpu.memory_space<hbm>>
      %dma_wait3A_78 = arith.constant 0 : i32
      %dma_wait3A_79 = tpu.memref_slice %arg7[%arg0, %add3A_50, %dma_wait3A_78] : memref<2x10240x128xf32, #tpu.memory_space<hbm>> -> memref<1x64x128xf32, #tpu.memory_space<hbm>>
      %dma_wait3A_80 = tpu.memref_squeeze %dma_wait3A_79 : memref<1x64x128xf32, #tpu.memory_space<hbm>> -> memref<64x128xf32, #tpu.memory_space<hbm>>
      tpu.wait_dma2 semaphore(%run_scoped3A : memref<!tpu.dma_semaphore, #tpu.memory_space<semaphore_mem>>) src(%arg8 : memref<64x128xf32, #tpu.memory_space<vmem>>) dst(%dma_wait3A_80 : memref<64x128xf32, #tpu.memory_space<hbm>>)
      tpu.yield
    }) : () -> ()
    %add3A_51 = arith.constant 320 : i32
    %add3A_52 = arith.addi %mul3A_4, %add3A_51 : i32
    "tpu.region"() ({
      %run_scoped3A = tpu.sem_alloc : memref<!tpu.dma_semaphore, #tpu.memory_space<semaphore_mem>>
      %dma_start3A = arith.constant 0 : i32
      %dma_start3A_71 = tpu.memref_slice %arg13[%add3A_52, %dma_start3A] : memref<10240x128xf32, #tpu.memory_space<vmem_shared>> -> memref<64x128xf32, #tpu.memory_space<vmem_shared>>
      %dma_start3A_72 = arith.constant 0 : i32
      %dma_start3A_73 = tpu.memref_slice %arg13[%add3A_52, %dma_start3A_72] : memref<10240x128xf32, #tpu.memory_space<vmem_shared>> -> memref<64x128xf32, #tpu.memory_space<vmem_shared>>
      tpu.enqueue_dma source(%dma_start3A_73 : memref<64x128xf32, #tpu.memory_space<vmem_shared>>) target(%arg8 : memref<64x128xf32, #tpu.memory_space<vmem>>) target_semaphore(%run_scoped3A : memref<!tpu.dma_semaphore, #tpu.memory_space<semaphore_mem>>)
      %dma_wait3A = arith.constant 0 : i32
      %dma_wait3A_74 = tpu.memref_slice %arg13[%add3A_52, %dma_wait3A] : memref<10240x128xf32, #tpu.memory_space<vmem_shared>> -> memref<64x128xf32, #tpu.memory_space<vmem_shared>>
      %dma_wait3A_75 = arith.constant 0 : i32
      %dma_wait3A_76 = tpu.memref_slice %arg13[%add3A_52, %dma_wait3A_75] : memref<10240x128xf32, #tpu.memory_space<vmem_shared>> -> memref<64x128xf32, #tpu.memory_space<vmem_shared>>
      tpu.wait_dma2 semaphore(%run_scoped3A : memref<!tpu.dma_semaphore, #tpu.memory_space<semaphore_mem>>) src(%dma_wait3A_76 : memref<64x128xf32, #tpu.memory_space<vmem_shared>>) dst(%arg8 : memref<64x128xf32, #tpu.memory_space<vmem>>)
      tpu.yield
    }) : () -> ()
    %add3A_53 = arith.constant 320 : i32
    %add3A_54 = arith.addi %mul3A_4, %add3A_53 : i32
    "tpu.region"() ({
      %run_scoped3A = tpu.sem_alloc : memref<!tpu.dma_semaphore, #tpu.memory_space<semaphore_mem>>
      %dma_start3A = arith.constant 0 : i32
      %dma_start3A_71 = tpu.memref_slice %arg7[%arg0, %add3A_54, %dma_start3A] : memref<2x10240x128xf32, #tpu.memory_space<hbm>> -> memref<1x64x128xf32, #tpu.memory_space<hbm>>
      %dma_start3A_72 = tpu.memref_squeeze %dma_start3A_71 : memref<1x64x128xf32, #tpu.memory_space<hbm>> -> memref<64x128xf32, #tpu.memory_space<hbm>>
      %dma_start3A_73 = arith.constant 0 : i32
      %dma_start3A_74 = tpu.memref_slice %arg7[%arg0, %add3A_54, %dma_start3A_73] : memref<2x10240x128xf32, #tpu.memory_space<hbm>> -> memref<1x64x128xf32, #tpu.memory_space<hbm>>
      %dma_start3A_75 = tpu.memref_squeeze %dma_start3A_74 : memref<1x64x128xf32, #tpu.memory_space<hbm>> -> memref<64x128xf32, #tpu.memory_space<hbm>>
      tpu.enqueue_dma source(%arg8 : memref<64x128xf32, #tpu.memory_space<vmem>>) target(%dma_start3A_75 : memref<64x128xf32, #tpu.memory_space<hbm>>) target_semaphore(%run_scoped3A : memref<!tpu.dma_semaphore, #tpu.memory_space<semaphore_mem>>)
      %dma_wait3A = arith.constant 0 : i32
      %dma_wait3A_76 = tpu.memref_slice %arg7[%arg0, %add3A_54, %dma_wait3A] : memref<2x10240x128xf32, #tpu.memory_space<hbm>> -> memref<1x64x128xf32, #tpu.memory_space<hbm>>
      %dma_wait3A_77 = tpu.memref_squeeze %dma_wait3A_76 : memref<1x64x128xf32, #tpu.memory_space<hbm>> -> memref<64x128xf32, #tpu.memory_space<hbm>>
      %dma_wait3A_78 = arith.constant 0 : i32
      %dma_wait3A_79 = tpu.memref_slice %arg7[%arg0, %add3A_54, %dma_wait3A_78] : memref<2x10240x128xf32, #tpu.memory_space<hbm>> -> memref<1x64x128xf32, #tpu.memory_space<hbm>>
      %dma_wait3A_80 = tpu.memref_squeeze %dma_wait3A_79 : memref<1x64x128xf32, #tpu.memory_space<hbm>> -> memref<64x128xf32, #tpu.memory_space<hbm>>
      tpu.wait_dma2 semaphore(%run_scoped3A : memref<!tpu.dma_semaphore, #tpu.memory_space<semaphore_mem>>) src(%arg8 : memref<64x128xf32, #tpu.memory_space<vmem>>) dst(%dma_wait3A_80 : memref<64x128xf32, #tpu.memory_space<hbm>>)
      tpu.yield
    }) : () -> ()
    %add3A_55 = arith.constant 384 : i32
    %add3A_56 = arith.addi %mul3A_4, %add3A_55 : i32
    "tpu.region"() ({
      %run_scoped3A = tpu.sem_alloc : memref<!tpu.dma_semaphore, #tpu.memory_space<semaphore_mem>>
      %dma_start3A = arith.constant 0 : i32
      %dma_start3A_71 = tpu.memref_slice %arg13[%add3A_56, %dma_start3A] : memref<10240x128xf32, #tpu.memory_space<vmem_shared>> -> memref<64x128xf32, #tpu.memory_space<vmem_shared>>
      %dma_start3A_72 = arith.constant 0 : i32
      %dma_start3A_73 = tpu.memref_slice %arg13[%add3A_56, %dma_start3A_72] : memref<10240x128xf32, #tpu.memory_space<vmem_shared>> -> memref<64x128xf32, #tpu.memory_space<vmem_shared>>
      tpu.enqueue_dma source(%dma_start3A_73 : memref<64x128xf32, #tpu.memory_space<vmem_shared>>) target(%arg8 : memref<64x128xf32, #tpu.memory_space<vmem>>) target_semaphore(%run_scoped3A : memref<!tpu.dma_semaphore, #tpu.memory_space<semaphore_mem>>)
      %dma_wait3A = arith.constant 0 : i32
      %dma_wait3A_74 = tpu.memref_slice %arg13[%add3A_56, %dma_wait3A] : memref<10240x128xf32, #tpu.memory_space<vmem_shared>> -> memref<64x128xf32, #tpu.memory_space<vmem_shared>>
      %dma_wait3A_75 = arith.constant 0 : i32
      %dma_wait3A_76 = tpu.memref_slice %arg13[%add3A_56, %dma_wait3A_75] : memref<10240x128xf32, #tpu.memory_space<vmem_shared>> -> memref<64x128xf32, #tpu.memory_space<vmem_shared>>
      tpu.wait_dma2 semaphore(%run_scoped3A : memref<!tpu.dma_semaphore, #tpu.memory_space<semaphore_mem>>) src(%dma_wait3A_76 : memref<64x128xf32, #tpu.memory_space<vmem_shared>>) dst(%arg8 : memref<64x128xf32, #tpu.memory_space<vmem>>)
      tpu.yield
    }) : () -> ()
    %add3A_57 = arith.constant 384 : i32
    %add3A_58 = arith.addi %mul3A_4, %add3A_57 : i32
    "tpu.region"() ({
      %run_scoped3A = tpu.sem_alloc : memref<!tpu.dma_semaphore, #tpu.memory_space<semaphore_mem>>
      %dma_start3A = arith.constant 0 : i32
      %dma_start3A_71 = tpu.memref_slice %arg7[%arg0, %add3A_58, %dma_start3A] : memref<2x10240x128xf32, #tpu.memory_space<hbm>> -> memref<1x64x128xf32, #tpu.memory_space<hbm>>
      %dma_start3A_72 = tpu.memref_squeeze %dma_start3A_71 : memref<1x64x128xf32, #tpu.memory_space<hbm>> -> memref<64x128xf32, #tpu.memory_space<hbm>>
      %dma_start3A_73 = arith.constant 0 : i32
      %dma_start3A_74 = tpu.memref_slice %arg7[%arg0, %add3A_58, %dma_start3A_73] : memref<2x10240x128xf32, #tpu.memory_space<hbm>> -> memref<1x64x128xf32, #tpu.memory_space<hbm>>
      %dma_start3A_75 = tpu.memref_squeeze %dma_start3A_74 : memref<1x64x128xf32, #tpu.memory_space<hbm>> -> memref<64x128xf32, #tpu.memory_space<hbm>>
      tpu.enqueue_dma source(%arg8 : memref<64x128xf32, #tpu.memory_space<vmem>>) target(%dma_start3A_75 : memref<64x128xf32, #tpu.memory_space<hbm>>) target_semaphore(%run_scoped3A : memref<!tpu.dma_semaphore, #tpu.memory_space<semaphore_mem>>)
      %dma_wait3A = arith.constant 0 : i32
      %dma_wait3A_76 = tpu.memref_slice %arg7[%arg0, %add3A_58, %dma_wait3A] : memref<2x10240x128xf32, #tpu.memory_space<hbm>> -> memref<1x64x128xf32, #tpu.memory_space<hbm>>
      %dma_wait3A_77 = tpu.memref_squeeze %dma_wait3A_76 : memref<1x64x128xf32, #tpu.memory_space<hbm>> -> memref<64x128xf32, #tpu.memory_space<hbm>>
      %dma_wait3A_78 = arith.constant 0 : i32
      %dma_wait3A_79 = tpu.memref_slice %arg7[%arg0, %add3A_58, %dma_wait3A_78] : memref<2x10240x128xf32, #tpu.memory_space<hbm>> -> memref<1x64x128xf32, #tpu.memory_space<hbm>>
      %dma_wait3A_80 = tpu.memref_squeeze %dma_wait3A_79 : memref<1x64x128xf32, #tpu.memory_space<hbm>> -> memref<64x128xf32, #tpu.memory_space<hbm>>
      tpu.wait_dma2 semaphore(%run_scoped3A : memref<!tpu.dma_semaphore, #tpu.memory_space<semaphore_mem>>) src(%arg8 : memref<64x128xf32, #tpu.memory_space<vmem>>) dst(%dma_wait3A_80 : memref<64x128xf32, #tpu.memory_space<hbm>>)
      tpu.yield
    }) : () -> ()
    %add3A_59 = arith.constant 448 : i32
    %add3A_60 = arith.addi %mul3A_4, %add3A_59 : i32
    "tpu.region"() ({
      %run_scoped3A = tpu.sem_alloc : memref<!tpu.dma_semaphore, #tpu.memory_space<semaphore_mem>>
      %dma_start3A = arith.constant 0 : i32
      %dma_start3A_71 = tpu.memref_slice %arg13[%add3A_60, %dma_start3A] : memref<10240x128xf32, #tpu.memory_space<vmem_shared>> -> memref<64x128xf32, #tpu.memory_space<vmem_shared>>
      %dma_start3A_72 = arith.constant 0 : i32
      %dma_start3A_73 = tpu.memref_slice %arg13[%add3A_60, %dma_start3A_72] : memref<10240x128xf32, #tpu.memory_space<vmem_shared>> -> memref<64x128xf32, #tpu.memory_space<vmem_shared>>
      tpu.enqueue_dma source(%dma_start3A_73 : memref<64x128xf32, #tpu.memory_space<vmem_shared>>) target(%arg8 : memref<64x128xf32, #tpu.memory_space<vmem>>) target_semaphore(%run_scoped3A : memref<!tpu.dma_semaphore, #tpu.memory_space<semaphore_mem>>)
      %dma_wait3A = arith.constant 0 : i32
      %dma_wait3A_74 = tpu.memref_slice %arg13[%add3A_60, %dma_wait3A] : memref<10240x128xf32, #tpu.memory_space<vmem_shared>> -> memref<64x128xf32, #tpu.memory_space<vmem_shared>>
      %dma_wait3A_75 = arith.constant 0 : i32
      %dma_wait3A_76 = tpu.memref_slice %arg13[%add3A_60, %dma_wait3A_75] : memref<10240x128xf32, #tpu.memory_space<vmem_shared>> -> memref<64x128xf32, #tpu.memory_space<vmem_shared>>
      tpu.wait_dma2 semaphore(%run_scoped3A : memref<!tpu.dma_semaphore, #tpu.memory_space<semaphore_mem>>) src(%dma_wait3A_76 : memref<64x128xf32, #tpu.memory_space<vmem_shared>>) dst(%arg8 : memref<64x128xf32, #tpu.memory_space<vmem>>)
      tpu.yield
    }) : () -> ()
    %add3A_61 = arith.constant 448 : i32
    %add3A_62 = arith.addi %mul3A_4, %add3A_61 : i32
    "tpu.region"() ({
      %run_scoped3A = tpu.sem_alloc : memref<!tpu.dma_semaphore, #tpu.memory_space<semaphore_mem>>
      %dma_start3A = arith.constant 0 : i32
      %dma_start3A_71 = tpu.memref_slice %arg7[%arg0, %add3A_62, %dma_start3A] : memref<2x10240x128xf32, #tpu.memory_space<hbm>> -> memref<1x64x128xf32, #tpu.memory_space<hbm>>
      %dma_start3A_72 = tpu.memref_squeeze %dma_start3A_71 : memref<1x64x128xf32, #tpu.memory_space<hbm>> -> memref<64x128xf32, #tpu.memory_space<hbm>>
      %dma_start3A_73 = arith.constant 0 : i32
      %dma_start3A_74 = tpu.memref_slice %arg7[%arg0, %add3A_62, %dma_start3A_73] : memref<2x10240x128xf32, #tpu.memory_space<hbm>> -> memref<1x64x128xf32, #tpu.memory_space<hbm>>
      %dma_start3A_75 = tpu.memref_squeeze %dma_start3A_74 : memref<1x64x128xf32, #tpu.memory_space<hbm>> -> memref<64x128xf32, #tpu.memory_space<hbm>>
      tpu.enqueue_dma source(%arg8 : memref<64x128xf32, #tpu.memory_space<vmem>>) target(%dma_start3A_75 : memref<64x128xf32, #tpu.memory_space<hbm>>) target_semaphore(%run_scoped3A : memref<!tpu.dma_semaphore, #tpu.memory_space<semaphore_mem>>)
      %dma_wait3A = arith.constant 0 : i32
      %dma_wait3A_76 = tpu.memref_slice %arg7[%arg0, %add3A_62, %dma_wait3A] : memref<2x10240x128xf32, #tpu.memory_space<hbm>> -> memref<1x64x128xf32, #tpu.memory_space<hbm>>
      %dma_wait3A_77 = tpu.memref_squeeze %dma_wait3A_76 : memref<1x64x128xf32, #tpu.memory_space<hbm>> -> memref<64x128xf32, #tpu.memory_space<hbm>>
      %dma_wait3A_78 = arith.constant 0 : i32
      %dma_wait3A_79 = tpu.memref_slice %arg7[%arg0, %add3A_62, %dma_wait3A_78] : memref<2x10240x128xf32, #tpu.memory_space<hbm>> -> memref<1x64x128xf32, #tpu.memory_space<hbm>>
      %dma_wait3A_80 = tpu.memref_squeeze %dma_wait3A_79 : memref<1x64x128xf32, #tpu.memory_space<hbm>> -> memref<64x128xf32, #tpu.memory_space<hbm>>
      tpu.wait_dma2 semaphore(%run_scoped3A : memref<!tpu.dma_semaphore, #tpu.memory_space<semaphore_mem>>) src(%arg8 : memref<64x128xf32, #tpu.memory_space<vmem>>) dst(%dma_wait3A_80 : memref<64x128xf32, #tpu.memory_space<hbm>>)
      tpu.yield
    }) : () -> ()
    %add3A_63 = arith.constant 512 : i32
    %add3A_64 = arith.addi %mul3A_4, %add3A_63 : i32
    "tpu.region"() ({
      %run_scoped3A = tpu.sem_alloc : memref<!tpu.dma_semaphore, #tpu.memory_space<semaphore_mem>>
      %dma_start3A = arith.constant 0 : i32
      %dma_start3A_71 = tpu.memref_slice %arg13[%add3A_64, %dma_start3A] : memref<10240x128xf32, #tpu.memory_space<vmem_shared>> -> memref<64x128xf32, #tpu.memory_space<vmem_shared>>
      %dma_start3A_72 = arith.constant 0 : i32
      %dma_start3A_73 = tpu.memref_slice %arg13[%add3A_64, %dma_start3A_72] : memref<10240x128xf32, #tpu.memory_space<vmem_shared>> -> memref<64x128xf32, #tpu.memory_space<vmem_shared>>
      tpu.enqueue_dma source(%dma_start3A_73 : memref<64x128xf32, #tpu.memory_space<vmem_shared>>) target(%arg8 : memref<64x128xf32, #tpu.memory_space<vmem>>) target_semaphore(%run_scoped3A : memref<!tpu.dma_semaphore, #tpu.memory_space<semaphore_mem>>)
      %dma_wait3A = arith.constant 0 : i32
      %dma_wait3A_74 = tpu.memref_slice %arg13[%add3A_64, %dma_wait3A] : memref<10240x128xf32, #tpu.memory_space<vmem_shared>> -> memref<64x128xf32, #tpu.memory_space<vmem_shared>>
      %dma_wait3A_75 = arith.constant 0 : i32
      %dma_wait3A_76 = tpu.memref_slice %arg13[%add3A_64, %dma_wait3A_75] : memref<10240x128xf32, #tpu.memory_space<vmem_shared>> -> memref<64x128xf32, #tpu.memory_space<vmem_shared>>
      tpu.wait_dma2 semaphore(%run_scoped3A : memref<!tpu.dma_semaphore, #tpu.memory_space<semaphore_mem>>) src(%dma_wait3A_76 : memref<64x128xf32, #tpu.memory_space<vmem_shared>>) dst(%arg8 : memref<64x128xf32, #tpu.memory_space<vmem>>)
      tpu.yield
    }) : () -> ()
    %add3A_65 = arith.constant 512 : i32
    %add3A_66 = arith.addi %mul3A_4, %add3A_65 : i32
    "tpu.region"() ({
      %run_scoped3A = tpu.sem_alloc : memref<!tpu.dma_semaphore, #tpu.memory_space<semaphore_mem>>
      %dma_start3A = arith.constant 0 : i32
      %dma_start3A_71 = tpu.memref_slice %arg7[%arg0, %add3A_66, %dma_start3A] : memref<2x10240x128xf32, #tpu.memory_space<hbm>> -> memref<1x64x128xf32, #tpu.memory_space<hbm>>
      %dma_start3A_72 = tpu.memref_squeeze %dma_start3A_71 : memref<1x64x128xf32, #tpu.memory_space<hbm>> -> memref<64x128xf32, #tpu.memory_space<hbm>>
      %dma_start3A_73 = arith.constant 0 : i32
      %dma_start3A_74 = tpu.memref_slice %arg7[%arg0, %add3A_66, %dma_start3A_73] : memref<2x10240x128xf32, #tpu.memory_space<hbm>> -> memref<1x64x128xf32, #tpu.memory_space<hbm>>
      %dma_start3A_75 = tpu.memref_squeeze %dma_start3A_74 : memref<1x64x128xf32, #tpu.memory_space<hbm>> -> memref<64x128xf32, #tpu.memory_space<hbm>>
      tpu.enqueue_dma source(%arg8 : memref<64x128xf32, #tpu.memory_space<vmem>>) target(%dma_start3A_75 : memref<64x128xf32, #tpu.memory_space<hbm>>) target_semaphore(%run_scoped3A : memref<!tpu.dma_semaphore, #tpu.memory_space<semaphore_mem>>)
      %dma_wait3A = arith.constant 0 : i32
      %dma_wait3A_76 = tpu.memref_slice %arg7[%arg0, %add3A_66, %dma_wait3A] : memref<2x10240x128xf32, #tpu.memory_space<hbm>> -> memref<1x64x128xf32, #tpu.memory_space<hbm>>
      %dma_wait3A_77 = tpu.memref_squeeze %dma_wait3A_76 : memref<1x64x128xf32, #tpu.memory_space<hbm>> -> memref<64x128xf32, #tpu.memory_space<hbm>>
      %dma_wait3A_78 = arith.constant 0 : i32
      %dma_wait3A_79 = tpu.memref_slice %arg7[%arg0, %add3A_66, %dma_wait3A_78] : memref<2x10240x128xf32, #tpu.memory_space<hbm>> -> memref<1x64x128xf32, #tpu.memory_space<hbm>>
      %dma_wait3A_80 = tpu.memref_squeeze %dma_wait3A_79 : memref<1x64x128xf32, #tpu.memory_space<hbm>> -> memref<64x128xf32, #tpu.memory_space<hbm>>
      tpu.wait_dma2 semaphore(%run_scoped3A : memref<!tpu.dma_semaphore, #tpu.memory_space<semaphore_mem>>) src(%arg8 : memref<64x128xf32, #tpu.memory_space<vmem>>) dst(%dma_wait3A_80 : memref<64x128xf32, #tpu.memory_space<hbm>>)
      tpu.yield
    }) : () -> ()
    %add3A_67 = arith.constant 576 : i32
    %add3A_68 = arith.addi %mul3A_4, %add3A_67 : i32
    "tpu.region"() ({
      %run_scoped3A = tpu.sem_alloc : memref<!tpu.dma_semaphore, #tpu.memory_space<semaphore_mem>>
      %dma_start3A = arith.constant 0 : i32
      %dma_start3A_71 = tpu.memref_slice %arg13[%add3A_68, %dma_start3A] : memref<10240x128xf32, #tpu.memory_space<vmem_shared>> -> memref<64x128xf32, #tpu.memory_space<vmem_shared>>
      %dma_start3A_72 = arith.constant 0 : i32
      %dma_start3A_73 = tpu.memref_slice %arg13[%add3A_68, %dma_start3A_72] : memref<10240x128xf32, #tpu.memory_space<vmem_shared>> -> memref<64x128xf32, #tpu.memory_space<vmem_shared>>
      tpu.enqueue_dma source(%dma_start3A_73 : memref<64x128xf32, #tpu.memory_space<vmem_shared>>) target(%arg8 : memref<64x128xf32, #tpu.memory_space<vmem>>) target_semaphore(%run_scoped3A : memref<!tpu.dma_semaphore, #tpu.memory_space<semaphore_mem>>)
      %dma_wait3A = arith.constant 0 : i32
      %dma_wait3A_74 = tpu.memref_slice %arg13[%add3A_68, %dma_wait3A] : memref<10240x128xf32, #tpu.memory_space<vmem_shared>> -> memref<64x128xf32, #tpu.memory_space<vmem_shared>>
      %dma_wait3A_75 = arith.constant 0 : i32
      %dma_wait3A_76 = tpu.memref_slice %arg13[%add3A_68, %dma_wait3A_75] : memref<10240x128xf32, #tpu.memory_space<vmem_shared>> -> memref<64x128xf32, #tpu.memory_space<vmem_shared>>
      tpu.wait_dma2 semaphore(%run_scoped3A : memref<!tpu.dma_semaphore, #tpu.memory_space<semaphore_mem>>) src(%dma_wait3A_76 : memref<64x128xf32, #tpu.memory_space<vmem_shared>>) dst(%arg8 : memref<64x128xf32, #tpu.memory_space<vmem>>)
      tpu.yield
    }) : () -> ()
    %add3A_69 = arith.constant 576 : i32
    %add3A_70 = arith.addi %mul3A_4, %add3A_69 : i32
    "tpu.region"() ({
      %run_scoped3A = tpu.sem_alloc : memref<!tpu.dma_semaphore, #tpu.memory_space<semaphore_mem>>
      %dma_start3A = arith.constant 0 : i32
      %dma_start3A_71 = tpu.memref_slice %arg7[%arg0, %add3A_70, %dma_start3A] : memref<2x10240x128xf32, #tpu.memory_space<hbm>> -> memref<1x64x128xf32, #tpu.memory_space<hbm>>
      %dma_start3A_72 = tpu.memref_squeeze %dma_start3A_71 : memref<1x64x128xf32, #tpu.memory_space<hbm>> -> memref<64x128xf32, #tpu.memory_space<hbm>>
      %dma_start3A_73 = arith.constant 0 : i32
      %dma_start3A_74 = tpu.memref_slice %arg7[%arg0, %add3A_70, %dma_start3A_73] : memref<2x10240x128xf32, #tpu.memory_space<hbm>> -> memref<1x64x128xf32, #tpu.memory_space<hbm>>
      %dma_start3A_75 = tpu.memref_squeeze %dma_start3A_74 : memref<1x64x128xf32, #tpu.memory_space<hbm>> -> memref<64x128xf32, #tpu.memory_space<hbm>>
      tpu.enqueue_dma source(%arg8 : memref<64x128xf32, #tpu.memory_space<vmem>>) target(%dma_start3A_75 : memref<64x128xf32, #tpu.memory_space<hbm>>) target_semaphore(%run_scoped3A : memref<!tpu.dma_semaphore, #tpu.memory_space<semaphore_mem>>)
      %dma_wait3A = arith.constant 0 : i32
      %dma_wait3A_76 = tpu.memref_slice %arg7[%arg0, %add3A_70, %dma_wait3A] : memref<2x10240x128xf32, #tpu.memory_space<hbm>> -> memref<1x64x128xf32, #tpu.memory_space<hbm>>
      %dma_wait3A_77 = tpu.memref_squeeze %dma_wait3A_76 : memref<1x64x128xf32, #tpu.memory_space<hbm>> -> memref<64x128xf32, #tpu.memory_space<hbm>>
      %dma_wait3A_78 = arith.constant 0 : i32
      %dma_wait3A_79 = tpu.memref_slice %arg7[%arg0, %add3A_70, %dma_wait3A_78] : memref<2x10240x128xf32, #tpu.memory_space<hbm>> -> memref<1x64x128xf32, #tpu.memory_space<hbm>>
      %dma_wait3A_80 = tpu.memref_squeeze %dma_wait3A_79 : memref<1x64x128xf32, #tpu.memory_space<hbm>> -> memref<64x128xf32, #tpu.memory_space<hbm>>
      tpu.wait_dma2 semaphore(%run_scoped3A : memref<!tpu.dma_semaphore, #tpu.memory_space<semaphore_mem>>) src(%arg8 : memref<64x128xf32, #tpu.memory_space<vmem>>) dst(%dma_wait3A_80 : memref<64x128xf32, #tpu.memory_space<hbm>>)
      tpu.yield
    }) : () -> ()
    return
  }
}

#map = affine_map<(d0, d1) -> (0, 0)>
#map1 = affine_map<(d0, d1) -> (0)>
#map2 = affine_map<(d0, d1) -> (0, 0, 0)>
module attributes {stable_mosaic.version = 14 : i64} {
  func.func @_sc_scatter_body(%arg0: i32, %arg1: i32, %arg2: memref<80000x128xf32, #tpu.memory_space<hbm>>, %arg3: memref<160000xi32, #tpu.memory_space<hbm>>, %arg4: memref<160000xi32, #tpu.memory_space<hbm>>, %arg5: memref<160000x16xf32, #tpu.memory_space<hbm>>, %arg6: memref<64x128xf32, #tpu.memory_space<hbm>>, %arg7: memref<2x10240x128xf32, #tpu.memory_space<hbm>>, %arg8: memref<64x128xf32, #tpu.memory_space<vmem>>, %arg9: memref<40x128xf32, #tpu.memory_space<vmem>>, %arg10: memref<40xi32, #tpu.memory_space<vmem>>, %arg11: memref<40xi32, #tpu.memory_space<vmem>>, %arg12: memref<40x16xf32, #tpu.memory_space<vmem>>, %arg13: memref<10240x128xf32, #tpu.memory_space<vmem_shared>>, %arg14: memref<!tpu.dma_semaphore, #tpu.memory_space<semaphore_mem>>) attributes {dimension_semantics = [#tpu.dimension_semantics<core_parallel>, #tpu.dimension_semantics<subcore_parallel>], iteration_bounds = array<i64: 2, 16>, scalar_prefetch = 0 : i64, scratch_operands = 7 : i64, tpu.core_type = #tpu.core_type<sc_vector_subcore>, window_params = [{transform_indices = #map}, {transform_indices = #map1}, {transform_indices = #map1}, {transform_indices = #map}, {transform_indices = #map}, {transform_indices = #map2}]} {
    %mul3A = arith.constant 16 : i32
    %mul3A_0 = arith.muli %arg0, %mul3A : i32
    %add3A = arith.addi %mul3A_0, %arg1 : i32
    %mul3A_1 = arith.constant 5000 : i32
    %mul3A_2 = arith.muli %add3A, %mul3A_1 : i32
    %mul3A_3 = arith.constant 640 : i32
    %mul3A_4 = arith.muli %arg1, %mul3A_3 : i32
    "tpu.region"() ({
      %run_scoped3A = tpu.sem_alloc : memref<!tpu.dma_semaphore, #tpu.memory_space<semaphore_mem>>
      tpu.enqueue_dma source(%arg6 : memref<64x128xf32, #tpu.memory_space<hbm>>) target(%arg8 : memref<64x128xf32, #tpu.memory_space<vmem>>) target_semaphore(%run_scoped3A : memref<!tpu.dma_semaphore, #tpu.memory_space<semaphore_mem>>)
      tpu.wait_dma2 semaphore(%run_scoped3A : memref<!tpu.dma_semaphore, #tpu.memory_space<semaphore_mem>>) src(%arg6 : memref<64x128xf32, #tpu.memory_space<hbm>>) dst(%arg8 : memref<64x128xf32, #tpu.memory_space<vmem>>)
      tpu.yield
    }) : () -> ()
    %add3A_5 = arith.constant 0 : i32
    %add3A_6 = arith.addi %mul3A_4, %add3A_5 : i32
    "tpu.region"() ({
      %run_scoped3A = tpu.sem_alloc : memref<!tpu.dma_semaphore, #tpu.memory_space<semaphore_mem>>
      %dma_start3A = arith.constant 0 : i32
      %dma_start3A_71 = tpu.memref_slice %arg13[%add3A_6, %dma_start3A] : memref<10240x128xf32, #tpu.memory_space<vmem_shared>> -> memref<64x128xf32, #tpu.memory_space<vmem_shared>>
      %dma_start3A_72 = arith.constant 0 : i32
      %dma_start3A_73 = tpu.memref_slice %arg13[%add3A_6, %dma_start3A_72] : memref<10240x128xf32, #tpu.memory_space<vmem_shared>> -> memref<64x128xf32, #tpu.memory_space<vmem_shared>>
      tpu.enqueue_dma source(%arg8 : memref<64x128xf32, #tpu.memory_space<vmem>>) target(%dma_start3A_73 : memref<64x128xf32, #tpu.memory_space<vmem_shared>>) target_semaphore(%run_scoped3A : memref<!tpu.dma_semaphore, #tpu.memory_space<semaphore_mem>>)
      %dma_wait3A = arith.constant 0 : i32
      %dma_wait3A_74 = tpu.memref_slice %arg13[%add3A_6, %dma_wait3A] : memref<10240x128xf32, #tpu.memory_space<vmem_shared>> -> memref<64x128xf32, #tpu.memory_space<vmem_shared>>
      %dma_wait3A_75 = arith.constant 0 : i32
      %dma_wait3A_76 = tpu.memref_slice %arg13[%add3A_6, %dma_wait3A_75] : memref<10240x128xf32, #tpu.memory_space<vmem_shared>> -> memref<64x128xf32, #tpu.memory_space<vmem_shared>>
      tpu.wait_dma2 semaphore(%run_scoped3A : memref<!tpu.dma_semaphore, #tpu.memory_space<semaphore_mem>>) src(%arg8 : memref<64x128xf32, #tpu.memory_space<vmem>>) dst(%dma_wait3A_76 : memref<64x128xf32, #tpu.memory_space<vmem_shared>>)
      tpu.yield
    }) : () -> ()
    %add3A_7 = arith.constant 64 : i32
    %add3A_8 = arith.addi %mul3A_4, %add3A_7 : i32
    "tpu.region"() ({
      %run_scoped3A = tpu.sem_alloc : memref<!tpu.dma_semaphore, #tpu.memory_space<semaphore_mem>>
      %dma_start3A = arith.constant 0 : i32
      %dma_start3A_71 = tpu.memref_slice %arg13[%add3A_8, %dma_start3A] : memref<10240x128xf32, #tpu.memory_space<vmem_shared>> -> memref<64x128xf32, #tpu.memory_space<vmem_shared>>
      %dma_start3A_72 = arith.constant 0 : i32
      %dma_start3A_73 = tpu.memref_slice %arg13[%add3A_8, %dma_start3A_72] : memref<10240x128xf32, #tpu.memory_space<vmem_shared>> -> memref<64x128xf32, #tpu.memory_space<vmem_shared>>
      tpu.enqueue_dma source(%arg8 : memref<64x128xf32, #tpu.memory_space<vmem>>) target(%dma_start3A_73 : memref<64x128xf32, #tpu.memory_space<vmem_shared>>) target_semaphore(%run_scoped3A : memref<!tpu.dma_semaphore, #tpu.memory_space<semaphore_mem>>)
      %dma_wait3A = arith.constant 0 : i32
      %dma_wait3A_74 = tpu.memref_slice %arg13[%add3A_8, %dma_wait3A] : memref<10240x128xf32, #tpu.memory_space<vmem_shared>> -> memref<64x128xf32, #tpu.memory_space<vmem_shared>>
      %dma_wait3A_75 = arith.constant 0 : i32
      %dma_wait3A_76 = tpu.memref_slice %arg13[%add3A_8, %dma_wait3A_75] : memref<10240x128xf32, #tpu.memory_space<vmem_shared>> -> memref<64x128xf32, #tpu.memory_space<vmem_shared>>
      tpu.wait_dma2 semaphore(%run_scoped3A : memref<!tpu.dma_semaphore, #tpu.memory_space<semaphore_mem>>) src(%arg8 : memref<64x128xf32, #tpu.memory_space<vmem>>) dst(%dma_wait3A_76 : memref<64x128xf32, #tpu.memory_space<vmem_shared>>)
      tpu.yield
    }) : () -> ()
    %add3A_9 = arith.constant 128 : i32
    %add3A_10 = arith.addi %mul3A_4, %add3A_9 : i32
    "tpu.region"() ({
      %run_scoped3A = tpu.sem_alloc : memref<!tpu.dma_semaphore, #tpu.memory_space<semaphore_mem>>
      %dma_start3A = arith.constant 0 : i32
      %dma_start3A_71 = tpu.memref_slice %arg13[%add3A_10, %dma_start3A] : memref<10240x128xf32, #tpu.memory_space<vmem_shared>> -> memref<64x128xf32, #tpu.memory_space<vmem_shared>>
      %dma_start3A_72 = arith.constant 0 : i32
      %dma_start3A_73 = tpu.memref_slice %arg13[%add3A_10, %dma_start3A_72] : memref<10240x128xf32, #tpu.memory_space<vmem_shared>> -> memref<64x128xf32, #tpu.memory_space<vmem_shared>>
      tpu.enqueue_dma source(%arg8 : memref<64x128xf32, #tpu.memory_space<vmem>>) target(%dma_start3A_73 : memref<64x128xf32, #tpu.memory_space<vmem_shared>>) target_semaphore(%run_scoped3A : memref<!tpu.dma_semaphore, #tpu.memory_space<semaphore_mem>>)
      %dma_wait3A = arith.constant 0 : i32
      %dma_wait3A_74 = tpu.memref_slice %arg13[%add3A_10, %dma_wait3A] : memref<10240x128xf32, #tpu.memory_space<vmem_shared>> -> memref<64x128xf32, #tpu.memory_space<vmem_shared>>
      %dma_wait3A_75 = arith.constant 0 : i32
      %dma_wait3A_76 = tpu.memref_slice %arg13[%add3A_10, %dma_wait3A_75] : memref<10240x128xf32, #tpu.memory_space<vmem_shared>> -> memref<64x128xf32, #tpu.memory_space<vmem_shared>>
      tpu.wait_dma2 semaphore(%run_scoped3A : memref<!tpu.dma_semaphore, #tpu.memory_space<semaphore_mem>>) src(%arg8 : memref<64x128xf32, #tpu.memory_space<vmem>>) dst(%dma_wait3A_76 : memref<64x128xf32, #tpu.memory_space<vmem_shared>>)
      tpu.yield
    }) : () -> ()
    %add3A_11 = arith.constant 192 : i32
    %add3A_12 = arith.addi %mul3A_4, %add3A_11 : i32
    "tpu.region"() ({
      %run_scoped3A = tpu.sem_alloc : memref<!tpu.dma_semaphore, #tpu.memory_space<semaphore_mem>>
      %dma_start3A = arith.constant 0 : i32
      %dma_start3A_71 = tpu.memref_slice %arg13[%add3A_12, %dma_start3A] : memref<10240x128xf32, #tpu.memory_space<vmem_shared>> -> memref<64x128xf32, #tpu.memory_space<vmem_shared>>
      %dma_start3A_72 = arith.constant 0 : i32
      %dma_start3A_73 = tpu.memref_slice %arg13[%add3A_12, %dma_start3A_72] : memref<10240x128xf32, #tpu.memory_space<vmem_shared>> -> memref<64x128xf32, #tpu.memory_space<vmem_shared>>
      tpu.enqueue_dma source(%arg8 : memref<64x128xf32, #tpu.memory_space<vmem>>) target(%dma_start3A_73 : memref<64x128xf32, #tpu.memory_space<vmem_shared>>) target_semaphore(%run_scoped3A : memref<!tpu.dma_semaphore, #tpu.memory_space<semaphore_mem>>)
      %dma_wait3A = arith.constant 0 : i32
      %dma_wait3A_74 = tpu.memref_slice %arg13[%add3A_12, %dma_wait3A] : memref<10240x128xf32, #tpu.memory_space<vmem_shared>> -> memref<64x128xf32, #tpu.memory_space<vmem_shared>>
      %dma_wait3A_75 = arith.constant 0 : i32
      %dma_wait3A_76 = tpu.memref_slice %arg13[%add3A_12, %dma_wait3A_75] : memref<10240x128xf32, #tpu.memory_space<vmem_shared>> -> memref<64x128xf32, #tpu.memory_space<vmem_shared>>
      tpu.wait_dma2 semaphore(%run_scoped3A : memref<!tpu.dma_semaphore, #tpu.memory_space<semaphore_mem>>) src(%arg8 : memref<64x128xf32, #tpu.memory_space<vmem>>) dst(%dma_wait3A_76 : memref<64x128xf32, #tpu.memory_space<vmem_shared>>)
      tpu.yield
    }) : () -> ()
    %add3A_13 = arith.constant 256 : i32
    %add3A_14 = arith.addi %mul3A_4, %add3A_13 : i32
    "tpu.region"() ({
      %run_scoped3A = tpu.sem_alloc : memref<!tpu.dma_semaphore, #tpu.memory_space<semaphore_mem>>
      %dma_start3A = arith.constant 0 : i32
      %dma_start3A_71 = tpu.memref_slice %arg13[%add3A_14, %dma_start3A] : memref<10240x128xf32, #tpu.memory_space<vmem_shared>> -> memref<64x128xf32, #tpu.memory_space<vmem_shared>>
      %dma_start3A_72 = arith.constant 0 : i32
      %dma_start3A_73 = tpu.memref_slice %arg13[%add3A_14, %dma_start3A_72] : memref<10240x128xf32, #tpu.memory_space<vmem_shared>> -> memref<64x128xf32, #tpu.memory_space<vmem_shared>>
      tpu.enqueue_dma source(%arg8 : memref<64x128xf32, #tpu.memory_space<vmem>>) target(%dma_start3A_73 : memref<64x128xf32, #tpu.memory_space<vmem_shared>>) target_semaphore(%run_scoped3A : memref<!tpu.dma_semaphore, #tpu.memory_space<semaphore_mem>>)
      %dma_wait3A = arith.constant 0 : i32
      %dma_wait3A_74 = tpu.memref_slice %arg13[%add3A_14, %dma_wait3A] : memref<10240x128xf32, #tpu.memory_space<vmem_shared>> -> memref<64x128xf32, #tpu.memory_space<vmem_shared>>
      %dma_wait3A_75 = arith.constant 0 : i32
      %dma_wait3A_76 = tpu.memref_slice %arg13[%add3A_14, %dma_wait3A_75] : memref<10240x128xf32, #tpu.memory_space<vmem_shared>> -> memref<64x128xf32, #tpu.memory_space<vmem_shared>>
      tpu.wait_dma2 semaphore(%run_scoped3A : memref<!tpu.dma_semaphore, #tpu.memory_space<semaphore_mem>>) src(%arg8 : memref<64x128xf32, #tpu.memory_space<vmem>>) dst(%dma_wait3A_76 : memref<64x128xf32, #tpu.memory_space<vmem_shared>>)
      tpu.yield
    }) : () -> ()
    %add3A_15 = arith.constant 320 : i32
    %add3A_16 = arith.addi %mul3A_4, %add3A_15 : i32
    "tpu.region"() ({
      %run_scoped3A = tpu.sem_alloc : memref<!tpu.dma_semaphore, #tpu.memory_space<semaphore_mem>>
      %dma_start3A = arith.constant 0 : i32
      %dma_start3A_71 = tpu.memref_slice %arg13[%add3A_16, %dma_start3A] : memref<10240x128xf32, #tpu.memory_space<vmem_shared>> -> memref<64x128xf32, #tpu.memory_space<vmem_shared>>
      %dma_start3A_72 = arith.constant 0 : i32
      %dma_start3A_73 = tpu.memref_slice %arg13[%add3A_16, %dma_start3A_72] : memref<10240x128xf32, #tpu.memory_space<vmem_shared>> -> memref<64x128xf32, #tpu.memory_space<vmem_shared>>
      tpu.enqueue_dma source(%arg8 : memref<64x128xf32, #tpu.memory_space<vmem>>) target(%dma_start3A_73 : memref<64x128xf32, #tpu.memory_space<vmem_shared>>) target_semaphore(%run_scoped3A : memref<!tpu.dma_semaphore, #tpu.memory_space<semaphore_mem>>)
      %dma_wait3A = arith.constant 0 : i32
      %dma_wait3A_74 = tpu.memref_slice %arg13[%add3A_16, %dma_wait3A] : memref<10240x128xf32, #tpu.memory_space<vmem_shared>> -> memref<64x128xf32, #tpu.memory_space<vmem_shared>>
      %dma_wait3A_75 = arith.constant 0 : i32
      %dma_wait3A_76 = tpu.memref_slice %arg13[%add3A_16, %dma_wait3A_75] : memref<10240x128xf32, #tpu.memory_space<vmem_shared>> -> memref<64x128xf32, #tpu.memory_space<vmem_shared>>
      tpu.wait_dma2 semaphore(%run_scoped3A : memref<!tpu.dma_semaphore, #tpu.memory_space<semaphore_mem>>) src(%arg8 : memref<64x128xf32, #tpu.memory_space<vmem>>) dst(%dma_wait3A_76 : memref<64x128xf32, #tpu.memory_space<vmem_shared>>)
      tpu.yield
    }) : () -> ()
    %add3A_17 = arith.constant 384 : i32
    %add3A_18 = arith.addi %mul3A_4, %add3A_17 : i32
    "tpu.region"() ({
      %run_scoped3A = tpu.sem_alloc : memref<!tpu.dma_semaphore, #tpu.memory_space<semaphore_mem>>
      %dma_start3A = arith.constant 0 : i32
      %dma_start3A_71 = tpu.memref_slice %arg13[%add3A_18, %dma_start3A] : memref<10240x128xf32, #tpu.memory_space<vmem_shared>> -> memref<64x128xf32, #tpu.memory_space<vmem_shared>>
      %dma_start3A_72 = arith.constant 0 : i32
      %dma_start3A_73 = tpu.memref_slice %arg13[%add3A_18, %dma_start3A_72] : memref<10240x128xf32, #tpu.memory_space<vmem_shared>> -> memref<64x128xf32, #tpu.memory_space<vmem_shared>>
      tpu.enqueue_dma source(%arg8 : memref<64x128xf32, #tpu.memory_space<vmem>>) target(%dma_start3A_73 : memref<64x128xf32, #tpu.memory_space<vmem_shared>>) target_semaphore(%run_scoped3A : memref<!tpu.dma_semaphore, #tpu.memory_space<semaphore_mem>>)
      %dma_wait3A = arith.constant 0 : i32
      %dma_wait3A_74 = tpu.memref_slice %arg13[%add3A_18, %dma_wait3A] : memref<10240x128xf32, #tpu.memory_space<vmem_shared>> -> memref<64x128xf32, #tpu.memory_space<vmem_shared>>
      %dma_wait3A_75 = arith.constant 0 : i32
      %dma_wait3A_76 = tpu.memref_slice %arg13[%add3A_18, %dma_wait3A_75] : memref<10240x128xf32, #tpu.memory_space<vmem_shared>> -> memref<64x128xf32, #tpu.memory_space<vmem_shared>>
      tpu.wait_dma2 semaphore(%run_scoped3A : memref<!tpu.dma_semaphore, #tpu.memory_space<semaphore_mem>>) src(%arg8 : memref<64x128xf32, #tpu.memory_space<vmem>>) dst(%dma_wait3A_76 : memref<64x128xf32, #tpu.memory_space<vmem_shared>>)
      tpu.yield
    }) : () -> ()
    %add3A_19 = arith.constant 448 : i32
    %add3A_20 = arith.addi %mul3A_4, %add3A_19 : i32
    "tpu.region"() ({
      %run_scoped3A = tpu.sem_alloc : memref<!tpu.dma_semaphore, #tpu.memory_space<semaphore_mem>>
      %dma_start3A = arith.constant 0 : i32
      %dma_start3A_71 = tpu.memref_slice %arg13[%add3A_20, %dma_start3A] : memref<10240x128xf32, #tpu.memory_space<vmem_shared>> -> memref<64x128xf32, #tpu.memory_space<vmem_shared>>
      %dma_start3A_72 = arith.constant 0 : i32
      %dma_start3A_73 = tpu.memref_slice %arg13[%add3A_20, %dma_start3A_72] : memref<10240x128xf32, #tpu.memory_space<vmem_shared>> -> memref<64x128xf32, #tpu.memory_space<vmem_shared>>
      tpu.enqueue_dma source(%arg8 : memref<64x128xf32, #tpu.memory_space<vmem>>) target(%dma_start3A_73 : memref<64x128xf32, #tpu.memory_space<vmem_shared>>) target_semaphore(%run_scoped3A : memref<!tpu.dma_semaphore, #tpu.memory_space<semaphore_mem>>)
      %dma_wait3A = arith.constant 0 : i32
      %dma_wait3A_74 = tpu.memref_slice %arg13[%add3A_20, %dma_wait3A] : memref<10240x128xf32, #tpu.memory_space<vmem_shared>> -> memref<64x128xf32, #tpu.memory_space<vmem_shared>>
      %dma_wait3A_75 = arith.constant 0 : i32
      %dma_wait3A_76 = tpu.memref_slice %arg13[%add3A_20, %dma_wait3A_75] : memref<10240x128xf32, #tpu.memory_space<vmem_shared>> -> memref<64x128xf32, #tpu.memory_space<vmem_shared>>
      tpu.wait_dma2 semaphore(%run_scoped3A : memref<!tpu.dma_semaphore, #tpu.memory_space<semaphore_mem>>) src(%arg8 : memref<64x128xf32, #tpu.memory_space<vmem>>) dst(%dma_wait3A_76 : memref<64x128xf32, #tpu.memory_space<vmem_shared>>)
      tpu.yield
    }) : () -> ()
    %add3A_21 = arith.constant 512 : i32
    %add3A_22 = arith.addi %mul3A_4, %add3A_21 : i32
    "tpu.region"() ({
      %run_scoped3A = tpu.sem_alloc : memref<!tpu.dma_semaphore, #tpu.memory_space<semaphore_mem>>
      %dma_start3A = arith.constant 0 : i32
      %dma_start3A_71 = tpu.memref_slice %arg13[%add3A_22, %dma_start3A] : memref<10240x128xf32, #tpu.memory_space<vmem_shared>> -> memref<64x128xf32, #tpu.memory_space<vmem_shared>>
      %dma_start3A_72 = arith.constant 0 : i32
      %dma_start3A_73 = tpu.memref_slice %arg13[%add3A_22, %dma_start3A_72] : memref<10240x128xf32, #tpu.memory_space<vmem_shared>> -> memref<64x128xf32, #tpu.memory_space<vmem_shared>>
      tpu.enqueue_dma source(%arg8 : memref<64x128xf32, #tpu.memory_space<vmem>>) target(%dma_start3A_73 : memref<64x128xf32, #tpu.memory_space<vmem_shared>>) target_semaphore(%run_scoped3A : memref<!tpu.dma_semaphore, #tpu.memory_space<semaphore_mem>>)
      %dma_wait3A = arith.constant 0 : i32
      %dma_wait3A_74 = tpu.memref_slice %arg13[%add3A_22, %dma_wait3A] : memref<10240x128xf32, #tpu.memory_space<vmem_shared>> -> memref<64x128xf32, #tpu.memory_space<vmem_shared>>
      %dma_wait3A_75 = arith.constant 0 : i32
      %dma_wait3A_76 = tpu.memref_slice %arg13[%add3A_22, %dma_wait3A_75] : memref<10240x128xf32, #tpu.memory_space<vmem_shared>> -> memref<64x128xf32, #tpu.memory_space<vmem_shared>>
      tpu.wait_dma2 semaphore(%run_scoped3A : memref<!tpu.dma_semaphore, #tpu.memory_space<semaphore_mem>>) src(%arg8 : memref<64x128xf32, #tpu.memory_space<vmem>>) dst(%dma_wait3A_76 : memref<64x128xf32, #tpu.memory_space<vmem_shared>>)
      tpu.yield
    }) : () -> ()
    %add3A_23 = arith.constant 576 : i32
    %add3A_24 = arith.addi %mul3A_4, %add3A_23 : i32
    "tpu.region"() ({
      %run_scoped3A = tpu.sem_alloc : memref<!tpu.dma_semaphore, #tpu.memory_space<semaphore_mem>>
      %dma_start3A = arith.constant 0 : i32
      %dma_start3A_71 = tpu.memref_slice %arg13[%add3A_24, %dma_start3A] : memref<10240x128xf32, #tpu.memory_space<vmem_shared>> -> memref<64x128xf32, #tpu.memory_space<vmem_shared>>
      %dma_start3A_72 = arith.constant 0 : i32
      %dma_start3A_73 = tpu.memref_slice %arg13[%add3A_24, %dma_start3A_72] : memref<10240x128xf32, #tpu.memory_space<vmem_shared>> -> memref<64x128xf32, #tpu.memory_space<vmem_shared>>
      tpu.enqueue_dma source(%arg8 : memref<64x128xf32, #tpu.memory_space<vmem>>) target(%dma_start3A_73 : memref<64x128xf32, #tpu.memory_space<vmem_shared>>) target_semaphore(%run_scoped3A : memref<!tpu.dma_semaphore, #tpu.memory_space<semaphore_mem>>)
      %dma_wait3A = arith.constant 0 : i32
      %dma_wait3A_74 = tpu.memref_slice %arg13[%add3A_24, %dma_wait3A] : memref<10240x128xf32, #tpu.memory_space<vmem_shared>> -> memref<64x128xf32, #tpu.memory_space<vmem_shared>>
      %dma_wait3A_75 = arith.constant 0 : i32
      %dma_wait3A_76 = tpu.memref_slice %arg13[%add3A_24, %dma_wait3A_75] : memref<10240x128xf32, #tpu.memory_space<vmem_shared>> -> memref<64x128xf32, #tpu.memory_space<vmem_shared>>
      tpu.wait_dma2 semaphore(%run_scoped3A : memref<!tpu.dma_semaphore, #tpu.memory_space<semaphore_mem>>) src(%arg8 : memref<64x128xf32, #tpu.memory_space<vmem>>) dst(%dma_wait3A_76 : memref<64x128xf32, #tpu.memory_space<vmem_shared>>)
      tpu.yield
    }) : () -> ()
    %barrier3A = arith.constant 0 : index
    tpu.barrier barrier_id(%barrier3A)
    %scan3A = arith.constant 0 : i32
    %scan3A_25 = arith.constant 0 : i32
    %scan3A_26 = arith.constant 125 : i32
    %scan3A_27 = arith.addi %scan3A_25, %scan3A_26 : i32
    %scan3A_28 = arith.constant 1 : i32
    scf.for %scan3A_71 = %scan3A_25 to %scan3A_27 step %scan3A_28  : i32 {
      %mul3A_72 = arith.constant 40 : i32
      %mul3A_73 = arith.muli %scan3A_71, %mul3A_72 : i32
      %add3A_74 = arith.addi %mul3A_2, %mul3A_73 : i32
      "tpu.region"() ({
        %run_scoped3A = tpu.sem_alloc : memref<!tpu.dma_semaphore, #tpu.memory_space<semaphore_mem>>
        %dma_start3A_85 = tpu.memref_slice %arg3[%add3A_74] : memref<160000xi32, #tpu.memory_space<hbm>> -> memref<40xi32, #tpu.memory_space<hbm>>
        %dma_start3A_86 = tpu.memref_slice %arg3[%add3A_74] : memref<160000xi32, #tpu.memory_space<hbm>> -> memref<40xi32, #tpu.memory_space<hbm>>
        tpu.enqueue_dma source(%dma_start3A_86 : memref<40xi32, #tpu.memory_space<hbm>>) target(%arg10 : memref<40xi32, #tpu.memory_space<vmem>>) target_semaphore(%run_scoped3A : memref<!tpu.dma_semaphore, #tpu.memory_space<semaphore_mem>>)
        %dma_wait3A_87 = tpu.memref_slice %arg3[%add3A_74] : memref<160000xi32, #tpu.memory_space<hbm>> -> memref<40xi32, #tpu.memory_space<hbm>>
        %dma_wait3A_88 = tpu.memref_slice %arg3[%add3A_74] : memref<160000xi32, #tpu.memory_space<hbm>> -> memref<40xi32, #tpu.memory_space<hbm>>
        tpu.wait_dma2 semaphore(%run_scoped3A : memref<!tpu.dma_semaphore, #tpu.memory_space<semaphore_mem>>) src(%dma_wait3A_88 : memref<40xi32, #tpu.memory_space<hbm>>) dst(%arg10 : memref<40xi32, #tpu.memory_space<vmem>>)
        tpu.yield
      }) : () -> ()
      "tpu.region"() ({
        %run_scoped3A = tpu.sem_alloc : memref<!tpu.dma_semaphore, #tpu.memory_space<semaphore_mem>>
        %dma_start3A_85 = tpu.memref_slice %arg4[%add3A_74] : memref<160000xi32, #tpu.memory_space<hbm>> -> memref<40xi32, #tpu.memory_space<hbm>>
        %dma_start3A_86 = tpu.memref_slice %arg4[%add3A_74] : memref<160000xi32, #tpu.memory_space<hbm>> -> memref<40xi32, #tpu.memory_space<hbm>>
        tpu.enqueue_dma source(%dma_start3A_86 : memref<40xi32, #tpu.memory_space<hbm>>) target(%arg11 : memref<40xi32, #tpu.memory_space<vmem>>) target_semaphore(%run_scoped3A : memref<!tpu.dma_semaphore, #tpu.memory_space<semaphore_mem>>)
        %dma_wait3A_87 = tpu.memref_slice %arg4[%add3A_74] : memref<160000xi32, #tpu.memory_space<hbm>> -> memref<40xi32, #tpu.memory_space<hbm>>
        %dma_wait3A_88 = tpu.memref_slice %arg4[%add3A_74] : memref<160000xi32, #tpu.memory_space<hbm>> -> memref<40xi32, #tpu.memory_space<hbm>>
        tpu.wait_dma2 semaphore(%run_scoped3A : memref<!tpu.dma_semaphore, #tpu.memory_space<semaphore_mem>>) src(%dma_wait3A_88 : memref<40xi32, #tpu.memory_space<hbm>>) dst(%arg11 : memref<40xi32, #tpu.memory_space<vmem>>)
        tpu.yield
      }) : () -> ()
      "tpu.region"() ({
        %run_scoped3A = tpu.sem_alloc : memref<!tpu.dma_semaphore, #tpu.memory_space<semaphore_mem>>
        %dma_start3A_85 = arith.constant 0 : i32
        %dma_start3A_86 = tpu.memref_slice %arg5[%add3A_74, %dma_start3A_85] : memref<160000x16xf32, #tpu.memory_space<hbm>> -> memref<40x16xf32, #tpu.memory_space<hbm>>
        %dma_start3A_87 = arith.constant 0 : i32
        %dma_start3A_88 = tpu.memref_slice %arg5[%add3A_74, %dma_start3A_87] : memref<160000x16xf32, #tpu.memory_space<hbm>> -> memref<40x16xf32, #tpu.memory_space<hbm>>
        tpu.enqueue_dma source(%dma_start3A_88 : memref<40x16xf32, #tpu.memory_space<hbm>>) target(%arg12 : memref<40x16xf32, #tpu.memory_space<vmem>>) target_semaphore(%run_scoped3A : memref<!tpu.dma_semaphore, #tpu.memory_space<semaphore_mem>>)
        %dma_wait3A_89 = arith.constant 0 : i32
        %dma_wait3A_90 = tpu.memref_slice %arg5[%add3A_74, %dma_wait3A_89] : memref<160000x16xf32, #tpu.memory_space<hbm>> -> memref<40x16xf32, #tpu.memory_space<hbm>>
        %dma_wait3A_91 = arith.constant 0 : i32
        %dma_wait3A_92 = tpu.memref_slice %arg5[%add3A_74, %dma_wait3A_91] : memref<160000x16xf32, #tpu.memory_space<hbm>> -> memref<40x16xf32, #tpu.memory_space<hbm>>
        tpu.wait_dma2 semaphore(%run_scoped3A : memref<!tpu.dma_semaphore, #tpu.memory_space<semaphore_mem>>) src(%dma_wait3A_92 : memref<40x16xf32, #tpu.memory_space<hbm>>) dst(%arg12 : memref<40x16xf32, #tpu.memory_space<vmem>>)
        tpu.yield
      }) : () -> ()
      %dma_start3A = arith.constant 0 : i32
      %dma_start3A_75 = arith.constant 0 : i32
      %dma_start3A_76 = tpu.memref_slice %arg2[%dma_start3A, %dma_start3A_75] : memref<80000x128xf32, #tpu.memory_space<hbm>> -> memref<80000x128xf32, #tpu.memory_space<hbm>>
      tpu.enqueue_indirect_dma source(%dma_start3A_76 : memref<80000x128xf32, #tpu.memory_space<hbm>>) target(%arg9 : memref<40x128xf32, #tpu.memory_space<vmem>>) offsets(%arg10 : memref<40xi32, #tpu.memory_space<vmem>>) semaphore(%arg14 : memref<!tpu.dma_semaphore, #tpu.memory_space<semaphore_mem>>)
      %dma_wait3A = arith.constant 0 : i32
      %dma_wait3A_77 = arith.constant 0 : i32
      %dma_wait3A_78 = tpu.memref_slice %arg2[%dma_wait3A, %dma_wait3A_77] : memref<80000x128xf32, #tpu.memory_space<hbm>> -> memref<80000x128xf32, #tpu.memory_space<hbm>>
      tpu.wait_indirect_dma semaphore(%arg14 : memref<!tpu.dma_semaphore, #tpu.memory_space<semaphore_mem>>) src(%dma_wait3A_78 : memref<80000x128xf32, #tpu.memory_space<hbm>>) dst(%arg9 : memref<40x128xf32, #tpu.memory_space<vmem>>)
      %scan3A_79 = arith.constant 0 : i32
      %scan3A_80 = arith.constant 0 : i32
      %scan3A_81 = arith.constant 40 : i32
      %scan3A_82 = arith.addi %scan3A_80, %scan3A_81 : i32
      %scan3A_83 = arith.constant 1 : i32
      scf.for %scan3A_85 = %scan3A_80 to %scan3A_82 step %scan3A_83  : i32 {
        %get3A = arith.index_cast %scan3A_85 : i32 to index
        %get3A_86 = arith.constant 0 : index
        %get3A_87 = tpu.vector_load %arg12[%get3A, %get3A_86] {strides = array<i32>} : memref<40x16xf32, #tpu.memory_space<vmem>>, vector<1x16xf32>,
        %get3A_88 = vector.shape_cast %get3A_87 : vector<1x16xf32> to vector<16xf32>
        %get3A_89 = arith.index_cast %scan3A_85 : i32 to index
        %get3A_90 = arith.constant 0 : index
        %get3A_91 = tpu.vector_load %arg9[%get3A_89, %get3A_90] {strides = array<i32>} : memref<40x128xf32, #tpu.memory_space<vmem>>, vector<1x16xf32>,
        %get3A_92 = vector.shape_cast %get3A_91 : vector<1x16xf32> to vector<16xf32>
        %mul3A_93 = arith.mulf %get3A_92, %get3A_88 : vector<16xf32>
        %swap3A = arith.index_cast %scan3A_85 : i32 to index
        %swap3A_94 = arith.constant 0 : index
        %swap3A_95 = tpu.vector_load %arg9[%swap3A, %swap3A_94] {strides = array<i32>} : memref<40x128xf32, #tpu.memory_space<vmem>>, vector<1x16xf32>,
        %swap3A_96 = vector.shape_cast %swap3A_95 : vector<1x16xf32> to vector<16xf32>
        %swap3A_97 = vector.shape_cast %mul3A_93 : vector<16xf32> to vector<1x16xf32>
        tpu.vector_store %arg9[%swap3A, %swap3A_94], %swap3A_97 {strides = array<i32>} : memref<40x128xf32, #tpu.memory_space<vmem>>, vector<1x16xf32>,
        %get3A_98 = arith.index_cast %scan3A_85 : i32 to index
        %get3A_99 = arith.constant 16 : index
        %get3A_100 = tpu.vector_load %arg9[%get3A_98, %get3A_99] {strides = array<i32>} : memref<40x128xf32, #tpu.memory_space<vmem>>, vector<1x16xf32>,
        %get3A_101 = vector.shape_cast %get3A_100 : vector<1x16xf32> to vector<16xf32>
        %mul3A_102 = arith.mulf %get3A_101, %get3A_88 : vector<16xf32>
        %swap3A_103 = arith.index_cast %scan3A_85 : i32 to index
        %swap3A_104 = arith.constant 16 : index
        %swap3A_105 = tpu.vector_load %arg9[%swap3A_103, %swap3A_104] {strides = array<i32>} : memref<40x128xf32, #tpu.memory_space<vmem>>, vector<1x16xf32>,
        %swap3A_106 = vector.shape_cast %swap3A_105 : vector<1x16xf32> to vector<16xf32>
        %swap3A_107 = vector.shape_cast %mul3A_102 : vector<16xf32> to vector<1x16xf32>
        tpu.vector_store %arg9[%swap3A_103, %swap3A_104], %swap3A_107 {strides = array<i32>} : memref<40x128xf32, #tpu.memory_space<vmem>>, vector<1x16xf32>,
        %get3A_108 = arith.index_cast %scan3A_85 : i32 to index
        %get3A_109 = arith.constant 32 : index
        %get3A_110 = tpu.vector_load %arg9[%get3A_108, %get3A_109] {strides = array<i32>} : memref<40x128xf32, #tpu.memory_space<vmem>>, vector<1x16xf32>,
        %get3A_111 = vector.shape_cast %get3A_110 : vector<1x16xf32> to vector<16xf32>
        %mul3A_112 = arith.mulf %get3A_111, %get3A_88 : vector<16xf32>
        %swap3A_113 = arith.index_cast %scan3A_85 : i32 to index
        %swap3A_114 = arith.constant 32 : index
        %swap3A_115 = tpu.vector_load %arg9[%swap3A_113, %swap3A_114] {strides = array<i32>} : memref<40x128xf32, #tpu.memory_space<vmem>>, vector<1x16xf32>,
        %swap3A_116 = vector.shape_cast %swap3A_115 : vector<1x16xf32> to vector<16xf32>
        %swap3A_117 = vector.shape_cast %mul3A_112 : vector<16xf32> to vector<1x16xf32>
        tpu.vector_store %arg9[%swap3A_113, %swap3A_114], %swap3A_117 {strides = array<i32>} : memref<40x128xf32, #tpu.memory_space<vmem>>, vector<1x16xf32>,
        %get3A_118 = arith.index_cast %scan3A_85 : i32 to index
        %get3A_119 = arith.constant 48 : index
        %get3A_120 = tpu.vector_load %arg9[%get3A_118, %get3A_119] {strides = array<i32>} : memref<40x128xf32, #tpu.memory_space<vmem>>, vector<1x16xf32>,
        %get3A_121 = vector.shape_cast %get3A_120 : vector<1x16xf32> to vector<16xf32>
        %mul3A_122 = arith.mulf %get3A_121, %get3A_88 : vector<16xf32>
        %swap3A_123 = arith.index_cast %scan3A_85 : i32 to index
        %swap3A_124 = arith.constant 48 : index
        %swap3A_125 = tpu.vector_load %arg9[%swap3A_123, %swap3A_124] {strides = array<i32>} : memref<40x128xf32, #tpu.memory_space<vmem>>, vector<1x16xf32>,
        %swap3A_126 = vector.shape_cast %swap3A_125 : vector<1x16xf32> to vector<16xf32>
        %swap3A_127 = vector.shape_cast %mul3A_122 : vector<16xf32> to vector<1x16xf32>
        tpu.vector_store %arg9[%swap3A_123, %swap3A_124], %swap3A_127 {strides = array<i32>} : memref<40x128xf32, #tpu.memory_space<vmem>>, vector<1x16xf32>,
        %get3A_128 = arith.index_cast %scan3A_85 : i32 to index
        %get3A_129 = arith.constant 64 : index
        %get3A_130 = tpu.vector_load %arg9[%get3A_128, %get3A_129] {strides = array<i32>} : memref<40x128xf32, #tpu.memory_space<vmem>>, vector<1x16xf32>,
        %get3A_131 = vector.shape_cast %get3A_130 : vector<1x16xf32> to vector<16xf32>
        %mul3A_132 = arith.mulf %get3A_131, %get3A_88 : vector<16xf32>
        %swap3A_133 = arith.index_cast %scan3A_85 : i32 to index
        %swap3A_134 = arith.constant 64 : index
        %swap3A_135 = tpu.vector_load %arg9[%swap3A_133, %swap3A_134] {strides = array<i32>} : memref<40x128xf32, #tpu.memory_space<vmem>>, vector<1x16xf32>,
        %swap3A_136 = vector.shape_cast %swap3A_135 : vector<1x16xf32> to vector<16xf32>
        %swap3A_137 = vector.shape_cast %mul3A_132 : vector<16xf32> to vector<1x16xf32>
        tpu.vector_store %arg9[%swap3A_133, %swap3A_134], %swap3A_137 {strides = array<i32>} : memref<40x128xf32, #tpu.memory_space<vmem>>, vector<1x16xf32>,
        %get3A_138 = arith.index_cast %scan3A_85 : i32 to index
        %get3A_139 = arith.constant 80 : index
        %get3A_140 = tpu.vector_load %arg9[%get3A_138, %get3A_139] {strides = array<i32>} : memref<40x128xf32, #tpu.memory_space<vmem>>, vector<1x16xf32>,
        %get3A_141 = vector.shape_cast %get3A_140 : vector<1x16xf32> to vector<16xf32>
        %mul3A_142 = arith.mulf %get3A_141, %get3A_88 : vector<16xf32>
        %swap3A_143 = arith.index_cast %scan3A_85 : i32 to index
        %swap3A_144 = arith.constant 80 : index
        %swap3A_145 = tpu.vector_load %arg9[%swap3A_143, %swap3A_144] {strides = array<i32>} : memref<40x128xf32, #tpu.memory_space<vmem>>, vector<1x16xf32>,
        %swap3A_146 = vector.shape_cast %swap3A_145 : vector<1x16xf32> to vector<16xf32>
        %swap3A_147 = vector.shape_cast %mul3A_142 : vector<16xf32> to vector<1x16xf32>
        tpu.vector_store %arg9[%swap3A_143, %swap3A_144], %swap3A_147 {strides = array<i32>} : memref<40x128xf32, #tpu.memory_space<vmem>>, vector<1x16xf32>,
        %get3A_148 = arith.index_cast %scan3A_85 : i32 to index
        %get3A_149 = arith.constant 96 : index
        %get3A_150 = tpu.vector_load %arg9[%get3A_148, %get3A_149] {strides = array<i32>} : memref<40x128xf32, #tpu.memory_space<vmem>>, vector<1x16xf32>,
        %get3A_151 = vector.shape_cast %get3A_150 : vector<1x16xf32> to vector<16xf32>
        %mul3A_152 = arith.mulf %get3A_151, %get3A_88 : vector<16xf32>
        %swap3A_153 = arith.index_cast %scan3A_85 : i32 to index
        %swap3A_154 = arith.constant 96 : index
        %swap3A_155 = tpu.vector_load %arg9[%swap3A_153, %swap3A_154] {strides = array<i32>} : memref<40x128xf32, #tpu.memory_space<vmem>>, vector<1x16xf32>,
        %swap3A_156 = vector.shape_cast %swap3A_155 : vector<1x16xf32> to vector<16xf32>
        %swap3A_157 = vector.shape_cast %mul3A_152 : vector<16xf32> to vector<1x16xf32>
        tpu.vector_store %arg9[%swap3A_153, %swap3A_154], %swap3A_157 {strides = array<i32>} : memref<40x128xf32, #tpu.memory_space<vmem>>, vector<1x16xf32>,
        %get3A_158 = arith.index_cast %scan3A_85 : i32 to index
        %get3A_159 = arith.constant 112 : index
        %get3A_160 = tpu.vector_load %arg9[%get3A_158, %get3A_159] {strides = array<i32>} : memref<40x128xf32, #tpu.memory_space<vmem>>, vector<1x16xf32>,
        %get3A_161 = vector.shape_cast %get3A_160 : vector<1x16xf32> to vector<16xf32>
        %mul3A_162 = arith.mulf %get3A_161, %get3A_88 : vector<16xf32>
        %swap3A_163 = arith.index_cast %scan3A_85 : i32 to index
        %swap3A_164 = arith.constant 112 : index
        %swap3A_165 = tpu.vector_load %arg9[%swap3A_163, %swap3A_164] {strides = array<i32>} : memref<40x128xf32, #tpu.memory_space<vmem>>, vector<1x16xf32>,
        %swap3A_166 = vector.shape_cast %swap3A_165 : vector<1x16xf32> to vector<16xf32>
        %swap3A_167 = vector.shape_cast %mul3A_162 : vector<16xf32> to vector<1x16xf32>
        tpu.vector_store %arg9[%swap3A_163, %swap3A_164], %swap3A_167 {strides = array<i32>} : memref<40x128xf32, #tpu.memory_space<vmem>>, vector<1x16xf32>,
      }
      %scan3A_84 = arith.constant 40 : i32
      "tpu.region"() ({
        %run_scoped3A = tpu.sem_alloc : memref<!tpu.dma_semaphore, #tpu.memory_space<semaphore_mem>>
        %dma_start3A_85 = arith.constant 0 : i32
        %dma_start3A_86 = arith.constant 0 : i32
        %dma_start3A_87 = tpu.memref_slice %arg13[%dma_start3A_85, %dma_start3A_86] : memref<10240x128xf32, #tpu.memory_space<vmem_shared>> -> memref<10240x128xf32, #tpu.memory_space<vmem_shared>>
        tpu.enqueue_indirect_dma source(%arg9 : memref<40x128xf32, #tpu.memory_space<vmem>>) target(%dma_start3A_87 : memref<10240x128xf32, #tpu.memory_space<vmem_shared>>) offsets(%arg11 : memref<40xi32, #tpu.memory_space<vmem>>) semaphore(%run_scoped3A : memref<!tpu.dma_semaphore, #tpu.memory_space<semaphore_mem>>) {add = true}
        %dma_wait3A_88 = arith.constant 0 : i32
        %dma_wait3A_89 = arith.constant 0 : i32
        %dma_wait3A_90 = tpu.memref_slice %arg13[%dma_wait3A_88, %dma_wait3A_89] : memref<10240x128xf32, #tpu.memory_space<vmem_shared>> -> memref<10240x128xf32, #tpu.memory_space<vmem_shared>>
        tpu.wait_indirect_dma semaphore(%run_scoped3A : memref<!tpu.dma_semaphore, #tpu.memory_space<semaphore_mem>>) src(%arg9 : memref<40x128xf32, #tpu.memory_space<vmem>>) dst(%dma_wait3A_90 : memref<10240x128xf32, #tpu.memory_space<vmem_shared>>)
        tpu.yield
      }) : () -> ()
    }
    %scan3A_29 = arith.constant 125 : i32
    %barrier3A_30 = arith.constant 0 : index
    tpu.barrier barrier_id(%barrier3A_30)
    %add3A_31 = arith.constant 0 : i32
    %add3A_32 = arith.addi %mul3A_4, %add3A_31 : i32
    "tpu.region"() ({
      %run_scoped3A = tpu.sem_alloc : memref<!tpu.dma_semaphore, #tpu.memory_space<semaphore_mem>>
      %dma_start3A = arith.constant 0 : i32
      %dma_start3A_71 = tpu.memref_slice %arg13[%add3A_32, %dma_start3A] : memref<10240x128xf32, #tpu.memory_space<vmem_shared>> -> memref<64x128xf32, #tpu.memory_space<vmem_shared>>
      %dma_start3A_72 = arith.constant 0 : i32
      %dma_start3A_73 = tpu.memref_slice %arg13[%add3A_32, %dma_start3A_72] : memref<10240x128xf32, #tpu.memory_space<vmem_shared>> -> memref<64x128xf32, #tpu.memory_space<vmem_shared>>
      tpu.enqueue_dma source(%dma_start3A_73 : memref<64x128xf32, #tpu.memory_space<vmem_shared>>) target(%arg8 : memref<64x128xf32, #tpu.memory_space<vmem>>) target_semaphore(%run_scoped3A : memref<!tpu.dma_semaphore, #tpu.memory_space<semaphore_mem>>)
      %dma_wait3A = arith.constant 0 : i32
      %dma_wait3A_74 = tpu.memref_slice %arg13[%add3A_32, %dma_wait3A] : memref<10240x128xf32, #tpu.memory_space<vmem_shared>> -> memref<64x128xf32, #tpu.memory_space<vmem_shared>>
      %dma_wait3A_75 = arith.constant 0 : i32
      %dma_wait3A_76 = tpu.memref_slice %arg13[%add3A_32, %dma_wait3A_75] : memref<10240x128xf32, #tpu.memory_space<vmem_shared>> -> memref<64x128xf32, #tpu.memory_space<vmem_shared>>
      tpu.wait_dma2 semaphore(%run_scoped3A : memref<!tpu.dma_semaphore, #tpu.memory_space<semaphore_mem>>) src(%dma_wait3A_76 : memref<64x128xf32, #tpu.memory_space<vmem_shared>>) dst(%arg8 : memref<64x128xf32, #tpu.memory_space<vmem>>)
      tpu.yield
    }) : () -> ()
    %add3A_33 = arith.constant 0 : i32
    %add3A_34 = arith.addi %mul3A_4, %add3A_33 : i32
    "tpu.region"() ({
      %run_scoped3A = tpu.sem_alloc : memref<!tpu.dma_semaphore, #tpu.memory_space<semaphore_mem>>
      %dma_start3A = arith.constant 0 : i32
      %dma_start3A_71 = tpu.memref_slice %arg7[%arg0, %add3A_34, %dma_start3A] : memref<2x10240x128xf32, #tpu.memory_space<hbm>> -> memref<1x64x128xf32, #tpu.memory_space<hbm>>
      %dma_start3A_72 = tpu.memref_squeeze %dma_start3A_71 : memref<1x64x128xf32, #tpu.memory_space<hbm>> -> memref<64x128xf32, #tpu.memory_space<hbm>>
      %dma_start3A_73 = arith.constant 0 : i32
      %dma_start3A_74 = tpu.memref_slice %arg7[%arg0, %add3A_34, %dma_start3A_73] : memref<2x10240x128xf32, #tpu.memory_space<hbm>> -> memref<1x64x128xf32, #tpu.memory_space<hbm>>
      %dma_start3A_75 = tpu.memref_squeeze %dma_start3A_74 : memref<1x64x128xf32, #tpu.memory_space<hbm>> -> memref<64x128xf32, #tpu.memory_space<hbm>>
      tpu.enqueue_dma source(%arg8 : memref<64x128xf32, #tpu.memory_space<vmem>>) target(%dma_start3A_75 : memref<64x128xf32, #tpu.memory_space<hbm>>) target_semaphore(%run_scoped3A : memref<!tpu.dma_semaphore, #tpu.memory_space<semaphore_mem>>)
      %dma_wait3A = arith.constant 0 : i32
      %dma_wait3A_76 = tpu.memref_slice %arg7[%arg0, %add3A_34, %dma_wait3A] : memref<2x10240x128xf32, #tpu.memory_space<hbm>> -> memref<1x64x128xf32, #tpu.memory_space<hbm>>
      %dma_wait3A_77 = tpu.memref_squeeze %dma_wait3A_76 : memref<1x64x128xf32, #tpu.memory_space<hbm>> -> memref<64x128xf32, #tpu.memory_space<hbm>>
      %dma_wait3A_78 = arith.constant 0 : i32
      %dma_wait3A_79 = tpu.memref_slice %arg7[%arg0, %add3A_34, %dma_wait3A_78] : memref<2x10240x128xf32, #tpu.memory_space<hbm>> -> memref<1x64x128xf32, #tpu.memory_space<hbm>>
      %dma_wait3A_80 = tpu.memref_squeeze %dma_wait3A_79 : memref<1x64x128xf32, #tpu.memory_space<hbm>> -> memref<64x128xf32, #tpu.memory_space<hbm>>
      tpu.wait_dma2 semaphore(%run_scoped3A : memref<!tpu.dma_semaphore, #tpu.memory_space<semaphore_mem>>) src(%arg8 : memref<64x128xf32, #tpu.memory_space<vmem>>) dst(%dma_wait3A_80 : memref<64x128xf32, #tpu.memory_space<hbm>>)
      tpu.yield
    }) : () -> ()
    %add3A_35 = arith.constant 64 : i32
    %add3A_36 = arith.addi %mul3A_4, %add3A_35 : i32
    "tpu.region"() ({
      %run_scoped3A = tpu.sem_alloc : memref<!tpu.dma_semaphore, #tpu.memory_space<semaphore_mem>>
      %dma_start3A = arith.constant 0 : i32
      %dma_start3A_71 = tpu.memref_slice %arg13[%add3A_36, %dma_start3A] : memref<10240x128xf32, #tpu.memory_space<vmem_shared>> -> memref<64x128xf32, #tpu.memory_space<vmem_shared>>
      %dma_start3A_72 = arith.constant 0 : i32
      %dma_start3A_73 = tpu.memref_slice %arg13[%add3A_36, %dma_start3A_72] : memref<10240x128xf32, #tpu.memory_space<vmem_shared>> -> memref<64x128xf32, #tpu.memory_space<vmem_shared>>
      tpu.enqueue_dma source(%dma_start3A_73 : memref<64x128xf32, #tpu.memory_space<vmem_shared>>) target(%arg8 : memref<64x128xf32, #tpu.memory_space<vmem>>) target_semaphore(%run_scoped3A : memref<!tpu.dma_semaphore, #tpu.memory_space<semaphore_mem>>)
      %dma_wait3A = arith.constant 0 : i32
      %dma_wait3A_74 = tpu.memref_slice %arg13[%add3A_36, %dma_wait3A] : memref<10240x128xf32, #tpu.memory_space<vmem_shared>> -> memref<64x128xf32, #tpu.memory_space<vmem_shared>>
      %dma_wait3A_75 = arith.constant 0 : i32
      %dma_wait3A_76 = tpu.memref_slice %arg13[%add3A_36, %dma_wait3A_75] : memref<10240x128xf32, #tpu.memory_space<vmem_shared>> -> memref<64x128xf32, #tpu.memory_space<vmem_shared>>
      tpu.wait_dma2 semaphore(%run_scoped3A : memref<!tpu.dma_semaphore, #tpu.memory_space<semaphore_mem>>) src(%dma_wait3A_76 : memref<64x128xf32, #tpu.memory_space<vmem_shared>>) dst(%arg8 : memref<64x128xf32, #tpu.memory_space<vmem>>)
      tpu.yield
    }) : () -> ()
    %add3A_37 = arith.constant 64 : i32
    %add3A_38 = arith.addi %mul3A_4, %add3A_37 : i32
    "tpu.region"() ({
      %run_scoped3A = tpu.sem_alloc : memref<!tpu.dma_semaphore, #tpu.memory_space<semaphore_mem>>
      %dma_start3A = arith.constant 0 : i32
      %dma_start3A_71 = tpu.memref_slice %arg7[%arg0, %add3A_38, %dma_start3A] : memref<2x10240x128xf32, #tpu.memory_space<hbm>> -> memref<1x64x128xf32, #tpu.memory_space<hbm>>
      %dma_start3A_72 = tpu.memref_squeeze %dma_start3A_71 : memref<1x64x128xf32, #tpu.memory_space<hbm>> -> memref<64x128xf32, #tpu.memory_space<hbm>>
      %dma_start3A_73 = arith.constant 0 : i32
      %dma_start3A_74 = tpu.memref_slice %arg7[%arg0, %add3A_38, %dma_start3A_73] : memref<2x10240x128xf32, #tpu.memory_space<hbm>> -> memref<1x64x128xf32, #tpu.memory_space<hbm>>
      %dma_start3A_75 = tpu.memref_squeeze %dma_start3A_74 : memref<1x64x128xf32, #tpu.memory_space<hbm>> -> memref<64x128xf32, #tpu.memory_space<hbm>>
      tpu.enqueue_dma source(%arg8 : memref<64x128xf32, #tpu.memory_space<vmem>>) target(%dma_start3A_75 : memref<64x128xf32, #tpu.memory_space<hbm>>) target_semaphore(%run_scoped3A : memref<!tpu.dma_semaphore, #tpu.memory_space<semaphore_mem>>)
      %dma_wait3A = arith.constant 0 : i32
      %dma_wait3A_76 = tpu.memref_slice %arg7[%arg0, %add3A_38, %dma_wait3A] : memref<2x10240x128xf32, #tpu.memory_space<hbm>> -> memref<1x64x128xf32, #tpu.memory_space<hbm>>
      %dma_wait3A_77 = tpu.memref_squeeze %dma_wait3A_76 : memref<1x64x128xf32, #tpu.memory_space<hbm>> -> memref<64x128xf32, #tpu.memory_space<hbm>>
      %dma_wait3A_78 = arith.constant 0 : i32
      %dma_wait3A_79 = tpu.memref_slice %arg7[%arg0, %add3A_38, %dma_wait3A_78] : memref<2x10240x128xf32, #tpu.memory_space<hbm>> -> memref<1x64x128xf32, #tpu.memory_space<hbm>>
      %dma_wait3A_80 = tpu.memref_squeeze %dma_wait3A_79 : memref<1x64x128xf32, #tpu.memory_space<hbm>> -> memref<64x128xf32, #tpu.memory_space<hbm>>
      tpu.wait_dma2 semaphore(%run_scoped3A : memref<!tpu.dma_semaphore, #tpu.memory_space<semaphore_mem>>) src(%arg8 : memref<64x128xf32, #tpu.memory_space<vmem>>) dst(%dma_wait3A_80 : memref<64x128xf32, #tpu.memory_space<hbm>>)
      tpu.yield
    }) : () -> ()
    %add3A_39 = arith.constant 128 : i32
    %add3A_40 = arith.addi %mul3A_4, %add3A_39 : i32
    "tpu.region"() ({
      %run_scoped3A = tpu.sem_alloc : memref<!tpu.dma_semaphore, #tpu.memory_space<semaphore_mem>>
      %dma_start3A = arith.constant 0 : i32
      %dma_start3A_71 = tpu.memref_slice %arg13[%add3A_40, %dma_start3A] : memref<10240x128xf32, #tpu.memory_space<vmem_shared>> -> memref<64x128xf32, #tpu.memory_space<vmem_shared>>
      %dma_start3A_72 = arith.constant 0 : i32
      %dma_start3A_73 = tpu.memref_slice %arg13[%add3A_40, %dma_start3A_72] : memref<10240x128xf32, #tpu.memory_space<vmem_shared>> -> memref<64x128xf32, #tpu.memory_space<vmem_shared>>
      tpu.enqueue_dma source(%dma_start3A_73 : memref<64x128xf32, #tpu.memory_space<vmem_shared>>) target(%arg8 : memref<64x128xf32, #tpu.memory_space<vmem>>) target_semaphore(%run_scoped3A : memref<!tpu.dma_semaphore, #tpu.memory_space<semaphore_mem>>)
      %dma_wait3A = arith.constant 0 : i32
      %dma_wait3A_74 = tpu.memref_slice %arg13[%add3A_40, %dma_wait3A] : memref<10240x128xf32, #tpu.memory_space<vmem_shared>> -> memref<64x128xf32, #tpu.memory_space<vmem_shared>>
      %dma_wait3A_75 = arith.constant 0 : i32
      %dma_wait3A_76 = tpu.memref_slice %arg13[%add3A_40, %dma_wait3A_75] : memref<10240x128xf32, #tpu.memory_space<vmem_shared>> -> memref<64x128xf32, #tpu.memory_space<vmem_shared>>
      tpu.wait_dma2 semaphore(%run_scoped3A : memref<!tpu.dma_semaphore, #tpu.memory_space<semaphore_mem>>) src(%dma_wait3A_76 : memref<64x128xf32, #tpu.memory_space<vmem_shared>>) dst(%arg8 : memref<64x128xf32, #tpu.memory_space<vmem>>)
      tpu.yield
    }) : () -> ()
    %add3A_41 = arith.constant 128 : i32
    %add3A_42 = arith.addi %mul3A_4, %add3A_41 : i32
    "tpu.region"() ({
      %run_scoped3A = tpu.sem_alloc : memref<!tpu.dma_semaphore, #tpu.memory_space<semaphore_mem>>
      %dma_start3A = arith.constant 0 : i32
      %dma_start3A_71 = tpu.memref_slice %arg7[%arg0, %add3A_42, %dma_start3A] : memref<2x10240x128xf32, #tpu.memory_space<hbm>> -> memref<1x64x128xf32, #tpu.memory_space<hbm>>
      %dma_start3A_72 = tpu.memref_squeeze %dma_start3A_71 : memref<1x64x128xf32, #tpu.memory_space<hbm>> -> memref<64x128xf32, #tpu.memory_space<hbm>>
      %dma_start3A_73 = arith.constant 0 : i32
      %dma_start3A_74 = tpu.memref_slice %arg7[%arg0, %add3A_42, %dma_start3A_73] : memref<2x10240x128xf32, #tpu.memory_space<hbm>> -> memref<1x64x128xf32, #tpu.memory_space<hbm>>
      %dma_start3A_75 = tpu.memref_squeeze %dma_start3A_74 : memref<1x64x128xf32, #tpu.memory_space<hbm>> -> memref<64x128xf32, #tpu.memory_space<hbm>>
      tpu.enqueue_dma source(%arg8 : memref<64x128xf32, #tpu.memory_space<vmem>>) target(%dma_start3A_75 : memref<64x128xf32, #tpu.memory_space<hbm>>) target_semaphore(%run_scoped3A : memref<!tpu.dma_semaphore, #tpu.memory_space<semaphore_mem>>)
      %dma_wait3A = arith.constant 0 : i32
      %dma_wait3A_76 = tpu.memref_slice %arg7[%arg0, %add3A_42, %dma_wait3A] : memref<2x10240x128xf32, #tpu.memory_space<hbm>> -> memref<1x64x128xf32, #tpu.memory_space<hbm>>
      %dma_wait3A_77 = tpu.memref_squeeze %dma_wait3A_76 : memref<1x64x128xf32, #tpu.memory_space<hbm>> -> memref<64x128xf32, #tpu.memory_space<hbm>>
      %dma_wait3A_78 = arith.constant 0 : i32
      %dma_wait3A_79 = tpu.memref_slice %arg7[%arg0, %add3A_42, %dma_wait3A_78] : memref<2x10240x128xf32, #tpu.memory_space<hbm>> -> memref<1x64x128xf32, #tpu.memory_space<hbm>>
      %dma_wait3A_80 = tpu.memref_squeeze %dma_wait3A_79 : memref<1x64x128xf32, #tpu.memory_space<hbm>> -> memref<64x128xf32, #tpu.memory_space<hbm>>
      tpu.wait_dma2 semaphore(%run_scoped3A : memref<!tpu.dma_semaphore, #tpu.memory_space<semaphore_mem>>) src(%arg8 : memref<64x128xf32, #tpu.memory_space<vmem>>) dst(%dma_wait3A_80 : memref<64x128xf32, #tpu.memory_space<hbm>>)
      tpu.yield
    }) : () -> ()
    %add3A_43 = arith.constant 192 : i32
    %add3A_44 = arith.addi %mul3A_4, %add3A_43 : i32
    "tpu.region"() ({
      %run_scoped3A = tpu.sem_alloc : memref<!tpu.dma_semaphore, #tpu.memory_space<semaphore_mem>>
      %dma_start3A = arith.constant 0 : i32
      %dma_start3A_71 = tpu.memref_slice %arg13[%add3A_44, %dma_start3A] : memref<10240x128xf32, #tpu.memory_space<vmem_shared>> -> memref<64x128xf32, #tpu.memory_space<vmem_shared>>
      %dma_start3A_72 = arith.constant 0 : i32
      %dma_start3A_73 = tpu.memref_slice %arg13[%add3A_44, %dma_start3A_72] : memref<10240x128xf32, #tpu.memory_space<vmem_shared>> -> memref<64x128xf32, #tpu.memory_space<vmem_shared>>
      tpu.enqueue_dma source(%dma_start3A_73 : memref<64x128xf32, #tpu.memory_space<vmem_shared>>) target(%arg8 : memref<64x128xf32, #tpu.memory_space<vmem>>) target_semaphore(%run_scoped3A : memref<!tpu.dma_semaphore, #tpu.memory_space<semaphore_mem>>)
      %dma_wait3A = arith.constant 0 : i32
      %dma_wait3A_74 = tpu.memref_slice %arg13[%add3A_44, %dma_wait3A] : memref<10240x128xf32, #tpu.memory_space<vmem_shared>> -> memref<64x128xf32, #tpu.memory_space<vmem_shared>>
      %dma_wait3A_75 = arith.constant 0 : i32
      %dma_wait3A_76 = tpu.memref_slice %arg13[%add3A_44, %dma_wait3A_75] : memref<10240x128xf32, #tpu.memory_space<vmem_shared>> -> memref<64x128xf32, #tpu.memory_space<vmem_shared>>
      tpu.wait_dma2 semaphore(%run_scoped3A : memref<!tpu.dma_semaphore, #tpu.memory_space<semaphore_mem>>) src(%dma_wait3A_76 : memref<64x128xf32, #tpu.memory_space<vmem_shared>>) dst(%arg8 : memref<64x128xf32, #tpu.memory_space<vmem>>)
      tpu.yield
    }) : () -> ()
    %add3A_45 = arith.constant 192 : i32
    %add3A_46 = arith.addi %mul3A_4, %add3A_45 : i32
    "tpu.region"() ({
      %run_scoped3A = tpu.sem_alloc : memref<!tpu.dma_semaphore, #tpu.memory_space<semaphore_mem>>
      %dma_start3A = arith.constant 0 : i32
      %dma_start3A_71 = tpu.memref_slice %arg7[%arg0, %add3A_46, %dma_start3A] : memref<2x10240x128xf32, #tpu.memory_space<hbm>> -> memref<1x64x128xf32, #tpu.memory_space<hbm>>
      %dma_start3A_72 = tpu.memref_squeeze %dma_start3A_71 : memref<1x64x128xf32, #tpu.memory_space<hbm>> -> memref<64x128xf32, #tpu.memory_space<hbm>>
      %dma_start3A_73 = arith.constant 0 : i32
      %dma_start3A_74 = tpu.memref_slice %arg7[%arg0, %add3A_46, %dma_start3A_73] : memref<2x10240x128xf32, #tpu.memory_space<hbm>> -> memref<1x64x128xf32, #tpu.memory_space<hbm>>
      %dma_start3A_75 = tpu.memref_squeeze %dma_start3A_74 : memref<1x64x128xf32, #tpu.memory_space<hbm>> -> memref<64x128xf32, #tpu.memory_space<hbm>>
      tpu.enqueue_dma source(%arg8 : memref<64x128xf32, #tpu.memory_space<vmem>>) target(%dma_start3A_75 : memref<64x128xf32, #tpu.memory_space<hbm>>) target_semaphore(%run_scoped3A : memref<!tpu.dma_semaphore, #tpu.memory_space<semaphore_mem>>)
      %dma_wait3A = arith.constant 0 : i32
      %dma_wait3A_76 = tpu.memref_slice %arg7[%arg0, %add3A_46, %dma_wait3A] : memref<2x10240x128xf32, #tpu.memory_space<hbm>> -> memref<1x64x128xf32, #tpu.memory_space<hbm>>
      %dma_wait3A_77 = tpu.memref_squeeze %dma_wait3A_76 : memref<1x64x128xf32, #tpu.memory_space<hbm>> -> memref<64x128xf32, #tpu.memory_space<hbm>>
      %dma_wait3A_78 = arith.constant 0 : i32
      %dma_wait3A_79 = tpu.memref_slice %arg7[%arg0, %add3A_46, %dma_wait3A_78] : memref<2x10240x128xf32, #tpu.memory_space<hbm>> -> memref<1x64x128xf32, #tpu.memory_space<hbm>>
      %dma_wait3A_80 = tpu.memref_squeeze %dma_wait3A_79 : memref<1x64x128xf32, #tpu.memory_space<hbm>> -> memref<64x128xf32, #tpu.memory_space<hbm>>
      tpu.wait_dma2 semaphore(%run_scoped3A : memref<!tpu.dma_semaphore, #tpu.memory_space<semaphore_mem>>) src(%arg8 : memref<64x128xf32, #tpu.memory_space<vmem>>) dst(%dma_wait3A_80 : memref<64x128xf32, #tpu.memory_space<hbm>>)
      tpu.yield
    }) : () -> ()
    %add3A_47 = arith.constant 256 : i32
    %add3A_48 = arith.addi %mul3A_4, %add3A_47 : i32
    "tpu.region"() ({
      %run_scoped3A = tpu.sem_alloc : memref<!tpu.dma_semaphore, #tpu.memory_space<semaphore_mem>>
      %dma_start3A = arith.constant 0 : i32
      %dma_start3A_71 = tpu.memref_slice %arg13[%add3A_48, %dma_start3A] : memref<10240x128xf32, #tpu.memory_space<vmem_shared>> -> memref<64x128xf32, #tpu.memory_space<vmem_shared>>
      %dma_start3A_72 = arith.constant 0 : i32
      %dma_start3A_73 = tpu.memref_slice %arg13[%add3A_48, %dma_start3A_72] : memref<10240x128xf32, #tpu.memory_space<vmem_shared>> -> memref<64x128xf32, #tpu.memory_space<vmem_shared>>
      tpu.enqueue_dma source(%dma_start3A_73 : memref<64x128xf32, #tpu.memory_space<vmem_shared>>) target(%arg8 : memref<64x128xf32, #tpu.memory_space<vmem>>) target_semaphore(%run_scoped3A : memref<!tpu.dma_semaphore, #tpu.memory_space<semaphore_mem>>)
      %dma_wait3A = arith.constant 0 : i32
      %dma_wait3A_74 = tpu.memref_slice %arg13[%add3A_48, %dma_wait3A] : memref<10240x128xf32, #tpu.memory_space<vmem_shared>> -> memref<64x128xf32, #tpu.memory_space<vmem_shared>>
      %dma_wait3A_75 = arith.constant 0 : i32
      %dma_wait3A_76 = tpu.memref_slice %arg13[%add3A_48, %dma_wait3A_75] : memref<10240x128xf32, #tpu.memory_space<vmem_shared>> -> memref<64x128xf32, #tpu.memory_space<vmem_shared>>
      tpu.wait_dma2 semaphore(%run_scoped3A : memref<!tpu.dma_semaphore, #tpu.memory_space<semaphore_mem>>) src(%dma_wait3A_76 : memref<64x128xf32, #tpu.memory_space<vmem_shared>>) dst(%arg8 : memref<64x128xf32, #tpu.memory_space<vmem>>)
      tpu.yield
    }) : () -> ()
    %add3A_49 = arith.constant 256 : i32
    %add3A_50 = arith.addi %mul3A_4, %add3A_49 : i32
    "tpu.region"() ({
      %run_scoped3A = tpu.sem_alloc : memref<!tpu.dma_semaphore, #tpu.memory_space<semaphore_mem>>
      %dma_start3A = arith.constant 0 : i32
      %dma_start3A_71 = tpu.memref_slice %arg7[%arg0, %add3A_50, %dma_start3A] : memref<2x10240x128xf32, #tpu.memory_space<hbm>> -> memref<1x64x128xf32, #tpu.memory_space<hbm>>
      %dma_start3A_72 = tpu.memref_squeeze %dma_start3A_71 : memref<1x64x128xf32, #tpu.memory_space<hbm>> -> memref<64x128xf32, #tpu.memory_space<hbm>>
      %dma_start3A_73 = arith.constant 0 : i32
      %dma_start3A_74 = tpu.memref_slice %arg7[%arg0, %add3A_50, %dma_start3A_73] : memref<2x10240x128xf32, #tpu.memory_space<hbm>> -> memref<1x64x128xf32, #tpu.memory_space<hbm>>
      %dma_start3A_75 = tpu.memref_squeeze %dma_start3A_74 : memref<1x64x128xf32, #tpu.memory_space<hbm>> -> memref<64x128xf32, #tpu.memory_space<hbm>>
      tpu.enqueue_dma source(%arg8 : memref<64x128xf32, #tpu.memory_space<vmem>>) target(%dma_start3A_75 : memref<64x128xf32, #tpu.memory_space<hbm>>) target_semaphore(%run_scoped3A : memref<!tpu.dma_semaphore, #tpu.memory_space<semaphore_mem>>)
      %dma_wait3A = arith.constant 0 : i32
      %dma_wait3A_76 = tpu.memref_slice %arg7[%arg0, %add3A_50, %dma_wait3A] : memref<2x10240x128xf32, #tpu.memory_space<hbm>> -> memref<1x64x128xf32, #tpu.memory_space<hbm>>
      %dma_wait3A_77 = tpu.memref_squeeze %dma_wait3A_76 : memref<1x64x128xf32, #tpu.memory_space<hbm>> -> memref<64x128xf32, #tpu.memory_space<hbm>>
      %dma_wait3A_78 = arith.constant 0 : i32
      %dma_wait3A_79 = tpu.memref_slice %arg7[%arg0, %add3A_50, %dma_wait3A_78] : memref<2x10240x128xf32, #tpu.memory_space<hbm>> -> memref<1x64x128xf32, #tpu.memory_space<hbm>>
      %dma_wait3A_80 = tpu.memref_squeeze %dma_wait3A_79 : memref<1x64x128xf32, #tpu.memory_space<hbm>> -> memref<64x128xf32, #tpu.memory_space<hbm>>
      tpu.wait_dma2 semaphore(%run_scoped3A : memref<!tpu.dma_semaphore, #tpu.memory_space<semaphore_mem>>) src(%arg8 : memref<64x128xf32, #tpu.memory_space<vmem>>) dst(%dma_wait3A_80 : memref<64x128xf32, #tpu.memory_space<hbm>>)
      tpu.yield
    }) : () -> ()
    %add3A_51 = arith.constant 320 : i32
    %add3A_52 = arith.addi %mul3A_4, %add3A_51 : i32
    "tpu.region"() ({
      %run_scoped3A = tpu.sem_alloc : memref<!tpu.dma_semaphore, #tpu.memory_space<semaphore_mem>>
      %dma_start3A = arith.constant 0 : i32
      %dma_start3A_71 = tpu.memref_slice %arg13[%add3A_52, %dma_start3A] : memref<10240x128xf32, #tpu.memory_space<vmem_shared>> -> memref<64x128xf32, #tpu.memory_space<vmem_shared>>
      %dma_start3A_72 = arith.constant 0 : i32
      %dma_start3A_73 = tpu.memref_slice %arg13[%add3A_52, %dma_start3A_72] : memref<10240x128xf32, #tpu.memory_space<vmem_shared>> -> memref<64x128xf32, #tpu.memory_space<vmem_shared>>
      tpu.enqueue_dma source(%dma_start3A_73 : memref<64x128xf32, #tpu.memory_space<vmem_shared>>) target(%arg8 : memref<64x128xf32, #tpu.memory_space<vmem>>) target_semaphore(%run_scoped3A : memref<!tpu.dma_semaphore, #tpu.memory_space<semaphore_mem>>)
      %dma_wait3A = arith.constant 0 : i32
      %dma_wait3A_74 = tpu.memref_slice %arg13[%add3A_52, %dma_wait3A] : memref<10240x128xf32, #tpu.memory_space<vmem_shared>> -> memref<64x128xf32, #tpu.memory_space<vmem_shared>>
      %dma_wait3A_75 = arith.constant 0 : i32
      %dma_wait3A_76 = tpu.memref_slice %arg13[%add3A_52, %dma_wait3A_75] : memref<10240x128xf32, #tpu.memory_space<vmem_shared>> -> memref<64x128xf32, #tpu.memory_space<vmem_shared>>
      tpu.wait_dma2 semaphore(%run_scoped3A : memref<!tpu.dma_semaphore, #tpu.memory_space<semaphore_mem>>) src(%dma_wait3A_76 : memref<64x128xf32, #tpu.memory_space<vmem_shared>>) dst(%arg8 : memref<64x128xf32, #tpu.memory_space<vmem>>)
      tpu.yield
    }) : () -> ()
    %add3A_53 = arith.constant 320 : i32
    %add3A_54 = arith.addi %mul3A_4, %add3A_53 : i32
    "tpu.region"() ({
      %run_scoped3A = tpu.sem_alloc : memref<!tpu.dma_semaphore, #tpu.memory_space<semaphore_mem>>
      %dma_start3A = arith.constant 0 : i32
      %dma_start3A_71 = tpu.memref_slice %arg7[%arg0, %add3A_54, %dma_start3A] : memref<2x10240x128xf32, #tpu.memory_space<hbm>> -> memref<1x64x128xf32, #tpu.memory_space<hbm>>
      %dma_start3A_72 = tpu.memref_squeeze %dma_start3A_71 : memref<1x64x128xf32, #tpu.memory_space<hbm>> -> memref<64x128xf32, #tpu.memory_space<hbm>>
      %dma_start3A_73 = arith.constant 0 : i32
      %dma_start3A_74 = tpu.memref_slice %arg7[%arg0, %add3A_54, %dma_start3A_73] : memref<2x10240x128xf32, #tpu.memory_space<hbm>> -> memref<1x64x128xf32, #tpu.memory_space<hbm>>
      %dma_start3A_75 = tpu.memref_squeeze %dma_start3A_74 : memref<1x64x128xf32, #tpu.memory_space<hbm>> -> memref<64x128xf32, #tpu.memory_space<hbm>>
      tpu.enqueue_dma source(%arg8 : memref<64x128xf32, #tpu.memory_space<vmem>>) target(%dma_start3A_75 : memref<64x128xf32, #tpu.memory_space<hbm>>) target_semaphore(%run_scoped3A : memref<!tpu.dma_semaphore, #tpu.memory_space<semaphore_mem>>)
      %dma_wait3A = arith.constant 0 : i32
      %dma_wait3A_76 = tpu.memref_slice %arg7[%arg0, %add3A_54, %dma_wait3A] : memref<2x10240x128xf32, #tpu.memory_space<hbm>> -> memref<1x64x128xf32, #tpu.memory_space<hbm>>
      %dma_wait3A_77 = tpu.memref_squeeze %dma_wait3A_76 : memref<1x64x128xf32, #tpu.memory_space<hbm>> -> memref<64x128xf32, #tpu.memory_space<hbm>>
      %dma_wait3A_78 = arith.constant 0 : i32
      %dma_wait3A_79 = tpu.memref_slice %arg7[%arg0, %add3A_54, %dma_wait3A_78] : memref<2x10240x128xf32, #tpu.memory_space<hbm>> -> memref<1x64x128xf32, #tpu.memory_space<hbm>>
      %dma_wait3A_80 = tpu.memref_squeeze %dma_wait3A_79 : memref<1x64x128xf32, #tpu.memory_space<hbm>> -> memref<64x128xf32, #tpu.memory_space<hbm>>
      tpu.wait_dma2 semaphore(%run_scoped3A : memref<!tpu.dma_semaphore, #tpu.memory_space<semaphore_mem>>) src(%arg8 : memref<64x128xf32, #tpu.memory_space<vmem>>) dst(%dma_wait3A_80 : memref<64x128xf32, #tpu.memory_space<hbm>>)
      tpu.yield
    }) : () -> ()
    %add3A_55 = arith.constant 384 : i32
    %add3A_56 = arith.addi %mul3A_4, %add3A_55 : i32
    "tpu.region"() ({
      %run_scoped3A = tpu.sem_alloc : memref<!tpu.dma_semaphore, #tpu.memory_space<semaphore_mem>>
      %dma_start3A = arith.constant 0 : i32
      %dma_start3A_71 = tpu.memref_slice %arg13[%add3A_56, %dma_start3A] : memref<10240x128xf32, #tpu.memory_space<vmem_shared>> -> memref<64x128xf32, #tpu.memory_space<vmem_shared>>
      %dma_start3A_72 = arith.constant 0 : i32
      %dma_start3A_73 = tpu.memref_slice %arg13[%add3A_56, %dma_start3A_72] : memref<10240x128xf32, #tpu.memory_space<vmem_shared>> -> memref<64x128xf32, #tpu.memory_space<vmem_shared>>
      tpu.enqueue_dma source(%dma_start3A_73 : memref<64x128xf32, #tpu.memory_space<vmem_shared>>) target(%arg8 : memref<64x128xf32, #tpu.memory_space<vmem>>) target_semaphore(%run_scoped3A : memref<!tpu.dma_semaphore, #tpu.memory_space<semaphore_mem>>)
      %dma_wait3A = arith.constant 0 : i32
      %dma_wait3A_74 = tpu.memref_slice %arg13[%add3A_56, %dma_wait3A] : memref<10240x128xf32, #tpu.memory_space<vmem_shared>> -> memref<64x128xf32, #tpu.memory_space<vmem_shared>>
      %dma_wait3A_75 = arith.constant 0 : i32
      %dma_wait3A_76 = tpu.memref_slice %arg13[%add3A_56, %dma_wait3A_75] : memref<10240x128xf32, #tpu.memory_space<vmem_shared>> -> memref<64x128xf32, #tpu.memory_space<vmem_shared>>
      tpu.wait_dma2 semaphore(%run_scoped3A : memref<!tpu.dma_semaphore, #tpu.memory_space<semaphore_mem>>) src(%dma_wait3A_76 : memref<64x128xf32, #tpu.memory_space<vmem_shared>>) dst(%arg8 : memref<64x128xf32, #tpu.memory_space<vmem>>)
      tpu.yield
    }) : () -> ()
    %add3A_57 = arith.constant 384 : i32
    %add3A_58 = arith.addi %mul3A_4, %add3A_57 : i32
    "tpu.region"() ({
      %run_scoped3A = tpu.sem_alloc : memref<!tpu.dma_semaphore, #tpu.memory_space<semaphore_mem>>
      %dma_start3A = arith.constant 0 : i32
      %dma_start3A_71 = tpu.memref_slice %arg7[%arg0, %add3A_58, %dma_start3A] : memref<2x10240x128xf32, #tpu.memory_space<hbm>> -> memref<1x64x128xf32, #tpu.memory_space<hbm>>
      %dma_start3A_72 = tpu.memref_squeeze %dma_start3A_71 : memref<1x64x128xf32, #tpu.memory_space<hbm>> -> memref<64x128xf32, #tpu.memory_space<hbm>>
      %dma_start3A_73 = arith.constant 0 : i32
      %dma_start3A_74 = tpu.memref_slice %arg7[%arg0, %add3A_58, %dma_start3A_73] : memref<2x10240x128xf32, #tpu.memory_space<hbm>> -> memref<1x64x128xf32, #tpu.memory_space<hbm>>
      %dma_start3A_75 = tpu.memref_squeeze %dma_start3A_74 : memref<1x64x128xf32, #tpu.memory_space<hbm>> -> memref<64x128xf32, #tpu.memory_space<hbm>>
      tpu.enqueue_dma source(%arg8 : memref<64x128xf32, #tpu.memory_space<vmem>>) target(%dma_start3A_75 : memref<64x128xf32, #tpu.memory_space<hbm>>) target_semaphore(%run_scoped3A : memref<!tpu.dma_semaphore, #tpu.memory_space<semaphore_mem>>)
      %dma_wait3A = arith.constant 0 : i32
      %dma_wait3A_76 = tpu.memref_slice %arg7[%arg0, %add3A_58, %dma_wait3A] : memref<2x10240x128xf32, #tpu.memory_space<hbm>> -> memref<1x64x128xf32, #tpu.memory_space<hbm>>
      %dma_wait3A_77 = tpu.memref_squeeze %dma_wait3A_76 : memref<1x64x128xf32, #tpu.memory_space<hbm>> -> memref<64x128xf32, #tpu.memory_space<hbm>>
      %dma_wait3A_78 = arith.constant 0 : i32
      %dma_wait3A_79 = tpu.memref_slice %arg7[%arg0, %add3A_58, %dma_wait3A_78] : memref<2x10240x128xf32, #tpu.memory_space<hbm>> -> memref<1x64x128xf32, #tpu.memory_space<hbm>>
      %dma_wait3A_80 = tpu.memref_squeeze %dma_wait3A_79 : memref<1x64x128xf32, #tpu.memory_space<hbm>> -> memref<64x128xf32, #tpu.memory_space<hbm>>
      tpu.wait_dma2 semaphore(%run_scoped3A : memref<!tpu.dma_semaphore, #tpu.memory_space<semaphore_mem>>) src(%arg8 : memref<64x128xf32, #tpu.memory_space<vmem>>) dst(%dma_wait3A_80 : memref<64x128xf32, #tpu.memory_space<hbm>>)
      tpu.yield
    }) : () -> ()
    %add3A_59 = arith.constant 448 : i32
    %add3A_60 = arith.addi %mul3A_4, %add3A_59 : i32
    "tpu.region"() ({
      %run_scoped3A = tpu.sem_alloc : memref<!tpu.dma_semaphore, #tpu.memory_space<semaphore_mem>>
      %dma_start3A = arith.constant 0 : i32
      %dma_start3A_71 = tpu.memref_slice %arg13[%add3A_60, %dma_start3A] : memref<10240x128xf32, #tpu.memory_space<vmem_shared>> -> memref<64x128xf32, #tpu.memory_space<vmem_shared>>
      %dma_start3A_72 = arith.constant 0 : i32
      %dma_start3A_73 = tpu.memref_slice %arg13[%add3A_60, %dma_start3A_72] : memref<10240x128xf32, #tpu.memory_space<vmem_shared>> -> memref<64x128xf32, #tpu.memory_space<vmem_shared>>
      tpu.enqueue_dma source(%dma_start3A_73 : memref<64x128xf32, #tpu.memory_space<vmem_shared>>) target(%arg8 : memref<64x128xf32, #tpu.memory_space<vmem>>) target_semaphore(%run_scoped3A : memref<!tpu.dma_semaphore, #tpu.memory_space<semaphore_mem>>)
      %dma_wait3A = arith.constant 0 : i32
      %dma_wait3A_74 = tpu.memref_slice %arg13[%add3A_60, %dma_wait3A] : memref<10240x128xf32, #tpu.memory_space<vmem_shared>> -> memref<64x128xf32, #tpu.memory_space<vmem_shared>>
      %dma_wait3A_75 = arith.constant 0 : i32
      %dma_wait3A_76 = tpu.memref_slice %arg13[%add3A_60, %dma_wait3A_75] : memref<10240x128xf32, #tpu.memory_space<vmem_shared>> -> memref<64x128xf32, #tpu.memory_space<vmem_shared>>
      tpu.wait_dma2 semaphore(%run_scoped3A : memref<!tpu.dma_semaphore, #tpu.memory_space<semaphore_mem>>) src(%dma_wait3A_76 : memref<64x128xf32, #tpu.memory_space<vmem_shared>>) dst(%arg8 : memref<64x128xf32, #tpu.memory_space<vmem>>)
      tpu.yield
    }) : () -> ()
    %add3A_61 = arith.constant 448 : i32
    %add3A_62 = arith.addi %mul3A_4, %add3A_61 : i32
    "tpu.region"() ({
      %run_scoped3A = tpu.sem_alloc : memref<!tpu.dma_semaphore, #tpu.memory_space<semaphore_mem>>
      %dma_start3A = arith.constant 0 : i32
      %dma_start3A_71 = tpu.memref_slice %arg7[%arg0, %add3A_62, %dma_start3A] : memref<2x10240x128xf32, #tpu.memory_space<hbm>> -> memref<1x64x128xf32, #tpu.memory_space<hbm>>
      %dma_start3A_72 = tpu.memref_squeeze %dma_start3A_71 : memref<1x64x128xf32, #tpu.memory_space<hbm>> -> memref<64x128xf32, #tpu.memory_space<hbm>>
      %dma_start3A_73 = arith.constant 0 : i32
      %dma_start3A_74 = tpu.memref_slice %arg7[%arg0, %add3A_62, %dma_start3A_73] : memref<2x10240x128xf32, #tpu.memory_space<hbm>> -> memref<1x64x128xf32, #tpu.memory_space<hbm>>
      %dma_start3A_75 = tpu.memref_squeeze %dma_start3A_74 : memref<1x64x128xf32, #tpu.memory_space<hbm>> -> memref<64x128xf32, #tpu.memory_space<hbm>>
      tpu.enqueue_dma source(%arg8 : memref<64x128xf32, #tpu.memory_space<vmem>>) target(%dma_start3A_75 : memref<64x128xf32, #tpu.memory_space<hbm>>) target_semaphore(%run_scoped3A : memref<!tpu.dma_semaphore, #tpu.memory_space<semaphore_mem>>)
      %dma_wait3A = arith.constant 0 : i32
      %dma_wait3A_76 = tpu.memref_slice %arg7[%arg0, %add3A_62, %dma_wait3A] : memref<2x10240x128xf32, #tpu.memory_space<hbm>> -> memref<1x64x128xf32, #tpu.memory_space<hbm>>
      %dma_wait3A_77 = tpu.memref_squeeze %dma_wait3A_76 : memref<1x64x128xf32, #tpu.memory_space<hbm>> -> memref<64x128xf32, #tpu.memory_space<hbm>>
      %dma_wait3A_78 = arith.constant 0 : i32
      %dma_wait3A_79 = tpu.memref_slice %arg7[%arg0, %add3A_62, %dma_wait3A_78] : memref<2x10240x128xf32, #tpu.memory_space<hbm>> -> memref<1x64x128xf32, #tpu.memory_space<hbm>>
      %dma_wait3A_80 = tpu.memref_squeeze %dma_wait3A_79 : memref<1x64x128xf32, #tpu.memory_space<hbm>> -> memref<64x128xf32, #tpu.memory_space<hbm>>
      tpu.wait_dma2 semaphore(%run_scoped3A : memref<!tpu.dma_semaphore, #tpu.memory_space<semaphore_mem>>) src(%arg8 : memref<64x128xf32, #tpu.memory_space<vmem>>) dst(%dma_wait3A_80 : memref<64x128xf32, #tpu.memory_space<hbm>>)
      tpu.yield
    }) : () -> ()
    %add3A_63 = arith.constant 512 : i32
    %add3A_64 = arith.addi %mul3A_4, %add3A_63 : i32
    "tpu.region"() ({
      %run_scoped3A = tpu.sem_alloc : memref<!tpu.dma_semaphore, #tpu.memory_space<semaphore_mem>>
      %dma_start3A = arith.constant 0 : i32
      %dma_start3A_71 = tpu.memref_slice %arg13[%add3A_64, %dma_start3A] : memref<10240x128xf32, #tpu.memory_space<vmem_shared>> -> memref<64x128xf32, #tpu.memory_space<vmem_shared>>
      %dma_start3A_72 = arith.constant 0 : i32
      %dma_start3A_73 = tpu.memref_slice %arg13[%add3A_64, %dma_start3A_72] : memref<10240x128xf32, #tpu.memory_space<vmem_shared>> -> memref<64x128xf32, #tpu.memory_space<vmem_shared>>
      tpu.enqueue_dma source(%dma_start3A_73 : memref<64x128xf32, #tpu.memory_space<vmem_shared>>) target(%arg8 : memref<64x128xf32, #tpu.memory_space<vmem>>) target_semaphore(%run_scoped3A : memref<!tpu.dma_semaphore, #tpu.memory_space<semaphore_mem>>)
      %dma_wait3A = arith.constant 0 : i32
      %dma_wait3A_74 = tpu.memref_slice %arg13[%add3A_64, %dma_wait3A] : memref<10240x128xf32, #tpu.memory_space<vmem_shared>> -> memref<64x128xf32, #tpu.memory_space<vmem_shared>>
      %dma_wait3A_75 = arith.constant 0 : i32
      %dma_wait3A_76 = tpu.memref_slice %arg13[%add3A_64, %dma_wait3A_75] : memref<10240x128xf32, #tpu.memory_space<vmem_shared>> -> memref<64x128xf32, #tpu.memory_space<vmem_shared>>
      tpu.wait_dma2 semaphore(%run_scoped3A : memref<!tpu.dma_semaphore, #tpu.memory_space<semaphore_mem>>) src(%dma_wait3A_76 : memref<64x128xf32, #tpu.memory_space<vmem_shared>>) dst(%arg8 : memref<64x128xf32, #tpu.memory_space<vmem>>)
      tpu.yield
    }) : () -> ()
    %add3A_65 = arith.constant 512 : i32
    %add3A_66 = arith.addi %mul3A_4, %add3A_65 : i32
    "tpu.region"() ({
      %run_scoped3A = tpu.sem_alloc : memref<!tpu.dma_semaphore, #tpu.memory_space<semaphore_mem>>
      %dma_start3A = arith.constant 0 : i32
      %dma_start3A_71 = tpu.memref_slice %arg7[%arg0, %add3A_66, %dma_start3A] : memref<2x10240x128xf32, #tpu.memory_space<hbm>> -> memref<1x64x128xf32, #tpu.memory_space<hbm>>
      %dma_start3A_72 = tpu.memref_squeeze %dma_start3A_71 : memref<1x64x128xf32, #tpu.memory_space<hbm>> -> memref<64x128xf32, #tpu.memory_space<hbm>>
      %dma_start3A_73 = arith.constant 0 : i32
      %dma_start3A_74 = tpu.memref_slice %arg7[%arg0, %add3A_66, %dma_start3A_73] : memref<2x10240x128xf32, #tpu.memory_space<hbm>> -> memref<1x64x128xf32, #tpu.memory_space<hbm>>
      %dma_start3A_75 = tpu.memref_squeeze %dma_start3A_74 : memref<1x64x128xf32, #tpu.memory_space<hbm>> -> memref<64x128xf32, #tpu.memory_space<hbm>>
      tpu.enqueue_dma source(%arg8 : memref<64x128xf32, #tpu.memory_space<vmem>>) target(%dma_start3A_75 : memref<64x128xf32, #tpu.memory_space<hbm>>) target_semaphore(%run_scoped3A : memref<!tpu.dma_semaphore, #tpu.memory_space<semaphore_mem>>)
      %dma_wait3A = arith.constant 0 : i32
      %dma_wait3A_76 = tpu.memref_slice %arg7[%arg0, %add3A_66, %dma_wait3A] : memref<2x10240x128xf32, #tpu.memory_space<hbm>> -> memref<1x64x128xf32, #tpu.memory_space<hbm>>
      %dma_wait3A_77 = tpu.memref_squeeze %dma_wait3A_76 : memref<1x64x128xf32, #tpu.memory_space<hbm>> -> memref<64x128xf32, #tpu.memory_space<hbm>>
      %dma_wait3A_78 = arith.constant 0 : i32
      %dma_wait3A_79 = tpu.memref_slice %arg7[%arg0, %add3A_66, %dma_wait3A_78] : memref<2x10240x128xf32, #tpu.memory_space<hbm>> -> memref<1x64x128xf32, #tpu.memory_space<hbm>>
      %dma_wait3A_80 = tpu.memref_squeeze %dma_wait3A_79 : memref<1x64x128xf32, #tpu.memory_space<hbm>> -> memref<64x128xf32, #tpu.memory_space<hbm>>
      tpu.wait_dma2 semaphore(%run_scoped3A : memref<!tpu.dma_semaphore, #tpu.memory_space<semaphore_mem>>) src(%arg8 : memref<64x128xf32, #tpu.memory_space<vmem>>) dst(%dma_wait3A_80 : memref<64x128xf32, #tpu.memory_space<hbm>>)
      tpu.yield
    }) : () -> ()
    %add3A_67 = arith.constant 576 : i32
    %add3A_68 = arith.addi %mul3A_4, %add3A_67 : i32
    "tpu.region"() ({
      %run_scoped3A = tpu.sem_alloc : memref<!tpu.dma_semaphore, #tpu.memory_space<semaphore_mem>>
      %dma_start3A = arith.constant 0 : i32
      %dma_start3A_71 = tpu.memref_slice %arg13[%add3A_68, %dma_start3A] : memref<10240x128xf32, #tpu.memory_space<vmem_shared>> -> memref<64x128xf32, #tpu.memory_space<vmem_shared>>
      %dma_start3A_72 = arith.constant 0 : i32
      %dma_start3A_73 = tpu.memref_slice %arg13[%add3A_68, %dma_start3A_72] : memref<10240x128xf32, #tpu.memory_space<vmem_shared>> -> memref<64x128xf32, #tpu.memory_space<vmem_shared>>
      tpu.enqueue_dma source(%dma_start3A_73 : memref<64x128xf32, #tpu.memory_space<vmem_shared>>) target(%arg8 : memref<64x128xf32, #tpu.memory_space<vmem>>) target_semaphore(%run_scoped3A : memref<!tpu.dma_semaphore, #tpu.memory_space<semaphore_mem>>)
      %dma_wait3A = arith.constant 0 : i32
      %dma_wait3A_74 = tpu.memref_slice %arg13[%add3A_68, %dma_wait3A] : memref<10240x128xf32, #tpu.memory_space<vmem_shared>> -> memref<64x128xf32, #tpu.memory_space<vmem_shared>>
      %dma_wait3A_75 = arith.constant 0 : i32
      %dma_wait3A_76 = tpu.memref_slice %arg13[%add3A_68, %dma_wait3A_75] : memref<10240x128xf32, #tpu.memory_space<vmem_shared>> -> memref<64x128xf32, #tpu.memory_space<vmem_shared>>
      tpu.wait_dma2 semaphore(%run_scoped3A : memref<!tpu.dma_semaphore, #tpu.memory_space<semaphore_mem>>) src(%dma_wait3A_76 : memref<64x128xf32, #tpu.memory_space<vmem_shared>>) dst(%arg8 : memref<64x128xf32, #tpu.memory_space<vmem>>)
      tpu.yield
    }) : () -> ()
    %add3A_69 = arith.constant 576 : i32
    %add3A_70 = arith.addi %mul3A_4, %add3A_69 : i32
    "tpu.region"() ({
      %run_scoped3A = tpu.sem_alloc : memref<!tpu.dma_semaphore, #tpu.memory_space<semaphore_mem>>
      %dma_start3A = arith.constant 0 : i32
      %dma_start3A_71 = tpu.memref_slice %arg7[%arg0, %add3A_70, %dma_start3A] : memref<2x10240x128xf32, #tpu.memory_space<hbm>> -> memref<1x64x128xf32, #tpu.memory_space<hbm>>
      %dma_start3A_72 = tpu.memref_squeeze %dma_start3A_71 : memref<1x64x128xf32, #tpu.memory_space<hbm>> -> memref<64x128xf32, #tpu.memory_space<hbm>>
      %dma_start3A_73 = arith.constant 0 : i32
      %dma_start3A_74 = tpu.memref_slice %arg7[%arg0, %add3A_70, %dma_start3A_73] : memref<2x10240x128xf32, #tpu.memory_space<hbm>> -> memref<1x64x128xf32, #tpu.memory_space<hbm>>
      %dma_start3A_75 = tpu.memref_squeeze %dma_start3A_74 : memref<1x64x128xf32, #tpu.memory_space<hbm>> -> memref<64x128xf32, #tpu.memory_space<hbm>>
      tpu.enqueue_dma source(%arg8 : memref<64x128xf32, #tpu.memory_space<vmem>>) target(%dma_start3A_75 : memref<64x128xf32, #tpu.memory_space<hbm>>) target_semaphore(%run_scoped3A : memref<!tpu.dma_semaphore, #tpu.memory_space<semaphore_mem>>)
      %dma_wait3A = arith.constant 0 : i32
      %dma_wait3A_76 = tpu.memref_slice %arg7[%arg0, %add3A_70, %dma_wait3A] : memref<2x10240x128xf32, #tpu.memory_space<hbm>> -> memref<1x64x128xf32, #tpu.memory_space<hbm>>
      %dma_wait3A_77 = tpu.memref_squeeze %dma_wait3A_76 : memref<1x64x128xf32, #tpu.memory_space<hbm>> -> memref<64x128xf32, #tpu.memory_space<hbm>>
      %dma_wait3A_78 = arith.constant 0 : i32
      %dma_wait3A_79 = tpu.memref_slice %arg7[%arg0, %add3A_70, %dma_wait3A_78] : memref<2x10240x128xf32, #tpu.memory_space<hbm>> -> memref<1x64x128xf32, #tpu.memory_space<hbm>>
      %dma_wait3A_80 = tpu.memref_squeeze %dma_wait3A_79 : memref<1x64x128xf32, #tpu.memory_space<hbm>> -> memref<64x128xf32, #tpu.memory_space<hbm>>
      tpu.wait_dma2 semaphore(%run_scoped3A : memref<!tpu.dma_semaphore, #tpu.memory_space<semaphore_mem>>) src(%arg8 : memref<64x128xf32, #tpu.memory_space<vmem>>) dst(%dma_wait3A_80 : memref<64x128xf32, #tpu.memory_space<hbm>>)
      tpu.yield
    }) : () -> ()
    return
  }
}

#map = affine_map<(d0, d1) -> (0, 0)>
#map1 = affine_map<(d0, d1) -> (0)>
#map2 = affine_map<(d0, d1) -> (0, 0, 0)>
module attributes {stable_mosaic.version = 14 : i64} {
  func.func @_sc_scatter_body(%arg0: i32, %arg1: i32, %arg2: memref<80000x128xf32, #tpu.memory_space<hbm>>, %arg3: memref<160000xi32, #tpu.memory_space<hbm>>, %arg4: memref<160000xi32, #tpu.memory_space<hbm>>, %arg5: memref<160000x16xf32, #tpu.memory_space<hbm>>, %arg6: memref<64x128xf32, #tpu.memory_space<hbm>>, %arg7: memref<2x10240x128xf32, #tpu.memory_space<hbm>>, %arg8: memref<64x128xf32, #tpu.memory_space<vmem>>, %arg9: memref<40x128xf32, #tpu.memory_space<vmem>>, %arg10: memref<40xi32, #tpu.memory_space<vmem>>, %arg11: memref<40xi32, #tpu.memory_space<vmem>>, %arg12: memref<40x16xf32, #tpu.memory_space<vmem>>, %arg13: memref<10240x128xf32, #tpu.memory_space<vmem_shared>>, %arg14: memref<!tpu.dma_semaphore, #tpu.memory_space<semaphore_mem>>) attributes {dimension_semantics = [#tpu.dimension_semantics<core_parallel>, #tpu.dimension_semantics<subcore_parallel>], iteration_bounds = array<i64: 2, 16>, scalar_prefetch = 0 : i64, scratch_operands = 7 : i64, tpu.core_type = #tpu.core_type<sc_vector_subcore>, window_params = [{transform_indices = #map}, {transform_indices = #map1}, {transform_indices = #map1}, {transform_indices = #map}, {transform_indices = #map}, {transform_indices = #map2}]} {
    %mul3A = arith.constant 16 : i32
    %mul3A_0 = arith.muli %arg0, %mul3A : i32
    %add3A = arith.addi %mul3A_0, %arg1 : i32
    %mul3A_1 = arith.constant 5000 : i32
    %mul3A_2 = arith.muli %add3A, %mul3A_1 : i32
    %mul3A_3 = arith.constant 640 : i32
    %mul3A_4 = arith.muli %arg1, %mul3A_3 : i32
    "tpu.region"() ({
      %run_scoped3A = tpu.sem_alloc : memref<!tpu.dma_semaphore, #tpu.memory_space<semaphore_mem>>
      tpu.enqueue_dma source(%arg6 : memref<64x128xf32, #tpu.memory_space<hbm>>) target(%arg8 : memref<64x128xf32, #tpu.memory_space<vmem>>) target_semaphore(%run_scoped3A : memref<!tpu.dma_semaphore, #tpu.memory_space<semaphore_mem>>)
      tpu.wait_dma2 semaphore(%run_scoped3A : memref<!tpu.dma_semaphore, #tpu.memory_space<semaphore_mem>>) src(%arg6 : memref<64x128xf32, #tpu.memory_space<hbm>>) dst(%arg8 : memref<64x128xf32, #tpu.memory_space<vmem>>)
      tpu.yield
    }) : () -> ()
    %add3A_5 = arith.constant 0 : i32
    %add3A_6 = arith.addi %mul3A_4, %add3A_5 : i32
    "tpu.region"() ({
      %run_scoped3A = tpu.sem_alloc : memref<!tpu.dma_semaphore, #tpu.memory_space<semaphore_mem>>
      %dma_start3A = arith.constant 0 : i32
      %dma_start3A_71 = tpu.memref_slice %arg13[%add3A_6, %dma_start3A] : memref<10240x128xf32, #tpu.memory_space<vmem_shared>> -> memref<64x128xf32, #tpu.memory_space<vmem_shared>>
      %dma_start3A_72 = arith.constant 0 : i32
      %dma_start3A_73 = tpu.memref_slice %arg13[%add3A_6, %dma_start3A_72] : memref<10240x128xf32, #tpu.memory_space<vmem_shared>> -> memref<64x128xf32, #tpu.memory_space<vmem_shared>>
      tpu.enqueue_dma source(%arg8 : memref<64x128xf32, #tpu.memory_space<vmem>>) target(%dma_start3A_73 : memref<64x128xf32, #tpu.memory_space<vmem_shared>>) target_semaphore(%run_scoped3A : memref<!tpu.dma_semaphore, #tpu.memory_space<semaphore_mem>>)
      %dma_wait3A = arith.constant 0 : i32
      %dma_wait3A_74 = tpu.memref_slice %arg13[%add3A_6, %dma_wait3A] : memref<10240x128xf32, #tpu.memory_space<vmem_shared>> -> memref<64x128xf32, #tpu.memory_space<vmem_shared>>
      %dma_wait3A_75 = arith.constant 0 : i32
      %dma_wait3A_76 = tpu.memref_slice %arg13[%add3A_6, %dma_wait3A_75] : memref<10240x128xf32, #tpu.memory_space<vmem_shared>> -> memref<64x128xf32, #tpu.memory_space<vmem_shared>>
      tpu.wait_dma2 semaphore(%run_scoped3A : memref<!tpu.dma_semaphore, #tpu.memory_space<semaphore_mem>>) src(%arg8 : memref<64x128xf32, #tpu.memory_space<vmem>>) dst(%dma_wait3A_76 : memref<64x128xf32, #tpu.memory_space<vmem_shared>>)
      tpu.yield
    }) : () -> ()
    %add3A_7 = arith.constant 64 : i32
    %add3A_8 = arith.addi %mul3A_4, %add3A_7 : i32
    "tpu.region"() ({
      %run_scoped3A = tpu.sem_alloc : memref<!tpu.dma_semaphore, #tpu.memory_space<semaphore_mem>>
      %dma_start3A = arith.constant 0 : i32
      %dma_start3A_71 = tpu.memref_slice %arg13[%add3A_8, %dma_start3A] : memref<10240x128xf32, #tpu.memory_space<vmem_shared>> -> memref<64x128xf32, #tpu.memory_space<vmem_shared>>
      %dma_start3A_72 = arith.constant 0 : i32
      %dma_start3A_73 = tpu.memref_slice %arg13[%add3A_8, %dma_start3A_72] : memref<10240x128xf32, #tpu.memory_space<vmem_shared>> -> memref<64x128xf32, #tpu.memory_space<vmem_shared>>
      tpu.enqueue_dma source(%arg8 : memref<64x128xf32, #tpu.memory_space<vmem>>) target(%dma_start3A_73 : memref<64x128xf32, #tpu.memory_space<vmem_shared>>) target_semaphore(%run_scoped3A : memref<!tpu.dma_semaphore, #tpu.memory_space<semaphore_mem>>)
      %dma_wait3A = arith.constant 0 : i32
      %dma_wait3A_74 = tpu.memref_slice %arg13[%add3A_8, %dma_wait3A] : memref<10240x128xf32, #tpu.memory_space<vmem_shared>> -> memref<64x128xf32, #tpu.memory_space<vmem_shared>>
      %dma_wait3A_75 = arith.constant 0 : i32
      %dma_wait3A_76 = tpu.memref_slice %arg13[%add3A_8, %dma_wait3A_75] : memref<10240x128xf32, #tpu.memory_space<vmem_shared>> -> memref<64x128xf32, #tpu.memory_space<vmem_shared>>
      tpu.wait_dma2 semaphore(%run_scoped3A : memref<!tpu.dma_semaphore, #tpu.memory_space<semaphore_mem>>) src(%arg8 : memref<64x128xf32, #tpu.memory_space<vmem>>) dst(%dma_wait3A_76 : memref<64x128xf32, #tpu.memory_space<vmem_shared>>)
      tpu.yield
    }) : () -> ()
    %add3A_9 = arith.constant 128 : i32
    %add3A_10 = arith.addi %mul3A_4, %add3A_9 : i32
    "tpu.region"() ({
      %run_scoped3A = tpu.sem_alloc : memref<!tpu.dma_semaphore, #tpu.memory_space<semaphore_mem>>
      %dma_start3A = arith.constant 0 : i32
      %dma_start3A_71 = tpu.memref_slice %arg13[%add3A_10, %dma_start3A] : memref<10240x128xf32, #tpu.memory_space<vmem_shared>> -> memref<64x128xf32, #tpu.memory_space<vmem_shared>>
      %dma_start3A_72 = arith.constant 0 : i32
      %dma_start3A_73 = tpu.memref_slice %arg13[%add3A_10, %dma_start3A_72] : memref<10240x128xf32, #tpu.memory_space<vmem_shared>> -> memref<64x128xf32, #tpu.memory_space<vmem_shared>>
      tpu.enqueue_dma source(%arg8 : memref<64x128xf32, #tpu.memory_space<vmem>>) target(%dma_start3A_73 : memref<64x128xf32, #tpu.memory_space<vmem_shared>>) target_semaphore(%run_scoped3A : memref<!tpu.dma_semaphore, #tpu.memory_space<semaphore_mem>>)
      %dma_wait3A = arith.constant 0 : i32
      %dma_wait3A_74 = tpu.memref_slice %arg13[%add3A_10, %dma_wait3A] : memref<10240x128xf32, #tpu.memory_space<vmem_shared>> -> memref<64x128xf32, #tpu.memory_space<vmem_shared>>
      %dma_wait3A_75 = arith.constant 0 : i32
      %dma_wait3A_76 = tpu.memref_slice %arg13[%add3A_10, %dma_wait3A_75] : memref<10240x128xf32, #tpu.memory_space<vmem_shared>> -> memref<64x128xf32, #tpu.memory_space<vmem_shared>>
      tpu.wait_dma2 semaphore(%run_scoped3A : memref<!tpu.dma_semaphore, #tpu.memory_space<semaphore_mem>>) src(%arg8 : memref<64x128xf32, #tpu.memory_space<vmem>>) dst(%dma_wait3A_76 : memref<64x128xf32, #tpu.memory_space<vmem_shared>>)
      tpu.yield
    }) : () -> ()
    %add3A_11 = arith.constant 192 : i32
    %add3A_12 = arith.addi %mul3A_4, %add3A_11 : i32
    "tpu.region"() ({
      %run_scoped3A = tpu.sem_alloc : memref<!tpu.dma_semaphore, #tpu.memory_space<semaphore_mem>>
      %dma_start3A = arith.constant 0 : i32
      %dma_start3A_71 = tpu.memref_slice %arg13[%add3A_12, %dma_start3A] : memref<10240x128xf32, #tpu.memory_space<vmem_shared>> -> memref<64x128xf32, #tpu.memory_space<vmem_shared>>
      %dma_start3A_72 = arith.constant 0 : i32
      %dma_start3A_73 = tpu.memref_slice %arg13[%add3A_12, %dma_start3A_72] : memref<10240x128xf32, #tpu.memory_space<vmem_shared>> -> memref<64x128xf32, #tpu.memory_space<vmem_shared>>
      tpu.enqueue_dma source(%arg8 : memref<64x128xf32, #tpu.memory_space<vmem>>) target(%dma_start3A_73 : memref<64x128xf32, #tpu.memory_space<vmem_shared>>) target_semaphore(%run_scoped3A : memref<!tpu.dma_semaphore, #tpu.memory_space<semaphore_mem>>)
      %dma_wait3A = arith.constant 0 : i32
      %dma_wait3A_74 = tpu.memref_slice %arg13[%add3A_12, %dma_wait3A] : memref<10240x128xf32, #tpu.memory_space<vmem_shared>> -> memref<64x128xf32, #tpu.memory_space<vmem_shared>>
      %dma_wait3A_75 = arith.constant 0 : i32
      %dma_wait3A_76 = tpu.memref_slice %arg13[%add3A_12, %dma_wait3A_75] : memref<10240x128xf32, #tpu.memory_space<vmem_shared>> -> memref<64x128xf32, #tpu.memory_space<vmem_shared>>
      tpu.wait_dma2 semaphore(%run_scoped3A : memref<!tpu.dma_semaphore, #tpu.memory_space<semaphore_mem>>) src(%arg8 : memref<64x128xf32, #tpu.memory_space<vmem>>) dst(%dma_wait3A_76 : memref<64x128xf32, #tpu.memory_space<vmem_shared>>)
      tpu.yield
    }) : () -> ()
    %add3A_13 = arith.constant 256 : i32
    %add3A_14 = arith.addi %mul3A_4, %add3A_13 : i32
    "tpu.region"() ({
      %run_scoped3A = tpu.sem_alloc : memref<!tpu.dma_semaphore, #tpu.memory_space<semaphore_mem>>
      %dma_start3A = arith.constant 0 : i32
      %dma_start3A_71 = tpu.memref_slice %arg13[%add3A_14, %dma_start3A] : memref<10240x128xf32, #tpu.memory_space<vmem_shared>> -> memref<64x128xf32, #tpu.memory_space<vmem_shared>>
      %dma_start3A_72 = arith.constant 0 : i32
      %dma_start3A_73 = tpu.memref_slice %arg13[%add3A_14, %dma_start3A_72] : memref<10240x128xf32, #tpu.memory_space<vmem_shared>> -> memref<64x128xf32, #tpu.memory_space<vmem_shared>>
      tpu.enqueue_dma source(%arg8 : memref<64x128xf32, #tpu.memory_space<vmem>>) target(%dma_start3A_73 : memref<64x128xf32, #tpu.memory_space<vmem_shared>>) target_semaphore(%run_scoped3A : memref<!tpu.dma_semaphore, #tpu.memory_space<semaphore_mem>>)
      %dma_wait3A = arith.constant 0 : i32
      %dma_wait3A_74 = tpu.memref_slice %arg13[%add3A_14, %dma_wait3A] : memref<10240x128xf32, #tpu.memory_space<vmem_shared>> -> memref<64x128xf32, #tpu.memory_space<vmem_shared>>
      %dma_wait3A_75 = arith.constant 0 : i32
      %dma_wait3A_76 = tpu.memref_slice %arg13[%add3A_14, %dma_wait3A_75] : memref<10240x128xf32, #tpu.memory_space<vmem_shared>> -> memref<64x128xf32, #tpu.memory_space<vmem_shared>>
      tpu.wait_dma2 semaphore(%run_scoped3A : memref<!tpu.dma_semaphore, #tpu.memory_space<semaphore_mem>>) src(%arg8 : memref<64x128xf32, #tpu.memory_space<vmem>>) dst(%dma_wait3A_76 : memref<64x128xf32, #tpu.memory_space<vmem_shared>>)
      tpu.yield
    }) : () -> ()
    %add3A_15 = arith.constant 320 : i32
    %add3A_16 = arith.addi %mul3A_4, %add3A_15 : i32
    "tpu.region"() ({
      %run_scoped3A = tpu.sem_alloc : memref<!tpu.dma_semaphore, #tpu.memory_space<semaphore_mem>>
      %dma_start3A = arith.constant 0 : i32
      %dma_start3A_71 = tpu.memref_slice %arg13[%add3A_16, %dma_start3A] : memref<10240x128xf32, #tpu.memory_space<vmem_shared>> -> memref<64x128xf32, #tpu.memory_space<vmem_shared>>
      %dma_start3A_72 = arith.constant 0 : i32
      %dma_start3A_73 = tpu.memref_slice %arg13[%add3A_16, %dma_start3A_72] : memref<10240x128xf32, #tpu.memory_space<vmem_shared>> -> memref<64x128xf32, #tpu.memory_space<vmem_shared>>
      tpu.enqueue_dma source(%arg8 : memref<64x128xf32, #tpu.memory_space<vmem>>) target(%dma_start3A_73 : memref<64x128xf32, #tpu.memory_space<vmem_shared>>) target_semaphore(%run_scoped3A : memref<!tpu.dma_semaphore, #tpu.memory_space<semaphore_mem>>)
      %dma_wait3A = arith.constant 0 : i32
      %dma_wait3A_74 = tpu.memref_slice %arg13[%add3A_16, %dma_wait3A] : memref<10240x128xf32, #tpu.memory_space<vmem_shared>> -> memref<64x128xf32, #tpu.memory_space<vmem_shared>>
      %dma_wait3A_75 = arith.constant 0 : i32
      %dma_wait3A_76 = tpu.memref_slice %arg13[%add3A_16, %dma_wait3A_75] : memref<10240x128xf32, #tpu.memory_space<vmem_shared>> -> memref<64x128xf32, #tpu.memory_space<vmem_shared>>
      tpu.wait_dma2 semaphore(%run_scoped3A : memref<!tpu.dma_semaphore, #tpu.memory_space<semaphore_mem>>) src(%arg8 : memref<64x128xf32, #tpu.memory_space<vmem>>) dst(%dma_wait3A_76 : memref<64x128xf32, #tpu.memory_space<vmem_shared>>)
      tpu.yield
    }) : () -> ()
    %add3A_17 = arith.constant 384 : i32
    %add3A_18 = arith.addi %mul3A_4, %add3A_17 : i32
    "tpu.region"() ({
      %run_scoped3A = tpu.sem_alloc : memref<!tpu.dma_semaphore, #tpu.memory_space<semaphore_mem>>
      %dma_start3A = arith.constant 0 : i32
      %dma_start3A_71 = tpu.memref_slice %arg13[%add3A_18, %dma_start3A] : memref<10240x128xf32, #tpu.memory_space<vmem_shared>> -> memref<64x128xf32, #tpu.memory_space<vmem_shared>>
      %dma_start3A_72 = arith.constant 0 : i32
      %dma_start3A_73 = tpu.memref_slice %arg13[%add3A_18, %dma_start3A_72] : memref<10240x128xf32, #tpu.memory_space<vmem_shared>> -> memref<64x128xf32, #tpu.memory_space<vmem_shared>>
      tpu.enqueue_dma source(%arg8 : memref<64x128xf32, #tpu.memory_space<vmem>>) target(%dma_start3A_73 : memref<64x128xf32, #tpu.memory_space<vmem_shared>>) target_semaphore(%run_scoped3A : memref<!tpu.dma_semaphore, #tpu.memory_space<semaphore_mem>>)
      %dma_wait3A = arith.constant 0 : i32
      %dma_wait3A_74 = tpu.memref_slice %arg13[%add3A_18, %dma_wait3A] : memref<10240x128xf32, #tpu.memory_space<vmem_shared>> -> memref<64x128xf32, #tpu.memory_space<vmem_shared>>
      %dma_wait3A_75 = arith.constant 0 : i32
      %dma_wait3A_76 = tpu.memref_slice %arg13[%add3A_18, %dma_wait3A_75] : memref<10240x128xf32, #tpu.memory_space<vmem_shared>> -> memref<64x128xf32, #tpu.memory_space<vmem_shared>>
      tpu.wait_dma2 semaphore(%run_scoped3A : memref<!tpu.dma_semaphore, #tpu.memory_space<semaphore_mem>>) src(%arg8 : memref<64x128xf32, #tpu.memory_space<vmem>>) dst(%dma_wait3A_76 : memref<64x128xf32, #tpu.memory_space<vmem_shared>>)
      tpu.yield
    }) : () -> ()
    %add3A_19 = arith.constant 448 : i32
    %add3A_20 = arith.addi %mul3A_4, %add3A_19 : i32
    "tpu.region"() ({
      %run_scoped3A = tpu.sem_alloc : memref<!tpu.dma_semaphore, #tpu.memory_space<semaphore_mem>>
      %dma_start3A = arith.constant 0 : i32
      %dma_start3A_71 = tpu.memref_slice %arg13[%add3A_20, %dma_start3A] : memref<10240x128xf32, #tpu.memory_space<vmem_shared>> -> memref<64x128xf32, #tpu.memory_space<vmem_shared>>
      %dma_start3A_72 = arith.constant 0 : i32
      %dma_start3A_73 = tpu.memref_slice %arg13[%add3A_20, %dma_start3A_72] : memref<10240x128xf32, #tpu.memory_space<vmem_shared>> -> memref<64x128xf32, #tpu.memory_space<vmem_shared>>
      tpu.enqueue_dma source(%arg8 : memref<64x128xf32, #tpu.memory_space<vmem>>) target(%dma_start3A_73 : memref<64x128xf32, #tpu.memory_space<vmem_shared>>) target_semaphore(%run_scoped3A : memref<!tpu.dma_semaphore, #tpu.memory_space<semaphore_mem>>)
      %dma_wait3A = arith.constant 0 : i32
      %dma_wait3A_74 = tpu.memref_slice %arg13[%add3A_20, %dma_wait3A] : memref<10240x128xf32, #tpu.memory_space<vmem_shared>> -> memref<64x128xf32, #tpu.memory_space<vmem_shared>>
      %dma_wait3A_75 = arith.constant 0 : i32
      %dma_wait3A_76 = tpu.memref_slice %arg13[%add3A_20, %dma_wait3A_75] : memref<10240x128xf32, #tpu.memory_space<vmem_shared>> -> memref<64x128xf32, #tpu.memory_space<vmem_shared>>
      tpu.wait_dma2 semaphore(%run_scoped3A : memref<!tpu.dma_semaphore, #tpu.memory_space<semaphore_mem>>) src(%arg8 : memref<64x128xf32, #tpu.memory_space<vmem>>) dst(%dma_wait3A_76 : memref<64x128xf32, #tpu.memory_space<vmem_shared>>)
      tpu.yield
    }) : () -> ()
    %add3A_21 = arith.constant 512 : i32
    %add3A_22 = arith.addi %mul3A_4, %add3A_21 : i32
    "tpu.region"() ({
      %run_scoped3A = tpu.sem_alloc : memref<!tpu.dma_semaphore, #tpu.memory_space<semaphore_mem>>
      %dma_start3A = arith.constant 0 : i32
      %dma_start3A_71 = tpu.memref_slice %arg13[%add3A_22, %dma_start3A] : memref<10240x128xf32, #tpu.memory_space<vmem_shared>> -> memref<64x128xf32, #tpu.memory_space<vmem_shared>>
      %dma_start3A_72 = arith.constant 0 : i32
      %dma_start3A_73 = tpu.memref_slice %arg13[%add3A_22, %dma_start3A_72] : memref<10240x128xf32, #tpu.memory_space<vmem_shared>> -> memref<64x128xf32, #tpu.memory_space<vmem_shared>>
      tpu.enqueue_dma source(%arg8 : memref<64x128xf32, #tpu.memory_space<vmem>>) target(%dma_start3A_73 : memref<64x128xf32, #tpu.memory_space<vmem_shared>>) target_semaphore(%run_scoped3A : memref<!tpu.dma_semaphore, #tpu.memory_space<semaphore_mem>>)
      %dma_wait3A = arith.constant 0 : i32
      %dma_wait3A_74 = tpu.memref_slice %arg13[%add3A_22, %dma_wait3A] : memref<10240x128xf32, #tpu.memory_space<vmem_shared>> -> memref<64x128xf32, #tpu.memory_space<vmem_shared>>
      %dma_wait3A_75 = arith.constant 0 : i32
      %dma_wait3A_76 = tpu.memref_slice %arg13[%add3A_22, %dma_wait3A_75] : memref<10240x128xf32, #tpu.memory_space<vmem_shared>> -> memref<64x128xf32, #tpu.memory_space<vmem_shared>>
      tpu.wait_dma2 semaphore(%run_scoped3A : memref<!tpu.dma_semaphore, #tpu.memory_space<semaphore_mem>>) src(%arg8 : memref<64x128xf32, #tpu.memory_space<vmem>>) dst(%dma_wait3A_76 : memref<64x128xf32, #tpu.memory_space<vmem_shared>>)
      tpu.yield
    }) : () -> ()
    %add3A_23 = arith.constant 576 : i32
    %add3A_24 = arith.addi %mul3A_4, %add3A_23 : i32
    "tpu.region"() ({
      %run_scoped3A = tpu.sem_alloc : memref<!tpu.dma_semaphore, #tpu.memory_space<semaphore_mem>>
      %dma_start3A = arith.constant 0 : i32
      %dma_start3A_71 = tpu.memref_slice %arg13[%add3A_24, %dma_start3A] : memref<10240x128xf32, #tpu.memory_space<vmem_shared>> -> memref<64x128xf32, #tpu.memory_space<vmem_shared>>
      %dma_start3A_72 = arith.constant 0 : i32
      %dma_start3A_73 = tpu.memref_slice %arg13[%add3A_24, %dma_start3A_72] : memref<10240x128xf32, #tpu.memory_space<vmem_shared>> -> memref<64x128xf32, #tpu.memory_space<vmem_shared>>
      tpu.enqueue_dma source(%arg8 : memref<64x128xf32, #tpu.memory_space<vmem>>) target(%dma_start3A_73 : memref<64x128xf32, #tpu.memory_space<vmem_shared>>) target_semaphore(%run_scoped3A : memref<!tpu.dma_semaphore, #tpu.memory_space<semaphore_mem>>)
      %dma_wait3A = arith.constant 0 : i32
      %dma_wait3A_74 = tpu.memref_slice %arg13[%add3A_24, %dma_wait3A] : memref<10240x128xf32, #tpu.memory_space<vmem_shared>> -> memref<64x128xf32, #tpu.memory_space<vmem_shared>>
      %dma_wait3A_75 = arith.constant 0 : i32
      %dma_wait3A_76 = tpu.memref_slice %arg13[%add3A_24, %dma_wait3A_75] : memref<10240x128xf32, #tpu.memory_space<vmem_shared>> -> memref<64x128xf32, #tpu.memory_space<vmem_shared>>
      tpu.wait_dma2 semaphore(%run_scoped3A : memref<!tpu.dma_semaphore, #tpu.memory_space<semaphore_mem>>) src(%arg8 : memref<64x128xf32, #tpu.memory_space<vmem>>) dst(%dma_wait3A_76 : memref<64x128xf32, #tpu.memory_space<vmem_shared>>)
      tpu.yield
    }) : () -> ()
    %barrier3A = arith.constant 0 : index
    tpu.barrier barrier_id(%barrier3A)
    %scan3A = arith.constant 0 : i32
    %scan3A_25 = arith.constant 0 : i32
    %scan3A_26 = arith.constant 125 : i32
    %scan3A_27 = arith.addi %scan3A_25, %scan3A_26 : i32
    %scan3A_28 = arith.constant 1 : i32
    scf.for %scan3A_71 = %scan3A_25 to %scan3A_27 step %scan3A_28  : i32 {
      %mul3A_72 = arith.constant 40 : i32
      %mul3A_73 = arith.muli %scan3A_71, %mul3A_72 : i32
      %add3A_74 = arith.addi %mul3A_2, %mul3A_73 : i32
      "tpu.region"() ({
        %run_scoped3A = tpu.sem_alloc : memref<!tpu.dma_semaphore, #tpu.memory_space<semaphore_mem>>
        %dma_start3A_85 = tpu.memref_slice %arg3[%add3A_74] : memref<160000xi32, #tpu.memory_space<hbm>> -> memref<40xi32, #tpu.memory_space<hbm>>
        %dma_start3A_86 = tpu.memref_slice %arg3[%add3A_74] : memref<160000xi32, #tpu.memory_space<hbm>> -> memref<40xi32, #tpu.memory_space<hbm>>
        tpu.enqueue_dma source(%dma_start3A_86 : memref<40xi32, #tpu.memory_space<hbm>>) target(%arg10 : memref<40xi32, #tpu.memory_space<vmem>>) target_semaphore(%run_scoped3A : memref<!tpu.dma_semaphore, #tpu.memory_space<semaphore_mem>>)
        %dma_wait3A_87 = tpu.memref_slice %arg3[%add3A_74] : memref<160000xi32, #tpu.memory_space<hbm>> -> memref<40xi32, #tpu.memory_space<hbm>>
        %dma_wait3A_88 = tpu.memref_slice %arg3[%add3A_74] : memref<160000xi32, #tpu.memory_space<hbm>> -> memref<40xi32, #tpu.memory_space<hbm>>
        tpu.wait_dma2 semaphore(%run_scoped3A : memref<!tpu.dma_semaphore, #tpu.memory_space<semaphore_mem>>) src(%dma_wait3A_88 : memref<40xi32, #tpu.memory_space<hbm>>) dst(%arg10 : memref<40xi32, #tpu.memory_space<vmem>>)
        tpu.yield
      }) : () -> ()
      "tpu.region"() ({
        %run_scoped3A = tpu.sem_alloc : memref<!tpu.dma_semaphore, #tpu.memory_space<semaphore_mem>>
        %dma_start3A_85 = tpu.memref_slice %arg4[%add3A_74] : memref<160000xi32, #tpu.memory_space<hbm>> -> memref<40xi32, #tpu.memory_space<hbm>>
        %dma_start3A_86 = tpu.memref_slice %arg4[%add3A_74] : memref<160000xi32, #tpu.memory_space<hbm>> -> memref<40xi32, #tpu.memory_space<hbm>>
        tpu.enqueue_dma source(%dma_start3A_86 : memref<40xi32, #tpu.memory_space<hbm>>) target(%arg11 : memref<40xi32, #tpu.memory_space<vmem>>) target_semaphore(%run_scoped3A : memref<!tpu.dma_semaphore, #tpu.memory_space<semaphore_mem>>)
        %dma_wait3A_87 = tpu.memref_slice %arg4[%add3A_74] : memref<160000xi32, #tpu.memory_space<hbm>> -> memref<40xi32, #tpu.memory_space<hbm>>
        %dma_wait3A_88 = tpu.memref_slice %arg4[%add3A_74] : memref<160000xi32, #tpu.memory_space<hbm>> -> memref<40xi32, #tpu.memory_space<hbm>>
        tpu.wait_dma2 semaphore(%run_scoped3A : memref<!tpu.dma_semaphore, #tpu.memory_space<semaphore_mem>>) src(%dma_wait3A_88 : memref<40xi32, #tpu.memory_space<hbm>>) dst(%arg11 : memref<40xi32, #tpu.memory_space<vmem>>)
        tpu.yield
      }) : () -> ()
      "tpu.region"() ({
        %run_scoped3A = tpu.sem_alloc : memref<!tpu.dma_semaphore, #tpu.memory_space<semaphore_mem>>
        %dma_start3A_85 = arith.constant 0 : i32
        %dma_start3A_86 = tpu.memref_slice %arg5[%add3A_74, %dma_start3A_85] : memref<160000x16xf32, #tpu.memory_space<hbm>> -> memref<40x16xf32, #tpu.memory_space<hbm>>
        %dma_start3A_87 = arith.constant 0 : i32
        %dma_start3A_88 = tpu.memref_slice %arg5[%add3A_74, %dma_start3A_87] : memref<160000x16xf32, #tpu.memory_space<hbm>> -> memref<40x16xf32, #tpu.memory_space<hbm>>
        tpu.enqueue_dma source(%dma_start3A_88 : memref<40x16xf32, #tpu.memory_space<hbm>>) target(%arg12 : memref<40x16xf32, #tpu.memory_space<vmem>>) target_semaphore(%run_scoped3A : memref<!tpu.dma_semaphore, #tpu.memory_space<semaphore_mem>>)
        %dma_wait3A_89 = arith.constant 0 : i32
        %dma_wait3A_90 = tpu.memref_slice %arg5[%add3A_74, %dma_wait3A_89] : memref<160000x16xf32, #tpu.memory_space<hbm>> -> memref<40x16xf32, #tpu.memory_space<hbm>>
        %dma_wait3A_91 = arith.constant 0 : i32
        %dma_wait3A_92 = tpu.memref_slice %arg5[%add3A_74, %dma_wait3A_91] : memref<160000x16xf32, #tpu.memory_space<hbm>> -> memref<40x16xf32, #tpu.memory_space<hbm>>
        tpu.wait_dma2 semaphore(%run_scoped3A : memref<!tpu.dma_semaphore, #tpu.memory_space<semaphore_mem>>) src(%dma_wait3A_92 : memref<40x16xf32, #tpu.memory_space<hbm>>) dst(%arg12 : memref<40x16xf32, #tpu.memory_space<vmem>>)
        tpu.yield
      }) : () -> ()
      %dma_start3A = arith.constant 0 : i32
      %dma_start3A_75 = arith.constant 0 : i32
      %dma_start3A_76 = tpu.memref_slice %arg2[%dma_start3A, %dma_start3A_75] : memref<80000x128xf32, #tpu.memory_space<hbm>> -> memref<80000x128xf32, #tpu.memory_space<hbm>>
      tpu.enqueue_indirect_dma source(%dma_start3A_76 : memref<80000x128xf32, #tpu.memory_space<hbm>>) target(%arg9 : memref<40x128xf32, #tpu.memory_space<vmem>>) offsets(%arg10 : memref<40xi32, #tpu.memory_space<vmem>>) semaphore(%arg14 : memref<!tpu.dma_semaphore, #tpu.memory_space<semaphore_mem>>)
      %dma_wait3A = arith.constant 0 : i32
      %dma_wait3A_77 = arith.constant 0 : i32
      %dma_wait3A_78 = tpu.memref_slice %arg2[%dma_wait3A, %dma_wait3A_77] : memref<80000x128xf32, #tpu.memory_space<hbm>> -> memref<80000x128xf32, #tpu.memory_space<hbm>>
      tpu.wait_indirect_dma semaphore(%arg14 : memref<!tpu.dma_semaphore, #tpu.memory_space<semaphore_mem>>) src(%dma_wait3A_78 : memref<80000x128xf32, #tpu.memory_space<hbm>>) dst(%arg9 : memref<40x128xf32, #tpu.memory_space<vmem>>)
      %scan3A_79 = arith.constant 0 : i32
      %scan3A_80 = arith.constant 0 : i32
      %scan3A_81 = arith.constant 40 : i32
      %scan3A_82 = arith.addi %scan3A_80, %scan3A_81 : i32
      %scan3A_83 = arith.constant 1 : i32
      scf.for %scan3A_85 = %scan3A_80 to %scan3A_82 step %scan3A_83  : i32 {
        %get3A = arith.index_cast %scan3A_85 : i32 to index
        %get3A_86 = arith.constant 0 : index
        %get3A_87 = tpu.vector_load %arg12[%get3A, %get3A_86] {strides = array<i32>} : memref<40x16xf32, #tpu.memory_space<vmem>>, vector<1x16xf32>,
        %get3A_88 = vector.shape_cast %get3A_87 : vector<1x16xf32> to vector<16xf32>
        %get3A_89 = arith.index_cast %scan3A_85 : i32 to index
        %get3A_90 = arith.constant 0 : index
        %get3A_91 = tpu.vector_load %arg9[%get3A_89, %get3A_90] {strides = array<i32>} : memref<40x128xf32, #tpu.memory_space<vmem>>, vector<1x16xf32>,
        %get3A_92 = vector.shape_cast %get3A_91 : vector<1x16xf32> to vector<16xf32>
        %mul3A_93 = arith.mulf %get3A_92, %get3A_88 : vector<16xf32>
        %swap3A = arith.index_cast %scan3A_85 : i32 to index
        %swap3A_94 = arith.constant 0 : index
        %swap3A_95 = tpu.vector_load %arg9[%swap3A, %swap3A_94] {strides = array<i32>} : memref<40x128xf32, #tpu.memory_space<vmem>>, vector<1x16xf32>,
        %swap3A_96 = vector.shape_cast %swap3A_95 : vector<1x16xf32> to vector<16xf32>
        %swap3A_97 = vector.shape_cast %mul3A_93 : vector<16xf32> to vector<1x16xf32>
        tpu.vector_store %arg9[%swap3A, %swap3A_94], %swap3A_97 {strides = array<i32>} : memref<40x128xf32, #tpu.memory_space<vmem>>, vector<1x16xf32>,
        %get3A_98 = arith.index_cast %scan3A_85 : i32 to index
        %get3A_99 = arith.constant 16 : index
        %get3A_100 = tpu.vector_load %arg9[%get3A_98, %get3A_99] {strides = array<i32>} : memref<40x128xf32, #tpu.memory_space<vmem>>, vector<1x16xf32>,
        %get3A_101 = vector.shape_cast %get3A_100 : vector<1x16xf32> to vector<16xf32>
        %mul3A_102 = arith.mulf %get3A_101, %get3A_88 : vector<16xf32>
        %swap3A_103 = arith.index_cast %scan3A_85 : i32 to index
        %swap3A_104 = arith.constant 16 : index
        %swap3A_105 = tpu.vector_load %arg9[%swap3A_103, %swap3A_104] {strides = array<i32>} : memref<40x128xf32, #tpu.memory_space<vmem>>, vector<1x16xf32>,
        %swap3A_106 = vector.shape_cast %swap3A_105 : vector<1x16xf32> to vector<16xf32>
        %swap3A_107 = vector.shape_cast %mul3A_102 : vector<16xf32> to vector<1x16xf32>
        tpu.vector_store %arg9[%swap3A_103, %swap3A_104], %swap3A_107 {strides = array<i32>} : memref<40x128xf32, #tpu.memory_space<vmem>>, vector<1x16xf32>,
        %get3A_108 = arith.index_cast %scan3A_85 : i32 to index
        %get3A_109 = arith.constant 32 : index
        %get3A_110 = tpu.vector_load %arg9[%get3A_108, %get3A_109] {strides = array<i32>} : memref<40x128xf32, #tpu.memory_space<vmem>>, vector<1x16xf32>,
        %get3A_111 = vector.shape_cast %get3A_110 : vector<1x16xf32> to vector<16xf32>
        %mul3A_112 = arith.mulf %get3A_111, %get3A_88 : vector<16xf32>
        %swap3A_113 = arith.index_cast %scan3A_85 : i32 to index
        %swap3A_114 = arith.constant 32 : index
        %swap3A_115 = tpu.vector_load %arg9[%swap3A_113, %swap3A_114] {strides = array<i32>} : memref<40x128xf32, #tpu.memory_space<vmem>>, vector<1x16xf32>,
        %swap3A_116 = vector.shape_cast %swap3A_115 : vector<1x16xf32> to vector<16xf32>
        %swap3A_117 = vector.shape_cast %mul3A_112 : vector<16xf32> to vector<1x16xf32>
        tpu.vector_store %arg9[%swap3A_113, %swap3A_114], %swap3A_117 {strides = array<i32>} : memref<40x128xf32, #tpu.memory_space<vmem>>, vector<1x16xf32>,
        %get3A_118 = arith.index_cast %scan3A_85 : i32 to index
        %get3A_119 = arith.constant 48 : index
        %get3A_120 = tpu.vector_load %arg9[%get3A_118, %get3A_119] {strides = array<i32>} : memref<40x128xf32, #tpu.memory_space<vmem>>, vector<1x16xf32>,
        %get3A_121 = vector.shape_cast %get3A_120 : vector<1x16xf32> to vector<16xf32>
        %mul3A_122 = arith.mulf %get3A_121, %get3A_88 : vector<16xf32>
        %swap3A_123 = arith.index_cast %scan3A_85 : i32 to index
        %swap3A_124 = arith.constant 48 : index
        %swap3A_125 = tpu.vector_load %arg9[%swap3A_123, %swap3A_124] {strides = array<i32>} : memref<40x128xf32, #tpu.memory_space<vmem>>, vector<1x16xf32>,
        %swap3A_126 = vector.shape_cast %swap3A_125 : vector<1x16xf32> to vector<16xf32>
        %swap3A_127 = vector.shape_cast %mul3A_122 : vector<16xf32> to vector<1x16xf32>
        tpu.vector_store %arg9[%swap3A_123, %swap3A_124], %swap3A_127 {strides = array<i32>} : memref<40x128xf32, #tpu.memory_space<vmem>>, vector<1x16xf32>,
        %get3A_128 = arith.index_cast %scan3A_85 : i32 to index
        %get3A_129 = arith.constant 64 : index
        %get3A_130 = tpu.vector_load %arg9[%get3A_128, %get3A_129] {strides = array<i32>} : memref<40x128xf32, #tpu.memory_space<vmem>>, vector<1x16xf32>,
        %get3A_131 = vector.shape_cast %get3A_130 : vector<1x16xf32> to vector<16xf32>
        %mul3A_132 = arith.mulf %get3A_131, %get3A_88 : vector<16xf32>
        %swap3A_133 = arith.index_cast %scan3A_85 : i32 to index
        %swap3A_134 = arith.constant 64 : index
        %swap3A_135 = tpu.vector_load %arg9[%swap3A_133, %swap3A_134] {strides = array<i32>} : memref<40x128xf32, #tpu.memory_space<vmem>>, vector<1x16xf32>,
        %swap3A_136 = vector.shape_cast %swap3A_135 : vector<1x16xf32> to vector<16xf32>
        %swap3A_137 = vector.shape_cast %mul3A_132 : vector<16xf32> to vector<1x16xf32>
        tpu.vector_store %arg9[%swap3A_133, %swap3A_134], %swap3A_137 {strides = array<i32>} : memref<40x128xf32, #tpu.memory_space<vmem>>, vector<1x16xf32>,
        %get3A_138 = arith.index_cast %scan3A_85 : i32 to index
        %get3A_139 = arith.constant 80 : index
        %get3A_140 = tpu.vector_load %arg9[%get3A_138, %get3A_139] {strides = array<i32>} : memref<40x128xf32, #tpu.memory_space<vmem>>, vector<1x16xf32>,
        %get3A_141 = vector.shape_cast %get3A_140 : vector<1x16xf32> to vector<16xf32>
        %mul3A_142 = arith.mulf %get3A_141, %get3A_88 : vector<16xf32>
        %swap3A_143 = arith.index_cast %scan3A_85 : i32 to index
        %swap3A_144 = arith.constant 80 : index
        %swap3A_145 = tpu.vector_load %arg9[%swap3A_143, %swap3A_144] {strides = array<i32>} : memref<40x128xf32, #tpu.memory_space<vmem>>, vector<1x16xf32>,
        %swap3A_146 = vector.shape_cast %swap3A_145 : vector<1x16xf32> to vector<16xf32>
        %swap3A_147 = vector.shape_cast %mul3A_142 : vector<16xf32> to vector<1x16xf32>
        tpu.vector_store %arg9[%swap3A_143, %swap3A_144], %swap3A_147 {strides = array<i32>} : memref<40x128xf32, #tpu.memory_space<vmem>>, vector<1x16xf32>,
        %get3A_148 = arith.index_cast %scan3A_85 : i32 to index
        %get3A_149 = arith.constant 96 : index
        %get3A_150 = tpu.vector_load %arg9[%get3A_148, %get3A_149] {strides = array<i32>} : memref<40x128xf32, #tpu.memory_space<vmem>>, vector<1x16xf32>,
        %get3A_151 = vector.shape_cast %get3A_150 : vector<1x16xf32> to vector<16xf32>
        %mul3A_152 = arith.mulf %get3A_151, %get3A_88 : vector<16xf32>
        %swap3A_153 = arith.index_cast %scan3A_85 : i32 to index
        %swap3A_154 = arith.constant 96 : index
        %swap3A_155 = tpu.vector_load %arg9[%swap3A_153, %swap3A_154] {strides = array<i32>} : memref<40x128xf32, #tpu.memory_space<vmem>>, vector<1x16xf32>,
        %swap3A_156 = vector.shape_cast %swap3A_155 : vector<1x16xf32> to vector<16xf32>
        %swap3A_157 = vector.shape_cast %mul3A_152 : vector<16xf32> to vector<1x16xf32>
        tpu.vector_store %arg9[%swap3A_153, %swap3A_154], %swap3A_157 {strides = array<i32>} : memref<40x128xf32, #tpu.memory_space<vmem>>, vector<1x16xf32>,
        %get3A_158 = arith.index_cast %scan3A_85 : i32 to index
        %get3A_159 = arith.constant 112 : index
        %get3A_160 = tpu.vector_load %arg9[%get3A_158, %get3A_159] {strides = array<i32>} : memref<40x128xf32, #tpu.memory_space<vmem>>, vector<1x16xf32>,
        %get3A_161 = vector.shape_cast %get3A_160 : vector<1x16xf32> to vector<16xf32>
        %mul3A_162 = arith.mulf %get3A_161, %get3A_88 : vector<16xf32>
        %swap3A_163 = arith.index_cast %scan3A_85 : i32 to index
        %swap3A_164 = arith.constant 112 : index
        %swap3A_165 = tpu.vector_load %arg9[%swap3A_163, %swap3A_164] {strides = array<i32>} : memref<40x128xf32, #tpu.memory_space<vmem>>, vector<1x16xf32>,
        %swap3A_166 = vector.shape_cast %swap3A_165 : vector<1x16xf32> to vector<16xf32>
        %swap3A_167 = vector.shape_cast %mul3A_162 : vector<16xf32> to vector<1x16xf32>
        tpu.vector_store %arg9[%swap3A_163, %swap3A_164], %swap3A_167 {strides = array<i32>} : memref<40x128xf32, #tpu.memory_space<vmem>>, vector<1x16xf32>,
      }
      %scan3A_84 = arith.constant 40 : i32
      "tpu.region"() ({
        %run_scoped3A = tpu.sem_alloc : memref<!tpu.dma_semaphore, #tpu.memory_space<semaphore_mem>>
        %dma_start3A_85 = arith.constant 0 : i32
        %dma_start3A_86 = arith.constant 0 : i32
        %dma_start3A_87 = tpu.memref_slice %arg13[%dma_start3A_85, %dma_start3A_86] : memref<10240x128xf32, #tpu.memory_space<vmem_shared>> -> memref<10240x128xf32, #tpu.memory_space<vmem_shared>>
        tpu.enqueue_indirect_dma source(%arg9 : memref<40x128xf32, #tpu.memory_space<vmem>>) target(%dma_start3A_87 : memref<10240x128xf32, #tpu.memory_space<vmem_shared>>) offsets(%arg11 : memref<40xi32, #tpu.memory_space<vmem>>) semaphore(%run_scoped3A : memref<!tpu.dma_semaphore, #tpu.memory_space<semaphore_mem>>) {add = true}
        %dma_wait3A_88 = arith.constant 0 : i32
        %dma_wait3A_89 = arith.constant 0 : i32
        %dma_wait3A_90 = tpu.memref_slice %arg13[%dma_wait3A_88, %dma_wait3A_89] : memref<10240x128xf32, #tpu.memory_space<vmem_shared>> -> memref<10240x128xf32, #tpu.memory_space<vmem_shared>>
        tpu.wait_indirect_dma semaphore(%run_scoped3A : memref<!tpu.dma_semaphore, #tpu.memory_space<semaphore_mem>>) src(%arg9 : memref<40x128xf32, #tpu.memory_space<vmem>>) dst(%dma_wait3A_90 : memref<10240x128xf32, #tpu.memory_space<vmem_shared>>)
        tpu.yield
      }) : () -> ()
    }
    %scan3A_29 = arith.constant 125 : i32
    %barrier3A_30 = arith.constant 0 : index
    tpu.barrier barrier_id(%barrier3A_30)
    %add3A_31 = arith.constant 0 : i32
    %add3A_32 = arith.addi %mul3A_4, %add3A_31 : i32
    "tpu.region"() ({
      %run_scoped3A = tpu.sem_alloc : memref<!tpu.dma_semaphore, #tpu.memory_space<semaphore_mem>>
      %dma_start3A = arith.constant 0 : i32
      %dma_start3A_71 = tpu.memref_slice %arg13[%add3A_32, %dma_start3A] : memref<10240x128xf32, #tpu.memory_space<vmem_shared>> -> memref<64x128xf32, #tpu.memory_space<vmem_shared>>
      %dma_start3A_72 = arith.constant 0 : i32
      %dma_start3A_73 = tpu.memref_slice %arg13[%add3A_32, %dma_start3A_72] : memref<10240x128xf32, #tpu.memory_space<vmem_shared>> -> memref<64x128xf32, #tpu.memory_space<vmem_shared>>
      tpu.enqueue_dma source(%dma_start3A_73 : memref<64x128xf32, #tpu.memory_space<vmem_shared>>) target(%arg8 : memref<64x128xf32, #tpu.memory_space<vmem>>) target_semaphore(%run_scoped3A : memref<!tpu.dma_semaphore, #tpu.memory_space<semaphore_mem>>)
      %dma_wait3A = arith.constant 0 : i32
      %dma_wait3A_74 = tpu.memref_slice %arg13[%add3A_32, %dma_wait3A] : memref<10240x128xf32, #tpu.memory_space<vmem_shared>> -> memref<64x128xf32, #tpu.memory_space<vmem_shared>>
      %dma_wait3A_75 = arith.constant 0 : i32
      %dma_wait3A_76 = tpu.memref_slice %arg13[%add3A_32, %dma_wait3A_75] : memref<10240x128xf32, #tpu.memory_space<vmem_shared>> -> memref<64x128xf32, #tpu.memory_space<vmem_shared>>
      tpu.wait_dma2 semaphore(%run_scoped3A : memref<!tpu.dma_semaphore, #tpu.memory_space<semaphore_mem>>) src(%dma_wait3A_76 : memref<64x128xf32, #tpu.memory_space<vmem_shared>>) dst(%arg8 : memref<64x128xf32, #tpu.memory_space<vmem>>)
      tpu.yield
    }) : () -> ()
    %add3A_33 = arith.constant 0 : i32
    %add3A_34 = arith.addi %mul3A_4, %add3A_33 : i32
    "tpu.region"() ({
      %run_scoped3A = tpu.sem_alloc : memref<!tpu.dma_semaphore, #tpu.memory_space<semaphore_mem>>
      %dma_start3A = arith.constant 0 : i32
      %dma_start3A_71 = tpu.memref_slice %arg7[%arg0, %add3A_34, %dma_start3A] : memref<2x10240x128xf32, #tpu.memory_space<hbm>> -> memref<1x64x128xf32, #tpu.memory_space<hbm>>
      %dma_start3A_72 = tpu.memref_squeeze %dma_start3A_71 : memref<1x64x128xf32, #tpu.memory_space<hbm>> -> memref<64x128xf32, #tpu.memory_space<hbm>>
      %dma_start3A_73 = arith.constant 0 : i32
      %dma_start3A_74 = tpu.memref_slice %arg7[%arg0, %add3A_34, %dma_start3A_73] : memref<2x10240x128xf32, #tpu.memory_space<hbm>> -> memref<1x64x128xf32, #tpu.memory_space<hbm>>
      %dma_start3A_75 = tpu.memref_squeeze %dma_start3A_74 : memref<1x64x128xf32, #tpu.memory_space<hbm>> -> memref<64x128xf32, #tpu.memory_space<hbm>>
      tpu.enqueue_dma source(%arg8 : memref<64x128xf32, #tpu.memory_space<vmem>>) target(%dma_start3A_75 : memref<64x128xf32, #tpu.memory_space<hbm>>) target_semaphore(%run_scoped3A : memref<!tpu.dma_semaphore, #tpu.memory_space<semaphore_mem>>)
      %dma_wait3A = arith.constant 0 : i32
      %dma_wait3A_76 = tpu.memref_slice %arg7[%arg0, %add3A_34, %dma_wait3A] : memref<2x10240x128xf32, #tpu.memory_space<hbm>> -> memref<1x64x128xf32, #tpu.memory_space<hbm>>
      %dma_wait3A_77 = tpu.memref_squeeze %dma_wait3A_76 : memref<1x64x128xf32, #tpu.memory_space<hbm>> -> memref<64x128xf32, #tpu.memory_space<hbm>>
      %dma_wait3A_78 = arith.constant 0 : i32
      %dma_wait3A_79 = tpu.memref_slice %arg7[%arg0, %add3A_34, %dma_wait3A_78] : memref<2x10240x128xf32, #tpu.memory_space<hbm>> -> memref<1x64x128xf32, #tpu.memory_space<hbm>>
      %dma_wait3A_80 = tpu.memref_squeeze %dma_wait3A_79 : memref<1x64x128xf32, #tpu.memory_space<hbm>> -> memref<64x128xf32, #tpu.memory_space<hbm>>
      tpu.wait_dma2 semaphore(%run_scoped3A : memref<!tpu.dma_semaphore, #tpu.memory_space<semaphore_mem>>) src(%arg8 : memref<64x128xf32, #tpu.memory_space<vmem>>) dst(%dma_wait3A_80 : memref<64x128xf32, #tpu.memory_space<hbm>>)
      tpu.yield
    }) : () -> ()
    %add3A_35 = arith.constant 64 : i32
    %add3A_36 = arith.addi %mul3A_4, %add3A_35 : i32
    "tpu.region"() ({
      %run_scoped3A = tpu.sem_alloc : memref<!tpu.dma_semaphore, #tpu.memory_space<semaphore_mem>>
      %dma_start3A = arith.constant 0 : i32
      %dma_start3A_71 = tpu.memref_slice %arg13[%add3A_36, %dma_start3A] : memref<10240x128xf32, #tpu.memory_space<vmem_shared>> -> memref<64x128xf32, #tpu.memory_space<vmem_shared>>
      %dma_start3A_72 = arith.constant 0 : i32
      %dma_start3A_73 = tpu.memref_slice %arg13[%add3A_36, %dma_start3A_72] : memref<10240x128xf32, #tpu.memory_space<vmem_shared>> -> memref<64x128xf32, #tpu.memory_space<vmem_shared>>
      tpu.enqueue_dma source(%dma_start3A_73 : memref<64x128xf32, #tpu.memory_space<vmem_shared>>) target(%arg8 : memref<64x128xf32, #tpu.memory_space<vmem>>) target_semaphore(%run_scoped3A : memref<!tpu.dma_semaphore, #tpu.memory_space<semaphore_mem>>)
      %dma_wait3A = arith.constant 0 : i32
      %dma_wait3A_74 = tpu.memref_slice %arg13[%add3A_36, %dma_wait3A] : memref<10240x128xf32, #tpu.memory_space<vmem_shared>> -> memref<64x128xf32, #tpu.memory_space<vmem_shared>>
      %dma_wait3A_75 = arith.constant 0 : i32
      %dma_wait3A_76 = tpu.memref_slice %arg13[%add3A_36, %dma_wait3A_75] : memref<10240x128xf32, #tpu.memory_space<vmem_shared>> -> memref<64x128xf32, #tpu.memory_space<vmem_shared>>
      tpu.wait_dma2 semaphore(%run_scoped3A : memref<!tpu.dma_semaphore, #tpu.memory_space<semaphore_mem>>) src(%dma_wait3A_76 : memref<64x128xf32, #tpu.memory_space<vmem_shared>>) dst(%arg8 : memref<64x128xf32, #tpu.memory_space<vmem>>)
      tpu.yield
    }) : () -> ()
    %add3A_37 = arith.constant 64 : i32
    %add3A_38 = arith.addi %mul3A_4, %add3A_37 : i32
    "tpu.region"() ({
      %run_scoped3A = tpu.sem_alloc : memref<!tpu.dma_semaphore, #tpu.memory_space<semaphore_mem>>
      %dma_start3A = arith.constant 0 : i32
      %dma_start3A_71 = tpu.memref_slice %arg7[%arg0, %add3A_38, %dma_start3A] : memref<2x10240x128xf32, #tpu.memory_space<hbm>> -> memref<1x64x128xf32, #tpu.memory_space<hbm>>
      %dma_start3A_72 = tpu.memref_squeeze %dma_start3A_71 : memref<1x64x128xf32, #tpu.memory_space<hbm>> -> memref<64x128xf32, #tpu.memory_space<hbm>>
      %dma_start3A_73 = arith.constant 0 : i32
      %dma_start3A_74 = tpu.memref_slice %arg7[%arg0, %add3A_38, %dma_start3A_73] : memref<2x10240x128xf32, #tpu.memory_space<hbm>> -> memref<1x64x128xf32, #tpu.memory_space<hbm>>
      %dma_start3A_75 = tpu.memref_squeeze %dma_start3A_74 : memref<1x64x128xf32, #tpu.memory_space<hbm>> -> memref<64x128xf32, #tpu.memory_space<hbm>>
      tpu.enqueue_dma source(%arg8 : memref<64x128xf32, #tpu.memory_space<vmem>>) target(%dma_start3A_75 : memref<64x128xf32, #tpu.memory_space<hbm>>) target_semaphore(%run_scoped3A : memref<!tpu.dma_semaphore, #tpu.memory_space<semaphore_mem>>)
      %dma_wait3A = arith.constant 0 : i32
      %dma_wait3A_76 = tpu.memref_slice %arg7[%arg0, %add3A_38, %dma_wait3A] : memref<2x10240x128xf32, #tpu.memory_space<hbm>> -> memref<1x64x128xf32, #tpu.memory_space<hbm>>
      %dma_wait3A_77 = tpu.memref_squeeze %dma_wait3A_76 : memref<1x64x128xf32, #tpu.memory_space<hbm>> -> memref<64x128xf32, #tpu.memory_space<hbm>>
      %dma_wait3A_78 = arith.constant 0 : i32
      %dma_wait3A_79 = tpu.memref_slice %arg7[%arg0, %add3A_38, %dma_wait3A_78] : memref<2x10240x128xf32, #tpu.memory_space<hbm>> -> memref<1x64x128xf32, #tpu.memory_space<hbm>>
      %dma_wait3A_80 = tpu.memref_squeeze %dma_wait3A_79 : memref<1x64x128xf32, #tpu.memory_space<hbm>> -> memref<64x128xf32, #tpu.memory_space<hbm>>
      tpu.wait_dma2 semaphore(%run_scoped3A : memref<!tpu.dma_semaphore, #tpu.memory_space<semaphore_mem>>) src(%arg8 : memref<64x128xf32, #tpu.memory_space<vmem>>) dst(%dma_wait3A_80 : memref<64x128xf32, #tpu.memory_space<hbm>>)
      tpu.yield
    }) : () -> ()
    %add3A_39 = arith.constant 128 : i32
    %add3A_40 = arith.addi %mul3A_4, %add3A_39 : i32
    "tpu.region"() ({
      %run_scoped3A = tpu.sem_alloc : memref<!tpu.dma_semaphore, #tpu.memory_space<semaphore_mem>>
      %dma_start3A = arith.constant 0 : i32
      %dma_start3A_71 = tpu.memref_slice %arg13[%add3A_40, %dma_start3A] : memref<10240x128xf32, #tpu.memory_space<vmem_shared>> -> memref<64x128xf32, #tpu.memory_space<vmem_shared>>
      %dma_start3A_72 = arith.constant 0 : i32
      %dma_start3A_73 = tpu.memref_slice %arg13[%add3A_40, %dma_start3A_72] : memref<10240x128xf32, #tpu.memory_space<vmem_shared>> -> memref<64x128xf32, #tpu.memory_space<vmem_shared>>
      tpu.enqueue_dma source(%dma_start3A_73 : memref<64x128xf32, #tpu.memory_space<vmem_shared>>) target(%arg8 : memref<64x128xf32, #tpu.memory_space<vmem>>) target_semaphore(%run_scoped3A : memref<!tpu.dma_semaphore, #tpu.memory_space<semaphore_mem>>)
      %dma_wait3A = arith.constant 0 : i32
      %dma_wait3A_74 = tpu.memref_slice %arg13[%add3A_40, %dma_wait3A] : memref<10240x128xf32, #tpu.memory_space<vmem_shared>> -> memref<64x128xf32, #tpu.memory_space<vmem_shared>>
      %dma_wait3A_75 = arith.constant 0 : i32
      %dma_wait3A_76 = tpu.memref_slice %arg13[%add3A_40, %dma_wait3A_75] : memref<10240x128xf32, #tpu.memory_space<vmem_shared>> -> memref<64x128xf32, #tpu.memory_space<vmem_shared>>
      tpu.wait_dma2 semaphore(%run_scoped3A : memref<!tpu.dma_semaphore, #tpu.memory_space<semaphore_mem>>) src(%dma_wait3A_76 : memref<64x128xf32, #tpu.memory_space<vmem_shared>>) dst(%arg8 : memref<64x128xf32, #tpu.memory_space<vmem>>)
      tpu.yield
    }) : () -> ()
    %add3A_41 = arith.constant 128 : i32
    %add3A_42 = arith.addi %mul3A_4, %add3A_41 : i32
    "tpu.region"() ({
      %run_scoped3A = tpu.sem_alloc : memref<!tpu.dma_semaphore, #tpu.memory_space<semaphore_mem>>
      %dma_start3A = arith.constant 0 : i32
      %dma_start3A_71 = tpu.memref_slice %arg7[%arg0, %add3A_42, %dma_start3A] : memref<2x10240x128xf32, #tpu.memory_space<hbm>> -> memref<1x64x128xf32, #tpu.memory_space<hbm>>
      %dma_start3A_72 = tpu.memref_squeeze %dma_start3A_71 : memref<1x64x128xf32, #tpu.memory_space<hbm>> -> memref<64x128xf32, #tpu.memory_space<hbm>>
      %dma_start3A_73 = arith.constant 0 : i32
      %dma_start3A_74 = tpu.memref_slice %arg7[%arg0, %add3A_42, %dma_start3A_73] : memref<2x10240x128xf32, #tpu.memory_space<hbm>> -> memref<1x64x128xf32, #tpu.memory_space<hbm>>
      %dma_start3A_75 = tpu.memref_squeeze %dma_start3A_74 : memref<1x64x128xf32, #tpu.memory_space<hbm>> -> memref<64x128xf32, #tpu.memory_space<hbm>>
      tpu.enqueue_dma source(%arg8 : memref<64x128xf32, #tpu.memory_space<vmem>>) target(%dma_start3A_75 : memref<64x128xf32, #tpu.memory_space<hbm>>) target_semaphore(%run_scoped3A : memref<!tpu.dma_semaphore, #tpu.memory_space<semaphore_mem>>)
      %dma_wait3A = arith.constant 0 : i32
      %dma_wait3A_76 = tpu.memref_slice %arg7[%arg0, %add3A_42, %dma_wait3A] : memref<2x10240x128xf32, #tpu.memory_space<hbm>> -> memref<1x64x128xf32, #tpu.memory_space<hbm>>
      %dma_wait3A_77 = tpu.memref_squeeze %dma_wait3A_76 : memref<1x64x128xf32, #tpu.memory_space<hbm>> -> memref<64x128xf32, #tpu.memory_space<hbm>>
      %dma_wait3A_78 = arith.constant 0 : i32
      %dma_wait3A_79 = tpu.memref_slice %arg7[%arg0, %add3A_42, %dma_wait3A_78] : memref<2x10240x128xf32, #tpu.memory_space<hbm>> -> memref<1x64x128xf32, #tpu.memory_space<hbm>>
      %dma_wait3A_80 = tpu.memref_squeeze %dma_wait3A_79 : memref<1x64x128xf32, #tpu.memory_space<hbm>> -> memref<64x128xf32, #tpu.memory_space<hbm>>
      tpu.wait_dma2 semaphore(%run_scoped3A : memref<!tpu.dma_semaphore, #tpu.memory_space<semaphore_mem>>) src(%arg8 : memref<64x128xf32, #tpu.memory_space<vmem>>) dst(%dma_wait3A_80 : memref<64x128xf32, #tpu.memory_space<hbm>>)
      tpu.yield
    }) : () -> ()
    %add3A_43 = arith.constant 192 : i32
    %add3A_44 = arith.addi %mul3A_4, %add3A_43 : i32
    "tpu.region"() ({
      %run_scoped3A = tpu.sem_alloc : memref<!tpu.dma_semaphore, #tpu.memory_space<semaphore_mem>>
      %dma_start3A = arith.constant 0 : i32
      %dma_start3A_71 = tpu.memref_slice %arg13[%add3A_44, %dma_start3A] : memref<10240x128xf32, #tpu.memory_space<vmem_shared>> -> memref<64x128xf32, #tpu.memory_space<vmem_shared>>
      %dma_start3A_72 = arith.constant 0 : i32
      %dma_start3A_73 = tpu.memref_slice %arg13[%add3A_44, %dma_start3A_72] : memref<10240x128xf32, #tpu.memory_space<vmem_shared>> -> memref<64x128xf32, #tpu.memory_space<vmem_shared>>
      tpu.enqueue_dma source(%dma_start3A_73 : memref<64x128xf32, #tpu.memory_space<vmem_shared>>) target(%arg8 : memref<64x128xf32, #tpu.memory_space<vmem>>) target_semaphore(%run_scoped3A : memref<!tpu.dma_semaphore, #tpu.memory_space<semaphore_mem>>)
      %dma_wait3A = arith.constant 0 : i32
      %dma_wait3A_74 = tpu.memref_slice %arg13[%add3A_44, %dma_wait3A] : memref<10240x128xf32, #tpu.memory_space<vmem_shared>> -> memref<64x128xf32, #tpu.memory_space<vmem_shared>>
      %dma_wait3A_75 = arith.constant 0 : i32
      %dma_wait3A_76 = tpu.memref_slice %arg13[%add3A_44, %dma_wait3A_75] : memref<10240x128xf32, #tpu.memory_space<vmem_shared>> -> memref<64x128xf32, #tpu.memory_space<vmem_shared>>
      tpu.wait_dma2 semaphore(%run_scoped3A : memref<!tpu.dma_semaphore, #tpu.memory_space<semaphore_mem>>) src(%dma_wait3A_76 : memref<64x128xf32, #tpu.memory_space<vmem_shared>>) dst(%arg8 : memref<64x128xf32, #tpu.memory_space<vmem>>)
      tpu.yield
    }) : () -> ()
    %add3A_45 = arith.constant 192 : i32
    %add3A_46 = arith.addi %mul3A_4, %add3A_45 : i32
    "tpu.region"() ({
      %run_scoped3A = tpu.sem_alloc : memref<!tpu.dma_semaphore, #tpu.memory_space<semaphore_mem>>
      %dma_start3A = arith.constant 0 : i32
      %dma_start3A_71 = tpu.memref_slice %arg7[%arg0, %add3A_46, %dma_start3A] : memref<2x10240x128xf32, #tpu.memory_space<hbm>> -> memref<1x64x128xf32, #tpu.memory_space<hbm>>
      %dma_start3A_72 = tpu.memref_squeeze %dma_start3A_71 : memref<1x64x128xf32, #tpu.memory_space<hbm>> -> memref<64x128xf32, #tpu.memory_space<hbm>>
      %dma_start3A_73 = arith.constant 0 : i32
      %dma_start3A_74 = tpu.memref_slice %arg7[%arg0, %add3A_46, %dma_start3A_73] : memref<2x10240x128xf32, #tpu.memory_space<hbm>> -> memref<1x64x128xf32, #tpu.memory_space<hbm>>
      %dma_start3A_75 = tpu.memref_squeeze %dma_start3A_74 : memref<1x64x128xf32, #tpu.memory_space<hbm>> -> memref<64x128xf32, #tpu.memory_space<hbm>>
      tpu.enqueue_dma source(%arg8 : memref<64x128xf32, #tpu.memory_space<vmem>>) target(%dma_start3A_75 : memref<64x128xf32, #tpu.memory_space<hbm>>) target_semaphore(%run_scoped3A : memref<!tpu.dma_semaphore, #tpu.memory_space<semaphore_mem>>)
      %dma_wait3A = arith.constant 0 : i32
      %dma_wait3A_76 = tpu.memref_slice %arg7[%arg0, %add3A_46, %dma_wait3A] : memref<2x10240x128xf32, #tpu.memory_space<hbm>> -> memref<1x64x128xf32, #tpu.memory_space<hbm>>
      %dma_wait3A_77 = tpu.memref_squeeze %dma_wait3A_76 : memref<1x64x128xf32, #tpu.memory_space<hbm>> -> memref<64x128xf32, #tpu.memory_space<hbm>>
      %dma_wait3A_78 = arith.constant 0 : i32
      %dma_wait3A_79 = tpu.memref_slice %arg7[%arg0, %add3A_46, %dma_wait3A_78] : memref<2x10240x128xf32, #tpu.memory_space<hbm>> -> memref<1x64x128xf32, #tpu.memory_space<hbm>>
      %dma_wait3A_80 = tpu.memref_squeeze %dma_wait3A_79 : memref<1x64x128xf32, #tpu.memory_space<hbm>> -> memref<64x128xf32, #tpu.memory_space<hbm>>
      tpu.wait_dma2 semaphore(%run_scoped3A : memref<!tpu.dma_semaphore, #tpu.memory_space<semaphore_mem>>) src(%arg8 : memref<64x128xf32, #tpu.memory_space<vmem>>) dst(%dma_wait3A_80 : memref<64x128xf32, #tpu.memory_space<hbm>>)
      tpu.yield
    }) : () -> ()
    %add3A_47 = arith.constant 256 : i32
    %add3A_48 = arith.addi %mul3A_4, %add3A_47 : i32
    "tpu.region"() ({
      %run_scoped3A = tpu.sem_alloc : memref<!tpu.dma_semaphore, #tpu.memory_space<semaphore_mem>>
      %dma_start3A = arith.constant 0 : i32
      %dma_start3A_71 = tpu.memref_slice %arg13[%add3A_48, %dma_start3A] : memref<10240x128xf32, #tpu.memory_space<vmem_shared>> -> memref<64x128xf32, #tpu.memory_space<vmem_shared>>
      %dma_start3A_72 = arith.constant 0 : i32
      %dma_start3A_73 = tpu.memref_slice %arg13[%add3A_48, %dma_start3A_72] : memref<10240x128xf32, #tpu.memory_space<vmem_shared>> -> memref<64x128xf32, #tpu.memory_space<vmem_shared>>
      tpu.enqueue_dma source(%dma_start3A_73 : memref<64x128xf32, #tpu.memory_space<vmem_shared>>) target(%arg8 : memref<64x128xf32, #tpu.memory_space<vmem>>) target_semaphore(%run_scoped3A : memref<!tpu.dma_semaphore, #tpu.memory_space<semaphore_mem>>)
      %dma_wait3A = arith.constant 0 : i32
      %dma_wait3A_74 = tpu.memref_slice %arg13[%add3A_48, %dma_wait3A] : memref<10240x128xf32, #tpu.memory_space<vmem_shared>> -> memref<64x128xf32, #tpu.memory_space<vmem_shared>>
      %dma_wait3A_75 = arith.constant 0 : i32
      %dma_wait3A_76 = tpu.memref_slice %arg13[%add3A_48, %dma_wait3A_75] : memref<10240x128xf32, #tpu.memory_space<vmem_shared>> -> memref<64x128xf32, #tpu.memory_space<vmem_shared>>
      tpu.wait_dma2 semaphore(%run_scoped3A : memref<!tpu.dma_semaphore, #tpu.memory_space<semaphore_mem>>) src(%dma_wait3A_76 : memref<64x128xf32, #tpu.memory_space<vmem_shared>>) dst(%arg8 : memref<64x128xf32, #tpu.memory_space<vmem>>)
      tpu.yield
    }) : () -> ()
    %add3A_49 = arith.constant 256 : i32
    %add3A_50 = arith.addi %mul3A_4, %add3A_49 : i32
    "tpu.region"() ({
      %run_scoped3A = tpu.sem_alloc : memref<!tpu.dma_semaphore, #tpu.memory_space<semaphore_mem>>
      %dma_start3A = arith.constant 0 : i32
      %dma_start3A_71 = tpu.memref_slice %arg7[%arg0, %add3A_50, %dma_start3A] : memref<2x10240x128xf32, #tpu.memory_space<hbm>> -> memref<1x64x128xf32, #tpu.memory_space<hbm>>
      %dma_start3A_72 = tpu.memref_squeeze %dma_start3A_71 : memref<1x64x128xf32, #tpu.memory_space<hbm>> -> memref<64x128xf32, #tpu.memory_space<hbm>>
      %dma_start3A_73 = arith.constant 0 : i32
      %dma_start3A_74 = tpu.memref_slice %arg7[%arg0, %add3A_50, %dma_start3A_73] : memref<2x10240x128xf32, #tpu.memory_space<hbm>> -> memref<1x64x128xf32, #tpu.memory_space<hbm>>
      %dma_start3A_75 = tpu.memref_squeeze %dma_start3A_74 : memref<1x64x128xf32, #tpu.memory_space<hbm>> -> memref<64x128xf32, #tpu.memory_space<hbm>>
      tpu.enqueue_dma source(%arg8 : memref<64x128xf32, #tpu.memory_space<vmem>>) target(%dma_start3A_75 : memref<64x128xf32, #tpu.memory_space<hbm>>) target_semaphore(%run_scoped3A : memref<!tpu.dma_semaphore, #tpu.memory_space<semaphore_mem>>)
      %dma_wait3A = arith.constant 0 : i32
      %dma_wait3A_76 = tpu.memref_slice %arg7[%arg0, %add3A_50, %dma_wait3A] : memref<2x10240x128xf32, #tpu.memory_space<hbm>> -> memref<1x64x128xf32, #tpu.memory_space<hbm>>
      %dma_wait3A_77 = tpu.memref_squeeze %dma_wait3A_76 : memref<1x64x128xf32, #tpu.memory_space<hbm>> -> memref<64x128xf32, #tpu.memory_space<hbm>>
      %dma_wait3A_78 = arith.constant 0 : i32
      %dma_wait3A_79 = tpu.memref_slice %arg7[%arg0, %add3A_50, %dma_wait3A_78] : memref<2x10240x128xf32, #tpu.memory_space<hbm>> -> memref<1x64x128xf32, #tpu.memory_space<hbm>>
      %dma_wait3A_80 = tpu.memref_squeeze %dma_wait3A_79 : memref<1x64x128xf32, #tpu.memory_space<hbm>> -> memref<64x128xf32, #tpu.memory_space<hbm>>
      tpu.wait_dma2 semaphore(%run_scoped3A : memref<!tpu.dma_semaphore, #tpu.memory_space<semaphore_mem>>) src(%arg8 : memref<64x128xf32, #tpu.memory_space<vmem>>) dst(%dma_wait3A_80 : memref<64x128xf32, #tpu.memory_space<hbm>>)
      tpu.yield
    }) : () -> ()
    %add3A_51 = arith.constant 320 : i32
    %add3A_52 = arith.addi %mul3A_4, %add3A_51 : i32
    "tpu.region"() ({
      %run_scoped3A = tpu.sem_alloc : memref<!tpu.dma_semaphore, #tpu.memory_space<semaphore_mem>>
      %dma_start3A = arith.constant 0 : i32
      %dma_start3A_71 = tpu.memref_slice %arg13[%add3A_52, %dma_start3A] : memref<10240x128xf32, #tpu.memory_space<vmem_shared>> -> memref<64x128xf32, #tpu.memory_space<vmem_shared>>
      %dma_start3A_72 = arith.constant 0 : i32
      %dma_start3A_73 = tpu.memref_slice %arg13[%add3A_52, %dma_start3A_72] : memref<10240x128xf32, #tpu.memory_space<vmem_shared>> -> memref<64x128xf32, #tpu.memory_space<vmem_shared>>
      tpu.enqueue_dma source(%dma_start3A_73 : memref<64x128xf32, #tpu.memory_space<vmem_shared>>) target(%arg8 : memref<64x128xf32, #tpu.memory_space<vmem>>) target_semaphore(%run_scoped3A : memref<!tpu.dma_semaphore, #tpu.memory_space<semaphore_mem>>)
      %dma_wait3A = arith.constant 0 : i32
      %dma_wait3A_74 = tpu.memref_slice %arg13[%add3A_52, %dma_wait3A] : memref<10240x128xf32, #tpu.memory_space<vmem_shared>> -> memref<64x128xf32, #tpu.memory_space<vmem_shared>>
      %dma_wait3A_75 = arith.constant 0 : i32
      %dma_wait3A_76 = tpu.memref_slice %arg13[%add3A_52, %dma_wait3A_75] : memref<10240x128xf32, #tpu.memory_space<vmem_shared>> -> memref<64x128xf32, #tpu.memory_space<vmem_shared>>
      tpu.wait_dma2 semaphore(%run_scoped3A : memref<!tpu.dma_semaphore, #tpu.memory_space<semaphore_mem>>) src(%dma_wait3A_76 : memref<64x128xf32, #tpu.memory_space<vmem_shared>>) dst(%arg8 : memref<64x128xf32, #tpu.memory_space<vmem>>)
      tpu.yield
    }) : () -> ()
    %add3A_53 = arith.constant 320 : i32
    %add3A_54 = arith.addi %mul3A_4, %add3A_53 : i32
    "tpu.region"() ({
      %run_scoped3A = tpu.sem_alloc : memref<!tpu.dma_semaphore, #tpu.memory_space<semaphore_mem>>
      %dma_start3A = arith.constant 0 : i32
      %dma_start3A_71 = tpu.memref_slice %arg7[%arg0, %add3A_54, %dma_start3A] : memref<2x10240x128xf32, #tpu.memory_space<hbm>> -> memref<1x64x128xf32, #tpu.memory_space<hbm>>
      %dma_start3A_72 = tpu.memref_squeeze %dma_start3A_71 : memref<1x64x128xf32, #tpu.memory_space<hbm>> -> memref<64x128xf32, #tpu.memory_space<hbm>>
      %dma_start3A_73 = arith.constant 0 : i32
      %dma_start3A_74 = tpu.memref_slice %arg7[%arg0, %add3A_54, %dma_start3A_73] : memref<2x10240x128xf32, #tpu.memory_space<hbm>> -> memref<1x64x128xf32, #tpu.memory_space<hbm>>
      %dma_start3A_75 = tpu.memref_squeeze %dma_start3A_74 : memref<1x64x128xf32, #tpu.memory_space<hbm>> -> memref<64x128xf32, #tpu.memory_space<hbm>>
      tpu.enqueue_dma source(%arg8 : memref<64x128xf32, #tpu.memory_space<vmem>>) target(%dma_start3A_75 : memref<64x128xf32, #tpu.memory_space<hbm>>) target_semaphore(%run_scoped3A : memref<!tpu.dma_semaphore, #tpu.memory_space<semaphore_mem>>)
      %dma_wait3A = arith.constant 0 : i32
      %dma_wait3A_76 = tpu.memref_slice %arg7[%arg0, %add3A_54, %dma_wait3A] : memref<2x10240x128xf32, #tpu.memory_space<hbm>> -> memref<1x64x128xf32, #tpu.memory_space<hbm>>
      %dma_wait3A_77 = tpu.memref_squeeze %dma_wait3A_76 : memref<1x64x128xf32, #tpu.memory_space<hbm>> -> memref<64x128xf32, #tpu.memory_space<hbm>>
      %dma_wait3A_78 = arith.constant 0 : i32
      %dma_wait3A_79 = tpu.memref_slice %arg7[%arg0, %add3A_54, %dma_wait3A_78] : memref<2x10240x128xf32, #tpu.memory_space<hbm>> -> memref<1x64x128xf32, #tpu.memory_space<hbm>>
      %dma_wait3A_80 = tpu.memref_squeeze %dma_wait3A_79 : memref<1x64x128xf32, #tpu.memory_space<hbm>> -> memref<64x128xf32, #tpu.memory_space<hbm>>
      tpu.wait_dma2 semaphore(%run_scoped3A : memref<!tpu.dma_semaphore, #tpu.memory_space<semaphore_mem>>) src(%arg8 : memref<64x128xf32, #tpu.memory_space<vmem>>) dst(%dma_wait3A_80 : memref<64x128xf32, #tpu.memory_space<hbm>>)
      tpu.yield
    }) : () -> ()
    %add3A_55 = arith.constant 384 : i32
    %add3A_56 = arith.addi %mul3A_4, %add3A_55 : i32
    "tpu.region"() ({
      %run_scoped3A = tpu.sem_alloc : memref<!tpu.dma_semaphore, #tpu.memory_space<semaphore_mem>>
      %dma_start3A = arith.constant 0 : i32
      %dma_start3A_71 = tpu.memref_slice %arg13[%add3A_56, %dma_start3A] : memref<10240x128xf32, #tpu.memory_space<vmem_shared>> -> memref<64x128xf32, #tpu.memory_space<vmem_shared>>
      %dma_start3A_72 = arith.constant 0 : i32
      %dma_start3A_73 = tpu.memref_slice %arg13[%add3A_56, %dma_start3A_72] : memref<10240x128xf32, #tpu.memory_space<vmem_shared>> -> memref<64x128xf32, #tpu.memory_space<vmem_shared>>
      tpu.enqueue_dma source(%dma_start3A_73 : memref<64x128xf32, #tpu.memory_space<vmem_shared>>) target(%arg8 : memref<64x128xf32, #tpu.memory_space<vmem>>) target_semaphore(%run_scoped3A : memref<!tpu.dma_semaphore, #tpu.memory_space<semaphore_mem>>)
      %dma_wait3A = arith.constant 0 : i32
      %dma_wait3A_74 = tpu.memref_slice %arg13[%add3A_56, %dma_wait3A] : memref<10240x128xf32, #tpu.memory_space<vmem_shared>> -> memref<64x128xf32, #tpu.memory_space<vmem_shared>>
      %dma_wait3A_75 = arith.constant 0 : i32
      %dma_wait3A_76 = tpu.memref_slice %arg13[%add3A_56, %dma_wait3A_75] : memref<10240x128xf32, #tpu.memory_space<vmem_shared>> -> memref<64x128xf32, #tpu.memory_space<vmem_shared>>
      tpu.wait_dma2 semaphore(%run_scoped3A : memref<!tpu.dma_semaphore, #tpu.memory_space<semaphore_mem>>) src(%dma_wait3A_76 : memref<64x128xf32, #tpu.memory_space<vmem_shared>>) dst(%arg8 : memref<64x128xf32, #tpu.memory_space<vmem>>)
      tpu.yield
    }) : () -> ()
    %add3A_57 = arith.constant 384 : i32
    %add3A_58 = arith.addi %mul3A_4, %add3A_57 : i32
    "tpu.region"() ({
      %run_scoped3A = tpu.sem_alloc : memref<!tpu.dma_semaphore, #tpu.memory_space<semaphore_mem>>
      %dma_start3A = arith.constant 0 : i32
      %dma_start3A_71 = tpu.memref_slice %arg7[%arg0, %add3A_58, %dma_start3A] : memref<2x10240x128xf32, #tpu.memory_space<hbm>> -> memref<1x64x128xf32, #tpu.memory_space<hbm>>
      %dma_start3A_72 = tpu.memref_squeeze %dma_start3A_71 : memref<1x64x128xf32, #tpu.memory_space<hbm>> -> memref<64x128xf32, #tpu.memory_space<hbm>>
      %dma_start3A_73 = arith.constant 0 : i32
      %dma_start3A_74 = tpu.memref_slice %arg7[%arg0, %add3A_58, %dma_start3A_73] : memref<2x10240x128xf32, #tpu.memory_space<hbm>> -> memref<1x64x128xf32, #tpu.memory_space<hbm>>
      %dma_start3A_75 = tpu.memref_squeeze %dma_start3A_74 : memref<1x64x128xf32, #tpu.memory_space<hbm>> -> memref<64x128xf32, #tpu.memory_space<hbm>>
      tpu.enqueue_dma source(%arg8 : memref<64x128xf32, #tpu.memory_space<vmem>>) target(%dma_start3A_75 : memref<64x128xf32, #tpu.memory_space<hbm>>) target_semaphore(%run_scoped3A : memref<!tpu.dma_semaphore, #tpu.memory_space<semaphore_mem>>)
      %dma_wait3A = arith.constant 0 : i32
      %dma_wait3A_76 = tpu.memref_slice %arg7[%arg0, %add3A_58, %dma_wait3A] : memref<2x10240x128xf32, #tpu.memory_space<hbm>> -> memref<1x64x128xf32, #tpu.memory_space<hbm>>
      %dma_wait3A_77 = tpu.memref_squeeze %dma_wait3A_76 : memref<1x64x128xf32, #tpu.memory_space<hbm>> -> memref<64x128xf32, #tpu.memory_space<hbm>>
      %dma_wait3A_78 = arith.constant 0 : i32
      %dma_wait3A_79 = tpu.memref_slice %arg7[%arg0, %add3A_58, %dma_wait3A_78] : memref<2x10240x128xf32, #tpu.memory_space<hbm>> -> memref<1x64x128xf32, #tpu.memory_space<hbm>>
      %dma_wait3A_80 = tpu.memref_squeeze %dma_wait3A_79 : memref<1x64x128xf32, #tpu.memory_space<hbm>> -> memref<64x128xf32, #tpu.memory_space<hbm>>
      tpu.wait_dma2 semaphore(%run_scoped3A : memref<!tpu.dma_semaphore, #tpu.memory_space<semaphore_mem>>) src(%arg8 : memref<64x128xf32, #tpu.memory_space<vmem>>) dst(%dma_wait3A_80 : memref<64x128xf32, #tpu.memory_space<hbm>>)
      tpu.yield
    }) : () -> ()
    %add3A_59 = arith.constant 448 : i32
    %add3A_60 = arith.addi %mul3A_4, %add3A_59 : i32
    "tpu.region"() ({
      %run_scoped3A = tpu.sem_alloc : memref<!tpu.dma_semaphore, #tpu.memory_space<semaphore_mem>>
      %dma_start3A = arith.constant 0 : i32
      %dma_start3A_71 = tpu.memref_slice %arg13[%add3A_60, %dma_start3A] : memref<10240x128xf32, #tpu.memory_space<vmem_shared>> -> memref<64x128xf32, #tpu.memory_space<vmem_shared>>
      %dma_start3A_72 = arith.constant 0 : i32
      %dma_start3A_73 = tpu.memref_slice %arg13[%add3A_60, %dma_start3A_72] : memref<10240x128xf32, #tpu.memory_space<vmem_shared>> -> memref<64x128xf32, #tpu.memory_space<vmem_shared>>
      tpu.enqueue_dma source(%dma_start3A_73 : memref<64x128xf32, #tpu.memory_space<vmem_shared>>) target(%arg8 : memref<64x128xf32, #tpu.memory_space<vmem>>) target_semaphore(%run_scoped3A : memref<!tpu.dma_semaphore, #tpu.memory_space<semaphore_mem>>)
      %dma_wait3A = arith.constant 0 : i32
      %dma_wait3A_74 = tpu.memref_slice %arg13[%add3A_60, %dma_wait3A] : memref<10240x128xf32, #tpu.memory_space<vmem_shared>> -> memref<64x128xf32, #tpu.memory_space<vmem_shared>>
      %dma_wait3A_75 = arith.constant 0 : i32
      %dma_wait3A_76 = tpu.memref_slice %arg13[%add3A_60, %dma_wait3A_75] : memref<10240x128xf32, #tpu.memory_space<vmem_shared>> -> memref<64x128xf32, #tpu.memory_space<vmem_shared>>
      tpu.wait_dma2 semaphore(%run_scoped3A : memref<!tpu.dma_semaphore, #tpu.memory_space<semaphore_mem>>) src(%dma_wait3A_76 : memref<64x128xf32, #tpu.memory_space<vmem_shared>>) dst(%arg8 : memref<64x128xf32, #tpu.memory_space<vmem>>)
      tpu.yield
    }) : () -> ()
    %add3A_61 = arith.constant 448 : i32
    %add3A_62 = arith.addi %mul3A_4, %add3A_61 : i32
    "tpu.region"() ({
      %run_scoped3A = tpu.sem_alloc : memref<!tpu.dma_semaphore, #tpu.memory_space<semaphore_mem>>
      %dma_start3A = arith.constant 0 : i32
      %dma_start3A_71 = tpu.memref_slice %arg7[%arg0, %add3A_62, %dma_start3A] : memref<2x10240x128xf32, #tpu.memory_space<hbm>> -> memref<1x64x128xf32, #tpu.memory_space<hbm>>
      %dma_start3A_72 = tpu.memref_squeeze %dma_start3A_71 : memref<1x64x128xf32, #tpu.memory_space<hbm>> -> memref<64x128xf32, #tpu.memory_space<hbm>>
      %dma_start3A_73 = arith.constant 0 : i32
      %dma_start3A_74 = tpu.memref_slice %arg7[%arg0, %add3A_62, %dma_start3A_73] : memref<2x10240x128xf32, #tpu.memory_space<hbm>> -> memref<1x64x128xf32, #tpu.memory_space<hbm>>
      %dma_start3A_75 = tpu.memref_squeeze %dma_start3A_74 : memref<1x64x128xf32, #tpu.memory_space<hbm>> -> memref<64x128xf32, #tpu.memory_space<hbm>>
      tpu.enqueue_dma source(%arg8 : memref<64x128xf32, #tpu.memory_space<vmem>>) target(%dma_start3A_75 : memref<64x128xf32, #tpu.memory_space<hbm>>) target_semaphore(%run_scoped3A : memref<!tpu.dma_semaphore, #tpu.memory_space<semaphore_mem>>)
      %dma_wait3A = arith.constant 0 : i32
      %dma_wait3A_76 = tpu.memref_slice %arg7[%arg0, %add3A_62, %dma_wait3A] : memref<2x10240x128xf32, #tpu.memory_space<hbm>> -> memref<1x64x128xf32, #tpu.memory_space<hbm>>
      %dma_wait3A_77 = tpu.memref_squeeze %dma_wait3A_76 : memref<1x64x128xf32, #tpu.memory_space<hbm>> -> memref<64x128xf32, #tpu.memory_space<hbm>>
      %dma_wait3A_78 = arith.constant 0 : i32
      %dma_wait3A_79 = tpu.memref_slice %arg7[%arg0, %add3A_62, %dma_wait3A_78] : memref<2x10240x128xf32, #tpu.memory_space<hbm>> -> memref<1x64x128xf32, #tpu.memory_space<hbm>>
      %dma_wait3A_80 = tpu.memref_squeeze %dma_wait3A_79 : memref<1x64x128xf32, #tpu.memory_space<hbm>> -> memref<64x128xf32, #tpu.memory_space<hbm>>
      tpu.wait_dma2 semaphore(%run_scoped3A : memref<!tpu.dma_semaphore, #tpu.memory_space<semaphore_mem>>) src(%arg8 : memref<64x128xf32, #tpu.memory_space<vmem>>) dst(%dma_wait3A_80 : memref<64x128xf32, #tpu.memory_space<hbm>>)
      tpu.yield
    }) : () -> ()
    %add3A_63 = arith.constant 512 : i32
    %add3A_64 = arith.addi %mul3A_4, %add3A_63 : i32
    "tpu.region"() ({
      %run_scoped3A = tpu.sem_alloc : memref<!tpu.dma_semaphore, #tpu.memory_space<semaphore_mem>>
      %dma_start3A = arith.constant 0 : i32
      %dma_start3A_71 = tpu.memref_slice %arg13[%add3A_64, %dma_start3A] : memref<10240x128xf32, #tpu.memory_space<vmem_shared>> -> memref<64x128xf32, #tpu.memory_space<vmem_shared>>
      %dma_start3A_72 = arith.constant 0 : i32
      %dma_start3A_73 = tpu.memref_slice %arg13[%add3A_64, %dma_start3A_72] : memref<10240x128xf32, #tpu.memory_space<vmem_shared>> -> memref<64x128xf32, #tpu.memory_space<vmem_shared>>
      tpu.enqueue_dma source(%dma_start3A_73 : memref<64x128xf32, #tpu.memory_space<vmem_shared>>) target(%arg8 : memref<64x128xf32, #tpu.memory_space<vmem>>) target_semaphore(%run_scoped3A : memref<!tpu.dma_semaphore, #tpu.memory_space<semaphore_mem>>)
      %dma_wait3A = arith.constant 0 : i32
      %dma_wait3A_74 = tpu.memref_slice %arg13[%add3A_64, %dma_wait3A] : memref<10240x128xf32, #tpu.memory_space<vmem_shared>> -> memref<64x128xf32, #tpu.memory_space<vmem_shared>>
      %dma_wait3A_75 = arith.constant 0 : i32
      %dma_wait3A_76 = tpu.memref_slice %arg13[%add3A_64, %dma_wait3A_75] : memref<10240x128xf32, #tpu.memory_space<vmem_shared>> -> memref<64x128xf32, #tpu.memory_space<vmem_shared>>
      tpu.wait_dma2 semaphore(%run_scoped3A : memref<!tpu.dma_semaphore, #tpu.memory_space<semaphore_mem>>) src(%dma_wait3A_76 : memref<64x128xf32, #tpu.memory_space<vmem_shared>>) dst(%arg8 : memref<64x128xf32, #tpu.memory_space<vmem>>)
      tpu.yield
    }) : () -> ()
    %add3A_65 = arith.constant 512 : i32
    %add3A_66 = arith.addi %mul3A_4, %add3A_65 : i32
    "tpu.region"() ({
      %run_scoped3A = tpu.sem_alloc : memref<!tpu.dma_semaphore, #tpu.memory_space<semaphore_mem>>
      %dma_start3A = arith.constant 0 : i32
      %dma_start3A_71 = tpu.memref_slice %arg7[%arg0, %add3A_66, %dma_start3A] : memref<2x10240x128xf32, #tpu.memory_space<hbm>> -> memref<1x64x128xf32, #tpu.memory_space<hbm>>
      %dma_start3A_72 = tpu.memref_squeeze %dma_start3A_71 : memref<1x64x128xf32, #tpu.memory_space<hbm>> -> memref<64x128xf32, #tpu.memory_space<hbm>>
      %dma_start3A_73 = arith.constant 0 : i32
      %dma_start3A_74 = tpu.memref_slice %arg7[%arg0, %add3A_66, %dma_start3A_73] : memref<2x10240x128xf32, #tpu.memory_space<hbm>> -> memref<1x64x128xf32, #tpu.memory_space<hbm>>
      %dma_start3A_75 = tpu.memref_squeeze %dma_start3A_74 : memref<1x64x128xf32, #tpu.memory_space<hbm>> -> memref<64x128xf32, #tpu.memory_space<hbm>>
      tpu.enqueue_dma source(%arg8 : memref<64x128xf32, #tpu.memory_space<vmem>>) target(%dma_start3A_75 : memref<64x128xf32, #tpu.memory_space<hbm>>) target_semaphore(%run_scoped3A : memref<!tpu.dma_semaphore, #tpu.memory_space<semaphore_mem>>)
      %dma_wait3A = arith.constant 0 : i32
      %dma_wait3A_76 = tpu.memref_slice %arg7[%arg0, %add3A_66, %dma_wait3A] : memref<2x10240x128xf32, #tpu.memory_space<hbm>> -> memref<1x64x128xf32, #tpu.memory_space<hbm>>
      %dma_wait3A_77 = tpu.memref_squeeze %dma_wait3A_76 : memref<1x64x128xf32, #tpu.memory_space<hbm>> -> memref<64x128xf32, #tpu.memory_space<hbm>>
      %dma_wait3A_78 = arith.constant 0 : i32
      %dma_wait3A_79 = tpu.memref_slice %arg7[%arg0, %add3A_66, %dma_wait3A_78] : memref<2x10240x128xf32, #tpu.memory_space<hbm>> -> memref<1x64x128xf32, #tpu.memory_space<hbm>>
      %dma_wait3A_80 = tpu.memref_squeeze %dma_wait3A_79 : memref<1x64x128xf32, #tpu.memory_space<hbm>> -> memref<64x128xf32, #tpu.memory_space<hbm>>
      tpu.wait_dma2 semaphore(%run_scoped3A : memref<!tpu.dma_semaphore, #tpu.memory_space<semaphore_mem>>) src(%arg8 : memref<64x128xf32, #tpu.memory_space<vmem>>) dst(%dma_wait3A_80 : memref<64x128xf32, #tpu.memory_space<hbm>>)
      tpu.yield
    }) : () -> ()
    %add3A_67 = arith.constant 576 : i32
    %add3A_68 = arith.addi %mul3A_4, %add3A_67 : i32
    "tpu.region"() ({
      %run_scoped3A = tpu.sem_alloc : memref<!tpu.dma_semaphore, #tpu.memory_space<semaphore_mem>>
      %dma_start3A = arith.constant 0 : i32
      %dma_start3A_71 = tpu.memref_slice %arg13[%add3A_68, %dma_start3A] : memref<10240x128xf32, #tpu.memory_space<vmem_shared>> -> memref<64x128xf32, #tpu.memory_space<vmem_shared>>
      %dma_start3A_72 = arith.constant 0 : i32
      %dma_start3A_73 = tpu.memref_slice %arg13[%add3A_68, %dma_start3A_72] : memref<10240x128xf32, #tpu.memory_space<vmem_shared>> -> memref<64x128xf32, #tpu.memory_space<vmem_shared>>
      tpu.enqueue_dma source(%dma_start3A_73 : memref<64x128xf32, #tpu.memory_space<vmem_shared>>) target(%arg8 : memref<64x128xf32, #tpu.memory_space<vmem>>) target_semaphore(%run_scoped3A : memref<!tpu.dma_semaphore, #tpu.memory_space<semaphore_mem>>)
      %dma_wait3A = arith.constant 0 : i32
      %dma_wait3A_74 = tpu.memref_slice %arg13[%add3A_68, %dma_wait3A] : memref<10240x128xf32, #tpu.memory_space<vmem_shared>> -> memref<64x128xf32, #tpu.memory_space<vmem_shared>>
      %dma_wait3A_75 = arith.constant 0 : i32
      %dma_wait3A_76 = tpu.memref_slice %arg13[%add3A_68, %dma_wait3A_75] : memref<10240x128xf32, #tpu.memory_space<vmem_shared>> -> memref<64x128xf32, #tpu.memory_space<vmem_shared>>
      tpu.wait_dma2 semaphore(%run_scoped3A : memref<!tpu.dma_semaphore, #tpu.memory_space<semaphore_mem>>) src(%dma_wait3A_76 : memref<64x128xf32, #tpu.memory_space<vmem_shared>>) dst(%arg8 : memref<64x128xf32, #tpu.memory_space<vmem>>)
      tpu.yield
    }) : () -> ()
    %add3A_69 = arith.constant 576 : i32
    %add3A_70 = arith.addi %mul3A_4, %add3A_69 : i32
    "tpu.region"() ({
      %run_scoped3A = tpu.sem_alloc : memref<!tpu.dma_semaphore, #tpu.memory_space<semaphore_mem>>
      %dma_start3A = arith.constant 0 : i32
      %dma_start3A_71 = tpu.memref_slice %arg7[%arg0, %add3A_70, %dma_start3A] : memref<2x10240x128xf32, #tpu.memory_space<hbm>> -> memref<1x64x128xf32, #tpu.memory_space<hbm>>
      %dma_start3A_72 = tpu.memref_squeeze %dma_start3A_71 : memref<1x64x128xf32, #tpu.memory_space<hbm>> -> memref<64x128xf32, #tpu.memory_space<hbm>>
      %dma_start3A_73 = arith.constant 0 : i32
      %dma_start3A_74 = tpu.memref_slice %arg7[%arg0, %add3A_70, %dma_start3A_73] : memref<2x10240x128xf32, #tpu.memory_space<hbm>> -> memref<1x64x128xf32, #tpu.memory_space<hbm>>
      %dma_start3A_75 = tpu.memref_squeeze %dma_start3A_74 : memref<1x64x128xf32, #tpu.memory_space<hbm>> -> memref<64x128xf32, #tpu.memory_space<hbm>>
      tpu.enqueue_dma source(%arg8 : memref<64x128xf32, #tpu.memory_space<vmem>>) target(%dma_start3A_75 : memref<64x128xf32, #tpu.memory_space<hbm>>) target_semaphore(%run_scoped3A : memref<!tpu.dma_semaphore, #tpu.memory_space<semaphore_mem>>)
      %dma_wait3A = arith.constant 0 : i32
      %dma_wait3A_76 = tpu.memref_slice %arg7[%arg0, %add3A_70, %dma_wait3A] : memref<2x10240x128xf32, #tpu.memory_space<hbm>> -> memref<1x64x128xf32, #tpu.memory_space<hbm>>
      %dma_wait3A_77 = tpu.memref_squeeze %dma_wait3A_76 : memref<1x64x128xf32, #tpu.memory_space<hbm>> -> memref<64x128xf32, #tpu.memory_space<hbm>>
      %dma_wait3A_78 = arith.constant 0 : i32
      %dma_wait3A_79 = tpu.memref_slice %arg7[%arg0, %add3A_70, %dma_wait3A_78] : memref<2x10240x128xf32, #tpu.memory_space<hbm>> -> memref<1x64x128xf32, #tpu.memory_space<hbm>>
      %dma_wait3A_80 = tpu.memref_squeeze %dma_wait3A_79 : memref<1x64x128xf32, #tpu.memory_space<hbm>> -> memref<64x128xf32, #tpu.memory_space<hbm>>
      tpu.wait_dma2 semaphore(%run_scoped3A : memref<!tpu.dma_semaphore, #tpu.memory_space<semaphore_mem>>) src(%arg8 : memref<64x128xf32, #tpu.memory_space<vmem>>) dst(%dma_wait3A_80 : memref<64x128xf32, #tpu.memory_space<hbm>>)
      tpu.yield
    }) : () -> ()
    return
  }
}

module attributes {stable_mosaic.version = 14 : i64} {
  func.func @_rel_mm_body(%arg0: i32, %arg1: i32, %arg2: memref<2000x256xf32, #tpu.memory_space<vmem>>, %arg3: memref<1x256x256xf32, #tpu.memory_space<vmem>>, %arg4: memref<256x1xf32, #tpu.memory_space<vmem>>, %arg5: memref<256x1xf32, #tpu.memory_space<vmem>>, %arg6: memref<1x2000x128xf32, #tpu.memory_space<vmem>>, %arg7: memref<1x2000x128xf32, #tpu.memory_space<vmem>>, %arg8: memref<1x2000x1xf32, #tpu.memory_space<vmem>>, %arg9: memref<1x2000x1xf32, #tpu.memory_space<vmem>>) attributes {dimension_semantics = [#tpu.dimension_semantics<arbitrary>, #tpu.dimension_semantics<arbitrary>], iteration_bounds = array<i64: 8, 5>, scalar_prefetch = 0 : i64, scratch_operands = 0 : i64, tpu.core_type = #tpu.core_type<tc>, window_params = [{transform_indices = @transform_0, window_bounds = array<i64: 2000, 256>}, {transform_indices = @transform_1, window_bounds = array<i64: 1, 256, 256>}, {pipeline_mode = #tpu.pipeline_mode<synchronous>, transform_indices = @transform_2, window_bounds = array<i64: 256, 1>}, {pipeline_mode = #tpu.pipeline_mode<synchronous>, transform_indices = @transform_3, window_bounds = array<i64: 256, 1>}, {transform_indices = @transform_4, window_bounds = array<i64: 1, 2000, 128>}, {transform_indices = @transform_5, window_bounds = array<i64: 1, 2000, 128>}, {transform_indices = @transform_6, window_bounds = array<i64: 1, 2000, 1>}, {transform_indices = @transform_7, window_bounds = array<i64: 1, 2000, 1>}]} {
    %get3A = arith.constant 0 : index
    %get3A_0 = arith.constant 0 : index
    %get3A_1 = vector.load %arg2[%get3A, %get3A_0] : memref<2000x256xf32, #tpu.memory_space<vmem>>, vector<2000x256xf32>
    %get3A_2 = arith.constant 0 : index
    %get3A_3 = arith.constant 0 : index
    %get3A_4 = arith.constant 0 : index
    %get3A_5 = vector.load %arg3[%get3A_2, %get3A_3, %get3A_4] : memref<1x256x256xf32, #tpu.memory_space<vmem>>, vector<1x256x256xf32>
    %get3A_6 = vector.shape_cast %get3A_5 : vector<1x256x256xf32> to vector<256x256xf32>
    %dot_general3A = arith.constant dense<0.000000e+00> : vector<2000x256xf32>
    %dot_general3A_7 = tpu.matmul %get3A_1, %get3A_6, %dot_general3A {dimension_numbers = #tpu.dot_dimension_numbers<[1], [0], [0], [1], [0, 0, 1, 1], [], []>, transpose_lhs_hint = false} : vector<2000x256xf32>, vector<256x256xf32>, vector<2000x256xf32> -> vector<2000x256xf32>
    %slice3A = vector.extract_strided_slice %dot_general3A_7 {offsets = [0, 0], sizes = [2000, 128], strides = [1, 1]} : vector<2000x256xf32> to vector<2000x128xf32>
    %swap3A = arith.constant 0 : index
    %swap3A_8 = arith.constant 0 : index
    %swap3A_9 = arith.constant 0 : index
    %swap3A_10 = vector.load %arg6[%swap3A, %swap3A_8, %swap3A_9] : memref<1x2000x128xf32, #tpu.memory_space<vmem>>, vector<1x2000x128xf32>
    %swap3A_11 = vector.shape_cast %swap3A_10 : vector<1x2000x128xf32> to vector<2000x128xf32>
    %swap3A_12 = vector.shape_cast %slice3A : vector<2000x128xf32> to vector<1x2000x128xf32>
    tpu.vector_store %arg6[%swap3A, %swap3A_8, %swap3A_9], %swap3A_12 {strides = array<i32>} : memref<1x2000x128xf32, #tpu.memory_space<vmem>>, vector<1x2000x128xf32>,
    %slice3A_13 = vector.extract_strided_slice %dot_general3A_7 {offsets = [0, 128], sizes = [2000, 128], strides = [1, 1]} : vector<2000x256xf32> to vector<2000x128xf32>
    %swap3A_14 = arith.constant 0 : index
    %swap3A_15 = arith.constant 0 : index
    %swap3A_16 = arith.constant 0 : index
    %swap3A_17 = vector.load %arg7[%swap3A_14, %swap3A_15, %swap3A_16] : memref<1x2000x128xf32, #tpu.memory_space<vmem>>, vector<1x2000x128xf32>
    %swap3A_18 = vector.shape_cast %swap3A_17 : vector<1x2000x128xf32> to vector<2000x128xf32>
    %swap3A_19 = vector.shape_cast %slice3A_13 : vector<2000x128xf32> to vector<1x2000x128xf32>
    tpu.vector_store %arg7[%swap3A_14, %swap3A_15, %swap3A_16], %swap3A_19 {strides = array<i32>} : memref<1x2000x128xf32, #tpu.memory_space<vmem>>, vector<1x2000x128xf32>,
    %get3A_20 = arith.constant 0 : index
    %get3A_21 = arith.constant 0 : index
    %get3A_22 = vector.load %arg4[%get3A_20, %get3A_21] : memref<256x1xf32, #tpu.memory_space<vmem>>, vector<256x1xf32>
    %dot_general3A_23 = arith.constant dense<0.000000e+00> : vector<2000x1xf32>
    %dot_general3A_24 = tpu.matmul %dot_general3A_7, %get3A_22, %dot_general3A_23 {dimension_numbers = #tpu.dot_dimension_numbers<[1], [0], [0], [1], [0, 0, 1, 1], [], []>, transpose_lhs_hint = false} : vector<2000x256xf32>, vector<256x1xf32>, vector<2000x1xf32> -> vector<2000x1xf32>
    %swap3A_25 = arith.constant 0 : index
    %swap3A_26 = arith.constant 0 : index
    %swap3A_27 = arith.constant 0 : index
    %swap3A_28 = vector.load %arg8[%swap3A_25, %swap3A_26, %swap3A_27] : memref<1x2000x1xf32, #tpu.memory_space<vmem>>, vector<1x2000x1xf32>
    %swap3A_29 = vector.shape_cast %swap3A_28 : vector<1x2000x1xf32> to vector<2000x1xf32>
    %swap3A_30 = vector.shape_cast %dot_general3A_24 : vector<2000x1xf32> to vector<1x2000x1xf32>
    tpu.vector_store %arg8[%swap3A_25, %swap3A_26, %swap3A_27], %swap3A_30 {strides = array<i32>} : memref<1x2000x1xf32, #tpu.memory_space<vmem>>, vector<1x2000x1xf32>,
    %get3A_31 = arith.constant 0 : index
    %get3A_32 = arith.constant 0 : index
    %get3A_33 = vector.load %arg5[%get3A_31, %get3A_32] : memref<256x1xf32, #tpu.memory_space<vmem>>, vector<256x1xf32>
    %dot_general3A_34 = arith.constant dense<0.000000e+00> : vector<2000x1xf32>
    %dot_general3A_35 = tpu.matmul %dot_general3A_7, %get3A_33, %dot_general3A_34 {dimension_numbers = #tpu.dot_dimension_numbers<[1], [0], [0], [1], [0, 0, 1, 1], [], []>, transpose_lhs_hint = false} : vector<2000x256xf32>, vector<256x1xf32>, vector<2000x1xf32> -> vector<2000x1xf32>
    %swap3A_36 = arith.constant 0 : index
    %swap3A_37 = arith.constant 0 : index
    %swap3A_38 = arith.constant 0 : index
    %swap3A_39 = vector.load %arg9[%swap3A_36, %swap3A_37, %swap3A_38] : memref<1x2000x1xf32, #tpu.memory_space<vmem>>, vector<1x2000x1xf32>
    %swap3A_40 = vector.shape_cast %swap3A_39 : vector<1x2000x1xf32> to vector<2000x1xf32>
    %swap3A_41 = vector.shape_cast %dot_general3A_35 : vector<2000x1xf32> to vector<1x2000x1xf32>
    tpu.vector_store %arg9[%swap3A_36, %swap3A_37, %swap3A_38], %swap3A_41 {strides = array<i32>} : memref<1x2000x1xf32, #tpu.memory_space<vmem>>, vector<1x2000x1xf32>,
    return
  }
  func.func @transform_0(%arg0: i32, %arg1: i32) -> (i32, i32) {
    %c0_i32 = arith.constant 0 : i32
    %c0_i32_0 = arith.constant 0 : i32
    return %arg1, %c0_i32 : i32, i32
  }
  func.func @transform_1(%arg0: i32, %arg1: i32) -> (i32, i32, i32) {
    %c0_i32 = arith.constant 0 : i32
    %c0_i32_0 = arith.constant 0 : i32
    %c0_i32_1 = arith.constant 0 : i32
    return %arg0, %c0_i32, %c0_i32_0 : i32, i32, i32
  }
  func.func @transform_2(%arg0: i32, %arg1: i32) -> (i32, i32) {
    %c0_i32 = arith.constant 0 : i32
    %c0_i32_0 = arith.constant 0 : i32
    %c0_i32_1 = arith.constant 0 : i32
    return %c0_i32, %c0_i32_0 : i32, i32
  }
  func.func @transform_3(%arg0: i32, %arg1: i32) -> (i32, i32) {
    %c0_i32 = arith.constant 0 : i32
    %c0_i32_0 = arith.constant 0 : i32
    %c0_i32_1 = arith.constant 0 : i32
    return %c0_i32, %c0_i32_0 : i32, i32
  }
  func.func @transform_4(%arg0: i32, %arg1: i32) -> (i32, i32, i32) {
    %c0_i32 = arith.constant 0 : i32
    %c0_i32_0 = arith.constant 0 : i32
    return %arg0, %arg1, %c0_i32 : i32, i32, i32
  }
  func.func @transform_5(%arg0: i32, %arg1: i32) -> (i32, i32, i32) {
    %c0_i32 = arith.constant 0 : i32
    %c0_i32_0 = arith.constant 0 : i32
    return %arg0, %arg1, %c0_i32 : i32, i32, i32
  }
  func.func @transform_6(%arg0: i32, %arg1: i32) -> (i32, i32, i32) {
    %c0_i32 = arith.constant 0 : i32
    %c0_i32_0 = arith.constant 0 : i32
    return %arg0, %arg1, %c0_i32 : i32, i32, i32
  }
  func.func @transform_7(%arg0: i32, %arg1: i32) -> (i32, i32, i32) {
    %c0_i32 = arith.constant 0 : i32
    %c0_i32_0 = arith.constant 0 : i32
    return %arg0, %arg1, %c0_i32 : i32, i32, i32
  }
}

module attributes {stable_mosaic.version = 14 : i64} {
  func.func @_edge_mv_body(%arg0: i32, %arg1: memref<2000x16xf32, #tpu.memory_space<vmem>>, %arg2: memref<16x1xf32, #tpu.memory_space<vmem>>, %arg3: memref<2000x1xf32, #tpu.memory_space<vmem>>) attributes {dimension_semantics = [#tpu.dimension_semantics<arbitrary>], iteration_bounds = array<i64: 80>, scalar_prefetch = 0 : i64, scratch_operands = 0 : i64, tpu.core_type = #tpu.core_type<tc>, window_params = [{transform_indices = @transform_0, window_bounds = array<i64: 2000, 16>}, {pipeline_mode = #tpu.pipeline_mode<synchronous>, transform_indices = @transform_1, window_bounds = array<i64: 16, 1>}, {transform_indices = @transform_2, window_bounds = array<i64: 2000, 1>}]} {
    %get3A = arith.constant 0 : index
    %get3A_0 = arith.constant 0 : index
    %get3A_1 = vector.load %arg1[%get3A, %get3A_0] : memref<2000x16xf32, #tpu.memory_space<vmem>>, vector<2000x16xf32>
    %get3A_2 = arith.constant 0 : index
    %get3A_3 = arith.constant 0 : index
    %get3A_4 = vector.load %arg2[%get3A_2, %get3A_3] : memref<16x1xf32, #tpu.memory_space<vmem>>, vector<16x1xf32>
    %dot_general3A = arith.constant dense<0.000000e+00> : vector<2000x1xf32>
    %dot_general3A_5 = tpu.matmul %get3A_1, %get3A_4, %dot_general3A {dimension_numbers = #tpu.dot_dimension_numbers<[1], [0], [0], [1], [0, 0, 1, 1], [], []>, transpose_lhs_hint = false} : vector<2000x16xf32>, vector<16x1xf32>, vector<2000x1xf32> -> vector<2000x1xf32>
    %swap3A = arith.constant 0 : index
    %swap3A_6 = arith.constant 0 : index
    %swap3A_7 = vector.load %arg3[%swap3A, %swap3A_6] : memref<2000x1xf32, #tpu.memory_space<vmem>>, vector<2000x1xf32>
    tpu.vector_store %arg3[%swap3A, %swap3A_6], %dot_general3A_5 {strides = array<i32>} : memref<2000x1xf32, #tpu.memory_space<vmem>>, vector<2000x1xf32>,
    return
  }
  func.func @transform_0(%arg0: i32) -> (i32, i32) {
    %c0_i32 = arith.constant 0 : i32
    %c0_i32_0 = arith.constant 0 : i32
    return %arg0, %c0_i32 : i32, i32
  }
  func.func @transform_1(%arg0: i32) -> (i32, i32) {
    %c0_i32 = arith.constant 0 : i32
    %c0_i32_0 = arith.constant 0 : i32
    %c0_i32_1 = arith.constant 0 : i32
    return %c0_i32, %c0_i32_0 : i32, i32
  }
  func.func @transform_2(%arg0: i32) -> (i32, i32) {
    %c0_i32 = arith.constant 0 : i32
    %c0_i32_0 = arith.constant 0 : i32
    return %arg0, %c0_i32 : i32, i32
  }
}

module attributes {stable_mosaic.version = 14 : i64} {
  func.func @_final_mv_body(%arg0: i32, %arg1: memref<2000x256xf32, #tpu.memory_space<vmem>>, %arg2: memref<256x1xf32, #tpu.memory_space<vmem>>, %arg3: memref<1xf32, #tpu.memory_space<vmem>>, %arg4: memref<2000x1xf32, #tpu.memory_space<vmem>>) attributes {dimension_semantics = [#tpu.dimension_semantics<arbitrary>], iteration_bounds = array<i64: 5>, scalar_prefetch = 0 : i64, scratch_operands = 0 : i64, tpu.core_type = #tpu.core_type<tc>, window_params = [{transform_indices = @transform_0, window_bounds = array<i64: 2000, 256>}, {pipeline_mode = #tpu.pipeline_mode<synchronous>, transform_indices = @transform_1, window_bounds = array<i64: 256, 1>}, {pipeline_mode = #tpu.pipeline_mode<synchronous>, transform_indices = @transform_2, window_bounds = array<i64: 1>}, {transform_indices = @transform_3, window_bounds = array<i64: 2000, 1>}]} {
    %get3A = arith.constant 0 : index
    %get3A_0 = arith.constant 0 : index
    %get3A_1 = vector.load %arg1[%get3A, %get3A_0] : memref<2000x256xf32, #tpu.memory_space<vmem>>, vector<2000x256xf32>
    %get3A_2 = arith.constant 0 : index
    %get3A_3 = arith.constant 0 : index
    %get3A_4 = vector.load %arg2[%get3A_2, %get3A_3] : memref<256x1xf32, #tpu.memory_space<vmem>>, vector<256x1xf32>
    %dot_general3A = arith.constant dense<0.000000e+00> : vector<2000x1xf32>
    %dot_general3A_5 = tpu.matmul %get3A_1, %get3A_4, %dot_general3A {dimension_numbers = #tpu.dot_dimension_numbers<[1], [0], [0], [1], [0, 0, 1, 1], [], []>, transpose_lhs_hint = false} : vector<2000x256xf32>, vector<256x1xf32>, vector<2000x1xf32> -> vector<2000x1xf32>
    %get3A_6 = arith.constant 0 : index
    %get3A_7 = vector.load %arg3[%get3A_6] : memref<1xf32, #tpu.memory_space<vmem>>, vector<1xf32>
    %get3A_8 = vector.extract %get3A_7[0] : f32 from vector<1xf32>
    %add3A = vector.broadcast %get3A_8 : f32 to vector<2000x1xf32>
    %add3A_9 = arith.addf %dot_general3A_5, %add3A : vector<2000x1xf32>
    %swap3A = arith.constant 0 : index
    %swap3A_10 = arith.constant 0 : index
    %swap3A_11 = vector.load %arg4[%swap3A, %swap3A_10] : memref<2000x1xf32, #tpu.memory_space<vmem>>, vector<2000x1xf32>
    tpu.vector_store %arg4[%swap3A, %swap3A_10], %add3A_9 {strides = array<i32>} : memref<2000x1xf32, #tpu.memory_space<vmem>>, vector<2000x1xf32>,
    return
  }
  func.func @transform_0(%arg0: i32) -> (i32, i32) {
    %c0_i32 = arith.constant 0 : i32
    %c0_i32_0 = arith.constant 0 : i32
    return %arg0, %c0_i32 : i32, i32
  }
  func.func @transform_1(%arg0: i32) -> (i32, i32) {
    %c0_i32 = arith.constant 0 : i32
    %c0_i32_0 = arith.constant 0 : i32
    %c0_i32_1 = arith.constant 0 : i32
    return %c0_i32, %c0_i32_0 : i32, i32
  }
  func.func @transform_2(%arg0: i32) -> i32 {
    %c0_i32 = arith.constant 0 : i32
    %c0_i32_0 = arith.constant 0 : i32
    return %c0_i32 : i32
  }
  func.func @transform_3(%arg0: i32) -> (i32, i32) {
    %c0_i32 = arith.constant 0 : i32
    %c0_i32_0 = arith.constant 0 : i32
    return %arg0, %c0_i32 : i32, i32
  }
}

</mosaic_0001>

<sc_bundles>
// kernel: kernel.11.cloned.1.call-start
scs
__scs_entry_jumppad:
0x0: {  	(pc) =	sbr.rel $0x88, $3  }
0x1: {  	(tag) =	ssettag $0x0;
	lr =	simm.s32 $0x1  }
0x2: {  	[smem:$0x3F8F] =	sst lr;
	_ =	strace $0xD0000000  }
0x3: {  	_ = 	snop  }
0x4: {  	_ = 	snop  }
0x5: {  	_ = 	snop  }
0x6: {  	_ = 	snop  }
0x7: {  	_ = 	snop  }
__scs_overlays_trampoline_lowered:
0x8: {  	[smem:$0x3F9E] =	sst s0  }
0x9: {  	[smem:$0x3F9F] =	sst s1  }
0xa: {  	[smem:$0x3FA0] =	sst s2  }
0xb: {  	[smem:$0x3FA1] =	sst s3  }
0xc: {  	[smem:$0x3FA2] =	sst s4  }
0xd: {  	[smem:$0x3FA3] =	sst s5  }
0xe: {  	[smem:$0x3FA4] =	sst s6  }
0xf: {  	[smem:$0x3FA5] =	sst s7  }
0x10: {  	[smem:$0x3FA6] =	sst s8  }
0x11: {  	[smem:$0x3FA7] =	sst s9;
	s0 =	simm.s32 @!p0 $0x0  }
0x12: {  	s1 =	sld [smem:$0x3F8D];
	s0 =	simm.s32 @p0 $0x1  }
0x13: {  	[smem:$0x3FA8] =	sst s0;
	s0 =	simm.s32 @!p1 $0x0  }
0x14: {  	s2 =	sld [smem:$0x3F8C];
	s0 =	simm.s32 @p1 $0x1  }
0x15: {  	[smem:$0x3FA9] =	sst s0;
	s0 =	simm.s32 @!p2 $0x0  }
0x16: {  	s3 =	sld [smem:$0x3FDB];
	s0 =	simm.s32 @p2 $0x1  }
0x17: {  	s4 =	simm.s32 $0x1BF5;
	[smem:$0x3FAB] =	sst s0  }
0x18: {  	s0 =	sld [smem:$0x3F8E];
	_ =	swait.ge [sflag:s4], $0x0  }
0x19: {  	s7 =	sld [smem:$0x3F8F]  }
0x1a: {  	s8 =	sadd.s32 $0xFFFFE003, lr  }
0x1b: {  	s9 =	sadd.s32 $0xFFFFFEF7, lr;
	s5 =	simm.s32 $0xFFFFFFFF;
	p2 =	slt.u32 s8, $0xFFFFF086  }
0x1c: {  	p1 =	slt.u32 s9, $0xF7A;
	s5 =	simm.s32 @!p2 $0x0  }
0x1d: {  	s5 =	simm.s32 @p1 $0x1;
	p0 =	seq.s32 s7, s2  }
0x1e: {  	s7 =	smul.u32 @!p0 $0xF7A, s2;
	p2 =	seq.s32 @!p0 s5, $0x0  }
0x1f: {  	s9 =	smul.u32 $0xF7A, s1;
	s8 =	simm.s32 @!p0 $0x1BF5;
	p2 =	por !p2, p0  }
0x20: {  	[sflag:s8] =	ssyncset.s32 @!p0 $0xFFFFF086;
	s6 =	sadd.s32 @!p0 s3, s7;
	s7 =	simm.s32 @!p0 $0x108  }
0x21: {  	s3 =	sadd.s32 s3, s9;
	s6 =	sadd.s32 @!p0 $0x88, s6;
	s7 =	simm.s32 @p2 $0x1082  }
0x22: {  	[simem:s7], [sflag:s8] =	dma.local @!p0 [hbm:s6], $0xF7A  }
0x23: {  	s9 =	sor.u32 $0xD0000000, s2;
	s6 =	simm.s32 $0x108;
	_ =	swait.ge @!p0 [sflag:s8], $0x0  }
0x24: {  	s3 =	sadd.s32 $0x88, s3;
	s6 =	simm.s32 @!p1 $0x1082;
	[sflag:s4] =	ssyncset.s32 $0xFFFFF086  }
0x25: {  	[simem:s6], [sflag:s4] =	dma.local [hbm:s3], $0xF7A  }
0x26: {  	[smem:$0x3F8F] =	sst s1;
	(tag) =	ssettag s2;
	_ =	strace s9  }
0x27: {  	s1 =	sld [smem:$0x3F9F]  }
0x28: {  	s2 =	sld [smem:$0x3FA0]  }
0x29: {  	s4 =	sld [smem:$0x3FA2]  }
0x2a: {  	p0 =	seq.s32 s5, $0x0;
	s5 =	sld [smem:$0x3FA3]  }
0x2b: {  	s6 =	sld [smem:$0x3FA4]  }
0x2c: {  	s7 =	sld [smem:$0x3FA5]  }
0x2d: {  	s3 =	simm.s32 $0x108;
	s8 =	sld [smem:$0x3FA6]  }
0x2e: {  	s3 =	simm.s32 @!p0 $0x1082;
	s9 =	sld [smem:$0x3FA7]  }
0x2f: {  	lr =	sadd.s32 s0, s3;
	s0 =	sld [smem:$0x3F9E]  }
0x30: {  	s3 =	sld [smem:$0x3FA1]  }
0x31: {  	[smem:$0x3FAA] =	sst s10  }
0x32: {  	s10 =	sld [smem:$0x3FA8];
	_ =	sdelay $0x3  }
0x33: {  	p0 =	seq.s32 s10, $0x1;
	s10 =	sld [smem:$0x3FAA];
	_ =	sdelay $0x3  }
0x34: {  	[smem:$0x3FAA] =	sst s10  }
0x35: {  	s10 =	sld [smem:$0x3FA9];
	_ =	sdelay $0x3  }
0x36: {  	p1 =	seq.s32 s10, $0x1;
	s10 =	sld [smem:$0x3FAA];
	_ =	sdelay $0x3  }
0x37: {  	[smem:$0x3FAA] =	sst s10  }
0x38: {  	s10 =	sld [smem:$0x3FAB]  }
0x39: {  	_ = 	snop;
	(pc) =	sbr.ind lr, $3  }
0x3a: {  	_ = 	snop  }
0x3b: {  	_ = 	snop  }
0x3c: {  	p2 =	seq.s32 s10, $0x1;
	s10 =	sld [smem:$0x3FAA]  }
0x3d: {  	_ =	shalt  }
0x3e: {  	_ =	shalt  }
0x3f: {  	_ =	shalt  }
0x40: {  	_ =	shalt  }
0x41: {  	_ =	shalt  }
0x42: {  	_ =	shalt  }
0x43: {  	_ =	shalt  }
0x44: {  	_ =	shalt  }
0x45: {  	_ =	shalt  }
0x46: {  	_ =	shalt  }
0x47: {  	_ =	shalt  }
0x48: {  	_ =	shalt  }
0x49: {  	_ =	shalt  }
0x4a: {  	_ =	shalt  }
0x4b: {  	_ =	shalt  }
0x4c: {  	_ =	shalt  }
0x4d: {  	_ =	shalt  }
0x4e: {  	_ =	shalt  }
0x4f: {  	_ =	shalt  }
0x50: {  	_ =	shalt  }
0x51: {  	_ =	shalt  }
0x52: {  	_ =	shalt  }
0x53: {  	_ =	shalt  }
0x54: {  	_ =	shalt  }
0x55: {  	_ =	shalt  }
0x56: {  	_ =	shalt  }
0x57: {  	_ =	shalt  }
0x58: {  	_ =	shalt  }
0x59: {  	_ =	shalt  }
0x5a: {  	_ =	shalt  }
0x5b: {  	_ =	shalt  }
0x5c: {  	_ =	shalt  }
0x5d: {  	_ =	shalt  }
0x5e: {  	_ =	shalt  }
0x5f: {  	_ =	shalt  }
0x60: {  	_ =	shalt  }
0x61: {  	_ =	shalt  }
0x62: {  	_ =	shalt  }
0x63: {  	_ =	shalt  }
0x64: {  	_ =	shalt  }
0x65: {  	_ =	shalt  }
0x66: {  	_ =	shalt  }
0x67: {  	_ =	shalt  }
0x68: {  	_ =	shalt  }
0x69: {  	_ =	shalt  }
0x6a: {  	_ =	shalt  }
0x6b: {  	_ =	shalt  }
0x6c: {  	_ =	shalt  }
0x6d: {  	_ =	shalt  }
0x6e: {  	_ =	shalt  }
0x6f: {  	_ =	shalt  }
0x70: {  	_ =	shalt  }
0x71: {  	_ =	shalt  }
0x72: {  	_ =	shalt  }
0x73: {  	_ =	shalt  }
0x74: {  	_ =	shalt  }
0x75: {  	_ =	shalt  }
0x76: {  	_ =	shalt  }
0x77: {  	_ =	shalt  }
0x78: {  	_ =	shalt  }
0x79: {  	_ =	shalt  }
0x7a: {  	_ =	shalt  }
0x7b: {  	_ =	shalt  }
0x7c: {  	_ =	shalt  }
0x7d: {  	_ =	shalt  }
0x7e: {  	_ =	shalt  }
0x7f: {  	_ =	shalt  }
0x80: {  	_ =	shalt  }
0x81: {  	_ =	shalt  }
0x82: {  	_ =	shalt  }
0x83: {  	_ =	shalt  }
0x84: {  	_ =	shalt  }
0x85: {  	_ =	shalt  }
0x86: {  	_ =	shalt  }
0x87: {  	_ =	shalt  }
.Lfunc_end0:
.L_simem_size_0:
called_computation.2_lowered:
.L_overlay_start_0:
0x88: {  	s2 =	sld [smem:$0x3FD9]  }
0x89: {  	s3 =	sld [smem:$0x3FFE];
	_ =	sdelay $0x1  }
0x8a: {  	s1 =	srdreg.scid  }
0x8b: {  	s0 =	sand.u32 $0x1, s1  }
0x8c: {  	s17 =	sshll.u32 s0, $0xA;
	s2 =	sadd.s32 s3, s2  }
0x8d: {  	s2 =	sadd.s32 s2, s17  }
0x8e: {  	[smem:$0x3FB6] =	sst s2  }
0x8f: {  	_ = 	snop  }
0x90: {  	s2 =	sld [smem:$0x3FD0];
	(tm) =	ssettm $0x1  }
0x91: {  	s18 =	sld [smem:$0x3FFB];
	_ =	sdelay $0x3  }
0x92: {  	_ =	strace s18  }
0x93: {  	s3 =	sld [smem:$0x3FFC];
	_ =	sdelay $0x3  }
0x94: {  	_ =	strace s3  }
0x95: {  	s3 =	sld [smem:$0x3FFD];
	_ =	sdelay $0x3  }
0x96: {  	_ =	strace s3  }
0x97: {  	_ =	strace $0x8FFFFFFF  }
0x98: {  	s19 =	sld [smem:$0x3FDB];
	_ =	sdelay $0x1  }
0x99: {  	s4 =	simm.s32 $_scs_section_size  }
0x9a: {  	s5 =	simm.s32 $_size__tile_overlayer_lowered;
	s6 =	simm.s32 $_tile_overlayer_lowered  }
0x9b: {  	s22 =	simm.s32 $0x1BFF;
	s21 =	sshll.u32 s6, $0x1;
	s3 =	sadd.s32 s4, s19  }
0x9c: {  	s7 =	simm.s32 $0x0;
	s20 =	sshll.u32 s5, $0x1;
	s5 =	sadd.s32 s21, s3  }
0x9d: {  	[timem:s7], [sflag:s22] =	dma.local [hbm:s5], s20  }
0x9e: {  	_ =	swait.ge [sflag:s22], s20  }
0x9f: {  	s4 =	ssub.s32 $0x0, s20;
	[sflag:s22] =	ssyncset.done $0x0  }
0xa0: {  	[sflag:s22] =	ssyncadd.s32 s4;
	_ =	sdelay $0x1  }
0xa1: {  	s23 =	simm.s32 $0x1B8B  }
0xa2: {  	_ =	swait.ge [sflag:s23], $0x1  }
0xa3: {  	[sflag:s23] =	ssyncset.done $0x0  }
0xa4: {  	s25 =	simm.s32 $0x1B8E;
	s24 =	sld [smem:$0x3FFE];
	[sflag:s23] =	ssyncadd.s32 $0xFFFFFFFF  }
0xa5: {  	s26 =	simm.s32 $execute0_lowered;
	[smem:$0x3FD2] =	sst s25  }
0xa6: {  	s5 =	sshll.u32 s26, $0x1;
	_ =	strace $0x8000004C;
	[dreg:$0x1] =	wrdreg $0xFFFFFFFF  }
0xa7: {  	s28 =	simm.s32 $_size_execute0_lowered;
	s3 =	sadd.s32 s3, s5;
	[dreg:$0x0] =	wrdreg $0x0  }
0xa8: {  	s5 =	sshll.u32 s28, $0x1;
	[dreg:$0x2] =	wrdreg s3  }
0xa9: {  	[dreg:$0x3] =	wrdreg s5  }
0xaa: {  	[dreg:$0x4] =	wrdreg $0xC0  }
0xab: {  	_ =	task [dreg:s7], $0x5FFFF  }
0xac: {  	[dreg:$0x1] =	wrdreg $0xFFFFFFFF  }
0xad: {  	[dreg:$0x0] =	wrdreg $0x60  }
0xae: {  	[dreg:$0x2] =	wrdreg s24  }
0xaf: {  	[dreg:$0x3] =	wrdreg s2  }
0xb0: {  	[dreg:$0x4] =	wrdreg $0x49000  }
0xb1: {  	[dreg:$0x5] =	wrdreg $0x9  }
0xb2: {  	_ =	task.clear_ibuf [dreg:s7], $0x6FFFF;
	_ =	strace $0x9000004C  }
0xb3: {  	s29 =	simm.s32 $0x9;
	_ =	strace $0x8000004E  }
0xb4: {  	_ =	swait.ge [sflag:s29], $0x1  }
0xb5: {  	[sflag:s29] =	ssyncadd.s32 $0xFFFFFFFF  }
0xb6: {  	_ =	strace $0x9000004E  }
0xb7: {  	_ =	sfence  }
0xb8: {  	s30 =	sld [smem:$0x0];
	_ =	sdelay $0x2  }
0xb9: {  	s31 =	sshll.u32 s1, $0xD;
	s1 =	sshrl.u32 s1, $0x2  }
0xba: {  	s3 =	sand.u32 $0x4000, s31;
	s1 =	sadd.s32 s1, s30  }
0xbb: {  	s0 =	sor.u32 s3, s0;
	s1 =	sshll.u32 s1, $0x11  }
0xbc: {  	s0 =	sor.u32 s1, s0  }
0xbd: {  	s0 =	sadd.s32 $0x8F2B, s0  }
0xbe: {  	[sflag:s0] =	ssyncadd.remote.s32 $0x1  }
0xbf: {  	_ =	sfence.sel $0xFFFF  }
0xc0: {  	[dreg:$0x0] =	wrdreg $0xFFFFFFFF;
	(pc) =	sbr.abs _section_cstart, $3  }
0xc1: {  	[dreg:$0x1] =	wrdreg $0xFFFFFFFF  }
0xc2: {  	_ =	task.clear_ibuf [dreg:s7], $0x2FFFF;
	_ =	strace $0x9FFFFFFF  }
0xc3: {  	(tm) =	ssettm $0x7FFFFFFF  }
tec
execute0_lowered:
.L_overlay_start_1:
0x0: {  	(tag) =	ssettag $0x1  }
0x1: {  	s1 =	rddreg [dreg:$0x0];
	s0 =	srdreg.scid  }
0x2: {  	s14 =	stileid.u32;
	s2 =	simm.s32 $0x0;
	s3 =	sand.u32 $0x1, s0  }
0x3: {  	s4 =	smul.u32 $0x14000, s14;
	[smem:$0x7FF] =	sst s2;
	s5 =	sadd.s32 $0x21A00, s1  }
0x4: {  	s0 =	ssub.s32 $0x2, s3;
	s10 =	smul.u32 $0x140000, s3;
	s3 =	sshll.u32 s3, $0x4  }
0x5: {  	s6 =	sshrl.u32 s0, $0x1;
	s7 =	sadd.s32 $0x4000, s4;
	s8 =	sadd.s32 $0x6000, s4  }
0x6: {  	s9 =	sadd.s32 $0x8000, s4;
	s12 =	sadd.s32 $0xA000, s4;
	s26 =	sadd.s32 $0xC000, s4  }
0x7: {  	s28 =	sadd.s32 $0xE000, s4;
	s29 =	sadd.s32 $0x10000, s4;
	s30 =	sadd.s32 $0x12000, s4  }
0x8: {  	s3 =	sor.u32 s14, s3;
	s0 =	ssub.s32 s0, s6;
	s6 =	sor.u32 $0x2000, s4  }
0x9: {  	s4 =	sadd.s32 s4, s10;
	s13 =	sadd.s32 s10, s7;
	s23 =	sadd.s32 s10, s8  }
0xa: {  	s24 =	sadd.s32 s10, s9;
	s25 =	sadd.s32 s10, s12;
	s17 =	sadd.s32 s10, s26  }
0xb: {  	s18 =	sadd.s32 s10, s28;
	s19 =	sadd.s32 s10, s29;
	s4 =	sshrl.u32 s4, $0x3  }
0xc: {  	s11 =	sadd.s32 s10, s6;
	s21 =	sshrl.u32 s13, $0x3;
	s15 =	sshrl.u32 s25, $0x3  }
0xd: {  	s13 =	rddreg [dreg:$0x2];
	s31 =	smax.u32 s0, $0x1;
	s0 =	simm.s32 $0x3400  }
0xe: {  	s4 =	sadd.s32 s5, s4;
	s20 =	sshrl.u32 s11, $0x3;
	s22 =	sadd.s32 s5, s21  }
0xf: {  	s11 =	sshrl.u32 s24, $0x3;
	s16 =	sadd.s32 s5, s15;
	s24 =	smul.u32 $0x50000, s14  }
0x10: {  	s21 =	sshrl.u32 s19, $0x3;
	s15 =	sadd.s32 $0x27C200, s1;
	s19 =	smul.u32 $0x1388, s3  }
0x11: {  	s26 =	sadd.s32 s26, s13;
	s28 =	sadd.s32 s28, s13;
	[dreg:$0x4] =	wrdreg s4  }
0x12: {  	s29 =	sadd.s32 s29, s13;
	s3 =	simm.s32 $0x3500;
	[dreg:$0x6] =	wrdreg s22  }
0x13: {  	s14 =	simm.s32 $0x0;
	s4 =	sadd.s32 s5, s20;
	[dreg:$0x9] =	wrdreg s16  }
0x14: {  	s20 =	sshrl.u32 s18, $0x3;
	s22 =	sadd.s32 s5, s21;
	s16 =	sadd.s32 $0x12A00, s1  }
0x15: {  	s18 =	sadd.s32 $0x75E200, s1;
	s21 =	sadd.s32 s6, s13;
	[dreg:$0x5] =	wrdreg s4  }
0x16: {  	s6 =	simm.s32 $0x1;
	s4 =	sshrl.u32 s23, $0x3;
	[dreg:$0xc] =	wrdreg s22  }
0x17: {  	s23 =	sadd.s32 s10, s30;
	s25 =	sshrl.u32 s24, $0x2;
	s4 =	sadd.s32 s5, s4  }
0x18: {  	s22 =	sadd.s32 s7, s13;
	[dreg:$0x7] =	wrdreg s4;
	s4 =	sadd.s32 s5, s11  }
0x19: {  	s24 =	sadd.s32 s9, s13;
	[dreg:$0x8] =	wrdreg s4;
	s4 =	sshrl.u32 s17, $0x3  }
0x1a: {  	s30 =	sadd.s32 s30, s13;
	s7 =	simm.s32 $0x0;
	s4 =	sadd.s32 s5, s4  }
0x1b: {  	s17 =	sadd.s32 $0x1200, s1;
	[dreg:$0xa] =	wrdreg s4;
	s4 =	sadd.s32 s5, s20  }
0x1c: {  	s1 =	simm.s32 $0x3480;
	[dreg:$0xb] =	wrdreg s4;
	s4 =	sshrl.u32 s23, $0x3  }
0x1d: {  	s20 =	sadd.s32 s25, s13;
	s25 =	sadd.s32 s12, s13;
	s4 =	sadd.s32 s5, s4  }
0x1e: {  	s12 =	simm.s32 $0x2;
	s23 =	sadd.s32 s8, s13;
	[dreg:$0xd] =	wrdreg s4  }
0x1f: {  	s5 =	simm.s32 $0x2000;
	s4 =	simm.s32 $0x28;
	_ =	strace $0x8000004D  }
.LBB2_1:
0x20: {  	s8 =	rddreg [dreg:$0x1]  }
0x21: {  	[tilespmem:s2], [sflag:$0x2] =	stream.linear.gather [hbm4b:s8+s2], $0x2000, $0x38;
	[tilespmem:$0x18900] =	vst v63  }
0x22: {  	_ =	swait.ge [sflag:s12], $0x2000  }
0x23: {  	[sflag:s12] =	ssyncset.done $0x0  }
0x24: {  	[sflag:s12] =	ssyncadd.s32 $0xFFFFE000  }
0x25: {  	[spmem:s20] =	stream.linear.scatter [tilespmem:s2], [sflag:$0x2], $0x2000, $0x38;
	[tilespmem:$0x18900] =	vst v63  }
0x26: {  	_ =	swait.ge [sflag:s12], $0x2000  }
0x27: {  	[sflag:s12] =	ssyncset.done $0x0  }
0x28: {  	[sflag:s12] =	ssyncadd.s32 $0xFFFFE000  }
0x29: {  	[spmem:s21] =	stream.linear.scatter [tilespmem:s2], [sflag:$0x2], $0x2000, $0x38;
	[tilespmem:$0x18900] =	vst v63  }
0x2a: {  	_ =	swait.ge [sflag:s12], $0x2000  }
0x2b: {  	[sflag:s12] =	ssyncset.done $0x0  }
0x2c: {  	[sflag:s12] =	ssyncadd.s32 $0xFFFFE000  }
0x2d: {  	[spmem:s22] =	stream.linear.scatter [tilespmem:s2], [sflag:$0x2], $0x2000, $0x38;
	[tilespmem:$0x18900] =	vst v63  }
0x2e: {  	_ =	swait.ge [sflag:s12], $0x2000  }
0x2f: {  	[sflag:s12] =	ssyncset.done $0x0  }
0x30: {  	[sflag:s12] =	ssyncadd.s32 $0xFFFFE000  }
0x31: {  	[spmem:s23] =	stream.linear.scatter [tilespmem:s2], [sflag:$0x2], $0x2000, $0x38;
	[tilespmem:$0x18900] =	vst v63  }
0x32: {  	_ =	swait.ge [sflag:s12], $0x2000  }
0x33: {  	[sflag:s12] =	ssyncset.done $0x0  }
0x34: {  	[sflag:s12] =	ssyncadd.s32 $0xFFFFE000  }
0x35: {  	[spmem:s24] =	stream.linear.scatter [tilespmem:s2], [sflag:$0x2], $0x2000, $0x38;
	[tilespmem:$0x18900] =	vst v63  }
0x36: {  	_ =	swait.ge [sflag:s12], $0x2000  }
0x37: {  	[sflag:s12] =	ssyncset.done $0x0  }
0x38: {  	[sflag:s12] =	ssyncadd.s32 $0xFFFFE000  }
0x39: {  	[spmem:s25] =	stream.linear.scatter [tilespmem:s2], [sflag:$0x2], $0x2000, $0x38;
	[tilespmem:$0x18900] =	vst v63  }
0x3a: {  	_ =	swait.ge [sflag:s12], $0x2000  }
0x3b: {  	[sflag:s12] =	ssyncset.done $0x0  }
0x3c: {  	[sflag:s12] =	ssyncadd.s32 $0xFFFFE000  }
0x3d: {  	[spmem:s26] =	stream.linear.scatter [tilespmem:s2], [sflag:$0x2], $0x2000, $0x38;
	[tilespmem:$0x18900] =	vst v63  }
0x3e: {  	_ =	swait.ge [sflag:s12], $0x2000  }
0x3f: {  	[sflag:s12] =	ssyncset.done $0x0  }
0x40: {  	[sflag:s12] =	ssyncadd.s32 $0xFFFFE000  }
0x41: {  	[spmem:s28] =	stream.linear.scatter [tilespmem:s2], [sflag:$0x2], $0x2000, $0x38;
	[tilespmem:$0x18900] =	vst v63  }
0x42: {  	_ =	swait.ge [sflag:s12], $0x2000  }
0x43: {  	[sflag:s12] =	ssyncset.done $0x0  }
0x44: {  	[sflag:s12] =	ssyncadd.s32 $0xFFFFE000  }
0x45: {  	[spmem:s29] =	stream.linear.scatter [tilespmem:s2], [sflag:$0x2], $0x2000, $0x38;
	[tilespmem:$0x18900] =	vst v63  }
0x46: {  	_ =	swait.ge [sflag:s12], $0x2000  }
0x47: {  	[sflag:s12] =	ssyncset.done $0x0  }
0x48: {  	[sflag:s12] =	ssyncadd.s32 $0xFFFFE000  }
0x49: {  	[spmem:s30] =	stream.linear.scatter [tilespmem:s2], [sflag:$0x2], $0x2000, $0x38;
	[tilespmem:$0x18900] =	vst v63  }
0x4a: {  	_ =	swait.ge [sflag:s12], $0x2000  }
0x4b: {  	[sflag:s12] =	ssyncset.done $0x0  }
0x4c: {  	[sflag:s12] =	ssyncadd.s32 $0xFFFFE000  }
0x4d: {  	s8 =	simm.s32 $0x0;
	[bflag:$0x0] =	sbarrier.arrive $0xFFFF  }
.LBB2_2:
0x4e: {  	s9 =	smul.u32 $0x28, s8;
	_ =	sdelay $0x1  }
0x4f: {  	s9 =	sadd.s32 s19, s9  }
0x50: {  	s10 =	sshrl.u32 s9, $0x3  }
0x51: {  	s11 =	sadd.s32 s16, s10  }
0x52: {  	[tilespmem:s0], [sflag:$0x2] =	stream.linear.gather [hbm4b:s11+s14], $0x28, $0x38;
	[tilespmem:$0x18900] =	vst v63  }
0x53: {  	_ =	swait.ge [sflag:s12], $0x28  }
0x54: {  	[sflag:s12] =	ssyncset.done $0x0  }
0x55: {  	s10 =	sadd.s32 s17, s10;
	[sflag:s12] =	ssyncadd.s32 $0xFFFFFFD8  }
0x56: {  	[tilespmem:s1], [sflag:$0x2] =	stream.linear.gather [hbm4b:s10+s14], $0x28, $0x38;
	[tilespmem:$0x18900] =	vst v63  }
0x57: {  	_ =	swait.ge [sflag:s12], $0x28  }
0x58: {  	s9 =	sshll.u32 s9, $0x4;
	[sflag:s12] =	ssyncset.done $0x0  }
0x59: {  	s9 =	sadd.s32 s18, s9;
	[sflag:s12] =	ssyncadd.s32 $0xFFFFFFD8  }
0x5a: {  	[tilespmem:s3], [sflag:$0x2] =	stream.linear.gather [hbm4b:s9+s14], $0x1400, $0x38;
	[tilespmem:$0x18900] =	vst v63  }
0x5b: {  	_ =	swait.ge [sflag:s12], $0x1400  }
0x5c: {  	[sflag:s12] =	ssyncset.done $0x0  }
0x5d: {  	[sflag:s12] =	ssyncadd.s32 $0xFFFFEC00  }
0x5e: {  	[tilespmem:s5], [sflag:$0x1] =	stream.indirect.gather [hbm4b:s15+s4], $0x80, s0, s4, $0xb8;
	[tilespmem:$0x18900] =	vst v63  }
0x5f: {  	_ =	swait.ge [sflag:s6], $0x1400  }
0x60: {  	[sflag:s6] =	ssyncset.done $0x0  }
0x61: {  	s9 =	simm.s32 $0x0;
	[sflag:s6] =	ssyncadd.s32 $0xFFFFEC00  }
0x62: {  	v0 =	vld [tilespmem:s9+$0x3500]  }
0x63: {  	v4 =	vld [tilespmem:s9+$0x2000]  }
0x64: {  	v6 =	vld [tilespmem:s9+$0x2010]  }
0x65: {  	v5 =	vld [tilespmem:s9+$0x2020]  }
0x66: {  	v3 =	vld [tilespmem:s9+$0x2030]  }
0x67: {  	v1 =	vld [tilespmem:s9+$0x2040]  }
0x68: {  	v2 =	vld [tilespmem:s9+$0x2050];
	v7 =	vmul.f32 v4, v0  }
0x69: {  	s10 =	simm.s32 $0x200;
	v6 =	vmul.f32 v6, v0;
	v4 =	vld [tilespmem:s9+$0x2060]  }
.LBB2_3:
0x6a: {  	s11 =	sshra.s32 s10, $0x2;
	p0 =	sne.s32 s10, $0x4E00;
	[tilespmem:s9+$0x2000] =	vst v7;
	v5 =	vmul.f32 v5, v0;
	v7 =	vld [tilespmem:s9+$0x2070]  }
0x6b: {  	v8 =	vld [tilespmem:s11+$0x3500];
	[tilespmem:s9+$0x2010] =	vst v6;
	v3 =	vmul.f32 v3, v0  }
0x6c: {  	v6 =	vld [tilespmem:s11+$0x2000];
	[tilespmem:s9+$0x2020] =	vst v5;
	v1 =	vmul.f32 v1, v0  }
0x6d: {  	v9 =	vld [tilespmem:s11+$0x2010];
	[tilespmem:s9+$0x2030] =	vst v3;
	v2 =	vmul.f32 v2, v0  }
.Ltmp0:
0x6e: {  	v5 =	vld [tilespmem:s11+$0x2020];
	[tilespmem:s9+$0x2040] =	vst v1;
	v4 =	vmul.f32 v4, v0;
	(pc) =	sbr.rel @p0 .LBB2_3-.Ltmp0, $4  }
0x6f: {  	v3 =	vld [tilespmem:s11+$0x2030];
	[tilespmem:s9+$0x2050] =	vst v2;
	v10 =	vmul.f32 v7, v0  }
0x70: {  	v1 =	vld [tilespmem:s11+$0x2040];
	[tilespmem:s9+$0x2060] =	vst v4;
	v0 =	vmov v8  }
0x71: {  	v7 =	vmul.f32 v6, v0;
	v2 =	vld [tilespmem:s11+$0x2050];
	[tilespmem:s9+$0x2070] =	vst v10;
	s9 =	smov.u32 s11  }
0x72: {  	s10 =	sadd.s32 $0x200, s10;
	v6 =	vmul.f32 v9, v0;
	v4 =	vld [tilespmem:s9+$0x2060]  }
0x73: {  	[tilespmem:s9+$0x2000] =	vst v7;
	v5 =	vmul.f32 v5, v0;
	v61 =	vld [tilespmem:s9+$0x2070]  }
0x74: {  	[tilespmem:s9+$0x2010] =	vst v6;
	v3 =	vmul.f32 v3, v0  }
0x75: {  	[tilespmem:s9+$0x2020] =	vst v5;
	v1 =	vmul.f32 v1, v0  }
0x76: {  	[tilespmem:s9+$0x2030] =	vst v3;
	v2 =	vmul.f32 v2, v0  }
0x77: {  	[tilespmem:s9+$0x2040] =	vst v1;
	v62 =	vmul.f32 v4, v0  }
0x78: {  	s8 =	sadd.s32 $0x1, s8;
	[tilespmem:s9+$0x2050] =	vst v2;
	v63 =	vmul.f32 v61, v0  }
0x79: {  	p0 =	sne.s32 s8, $0x7D;
	[tilespmem:s9+$0x2060] =	vst v62  }
.Ltmp1:
0x7a: {  	[tilespmem:s9+$0x2070] =	vst v63;
	(pc) =	sbr.rel @p0 .LBB2_2-.Ltmp1, $4  }
0x7b: {  	[spmem:s13] =	stream.indirect.scatter.add.f32 [tilespmem:s5], [sflag:$0x2], $0x80, s1, s4, $0xb8;
	[tilespmem:$0x18900] =	vst v63  }
0x7c: {  	_ =	swait.ge [sflag:s12], $0x1400  }
0x7d: {  	[sflag:s12] =	ssyncset.done $0x0  }
0x7e: {  	[sflag:s12] =	ssyncadd.s32 $0xFFFFEC00  }
0x7f: {  	[bflag:$0x0] =	sbarrier.arrive $0xFFFF  }
0x80: {  	[tilespmem:s2], [sflag:$0x2] =	stream.linear.gather [spmem:s20], $0x2000, $0x38;
	[tilespmem:$0x18900] =	vst v63  }
0x81: {  	_ =	swait.ge [sflag:s12], $0x2000  }
0x82: {  	[sflag:s12] =	ssyncset.done $0x0  }
0x83: {  	s8 =	rddreg [dreg:$0x4];
	[sflag:s12] =	ssyncadd.s32 $0xFFFFE000  }
0x84: {  	[hbm4b:s8+s2] =	stream.linear.scatter [tilespmem:s2], [sflag:$0x2], $0x2000, $0x38;
	[tilespmem:$0x18900] =	vst v63  }
0x85: {  	_ =	swait.ge [sflag:s12], $0x2000  }
0x86: {  	[sflag:s12] =	ssyncset.done $0x0  }
0x87: {  	[sflag:s12] =	ssyncadd.s32 $0xFFFFE000  }
0x88: {  	[tilespmem:s2], [sflag:$0x2] =	stream.linear.gather [spmem:s21], $0x2000, $0x38;
	[tilespmem:$0x18900] =	vst v63  }
0x89: {  	_ =	swait.ge [sflag:s12], $0x2000  }
0x8a: {  	[sflag:s12] =	ssyncset.done $0x0  }
0x8b: {  	s9 =	rddreg [dreg:$0x5];
	[sflag:s12] =	ssyncadd.s32 $0xFFFFE000  }
0x8c: {  	[hbm4b:s9+s2] =	stream.linear.scatter [tilespmem:s2], [sflag:$0x2], $0x2000, $0x38;
	[tilespmem:$0x18900] =	vst v63  }
0x8d: {  	_ =	swait.ge [sflag:s12], $0x2000  }
0x8e: {  	[sflag:s12] =	ssyncset.done $0x0  }
0x8f: {  	[sflag:s12] =	ssyncadd.s32 $0xFFFFE000  }
0x90: {  	[tilespmem:s2], [sflag:$0x2] =	stream.linear.gather [spmem:s22], $0x2000, $0x38;
	[tilespmem:$0x18900] =	vst v63  }
0x91: {  	_ =	swait.ge [sflag:s12], $0x2000  }
0x92: {  	[sflag:s12] =	ssyncset.done $0x0  }
0x93: {  	s10 =	rddreg [dreg:$0x6];
	[sflag:s12] =	ssyncadd.s32 $0xFFFFE000  }
0x94: {  	[hbm4b:s10+s2] =	stream.linear.scatter [tilespmem:s2], [sflag:$0x2], $0x2000, $0x38;
	[tilespmem:$0x18900] =	vst v63  }
0x95: {  	_ =	swait.ge [sflag:s12], $0x2000  }
0x96: {  	[sflag:s12] =	ssyncset.done $0x0  }
0x97: {  	[sflag:s12] =	ssyncadd.s32 $0xFFFFE000  }
0x98: {  	[tilespmem:s2], [sflag:$0x2] =	stream.linear.gather [spmem:s23], $0x2000, $0x38;
	[tilespmem:$0x18900] =	vst v63  }
0x99: {  	_ =	swait.ge [sflag:s12], $0x2000  }
0x9a: {  	[sflag:s12] =	ssyncset.done $0x0  }
0x9b: {  	s11 =	rddreg [dreg:$0x7];
	[sflag:s12] =	ssyncadd.s32 $0xFFFFE000  }
0x9c: {  	[hbm4b:s11+s2] =	stream.linear.scatter [tilespmem:s2], [sflag:$0x2], $0x2000, $0x38;
	[tilespmem:$0x18900] =	vst v63  }
0x9d: {  	_ =	swait.ge [sflag:s12], $0x2000  }
0x9e: {  	[sflag:s12] =	ssyncset.done $0x0  }
0x9f: {  	[sflag:s12] =	ssyncadd.s32 $0xFFFFE000  }
0xa0: {  	[tilespmem:s2], [sflag:$0x2] =	stream.linear.gather [spmem:s24], $0x2000, $0x38;
	[tilespmem:$0x18900] =	vst v63  }
0xa1: {  	_ =	swait.ge [sflag:s12], $0x2000  }
0xa2: {  	[sflag:s12] =	ssyncset.done $0x0  }
0xa3: {  	s9 =	rddreg [dreg:$0x8];
	[sflag:s12] =	ssyncadd.s32 $0xFFFFE000  }
0xa4: {  	[hbm4b:s9+s2] =	stream.linear.scatter [tilespmem:s2], [sflag:$0x2], $0x2000, $0x38;
	[tilespmem:$0x18900] =	vst v63  }
0xa5: {  	_ =	swait.ge [sflag:s12], $0x2000  }
0xa6: {  	[sflag:s12] =	ssyncset.done $0x0  }
0xa7: {  	[sflag:s12] =	ssyncadd.s32 $0xFFFFE000  }
0xa8: {  	[tilespmem:s2], [sflag:$0x2] =	stream.linear.gather [spmem:s25], $0x2000, $0x38;
	[tilespmem:$0x18900] =	vst v63  }
0xa9: {  	_ =	swait.ge [sflag:s12], $0x2000  }
0xaa: {  	[sflag:s12] =	ssyncset.done $0x0  }
0xab: {  	s10 =	rddreg [dreg:$0x9];
	[sflag:s12] =	ssyncadd.s32 $0xFFFFE000  }
0xac: {  	[hbm4b:s10+s2] =	stream.linear.scatter [tilespmem:s2], [sflag:$0x2], $0x2000, $0x38;
	[tilespmem:$0x18900] =	vst v63  }
0xad: {  	_ =	swait.ge [sflag:s12], $0x2000  }
0xae: {  	[sflag:s12] =	ssyncset.done $0x0  }
0xaf: {  	[sflag:s12] =	ssyncadd.s32 $0xFFFFE000  }
0xb0: {  	[tilespmem:s2], [sflag:$0x2] =	stream.linear.gather [spmem:s26], $0x2000, $0x38;
	[tilespmem:$0x18900] =	vst v63  }
0xb1: {  	_ =	swait.ge [sflag:s12], $0x2000  }
0xb2: {  	[sflag:s12] =	ssyncset.done $0x0  }
0xb3: {  	s11 =	rddreg [dreg:$0xa];
	[sflag:s12] =	ssyncadd.s32 $0xFFFFE000  }
0xb4: {  	[hbm4b:s11+s2] =	stream.linear.scatter [tilespmem:s2], [sflag:$0x2], $0x2000, $0x38;
	[tilespmem:$0x18900] =	vst v63  }
0xb5: {  	_ =	swait.ge [sflag:s12], $0x2000  }
0xb6: {  	[sflag:s12] =	ssyncset.done $0x0  }
0xb7: {  	[sflag:s12] =	ssyncadd.s32 $0xFFFFE000  }
0xb8: {  	[tilespmem:s2], [sflag:$0x2] =	stream.linear.gather [spmem:s28], $0x2000, $0x38;
	[tilespmem:$0x18900] =	vst v63  }
0xb9: {  	_ =	swait.ge [sflag:s12], $0x2000  }
0xba: {  	[sflag:s12] =	ssyncset.done $0x0  }
0xbb: {  	s9 =	rddreg [dreg:$0xb];
	[sflag:s12] =	ssyncadd.s32 $0xFFFFE000  }
0xbc: {  	[hbm4b:s9+s2] =	stream.linear.scatter [tilespmem:s2], [sflag:$0x2], $0x2000, $0x38;
	[tilespmem:$0x18900] =	vst v63  }
0xbd: {  	_ =	swait.ge [sflag:s12], $0x2000  }
0xbe: {  	[sflag:s12] =	ssyncset.done $0x0  }
0xbf: {  	[sflag:s12] =	ssyncadd.s32 $0xFFFFE000  }
0xc0: {  	[tilespmem:s2], [sflag:$0x2] =	stream.linear.gather [spmem:s29], $0x2000, $0x38;
	[tilespmem:$0x18900] =	vst v63  }
0xc1: {  	_ =	swait.ge [sflag:s12], $0x2000  }
0xc2: {  	[sflag:s12] =	ssyncset.done $0x0  }
0xc3: {  	s10 =	rddreg [dreg:$0xc];
	[sflag:s12] =	ssyncadd.s32 $0xFFFFE000  }
0xc4: {  	[hbm4b:s10+s2] =	stream.linear.scatter [tilespmem:s2], [sflag:$0x2], $0x2000, $0x38;
	[tilespmem:$0x18900] =	vst v63  }
0xc5: {  	_ =	swait.ge [sflag:s12], $0x2000  }
0xc6: {  	[sflag:s12] =	ssyncset.done $0x0  }
0xc7: {  	[sflag:s12] =	ssyncadd.s32 $0xFFFFE000  }
0xc8: {  	[tilespmem:s2], [sflag:$0x2] =	stream.linear.gather [spmem:s30], $0x2000, $0x38;
	[tilespmem:$0x18900] =	vst v63  }
0xc9: {  	s7 =	sadd.s32 $0x1, s7;
	_ =	swait.ge [sflag:s12], $0x2000  }
0xca: {  	p0 =	sne.s32 s7, s31;
	[sflag:s12] =	ssyncset.done $0x0  }
.Ltmp2:
0xcb: {  	s11 =	rddreg [dreg:$0xd];
	[sflag:s12] =	ssyncadd.s32 $0xFFFFE000;
	(pc) =	sbr.rel @p0 .LBB2_1-.Ltmp2, $4  }
0xcc: {  	[hbm4b:s11+s2] =	stream.linear.scatter [tilespmem:s2], [sflag:$0x2], $0x2000, $0x38;
	[tilespmem:$0x18900] =	vst v63  }
0xcd: {  	_ =	swait.ge [sflag:s12], $0x2000  }
0xce: {  	[sflag:s12] =	ssyncset.done $0x0  }
0xcf: {  	[sflag:s12] =	ssyncadd.s32 $0xFFFFE000  }
0xd0: {  	_ =	sfence.sel $0x180000  }
0xd1: {  	[bflag:$0x0] =	sbarrier.arrive $0xFFFF  }
0xd2: {  	_ =	strace $0x9000004D  }
0xd3: {  	s0 =	stileid.u32;
	[bflag:$0x2] =	sbarrier.arrive $0xFFFF  }
0xd4: {  	p0 =	sne.s32 s0, $0x0;
	s0 =	rddreg [dreg:$0x3]  }
0xd5: {  	s0 =	sadd.s32 @!p0 $0x100000, s0  }
0xd6: {  	[sflag:s0] =	ssyncadd.tile.s32 @!p0 $0x1;
	_ =	shalt  }
.Lfunc_end2:
_tile_overlayer_lowered:
.L_overlay_start_2:
0xd7: {  	(tag) =	ssettag $0x2  }
0xd8: {  	s0 =	rddreg [dreg:$0x0];
	s2 =	stileid.u32  }
0xd9: {  	s1 =	rddreg [dreg:$0x1];
	p0 =	sne.s32 s2, $0x0  }
0xda: {  	s3 =	rddreg [dreg:$0x2];
	[bflag:$0x3] =	sbarrier.arrive $0xFFFF;
	s2 =	simm.s32 @!p0 $0x1C02  }
0xdb: {  	[timem:s3], [sflag:s2] =	dma.local @!p0 [hbm:s0], s1  }
0xdc: {  	s0 =	simm.s32 @!p0 $0x2  }
0xdd: {  	_ =	swait.ge @!p0 [sflag:s0], s1  }
0xde: {  	s1 =	ssub.s32 @!p0 $0x0, s1;
	[sflag:s0] =	ssyncset.done @!p0 $0x0  }
0xdf: {  	[sflag:s0] =	ssyncadd.s32 @!p0 s1  }
0xe0: {  	[bflag:$0x3] =	sbarrier.arrive $0xFFFF  }
0xe1: {  	_ =	shalt  }

// kernel: kernel.14.cloned.1.call-start
scs
__scs_entry_jumppad:
0x0: {  	(pc) =	sbr.rel $0x88, $3  }
0x1: {  	(tag) =	ssettag $0x0;
	lr =	simm.s32 $0x1  }
0x2: {  	[smem:$0x3F8F] =	sst lr;
	_ =	strace $0xD0000000  }
0x3: {  	_ = 	snop  }
0x4: {  	_ = 	snop  }
0x5: {  	_ = 	snop  }
0x6: {  	_ = 	snop  }
0x7: {  	_ = 	snop  }
__scs_overlays_trampoline_lowered:
0x8: {  	[smem:$0x3F9E] =	sst s0  }
0x9: {  	[smem:$0x3F9F] =	sst s1  }
0xa: {  	[smem:$0x3FA0] =	sst s2  }
0xb: {  	[smem:$0x3FA1] =	sst s3  }
0xc: {  	[smem:$0x3FA2] =	sst s4  }
0xd: {  	[smem:$0x3FA3] =	sst s5  }
0xe: {  	[smem:$0x3FA4] =	sst s6  }
0xf: {  	[smem:$0x3FA5] =	sst s7  }
0x10: {  	[smem:$0x3FA6] =	sst s8  }
0x11: {  	[smem:$0x3FA7] =	sst s9;
	s0 =	simm.s32 @!p0 $0x0  }
0x12: {  	s1 =	sld [smem:$0x3F8D];
	s0 =	simm.s32 @p0 $0x1  }
0x13: {  	[smem:$0x3FA8] =	sst s0;
	s0 =	simm.s32 @!p1 $0x0  }
0x14: {  	s2 =	sld [smem:$0x3F8C];
	s0 =	simm.s32 @p1 $0x1  }
0x15: {  	[smem:$0x3FA9] =	sst s0;
	s0 =	simm.s32 @!p2 $0x0  }
0x16: {  	s3 =	sld [smem:$0x3FDB];
	s0 =	simm.s32 @p2 $0x1  }
0x17: {  	s4 =	simm.s32 $0x1BF5;
	[smem:$0x3FAB] =	sst s0  }
0x18: {  	s0 =	sld [smem:$0x3F8E];
	_ =	swait.ge [sflag:s4], $0x0  }
0x19: {  	s7 =	sld [smem:$0x3F8F]  }
0x1a: {  	s8 =	sadd.s32 $0xFFFFE003, lr  }
0x1b: {  	s9 =	sadd.s32 $0xFFFFFEF7, lr;
	s5 =	simm.s32 $0xFFFFFFFF;
	p2 =	slt.u32 s8, $0xFFFFF086  }
0x1c: {  	p1 =	slt.u32 s9, $0xF7A;
	s5 =	simm.s32 @!p2 $0x0  }
0x1d: {  	s5 =	simm.s32 @p1 $0x1;
	p0 =	seq.s32 s7, s2  }
0x1e: {  	s7 =	smul.u32 @!p0 $0xF7A, s2;
	p2 =	seq.s32 @!p0 s5, $0x0  }
0x1f: {  	s9 =	smul.u32 $0xF7A, s1;
	s8 =	simm.s32 @!p0 $0x1BF5;
	p2 =	por !p2, p0  }
0x20: {  	[sflag:s8] =	ssyncset.s32 @!p0 $0xFFFFF086;
	s6 =	sadd.s32 @!p0 s3, s7;
	s7 =	simm.s32 @!p0 $0x108  }
0x21: {  	s3 =	sadd.s32 s3, s9;
	s6 =	sadd.s32 @!p0 $0x88, s6;
	s7 =	simm.s32 @p2 $0x1082  }
0x22: {  	[simem:s7], [sflag:s8] =	dma.local @!p0 [hbm:s6], $0xF7A  }
0x23: {  	s9 =	sor.u32 $0xD0000000, s2;
	s6 =	simm.s32 $0x108;
	_ =	swait.ge @!p0 [sflag:s8], $0x0  }
0x24: {  	s3 =	sadd.s32 $0x88, s3;
	s6 =	simm.s32 @!p1 $0x1082;
	[sflag:s4] =	ssyncset.s32 $0xFFFFF086  }
0x25: {  	[simem:s6], [sflag:s4] =	dma.local [hbm:s3], $0xF7A  }
0x26: {  	[smem:$0x3F8F] =	sst s1;
	(tag) =	ssettag s2;
	_ =	strace s9  }
0x27: {  	s1 =	sld [smem:$0x3F9F]  }
0x28: {  	s2 =	sld [smem:$0x3FA0]  }
0x29: {  	s4 =	sld [smem:$0x3FA2]  }
0x2a: {  	p0 =	seq.s32 s5, $0x0;
	s5 =	sld [smem:$0x3FA3]  }
0x2b: {  	s6 =	sld [smem:$0x3FA4]  }
0x2c: {  	s7 =	sld [smem:$0x3FA5]  }
0x2d: {  	s3 =	simm.s32 $0x108;
	s8 =	sld [smem:$0x3FA6]  }
0x2e: {  	s3 =	simm.s32 @!p0 $0x1082;
	s9 =	sld [smem:$0x3FA7]  }
0x2f: {  	lr =	sadd.s32 s0, s3;
	s0 =	sld [smem:$0x3F9E]  }
0x30: {  	s3 =	sld [smem:$0x3FA1]  }
0x31: {  	[smem:$0x3FAA] =	sst s10  }
0x32: {  	s10 =	sld [smem:$0x3FA8];
	_ =	sdelay $0x3  }
0x33: {  	p0 =	seq.s32 s10, $0x1;
	s10 =	sld [smem:$0x3FAA];
	_ =	sdelay $0x3  }
0x34: {  	[smem:$0x3FAA] =	sst s10  }
0x35: {  	s10 =	sld [smem:$0x3FA9];
	_ =	sdelay $0x3  }
0x36: {  	p1 =	seq.s32 s10, $0x1;
	s10 =	sld [smem:$0x3FAA];
	_ =	sdelay $0x3  }
0x37: {  	[smem:$0x3FAA] =	sst s10  }
0x38: {  	s10 =	sld [smem:$0x3FAB]  }
0x39: {  	_ = 	snop;
	(pc) =	sbr.ind lr, $3  }
0x3a: {  	_ = 	snop  }
0x3b: {  	_ = 	snop  }
0x3c: {  	p2 =	seq.s32 s10, $0x1;
	s10 =	sld [smem:$0x3FAA]  }
0x3d: {  	_ =	shalt  }
0x3e: {  	_ =	shalt  }
0x3f: {  	_ =	shalt  }
0x40: {  	_ =	shalt  }
0x41: {  	_ =	shalt  }
0x42: {  	_ =	shalt  }
0x43: {  	_ =	shalt  }
0x44: {  	_ =	shalt  }
0x45: {  	_ =	shalt  }
0x46: {  	_ =	shalt  }
0x47: {  	_ =	shalt  }
0x48: {  	_ =	shalt  }
0x49: {  	_ =	shalt  }
0x4a: {  	_ =	shalt  }
0x4b: {  	_ =	shalt  }
0x4c: {  	_ =	shalt  }
0x4d: {  	_ =	shalt  }
0x4e: {  	_ =	shalt  }
0x4f: {  	_ =	shalt  }
0x50: {  	_ =	shalt  }
0x51: {  	_ =	shalt  }
0x52: {  	_ =	shalt  }
0x53: {  	_ =	shalt  }
0x54: {  	_ =	shalt  }
0x55: {  	_ =	shalt  }
0x56: {  	_ =	shalt  }
0x57: {  	_ =	shalt  }
0x58: {  	_ =	shalt  }
0x59: {  	_ =	shalt  }
0x5a: {  	_ =	shalt  }
0x5b: {  	_ =	shalt  }
0x5c: {  	_ =	shalt  }
0x5d: {  	_ =	shalt  }
0x5e: {  	_ =	shalt  }
0x5f: {  	_ =	shalt  }
0x60: {  	_ =	shalt  }
0x61: {  	_ =	shalt  }
0x62: {  	_ =	shalt  }
0x63: {  	_ =	shalt  }
0x64: {  	_ =	shalt  }
0x65: {  	_ =	shalt  }
0x66: {  	_ =	shalt  }
0x67: {  	_ =	shalt  }
0x68: {  	_ =	shalt  }
0x69: {  	_ =	shalt  }
0x6a: {  	_ =	shalt  }
0x6b: {  	_ =	shalt  }
0x6c: {  	_ =	shalt  }
0x6d: {  	_ =	shalt  }
0x6e: {  	_ =	shalt  }
0x6f: {  	_ =	shalt  }
0x70: {  	_ =	shalt  }
0x71: {  	_ =	shalt  }
0x72: {  	_ =	shalt  }
0x73: {  	_ =	shalt  }
0x74: {  	_ =	shalt  }
0x75: {  	_ =	shalt  }
0x76: {  	_ =	shalt  }
0x77: {  	_ =	shalt  }
0x78: {  	_ =	shalt  }
0x79: {  	_ =	shalt  }
0x7a: {  	_ =	shalt  }
0x7b: {  	_ =	shalt  }
0x7c: {  	_ =	shalt  }
0x7d: {  	_ =	shalt  }
0x7e: {  	_ =	shalt  }
0x7f: {  	_ =	shalt  }
0x80: {  	_ =	shalt  }
0x81: {  	_ =	shalt  }
0x82: {  	_ =	shalt  }
0x83: {  	_ =	shalt  }
0x84: {  	_ =	shalt  }
0x85: {  	_ =	shalt  }
0x86: {  	_ =	shalt  }
0x87: {  	_ =	shalt  }
.Lfunc_end0:
.L_simem_size_0:
called_computation.3_lowered:
.L_overlay_start_0:
0x88: {  	s2 =	sld [smem:$0x3FD9]  }
0x89: {  	s3 =	sld [smem:$0x3FFE];
	_ =	sdelay $0x1  }
0x8a: {  	s1 =	srdreg.scid  }
0x8b: {  	s0 =	sand.u32 $0x1, s1  }
0x8c: {  	s17 =	sshll.u32 s0, $0xA;
	s2 =	sadd.s32 s3, s2  }
0x8d: {  	s2 =	sadd.s32 s2, s17  }
0x8e: {  	[smem:$0x3FB6] =	sst s2  }
0x8f: {  	_ = 	snop  }
0x90: {  	s18 =	sld [smem:$0x3FD0];
	(tm) =	ssettm $0x1  }
0x91: {  	s19 =	sld [smem:$0x3FFB];
	_ =	sdelay $0x3  }
0x92: {  	_ =	strace s19  }
0x93: {  	s2 =	sld [smem:$0x3FFC];
	_ =	sdelay $0x3  }
0x94: {  	_ =	strace s2  }
0x95: {  	s2 =	sld [smem:$0x3FFD];
	_ =	sdelay $0x3  }
0x96: {  	_ =	strace s2  }
0x97: {  	_ =	strace $0x8FFFFFFF  }
0x98: {  	s20 =	sld [smem:$0x3FDB];
	_ =	sdelay $0x1  }
0x99: {  	s4 =	simm.s32 $_scs_section_size  }
0x9a: {  	s5 =	simm.s32 $_size__tile_overlayer_lowered;
	s6 =	simm.s32 $_tile_overlayer_lowered  }
0x9b: {  	s7 =	simm.s32 $0x1BFF;
	s21 =	sshll.u32 s6, $0x1;
	s4 =	sadd.s32 s4, s20  }
0x9c: {  	s22 =	simm.s32 $0x0;
	s5 =	sshll.u32 s5, $0x1;
	s6 =	sadd.s32 s21, s4  }
0x9d: {  	[timem:s22], [sflag:s7] =	dma.local [hbm:s6], s5  }
0x9e: {  	_ =	swait.ge [sflag:s7], s5  }
0x9f: {  	s5 =	ssub.s32 $0x0, s5;
	[sflag:s7] =	ssyncset.done $0x0  }
0xa0: {  	[sflag:s7] =	ssyncadd.s32 s5;
	_ =	sdelay $0x1  }
0xa1: {  	s23 =	simm.s32 $0x1B8B  }
0xa2: {  	_ =	swait.ge [sflag:s23], $0x1  }
0xa3: {  	[sflag:s23] =	ssyncset.done $0x0  }
0xa4: {  	[sflag:s23] =	ssyncadd.s32 $0xFFFFFFFF  }
0xa5: {  	s5 =	sld [smem:$0x0]  }
0xa6: {  	s6 =	sand.u32 $0xFFFFFFFE, s1  }
0xa7: {  	p0 =	sne.s32 s1, s6  }
0xa8: {  	s6 =	sshll.u32 @p0 s6, $0xE  }
0xa9: {  	s6 =	sadd.s32 @p0 $0x11B8D, s6;
	s7 =	sshll.u32 @p0 s5, $0x11  }
0xaa: {  	s6 =	sor.u32 @p0 s7, s6  }
0xab: {  	[sflag:s6] =	ssyncadd.remote.s32 @p0 $0x1;
	_ =	sdelay $0x1  }
0xac: {  	s6 =	simm.s32 @p0 $0x1B8D  }
0xad: {  	_ =	swait.eq @p0 [sflag:s6], $0x1  }
0xae: {  	[sflag:s6] =	ssyncadd.s32 @p0 $0xFFFFFFFF  }
0xaf: {  	s7 =	sshll.u32 @!p0 s1, $0xE  }
0xb0: {  	s7 =	sor.u32 @!p0 $0x4000, s7;
	s6 =	simm.s32 @!p0 $0x1B8D  }
0xb1: {  	s5 =	sshll.u32 @!p0 s5, $0x11;
	s7 =	sadd.s32 @!p0 $0x11B8D, s7;
	_ =	swait.eq @!p0 [sflag:s6], $0x1  }
0xb2: {  	s5 =	sor.u32 @!p0 s5, s7;
	[sflag:s6] =	ssyncadd.s32 @!p0 $0xFFFFFFFF  }
0xb3: {  	s25 =	simm.s32 $0x1B8E;
	s24 =	sld [smem:$0x3FFE];
	[sflag:s5] =	ssyncadd.remote.s32 @!p0 $0x1  }
0xb4: {  	s26 =	simm.s32 $execute0_lowered;
	[smem:$0x3FD2] =	sst s25  }
0xb5: {  	s6 =	sshll.u32 s26, $0x1;
	_ =	strace $0x8000004F;
	[dreg:$0x1] =	wrdreg $0xFFFFFFFF  }
0xb6: {  	s28 =	simm.s32 $_size_execute0_lowered;
	s4 =	sadd.s32 s4, s6;
	[dreg:$0x0] =	wrdreg $0x0  }
0xb7: {  	s6 =	sshll.u32 s28, $0x1;
	[dreg:$0x2] =	wrdreg s4  }
0xb8: {  	[dreg:$0x3] =	wrdreg s6  }
0xb9: {  	[dreg:$0x4] =	wrdreg $0xC0  }
0xba: {  	_ =	task [dreg:s22], $0x5FFFF  }
0xbb: {  	[dreg:$0x1] =	wrdreg $0xFFFFFFFF  }
0xbc: {  	[dreg:$0x0] =	wrdreg $0x60  }
0xbd: {  	[dreg:$0x2] =	wrdreg s24  }
0xbe: {  	[dreg:$0x3] =	wrdreg s18  }
0xbf: {  	[dreg:$0x4] =	wrdreg $0x49000  }
0xc0: {  	[dreg:$0x5] =	wrdreg $0xA  }
0xc1: {  	_ =	task.clear_ibuf [dreg:s22], $0x6FFFF;
	_ =	strace $0x9000004F  }
0xc2: {  	s29 =	simm.s32 $0xA;
	_ =	strace $0x80000051  }
0xc3: {  	_ =	swait.ge [sflag:s29], $0x1  }
0xc4: {  	[sflag:s29] =	ssyncadd.s32 $0xFFFFFFFF  }
0xc5: {  	_ =	strace $0x90000051  }
0xc6: {  	_ =	sfence  }
0xc7: {  	s30 =	sld [smem:$0x0];
	_ =	sdelay $0x2  }
0xc8: {  	s31 =	sshll.u32 s1, $0xD;
	s1 =	sshrl.u32 s1, $0x2  }
0xc9: {  	s4 =	sand.u32 $0x4000, s31;
	s1 =	sadd.s32 s1, s30  }
0xca: {  	s0 =	sor.u32 s4, s0;
	s1 =	sshll.u32 s1, $0x11  }
0xcb: {  	s0 =	sor.u32 s1, s0  }
0xcc: {  	s0 =	sadd.s32 $0x8F2B, s0  }
0xcd: {  	[sflag:s0] =	ssyncadd.remote.s32 $0x1  }
0xce: {  	_ =	sfence.sel $0xFFFF  }
0xcf: {  	[dreg:$0x0] =	wrdreg $0xFFFFFFFF;
	(pc) =	sbr.abs _section_cstart, $3  }
0xd0: {  	[dreg:$0x1] =	wrdreg $0xFFFFFFFF  }
0xd1: {  	_ =	task.clear_ibuf [dreg:s22], $0x2FFFF;
	_ =	strace $0x9FFFFFFF  }
0xd2: {  	(tm) =	ssettm $0x7FFFFFFF  }
0xd3: {  	_ =	shalt  }
tec
execute0_lowered:
.L_overlay_start_1:
0x0: {  	(tag) =	ssettag $0x1  }
0x1: {  	s1 =	rddreg [dreg:$0x0];
	s0 =	srdreg.scid  }
0x2: {  	s14 =	stileid.u32;
	s2 =	simm.s32 $0x0;
	s3 =	sand.u32 $0x1, s0  }
0x3: {  	s4 =	smul.u32 $0x14000, s14;
	[smem:$0x7FF] =	sst s2;
	s5 =	sadd.s32 $0x71A00, s1  }
0x4: {  	s0 =	ssub.s32 $0x2, s3;
	s10 =	smul.u32 $0x140000, s3;
	s3 =	sshll.u32 s3, $0x4  }
0x5: {  	s6 =	sshrl.u32 s0, $0x1;
	s7 =	sadd.s32 $0x4000, s4;
	s8 =	sadd.s32 $0x6000, s4  }
0x6: {  	s9 =	sadd.s32 $0x8000, s4;
	s12 =	sadd.s32 $0xA000, s4;
	s26 =	sadd.s32 $0xC000, s4  }
0x7: {  	s28 =	sadd.s32 $0xE000, s4;
	s29 =	sadd.s32 $0x10000, s4;
	s30 =	sadd.s32 $0x12000, s4  }
0x8: {  	s3 =	sor.u32 s14, s3;
	s0 =	ssub.s32 s0, s6;
	s6 =	sor.u32 $0x2000, s4  }
0x9: {  	s4 =	sadd.s32 s4, s10;
	s13 =	sadd.s32 s10, s7;
	s23 =	sadd.s32 s10, s8  }
0xa: {  	s24 =	sadd.s32 s10, s9;
	s25 =	sadd.s32 s10, s12;
	s17 =	sadd.s32 s10, s26  }
0xb: {  	s18 =	sadd.s32 s10, s28;
	s19 =	sadd.s32 s10, s29;
	s4 =	sshrl.u32 s4, $0x3  }
0xc: {  	s11 =	sadd.s32 s10, s6;
	s21 =	sshrl.u32 s13, $0x3;
	s15 =	sshrl.u32 s25, $0x3  }
0xd: {  	s13 =	rddreg [dreg:$0x2];
	s31 =	smax.u32 s0, $0x1;
	s0 =	simm.s32 $0x3400  }
0xe: {  	s4 =	sadd.s32 s5, s4;
	s20 =	sshrl.u32 s11, $0x3;
	s22 =	sadd.s32 s5, s21  }
0xf: {  	s11 =	sshrl.u32 s24, $0x3;
	s16 =	sadd.s32 s5, s15;
	s24 =	smul.u32 $0x50000, s14  }
0x10: {  	s21 =	sshrl.u32 s19, $0x3;
	s15 =	sadd.s32 $0x3B4A00, s1;
	s19 =	smul.u32 $0x1388, s3  }
0x11: {  	s26 =	sadd.s32 s26, s13;
	s28 =	sadd.s32 s28, s13;
	[dreg:$0x4] =	wrdreg s4  }
0x12: {  	s29 =	sadd.s32 s29, s13;
	s3 =	simm.s32 $0x3500;
	[dreg:$0x6] =	wrdreg s22  }
0x13: {  	s14 =	simm.s32 $0x0;
	s4 =	sadd.s32 s5, s20;
	[dreg:$0x9] =	wrdreg s16  }
0x14: {  	s20 =	sshrl.u32 s18, $0x3;
	s22 =	sadd.s32 s5, s21;
	s16 =	sadd.s32 $0x12A00, s1  }
0x15: {  	s18 =	sadd.s32 $0x75E200, s1;
	s21 =	sadd.s32 s6, s13;
	[dreg:$0x5] =	wrdreg s4  }
0x16: {  	s6 =	simm.s32 $0x1;
	s4 =	sshrl.u32 s23, $0x3;
	[dreg:$0xc] =	wrdreg s22  }
0x17: {  	s23 =	sadd.s32 s10, s30;
	s25 =	sshrl.u32 s24, $0x2;
	s4 =	sadd.s32 s5, s4  }
0x18: {  	s22 =	sadd.s32 s7, s13;
	[dreg:$0x7] =	wrdreg s4;
	s4 =	sadd.s32 s5, s11  }
0x19: {  	s24 =	sadd.s32 s9, s13;
	[dreg:$0x8] =	wrdreg s4;
	s4 =	sshrl.u32 s17, $0x3  }
0x1a: {  	s30 =	sadd.s32 s30, s13;
	s7 =	simm.s32 $0x0;
	s4 =	sadd.s32 s5, s4  }
0x1b: {  	s17 =	sadd.s32 $0x1200, s1;
	[dreg:$0xa] =	wrdreg s4;
	s4 =	sadd.s32 s5, s20  }
0x1c: {  	s1 =	simm.s32 $0x3480;
	[dreg:$0xb] =	wrdreg s4;
	s4 =	sshrl.u32 s23, $0x3  }
0x1d: {  	s20 =	sadd.s32 s25, s13;
	s25 =	sadd.s32 s12, s13;
	s4 =	sadd.s32 s5, s4  }
0x1e: {  	s12 =	simm.s32 $0x2;
	s23 =	sadd.s32 s8, s13;
	[dreg:$0xd] =	wrdreg s4  }
0x1f: {  	s5 =	simm.s32 $0x2000;
	s4 =	simm.s32 $0x28;
	_ =	strace $0x80000050  }
.LBB2_1:
0x20: {  	s8 =	rddreg [dreg:$0x1]  }
0x21: {  	[tilespmem:s2], [sflag:$0x2] =	stream.linear.gather [hbm4b:s8+s2], $0x2000, $0x38;
	[tilespmem:$0x18900] =	vst v63  }
0x22: {  	_ =	swait.ge [sflag:s12], $0x2000  }
0x23: {  	[sflag:s12] =	ssyncset.done $0x0  }
0x24: {  	[sflag:s12] =	ssyncadd.s32 $0xFFFFE000  }
0x25: {  	[spmem:s20] =	stream.linear.scatter [tilespmem:s2], [sflag:$0x2], $0x2000, $0x38;
	[tilespmem:$0x18900] =	vst v63  }
0x26: {  	_ =	swait.ge [sflag:s12], $0x2000  }
0x27: {  	[sflag:s12] =	ssyncset.done $0x0  }
0x28: {  	[sflag:s12] =	ssyncadd.s32 $0xFFFFE000  }
0x29: {  	[spmem:s21] =	stream.linear.scatter [tilespmem:s2], [sflag:$0x2], $0x2000, $0x38;
	[tilespmem:$0x18900] =	vst v63  }
0x2a: {  	_ =	swait.ge [sflag:s12], $0x2000  }
0x2b: {  	[sflag:s12] =	ssyncset.done $0x0  }
0x2c: {  	[sflag:s12] =	ssyncadd.s32 $0xFFFFE000  }
0x2d: {  	[spmem:s22] =	stream.linear.scatter [tilespmem:s2], [sflag:$0x2], $0x2000, $0x38;
	[tilespmem:$0x18900] =	vst v63  }
0x2e: {  	_ =	swait.ge [sflag:s12], $0x2000  }
0x2f: {  	[sflag:s12] =	ssyncset.done $0x0  }
0x30: {  	[sflag:s12] =	ssyncadd.s32 $0xFFFFE000  }
0x31: {  	[spmem:s23] =	stream.linear.scatter [tilespmem:s2], [sflag:$0x2], $0x2000, $0x38;
	[tilespmem:$0x18900] =	vst v63  }
0x32: {  	_ =	swait.ge [sflag:s12], $0x2000  }
0x33: {  	[sflag:s12] =	ssyncset.done $0x0  }
0x34: {  	[sflag:s12] =	ssyncadd.s32 $0xFFFFE000  }
0x35: {  	[spmem:s24] =	stream.linear.scatter [tilespmem:s2], [sflag:$0x2], $0x2000, $0x38;
	[tilespmem:$0x18900] =	vst v63  }
0x36: {  	_ =	swait.ge [sflag:s12], $0x2000  }
0x37: {  	[sflag:s12] =	ssyncset.done $0x0  }
0x38: {  	[sflag:s12] =	ssyncadd.s32 $0xFFFFE000  }
0x39: {  	[spmem:s25] =	stream.linear.scatter [tilespmem:s2], [sflag:$0x2], $0x2000, $0x38;
	[tilespmem:$0x18900] =	vst v63  }
0x3a: {  	_ =	swait.ge [sflag:s12], $0x2000  }
0x3b: {  	[sflag:s12] =	ssyncset.done $0x0  }
0x3c: {  	[sflag:s12] =	ssyncadd.s32 $0xFFFFE000  }
0x3d: {  	[spmem:s26] =	stream.linear.scatter [tilespmem:s2], [sflag:$0x2], $0x2000, $0x38;
	[tilespmem:$0x18900] =	vst v63  }
0x3e: {  	_ =	swait.ge [sflag:s12], $0x2000  }
0x3f: {  	[sflag:s12] =	ssyncset.done $0x0  }
0x40: {  	[sflag:s12] =	ssyncadd.s32 $0xFFFFE000  }
0x41: {  	[spmem:s28] =	stream.linear.scatter [tilespmem:s2], [sflag:$0x2], $0x2000, $0x38;
	[tilespmem:$0x18900] =	vst v63  }
0x42: {  	_ =	swait.ge [sflag:s12], $0x2000  }
0x43: {  	[sflag:s12] =	ssyncset.done $0x0  }
0x44: {  	[sflag:s12] =	ssyncadd.s32 $0xFFFFE000  }
0x45: {  	[spmem:s29] =	stream.linear.scatter [tilespmem:s2], [sflag:$0x2], $0x2000, $0x38;
	[tilespmem:$0x18900] =	vst v63  }
0x46: {  	_ =	swait.ge [sflag:s12], $0x2000  }
0x47: {  	[sflag:s12] =	ssyncset.done $0x0  }
0x48: {  	[sflag:s12] =	ssyncadd.s32 $0xFFFFE000  }
0x49: {  	[spmem:s30] =	stream.linear.scatter [tilespmem:s2], [sflag:$0x2], $0x2000, $0x38;
	[tilespmem:$0x18900] =	vst v63  }
0x4a: {  	_ =	swait.ge [sflag:s12], $0x2000  }
0x4b: {  	[sflag:s12] =	ssyncset.done $0x0  }
0x4c: {  	[sflag:s12] =	ssyncadd.s32 $0xFFFFE000  }
0x4d: {  	s8 =	simm.s32 $0x0;
	[bflag:$0x0] =	sbarrier.arrive $0xFFFF  }
.LBB2_2:
0x4e: {  	s9 =	smul.u32 $0x28, s8;
	_ =	sdelay $0x1  }
0x4f: {  	s9 =	sadd.s32 s19, s9  }
0x50: {  	s10 =	sshrl.u32 s9, $0x3  }
0x51: {  	s11 =	sadd.s32 s16, s10  }
0x52: {  	[tilespmem:s0], [sflag:$0x2] =	stream.linear.gather [hbm4b:s11+s14], $0x28, $0x38;
	[tilespmem:$0x18900] =	vst v63  }
0x53: {  	_ =	swait.ge [sflag:s12], $0x28  }
0x54: {  	[sflag:s12] =	ssyncset.done $0x0  }
0x55: {  	s10 =	sadd.s32 s17, s10;
	[sflag:s12] =	ssyncadd.s32 $0xFFFFFFD8  }
0x56: {  	[tilespmem:s1], [sflag:$0x2] =	stream.linear.gather [hbm4b:s10+s14], $0x28, $0x38;
	[tilespmem:$0x18900] =	vst v63  }
0x57: {  	_ =	swait.ge [sflag:s12], $0x28  }
0x58: {  	s9 =	sshll.u32 s9, $0x4;
	[sflag:s12] =	ssyncset.done $0x0  }
0x59: {  	s9 =	sadd.s32 s18, s9;
	[sflag:s12] =	ssyncadd.s32 $0xFFFFFFD8  }
0x5a: {  	[tilespmem:s3], [sflag:$0x2] =	stream.linear.gather [hbm4b:s9+s14], $0x1400, $0x38;
	[tilespmem:$0x18900] =	vst v63  }
0x5b: {  	_ =	swait.ge [sflag:s12], $0x1400  }
0x5c: {  	[sflag:s12] =	ssyncset.done $0x0  }
0x5d: {  	[sflag:s12] =	ssyncadd.s32 $0xFFFFEC00  }
0x5e: {  	[tilespmem:s5], [sflag:$0x1] =	stream.indirect.gather [hbm4b:s15+s4], $0x80, s0, s4, $0xb8;
	[tilespmem:$0x18900] =	vst v63  }
0x5f: {  	_ =	swait.ge [sflag:s6], $0x1400  }
0x60: {  	[sflag:s6] =	ssyncset.done $0x0  }
0x61: {  	s9 =	simm.s32 $0x0;
	[sflag:s6] =	ssyncadd.s32 $0xFFFFEC00  }
0x62: {  	v0 =	vld [tilespmem:s9+$0x3500]  }
0x63: {  	v4 =	vld [tilespmem:s9+$0x2000]  }
0x64: {  	v6 =	vld [tilespmem:s9+$0x2010]  }
0x65: {  	v5 =	vld [tilespmem:s9+$0x2020]  }
0x66: {  	v3 =	vld [tilespmem:s9+$0x2030]  }
0x67: {  	v1 =	vld [tilespmem:s9+$0x2040]  }
0x68: {  	v2 =	vld [tilespmem:s9+$0x2050];
	v7 =	vmul.f32 v4, v0  }
0x69: {  	s10 =	simm.s32 $0x200;
	v6 =	vmul.f32 v6, v0;
	v4 =	vld [tilespmem:s9+$0x2060]  }
.LBB2_3:
0x6a: {  	s11 =	sshra.s32 s10, $0x2;
	p0 =	sne.s32 s10, $0x4E00;
	[tilespmem:s9+$0x2000] =	vst v7;
	v5 =	vmul.f32 v5, v0;
	v7 =	vld [tilespmem:s9+$0x2070]  }
0x6b: {  	v8 =	vld [tilespmem:s11+$0x3500];
	[tilespmem:s9+$0x2010] =	vst v6;
	v3 =	vmul.f32 v3, v0  }
0x6c: {  	v6 =	vld [tilespmem:s11+$0x2000];
	[tilespmem:s9+$0x2020] =	vst v5;
	v1 =	vmul.f32 v1, v0  }
0x6d: {  	v9 =	vld [tilespmem:s11+$0x2010];
	[tilespmem:s9+$0x2030] =	vst v3;
	v2 =	vmul.f32 v2, v0  }
.Ltmp0:
0x6e: {  	v5 =	vld [tilespmem:s11+$0x2020];
	[tilespmem:s9+$0x2040] =	vst v1;
	v4 =	vmul.f32 v4, v0;
	(pc) =	sbr.rel @p0 .LBB2_3-.Ltmp0, $4  }
0x6f: {  	v3 =	vld [tilespmem:s11+$0x2030];
	[tilespmem:s9+$0x2050] =	vst v2;
	v10 =	vmul.f32 v7, v0  }
0x70: {  	v1 =	vld [tilespmem:s11+$0x2040];
	[tilespmem:s9+$0x2060] =	vst v4;
	v0 =	vmov v8  }
0x71: {  	v7 =	vmul.f32 v6, v0;
	v2 =	vld [tilespmem:s11+$0x2050];
	[tilespmem:s9+$0x2070] =	vst v10;
	s9 =	smov.u32 s11  }
0x72: {  	s10 =	sadd.s32 $0x200, s10;
	v6 =	vmul.f32 v9, v0;
	v4 =	vld [tilespmem:s9+$0x2060]  }
0x73: {  	[tilespmem:s9+$0x2000] =	vst v7;
	v5 =	vmul.f32 v5, v0;
	v61 =	vld [tilespmem:s9+$0x2070]  }
0x74: {  	[tilespmem:s9+$0x2010] =	vst v6;
	v3 =	vmul.f32 v3, v0  }
0x75: {  	[tilespmem:s9+$0x2020] =	vst v5;
	v1 =	vmul.f32 v1, v0  }
0x76: {  	[tilespmem:s9+$0x2030] =	vst v3;
	v2 =	vmul.f32 v2, v0  }
0x77: {  	[tilespmem:s9+$0x2040] =	vst v1;
	v62 =	vmul.f32 v4, v0  }
0x78: {  	s8 =	sadd.s32 $0x1, s8;
	[tilespmem:s9+$0x2050] =	vst v2;
	v63 =	vmul.f32 v61, v0  }
0x79: {  	p0 =	sne.s32 s8, $0x7D;
	[tilespmem:s9+$0x2060] =	vst v62  }
.Ltmp1:
0x7a: {  	[tilespmem:s9+$0x2070] =	vst v63;
	(pc) =	sbr.rel @p0 .LBB2_2-.Ltmp1, $4  }
0x7b: {  	[spmem:s13] =	stream.indirect.scatter.add.f32 [tilespmem:s5], [sflag:$0x2], $0x80, s1, s4, $0xb8;
	[tilespmem:$0x18900] =	vst v63  }
0x7c: {  	_ =	swait.ge [sflag:s12], $0x1400  }
0x7d: {  	[sflag:s12] =	ssyncset.done $0x0  }
0x7e: {  	[sflag:s12] =	ssyncadd.s32 $0xFFFFEC00  }
0x7f: {  	[bflag:$0x0] =	sbarrier.arrive $0xFFFF  }
0x80: {  	[tilespmem:s2], [sflag:$0x2] =	stream.linear.gather [spmem:s20], $0x2000, $0x38;
	[tilespmem:$0x18900] =	vst v63  }
0x81: {  	_ =	swait.ge [sflag:s12], $0x2000  }
0x82: {  	[sflag:s12] =	ssyncset.done $0x0  }
0x83: {  	s8 =	rddreg [dreg:$0x4];
	[sflag:s12] =	ssyncadd.s32 $0xFFFFE000  }
0x84: {  	[hbm4b:s8+s2] =	stream.linear.scatter [tilespmem:s2], [sflag:$0x2], $0x2000, $0x38;
	[tilespmem:$0x18900] =	vst v63  }
0x85: {  	_ =	swait.ge [sflag:s12], $0x2000  }
0x86: {  	[sflag:s12] =	ssyncset.done $0x0  }
0x87: {  	[sflag:s12] =	ssyncadd.s32 $0xFFFFE000  }
0x88: {  	[tilespmem:s2], [sflag:$0x2] =	stream.linear.gather [spmem:s21], $0x2000, $0x38;
	[tilespmem:$0x18900] =	vst v63  }
0x89: {  	_ =	swait.ge [sflag:s12], $0x2000  }
0x8a: {  	[sflag:s12] =	ssyncset.done $0x0  }
0x8b: {  	s9 =	rddreg [dreg:$0x5];
	[sflag:s12] =	ssyncadd.s32 $0xFFFFE000  }
0x8c: {  	[hbm4b:s9+s2] =	stream.linear.scatter [tilespmem:s2], [sflag:$0x2], $0x2000, $0x38;
	[tilespmem:$0x18900] =	vst v63  }
0x8d: {  	_ =	swait.ge [sflag:s12], $0x2000  }
0x8e: {  	[sflag:s12] =	ssyncset.done $0x0  }
0x8f: {  	[sflag:s12] =	ssyncadd.s32 $0xFFFFE000  }
0x90: {  	[tilespmem:s2], [sflag:$0x2] =	stream.linear.gather [spmem:s22], $0x2000, $0x38;
	[tilespmem:$0x18900] =	vst v63  }
0x91: {  	_ =	swait.ge [sflag:s12], $0x2000  }
0x92: {  	[sflag:s12] =	ssyncset.done $0x0  }
0x93: {  	s10 =	rddreg [dreg:$0x6];
	[sflag:s12] =	ssyncadd.s32 $0xFFFFE000  }
0x94: {  	[hbm4b:s10+s2] =	stream.linear.scatter [tilespmem:s2], [sflag:$0x2], $0x2000, $0x38;
	[tilespmem:$0x18900] =	vst v63  }
0x95: {  	_ =	swait.ge [sflag:s12], $0x2000  }
0x96: {  	[sflag:s12] =	ssyncset.done $0x0  }
0x97: {  	[sflag:s12] =	ssyncadd.s32 $0xFFFFE000  }
0x98: {  	[tilespmem:s2], [sflag:$0x2] =	stream.linear.gather [spmem:s23], $0x2000, $0x38;
	[tilespmem:$0x18900] =	vst v63  }
0x99: {  	_ =	swait.ge [sflag:s12], $0x2000  }
0x9a: {  	[sflag:s12] =	ssyncset.done $0x0  }
0x9b: {  	s11 =	rddreg [dreg:$0x7];
	[sflag:s12] =	ssyncadd.s32 $0xFFFFE000  }
0x9c: {  	[hbm4b:s11+s2] =	stream.linear.scatter [tilespmem:s2], [sflag:$0x2], $0x2000, $0x38;
	[tilespmem:$0x18900] =	vst v63  }
0x9d: {  	_ =	swait.ge [sflag:s12], $0x2000  }
0x9e: {  	[sflag:s12] =	ssyncset.done $0x0  }
0x9f: {  	[sflag:s12] =	ssyncadd.s32 $0xFFFFE000  }
0xa0: {  	[tilespmem:s2], [sflag:$0x2] =	stream.linear.gather [spmem:s24], $0x2000, $0x38;
	[tilespmem:$0x18900] =	vst v63  }
0xa1: {  	_ =	swait.ge [sflag:s12], $0x2000  }
0xa2: {  	[sflag:s12] =	ssyncset.done $0x0  }
0xa3: {  	s9 =	rddreg [dreg:$0x8];
	[sflag:s12] =	ssyncadd.s32 $0xFFFFE000  }
0xa4: {  	[hbm4b:s9+s2] =	stream.linear.scatter [tilespmem:s2], [sflag:$0x2], $0x2000, $0x38;
	[tilespmem:$0x18900] =	vst v63  }
0xa5: {  	_ =	swait.ge [sflag:s12], $0x2000  }
0xa6: {  	[sflag:s12] =	ssyncset.done $0x0  }
0xa7: {  	[sflag:s12] =	ssyncadd.s32 $0xFFFFE000  }
0xa8: {  	[tilespmem:s2], [sflag:$0x2] =	stream.linear.gather [spmem:s25], $0x2000, $0x38;
	[tilespmem:$0x18900] =	vst v63  }
0xa9: {  	_ =	swait.ge [sflag:s12], $0x2000  }
0xaa: {  	[sflag:s12] =	ssyncset.done $0x0  }
0xab: {  	s10 =	rddreg [dreg:$0x9];
	[sflag:s12] =	ssyncadd.s32 $0xFFFFE000  }
0xac: {  	[hbm4b:s10+s2] =	stream.linear.scatter [tilespmem:s2], [sflag:$0x2], $0x2000, $0x38;
	[tilespmem:$0x18900] =	vst v63  }
0xad: {  	_ =	swait.ge [sflag:s12], $0x2000  }
0xae: {  	[sflag:s12] =	ssyncset.done $0x0  }
0xaf: {  	[sflag:s12] =	ssyncadd.s32 $0xFFFFE000  }
0xb0: {  	[tilespmem:s2], [sflag:$0x2] =	stream.linear.gather [spmem:s26], $0x2000, $0x38;
	[tilespmem:$0x18900] =	vst v63  }
0xb1: {  	_ =	swait.ge [sflag:s12], $0x2000  }
0xb2: {  	[sflag:s12] =	ssyncset.done $0x0  }
0xb3: {  	s11 =	rddreg [dreg:$0xa];
	[sflag:s12] =	ssyncadd.s32 $0xFFFFE000  }
0xb4: {  	[hbm4b:s11+s2] =	stream.linear.scatter [tilespmem:s2], [sflag:$0x2], $0x2000, $0x38;
	[tilespmem:$0x18900] =	vst v63  }
0xb5: {  	_ =	swait.ge [sflag:s12], $0x2000  }
0xb6: {  	[sflag:s12] =	ssyncset.done $0x0  }
0xb7: {  	[sflag:s12] =	ssyncadd.s32 $0xFFFFE000  }
0xb8: {  	[tilespmem:s2], [sflag:$0x2] =	stream.linear.gather [spmem:s28], $0x2000, $0x38;
	[tilespmem:$0x18900] =	vst v63  }
0xb9: {  	_ =	swait.ge [sflag:s12], $0x2000  }
0xba: {  	[sflag:s12] =	ssyncset.done $0x0  }
0xbb: {  	s9 =	rddreg [dreg:$0xb];
	[sflag:s12] =	ssyncadd.s32 $0xFFFFE000  }
0xbc: {  	[hbm4b:s9+s2] =	stream.linear.scatter [tilespmem:s2], [sflag:$0x2], $0x2000, $0x38;
	[tilespmem:$0x18900] =	vst v63  }
0xbd: {  	_ =	swait.ge [sflag:s12], $0x2000  }
0xbe: {  	[sflag:s12] =	ssyncset.done $0x0  }
0xbf: {  	[sflag:s12] =	ssyncadd.s32 $0xFFFFE000  }
0xc0: {  	[tilespmem:s2], [sflag:$0x2] =	stream.linear.gather [spmem:s29], $0x2000, $0x38;
	[tilespmem:$0x18900] =	vst v63  }
0xc1: {  	_ =	swait.ge [sflag:s12], $0x2000  }
0xc2: {  	[sflag:s12] =	ssyncset.done $0x0  }
0xc3: {  	s10 =	rddreg [dreg:$0xc];
	[sflag:s12] =	ssyncadd.s32 $0xFFFFE000  }
0xc4: {  	[hbm4b:s10+s2] =	stream.linear.scatter [tilespmem:s2], [sflag:$0x2], $0x2000, $0x38;
	[tilespmem:$0x18900] =	vst v63  }
0xc5: {  	_ =	swait.ge [sflag:s12], $0x2000  }
0xc6: {  	[sflag:s12] =	ssyncset.done $0x0  }
0xc7: {  	[sflag:s12] =	ssyncadd.s32 $0xFFFFE000  }
0xc8: {  	[tilespmem:s2], [sflag:$0x2] =	stream.linear.gather [spmem:s30], $0x2000, $0x38;
	[tilespmem:$0x18900] =	vst v63  }
0xc9: {  	s7 =	sadd.s32 $0x1, s7;
	_ =	swait.ge [sflag:s12], $0x2000  }
0xca: {  	p0 =	sne.s32 s7, s31;
	[sflag:s12] =	ssyncset.done $0x0  }
.Ltmp2:
0xcb: {  	s11 =	rddreg [dreg:$0xd];
	[sflag:s12] =	ssyncadd.s32 $0xFFFFE000;
	(pc) =	sbr.rel @p0 .LBB2_1-.Ltmp2, $4  }
0xcc: {  	[hbm4b:s11+s2] =	stream.linear.scatter [tilespmem:s2], [sflag:$0x2], $0x2000, $0x38;
	[tilespmem:$0x18900] =	vst v63  }
0xcd: {  	_ =	swait.ge [sflag:s12], $0x2000  }
0xce: {  	[sflag:s12] =	ssyncset.done $0x0  }
0xcf: {  	[sflag:s12] =	ssyncadd.s32 $0xFFFFE000  }
0xd0: {  	_ =	sfence.sel $0x180000  }
0xd1: {  	[bflag:$0x0] =	sbarrier.arrive $0xFFFF  }
0xd2: {  	_ =	strace $0x90000050  }
0xd3: {  	s0 =	stileid.u32;
	[bflag:$0x2] =	sbarrier.arrive $0xFFFF  }
0xd4: {  	p0 =	sne.s32 s0, $0x0;
	s0 =	rddreg [dreg:$0x3]  }
0xd5: {  	s0 =	sadd.s32 @!p0 $0x100000, s0  }
0xd6: {  	[sflag:s0] =	ssyncadd.tile.s32 @!p0 $0x1;
	_ =	shalt  }
.Lfunc_end2:
_tile_overlayer_lowered:
.L_overlay_start_2:
0xd7: {  	(tag) =	ssettag $0x2  }
0xd8: {  	s0 =	rddreg [dreg:$0x0];
	s2 =	stileid.u32  }
0xd9: {  	s1 =	rddreg [dreg:$0x1];
	p0 =	sne.s32 s2, $0x0  }
0xda: {  	s3 =	rddreg [dreg:$0x2];
	[bflag:$0x3] =	sbarrier.arrive $0xFFFF;
	s2 =	simm.s32 @!p0 $0x1C02  }
0xdb: {  	[timem:s3], [sflag:s2] =	dma.local @!p0 [hbm:s0], s1  }
0xdc: {  	s0 =	simm.s32 @!p0 $0x2  }
0xdd: {  	_ =	swait.ge @!p0 [sflag:s0], s1  }
0xde: {  	s1 =	ssub.s32 @!p0 $0x0, s1;
	[sflag:s0] =	ssyncset.done @!p0 $0x0  }
0xdf: {  	[sflag:s0] =	ssyncadd.s32 @!p0 s1  }
0xe0: {  	[bflag:$0x3] =	sbarrier.arrive $0xFFFF  }
0xe1: {  	_ =	shalt  }

// kernel: kernel.17.cloned.1.call-start
scs
__scs_entry_jumppad:
0x0: {  	(pc) =	sbr.rel $0x88, $3  }
0x1: {  	(tag) =	ssettag $0x0;
	lr =	simm.s32 $0x1  }
0x2: {  	[smem:$0x3F8F] =	sst lr;
	_ =	strace $0xD0000000  }
0x3: {  	_ = 	snop  }
0x4: {  	_ = 	snop  }
0x5: {  	_ = 	snop  }
0x6: {  	_ = 	snop  }
0x7: {  	_ = 	snop  }
__scs_overlays_trampoline_lowered:
0x8: {  	[smem:$0x3F9E] =	sst s0  }
0x9: {  	[smem:$0x3F9F] =	sst s1  }
0xa: {  	[smem:$0x3FA0] =	sst s2  }
0xb: {  	[smem:$0x3FA1] =	sst s3  }
0xc: {  	[smem:$0x3FA2] =	sst s4  }
0xd: {  	[smem:$0x3FA3] =	sst s5  }
0xe: {  	[smem:$0x3FA4] =	sst s6  }
0xf: {  	[smem:$0x3FA5] =	sst s7  }
0x10: {  	[smem:$0x3FA6] =	sst s8  }
0x11: {  	[smem:$0x3FA7] =	sst s9;
	s0 =	simm.s32 @!p0 $0x0  }
0x12: {  	s1 =	sld [smem:$0x3F8D];
	s0 =	simm.s32 @p0 $0x1  }
0x13: {  	[smem:$0x3FA8] =	sst s0;
	s0 =	simm.s32 @!p1 $0x0  }
0x14: {  	s2 =	sld [smem:$0x3F8C];
	s0 =	simm.s32 @p1 $0x1  }
0x15: {  	[smem:$0x3FA9] =	sst s0;
	s0 =	simm.s32 @!p2 $0x0  }
0x16: {  	s3 =	sld [smem:$0x3FDB];
	s0 =	simm.s32 @p2 $0x1  }
0x17: {  	s4 =	simm.s32 $0x1BF5;
	[smem:$0x3FAB] =	sst s0  }
0x18: {  	s0 =	sld [smem:$0x3F8E];
	_ =	swait.ge [sflag:s4], $0x0  }
0x19: {  	s7 =	sld [smem:$0x3F8F]  }
0x1a: {  	s8 =	sadd.s32 $0xFFFFE003, lr  }
0x1b: {  	s9 =	sadd.s32 $0xFFFFFEF7, lr;
	s5 =	simm.s32 $0xFFFFFFFF;
	p2 =	slt.u32 s8, $0xFFFFF086  }
0x1c: {  	p1 =	slt.u32 s9, $0xF7A;
	s5 =	simm.s32 @!p2 $0x0  }
0x1d: {  	s5 =	simm.s32 @p1 $0x1;
	p0 =	seq.s32 s7, s2  }
0x1e: {  	s7 =	smul.u32 @!p0 $0xF7A, s2;
	p2 =	seq.s32 @!p0 s5, $0x0  }
0x1f: {  	s9 =	smul.u32 $0xF7A, s1;
	s8 =	simm.s32 @!p0 $0x1BF5;
	p2 =	por !p2, p0  }
0x20: {  	[sflag:s8] =	ssyncset.s32 @!p0 $0xFFFFF086;
	s6 =	sadd.s32 @!p0 s3, s7;
	s7 =	simm.s32 @!p0 $0x108  }
0x21: {  	s3 =	sadd.s32 s3, s9;
	s6 =	sadd.s32 @!p0 $0x88, s6;
	s7 =	simm.s32 @p2 $0x1082  }
0x22: {  	[simem:s7], [sflag:s8] =	dma.local @!p0 [hbm:s6], $0xF7A  }
0x23: {  	s9 =	sor.u32 $0xD0000000, s2;
	s6 =	simm.s32 $0x108;
	_ =	swait.ge @!p0 [sflag:s8], $0x0  }
0x24: {  	s3 =	sadd.s32 $0x88, s3;
	s6 =	simm.s32 @!p1 $0x1082;
	[sflag:s4] =	ssyncset.s32 $0xFFFFF086  }
0x25: {  	[simem:s6], [sflag:s4] =	dma.local [hbm:s3], $0xF7A  }
0x26: {  	[smem:$0x3F8F] =	sst s1;
	(tag) =	ssettag s2;
	_ =	strace s9  }
0x27: {  	s1 =	sld [smem:$0x3F9F]  }
0x28: {  	s2 =	sld [smem:$0x3FA0]  }
0x29: {  	s4 =	sld [smem:$0x3FA2]  }
0x2a: {  	p0 =	seq.s32 s5, $0x0;
	s5 =	sld [smem:$0x3FA3]  }
0x2b: {  	s6 =	sld [smem:$0x3FA4]  }
0x2c: {  	s7 =	sld [smem:$0x3FA5]  }
0x2d: {  	s3 =	simm.s32 $0x108;
	s8 =	sld [smem:$0x3FA6]  }
0x2e: {  	s3 =	simm.s32 @!p0 $0x1082;
	s9 =	sld [smem:$0x3FA7]  }
0x2f: {  	lr =	sadd.s32 s0, s3;
	s0 =	sld [smem:$0x3F9E]  }
0x30: {  	s3 =	sld [smem:$0x3FA1]  }
0x31: {  	[smem:$0x3FAA] =	sst s10  }
0x32: {  	s10 =	sld [smem:$0x3FA8];
	_ =	sdelay $0x3  }
0x33: {  	p0 =	seq.s32 s10, $0x1;
	s10 =	sld [smem:$0x3FAA];
	_ =	sdelay $0x3  }
0x34: {  	[smem:$0x3FAA] =	sst s10  }
0x35: {  	s10 =	sld [smem:$0x3FA9];
	_ =	sdelay $0x3  }
0x36: {  	p1 =	seq.s32 s10, $0x1;
	s10 =	sld [smem:$0x3FAA];
	_ =	sdelay $0x3  }
0x37: {  	[smem:$0x3FAA] =	sst s10  }
0x38: {  	s10 =	sld [smem:$0x3FAB]  }
0x39: {  	_ = 	snop;
	(pc) =	sbr.ind lr, $3  }
0x3a: {  	_ = 	snop  }
0x3b: {  	_ = 	snop  }
0x3c: {  	p2 =	seq.s32 s10, $0x1;
	s10 =	sld [smem:$0x3FAA]  }
0x3d: {  	_ =	shalt  }
0x3e: {  	_ =	shalt  }
0x3f: {  	_ =	shalt  }
0x40: {  	_ =	shalt  }
0x41: {  	_ =	shalt  }
0x42: {  	_ =	shalt  }
0x43: {  	_ =	shalt  }
0x44: {  	_ =	shalt  }
0x45: {  	_ =	shalt  }
0x46: {  	_ =	shalt  }
0x47: {  	_ =	shalt  }
0x48: {  	_ =	shalt  }
0x49: {  	_ =	shalt  }
0x4a: {  	_ =	shalt  }
0x4b: {  	_ =	shalt  }
0x4c: {  	_ =	shalt  }
0x4d: {  	_ =	shalt  }
0x4e: {  	_ =	shalt  }
0x4f: {  	_ =	shalt  }
0x50: {  	_ =	shalt  }
0x51: {  	_ =	shalt  }
0x52: {  	_ =	shalt  }
0x53: {  	_ =	shalt  }
0x54: {  	_ =	shalt  }
0x55: {  	_ =	shalt  }
0x56: {  	_ =	shalt  }
0x57: {  	_ =	shalt  }
0x58: {  	_ =	shalt  }
0x59: {  	_ =	shalt  }
0x5a: {  	_ =	shalt  }
0x5b: {  	_ =	shalt  }
0x5c: {  	_ =	shalt  }
0x5d: {  	_ =	shalt  }
0x5e: {  	_ =	shalt  }
0x5f: {  	_ =	shalt  }
0x60: {  	_ =	shalt  }
0x61: {  	_ =	shalt  }
0x62: {  	_ =	shalt  }
0x63: {  	_ =	shalt  }
0x64: {  	_ =	shalt  }
0x65: {  	_ =	shalt  }
0x66: {  	_ =	shalt  }
0x67: {  	_ =	shalt  }
0x68: {  	_ =	shalt  }
0x69: {  	_ =	shalt  }
0x6a: {  	_ =	shalt  }
0x6b: {  	_ =	shalt  }
0x6c: {  	_ =	shalt  }
0x6d: {  	_ =	shalt  }
0x6e: {  	_ =	shalt  }
0x6f: {  	_ =	shalt  }
0x70: {  	_ =	shalt  }
0x71: {  	_ =	shalt  }
0x72: {  	_ =	shalt  }
0x73: {  	_ =	shalt  }
0x74: {  	_ =	shalt  }
0x75: {  	_ =	shalt  }
0x76: {  	_ =	shalt  }
0x77: {  	_ =	shalt  }
0x78: {  	_ =	shalt  }
0x79: {  	_ =	shalt  }
0x7a: {  	_ =	shalt  }
0x7b: {  	_ =	shalt  }
0x7c: {  	_ =	shalt  }
0x7d: {  	_ =	shalt  }
0x7e: {  	_ =	shalt  }
0x7f: {  	_ =	shalt  }
0x80: {  	_ =	shalt  }
0x81: {  	_ =	shalt  }
0x82: {  	_ =	shalt  }
0x83: {  	_ =	shalt  }
0x84: {  	_ =	shalt  }
0x85: {  	_ =	shalt  }
0x86: {  	_ =	shalt  }
0x87: {  	_ =	shalt  }
.Lfunc_end0:
.L_simem_size_0:
called_computation.4_lowered:
.L_overlay_start_0:
0x88: {  	s2 =	sld [smem:$0x3FD9]  }
0x89: {  	s3 =	sld [smem:$0x3FFE];
	_ =	sdelay $0x1  }
0x8a: {  	s1 =	srdreg.scid  }
0x8b: {  	s0 =	sand.u32 $0x1, s1  }
0x8c: {  	s17 =	sshll.u32 s0, $0xA;
	s2 =	sadd.s32 s3, s2  }
0x8d: {  	s2 =	sadd.s32 s2, s17  }
0x8e: {  	[smem:$0x3FB6] =	sst s2  }
0x8f: {  	_ = 	snop  }
0x90: {  	s2 =	sld [smem:$0x3FD0];
	(tm) =	ssettm $0x1  }
0x91: {  	s18 =	sld [smem:$0x3FFB];
	_ =	sdelay $0x3  }
0x92: {  	_ =	strace s18  }
0x93: {  	s3 =	sld [smem:$0x3FFC];
	_ =	sdelay $0x3  }
0x94: {  	_ =	strace s3  }
0x95: {  	s3 =	sld [smem:$0x3FFD];
	_ =	sdelay $0x3  }
0x96: {  	_ =	strace s3  }
0x97: {  	_ =	strace $0x8FFFFFFF  }
0x98: {  	s19 =	sld [smem:$0x3FDB];
	_ =	sdelay $0x1  }
0x99: {  	s4 =	simm.s32 $_scs_section_size  }
0x9a: {  	s5 =	simm.s32 $_size__tile_overlayer_lowered;
	s6 =	simm.s32 $_tile_overlayer_lowered  }
0x9b: {  	s22 =	simm.s32 $0x1BFF;
	s21 =	sshll.u32 s6, $0x1;
	s3 =	sadd.s32 s4, s19  }
0x9c: {  	s7 =	simm.s32 $0x0;
	s20 =	sshll.u32 s5, $0x1;
	s5 =	sadd.s32 s21, s3  }
0x9d: {  	[timem:s7], [sflag:s22] =	dma.local [hbm:s5], s20  }
0x9e: {  	_ =	swait.ge [sflag:s22], s20  }
0x9f: {  	s4 =	ssub.s32 $0x0, s20;
	[sflag:s22] =	ssyncset.done $0x0  }
0xa0: {  	[sflag:s22] =	ssyncadd.s32 s4;
	_ =	sdelay $0x1  }
0xa1: {  	s23 =	simm.s32 $0x1B8B  }
0xa2: {  	_ =	swait.ge [sflag:s23], $0x1  }
0xa3: {  	[sflag:s23] =	ssyncset.done $0x0  }
0xa4: {  	s25 =	simm.s32 $0x1B8E;
	s24 =	sld [smem:$0x3FFE];
	[sflag:s23] =	ssyncadd.s32 $0xFFFFFFFF  }
0xa5: {  	s26 =	simm.s32 $execute0_lowered;
	[smem:$0x3FD2] =	sst s25  }
0xa6: {  	s5 =	sshll.u32 s26, $0x1;
	_ =	strace $0x80000055;
	[dreg:$0x1] =	wrdreg $0xFFFFFFFF  }
0xa7: {  	s28 =	simm.s32 $_size_execute0_lowered;
	s3 =	sadd.s32 s3, s5;
	[dreg:$0x0] =	wrdreg $0x0  }
0xa8: {  	s5 =	sshll.u32 s28, $0x1;
	[dreg:$0x2] =	wrdreg s3  }
0xa9: {  	[dreg:$0x3] =	wrdreg s5  }
0xaa: {  	[dreg:$0x4] =	wrdreg $0xC0  }
0xab: {  	_ =	task [dreg:s7], $0x5FFFF  }
0xac: {  	[dreg:$0x1] =	wrdreg $0xFFFFFFFF  }
0xad: {  	[dreg:$0x0] =	wrdreg $0x60  }
0xae: {  	[dreg:$0x2] =	wrdreg s24  }
0xaf: {  	[dreg:$0x3] =	wrdreg s2  }
0xb0: {  	[dreg:$0x4] =	wrdreg $0x49000  }
0xb1: {  	[dreg:$0x5] =	wrdreg $0x9  }
0xb2: {  	_ =	task.clear_ibuf [dreg:s7], $0x6FFFF;
	_ =	strace $0x90000055  }
0xb3: {  	s29 =	simm.s32 $0x9;
	_ =	strace $0x80000057  }
0xb4: {  	_ =	swait.ge [sflag:s29], $0x1  }
0xb5: {  	[sflag:s29] =	ssyncadd.s32 $0xFFFFFFFF  }
0xb6: {  	_ =	strace $0x90000057  }
0xb7: {  	_ =	sfence  }
0xb8: {  	s30 =	sld [smem:$0x0];
	_ =	sdelay $0x2  }
0xb9: {  	s31 =	sshll.u32 s1, $0xD;
	s1 =	sshrl.u32 s1, $0x2  }
0xba: {  	s3 =	sand.u32 $0x4000, s31;
	s1 =	sadd.s32 s1, s30  }
0xbb: {  	s0 =	sor.u32 s3, s0;
	s1 =	sshll.u32 s1, $0x11  }
0xbc: {  	s0 =	sor.u32 s1, s0  }
0xbd: {  	s0 =	sadd.s32 $0x8F2B, s0  }
0xbe: {  	[sflag:s0] =	ssyncadd.remote.s32 $0x1  }
0xbf: {  	_ =	sfence.sel $0xFFFF  }
0xc0: {  	[dreg:$0x0] =	wrdreg $0xFFFFFFFF;
	(pc) =	sbr.abs _section_cstart, $3  }
0xc1: {  	[dreg:$0x1] =	wrdreg $0xFFFFFFFF  }
0xc2: {  	_ =	task.clear_ibuf [dreg:s7], $0x2FFFF;
	_ =	strace $0x9FFFFFFF  }
0xc3: {  	(tm) =	ssettm $0x7FFFFFFF  }
tec
execute0_lowered:
.L_overlay_start_1:
0x0: {  	(tag) =	ssettag $0x1  }
0x1: {  	s1 =	rddreg [dreg:$0x0];
	s0 =	srdreg.scid  }
0x2: {  	s14 =	stileid.u32;
	s2 =	simm.s32 $0x0;
	s3 =	sand.u32 $0x1, s0  }
0x3: {  	s4 =	smul.u32 $0x14000, s14;
	[smem:$0x7FF] =	sst s2;
	s5 =	sadd.s32 $0x503A00, s1  }
0x4: {  	s0 =	ssub.s32 $0x2, s3;
	s10 =	smul.u32 $0x140000, s3;
	s3 =	sshll.u32 s3, $0x4  }
0x5: {  	s6 =	sshrl.u32 s0, $0x1;
	s7 =	sadd.s32 $0x4000, s4;
	s8 =	sadd.s32 $0x6000, s4  }
0x6: {  	s9 =	sadd.s32 $0x8000, s4;
	s12 =	sadd.s32 $0xA000, s4;
	s26 =	sadd.s32 $0xC000, s4  }
0x7: {  	s28 =	sadd.s32 $0xE000, s4;
	s29 =	sadd.s32 $0x10000, s4;
	s30 =	sadd.s32 $0x12000, s4  }
0x8: {  	s3 =	sor.u32 s14, s3;
	s0 =	ssub.s32 s0, s6;
	s6 =	sor.u32 $0x2000, s4  }
0x9: {  	s4 =	sadd.s32 s4, s10;
	s13 =	sadd.s32 s10, s7;
	s23 =	sadd.s32 s10, s8  }
0xa: {  	s24 =	sadd.s32 s10, s9;
	s25 =	sadd.s32 s10, s12;
	s17 =	sadd.s32 s10, s26  }
0xb: {  	s18 =	sadd.s32 s10, s28;
	s19 =	sadd.s32 s10, s29;
	s4 =	sshrl.u32 s4, $0x3  }
0xc: {  	s11 =	sadd.s32 s10, s6;
	s21 =	sshrl.u32 s13, $0x3;
	s15 =	sshrl.u32 s25, $0x3  }
0xd: {  	s13 =	rddreg [dreg:$0x2];
	s31 =	smax.u32 s0, $0x1;
	s0 =	simm.s32 $0x3400  }
0xe: {  	s4 =	sadd.s32 s5, s4;
	s20 =	sshrl.u32 s11, $0x3;
	s22 =	sadd.s32 s5, s21  }
0xf: {  	s11 =	sshrl.u32 s24, $0x3;
	s16 =	sadd.s32 s5, s15;
	s24 =	smul.u32 $0x50000, s14  }
0x10: {  	s21 =	sshrl.u32 s19, $0x3;
	s15 =	sadd.s32 $0x292A00, s1;
	s19 =	smul.u32 $0x1388, s3  }
0x11: {  	s26 =	sadd.s32 s26, s13;
	s28 =	sadd.s32 s28, s13;
	[dreg:$0x4] =	wrdreg s4  }
0x12: {  	s29 =	sadd.s32 s29, s13;
	s3 =	simm.s32 $0x3500;
	[dreg:$0x6] =	wrdreg s22  }
0x13: {  	s14 =	simm.s32 $0x0;
	s4 =	sadd.s32 s5, s20;
	[dreg:$0x9] =	wrdreg s16  }
0x14: {  	s20 =	sshrl.u32 s18, $0x3;
	s22 =	sadd.s32 s5, s21;
	s16 =	sadd.s32 $0x12A00, s1  }
0x15: {  	s18 =	sadd.s32 $0x17A00, s1;
	s21 =	sadd.s32 s6, s13;
	[dreg:$0x5] =	wrdreg s4  }
0x16: {  	s6 =	simm.s32 $0x1;
	s4 =	sshrl.u32 s23, $0x3;
	[dreg:$0xc] =	wrdreg s22  }
0x17: {  	s23 =	sadd.s32 s10, s30;
	s25 =	sshrl.u32 s24, $0x2;
	s4 =	sadd.s32 s5, s4  }
0x18: {  	s22 =	sadd.s32 s7, s13;
	[dreg:$0x7] =	wrdreg s4;
	s4 =	sadd.s32 s5, s11  }
0x19: {  	s24 =	sadd.s32 s9, s13;
	[dreg:$0x8] =	wrdreg s4;
	s4 =	sshrl.u32 s17, $0x3  }
0x1a: {  	s30 =	sadd.s32 s30, s13;
	s7 =	simm.s32 $0x0;
	s4 =	sadd.s32 s5, s4  }
0x1b: {  	s17 =	sadd.s32 $0x1200, s1;
	[dreg:$0xa] =	wrdreg s4;
	s4 =	sadd.s32 s5, s20  }
0x1c: {  	s1 =	simm.s32 $0x3480;
	[dreg:$0xb] =	wrdreg s4;
	s4 =	sshrl.u32 s23, $0x3  }
0x1d: {  	s20 =	sadd.s32 s25, s13;
	s25 =	sadd.s32 s12, s13;
	s4 =	sadd.s32 s5, s4  }
0x1e: {  	s12 =	simm.s32 $0x2;
	s23 =	sadd.s32 s8, s13;
	[dreg:$0xd] =	wrdreg s4  }
0x1f: {  	s5 =	simm.s32 $0x2000;
	s4 =	simm.s32 $0x28;
	_ =	strace $0x80000056  }
.LBB2_1:
0x20: {  	s8 =	rddreg [dreg:$0x1]  }
0x21: {  	[tilespmem:s2], [sflag:$0x2] =	stream.linear.gather [hbm4b:s8+s2], $0x2000, $0x38;
	[tilespmem:$0x18900] =	vst v63  }
0x22: {  	_ =	swait.ge [sflag:s12], $0x2000  }
0x23: {  	[sflag:s12] =	ssyncset.done $0x0  }
0x24: {  	[sflag:s12] =	ssyncadd.s32 $0xFFFFE000  }
0x25: {  	[spmem:s20] =	stream.linear.scatter [tilespmem:s2], [sflag:$0x2], $0x2000, $0x38;
	[tilespmem:$0x18900] =	vst v63  }
0x26: {  	_ =	swait.ge [sflag:s12], $0x2000  }
0x27: {  	[sflag:s12] =	ssyncset.done $0x0  }
0x28: {  	[sflag:s12] =	ssyncadd.s32 $0xFFFFE000  }
0x29: {  	[spmem:s21] =	stream.linear.scatter [tilespmem:s2], [sflag:$0x2], $0x2000, $0x38;
	[tilespmem:$0x18900] =	vst v63  }
0x2a: {  	_ =	swait.ge [sflag:s12], $0x2000  }
0x2b: {  	[sflag:s12] =	ssyncset.done $0x0  }
0x2c: {  	[sflag:s12] =	ssyncadd.s32 $0xFFFFE000  }
0x2d: {  	[spmem:s22] =	stream.linear.scatter [tilespmem:s2], [sflag:$0x2], $0x2000, $0x38;
	[tilespmem:$0x18900] =	vst v63  }
0x2e: {  	_ =	swait.ge [sflag:s12], $0x2000  }
0x2f: {  	[sflag:s12] =	ssyncset.done $0x0  }
0x30: {  	[sflag:s12] =	ssyncadd.s32 $0xFFFFE000  }
0x31: {  	[spmem:s23] =	stream.linear.scatter [tilespmem:s2], [sflag:$0x2], $0x2000, $0x38;
	[tilespmem:$0x18900] =	vst v63  }
0x32: {  	_ =	swait.ge [sflag:s12], $0x2000  }
0x33: {  	[sflag:s12] =	ssyncset.done $0x0  }
0x34: {  	[sflag:s12] =	ssyncadd.s32 $0xFFFFE000  }
0x35: {  	[spmem:s24] =	stream.linear.scatter [tilespmem:s2], [sflag:$0x2], $0x2000, $0x38;
	[tilespmem:$0x18900] =	vst v63  }
0x36: {  	_ =	swait.ge [sflag:s12], $0x2000  }
0x37: {  	[sflag:s12] =	ssyncset.done $0x0  }
0x38: {  	[sflag:s12] =	ssyncadd.s32 $0xFFFFE000  }
0x39: {  	[spmem:s25] =	stream.linear.scatter [tilespmem:s2], [sflag:$0x2], $0x2000, $0x38;
	[tilespmem:$0x18900] =	vst v63  }
0x3a: {  	_ =	swait.ge [sflag:s12], $0x2000  }
0x3b: {  	[sflag:s12] =	ssyncset.done $0x0  }
0x3c: {  	[sflag:s12] =	ssyncadd.s32 $0xFFFFE000  }
0x3d: {  	[spmem:s26] =	stream.linear.scatter [tilespmem:s2], [sflag:$0x2], $0x2000, $0x38;
	[tilespmem:$0x18900] =	vst v63  }
0x3e: {  	_ =	swait.ge [sflag:s12], $0x2000  }
0x3f: {  	[sflag:s12] =	ssyncset.done $0x0  }
0x40: {  	[sflag:s12] =	ssyncadd.s32 $0xFFFFE000  }
0x41: {  	[spmem:s28] =	stream.linear.scatter [tilespmem:s2], [sflag:$0x2], $0x2000, $0x38;
	[tilespmem:$0x18900] =	vst v63  }
0x42: {  	_ =	swait.ge [sflag:s12], $0x2000  }
0x43: {  	[sflag:s12] =	ssyncset.done $0x0  }
0x44: {  	[sflag:s12] =	ssyncadd.s32 $0xFFFFE000  }
0x45: {  	[spmem:s29] =	stream.linear.scatter [tilespmem:s2], [sflag:$0x2], $0x2000, $0x38;
	[tilespmem:$0x18900] =	vst v63  }
0x46: {  	_ =	swait.ge [sflag:s12], $0x2000  }
0x47: {  	[sflag:s12] =	ssyncset.done $0x0  }
0x48: {  	[sflag:s12] =	ssyncadd.s32 $0xFFFFE000  }
0x49: {  	[spmem:s30] =	stream.linear.scatter [tilespmem:s2], [sflag:$0x2], $0x2000, $0x38;
	[tilespmem:$0x18900] =	vst v63  }
0x4a: {  	_ =	swait.ge [sflag:s12], $0x2000  }
0x4b: {  	[sflag:s12] =	ssyncset.done $0x0  }
0x4c: {  	[sflag:s12] =	ssyncadd.s32 $0xFFFFE000  }
0x4d: {  	s8 =	simm.s32 $0x0;
	[bflag:$0x0] =	sbarrier.arrive $0xFFFF  }
.LBB2_2:
0x4e: {  	s9 =	smul.u32 $0x28, s8;
	_ =	sdelay $0x1  }
0x4f: {  	s9 =	sadd.s32 s19, s9  }
0x50: {  	s10 =	sshrl.u32 s9, $0x3  }
0x51: {  	s11 =	sadd.s32 s16, s10  }
0x52: {  	[tilespmem:s0], [sflag:$0x2] =	stream.linear.gather [hbm4b:s11+s14], $0x28, $0x38;
	[tilespmem:$0x18900] =	vst v63  }
0x53: {  	_ =	swait.ge [sflag:s12], $0x28  }
0x54: {  	[sflag:s12] =	ssyncset.done $0x0  }
0x55: {  	s10 =	sadd.s32 s17, s10;
	[sflag:s12] =	ssyncadd.s32 $0xFFFFFFD8  }
0x56: {  	[tilespmem:s1], [sflag:$0x2] =	stream.linear.gather [hbm4b:s10+s14], $0x28, $0x38;
	[tilespmem:$0x18900] =	vst v63  }
0x57: {  	_ =	swait.ge [sflag:s12], $0x28  }
0x58: {  	s9 =	sshll.u32 s9, $0x4;
	[sflag:s12] =	ssyncset.done $0x0  }
0x59: {  	s9 =	sadd.s32 s18, s9;
	[sflag:s12] =	ssyncadd.s32 $0xFFFFFFD8  }
0x5a: {  	[tilespmem:s3], [sflag:$0x2] =	stream.linear.gather [hbm4b:s9+s14], $0x1400, $0x38;
	[tilespmem:$0x18900] =	vst v63  }
0x5b: {  	_ =	swait.ge [sflag:s12], $0x1400  }
0x5c: {  	[sflag:s12] =	ssyncset.done $0x0  }
0x5d: {  	[sflag:s12] =	ssyncadd.s32 $0xFFFFEC00  }
0x5e: {  	[tilespmem:s5], [sflag:$0x1] =	stream.indirect.gather [hbm4b:s15+s4], $0x80, s0, s4, $0xb8;
	[tilespmem:$0x18900] =	vst v63  }
0x5f: {  	_ =	swait.ge [sflag:s6], $0x1400  }
0x60: {  	[sflag:s6] =	ssyncset.done $0x0  }
0x61: {  	s9 =	simm.s32 $0x0;
	[sflag:s6] =	ssyncadd.s32 $0xFFFFEC00  }
0x62: {  	v0 =	vld [tilespmem:s9+$0x3500]  }
0x63: {  	v4 =	vld [tilespmem:s9+$0x2000]  }
0x64: {  	v6 =	vld [tilespmem:s9+$0x2010]  }
0x65: {  	v5 =	vld [tilespmem:s9+$0x2020]  }
0x66: {  	v3 =	vld [tilespmem:s9+$0x2030]  }
0x67: {  	v1 =	vld [tilespmem:s9+$0x2040]  }
0x68: {  	v2 =	vld [tilespmem:s9+$0x2050];
	v7 =	vmul.f32 v4, v0  }
0x69: {  	s10 =	simm.s32 $0x200;
	v6 =	vmul.f32 v6, v0;
	v4 =	vld [tilespmem:s9+$0x2060]  }
.LBB2_3:
0x6a: {  	s11 =	sshra.s32 s10, $0x2;
	p0 =	sne.s32 s10, $0x4E00;
	[tilespmem:s9+$0x2000] =	vst v7;
	v5 =	vmul.f32 v5, v0;
	v7 =	vld [tilespmem:s9+$0x2070]  }
0x6b: {  	v8 =	vld [tilespmem:s11+$0x3500];
	[tilespmem:s9+$0x2010] =	vst v6;
	v3 =	vmul.f32 v3, v0  }
0x6c: {  	v6 =	vld [tilespmem:s11+$0x2000];
	[tilespmem:s9+$0x2020] =	vst v5;
	v1 =	vmul.f32 v1, v0  }
0x6d: {  	v9 =	vld [tilespmem:s11+$0x2010];
	[tilespmem:s9+$0x2030] =	vst v3;
	v2 =	vmul.f32 v2, v0  }
.Ltmp0:
0x6e: {  	v5 =	vld [tilespmem:s11+$0x2020];
	[tilespmem:s9+$0x2040] =	vst v1;
	v4 =	vmul.f32 v4, v0;
	(pc) =	sbr.rel @p0 .LBB2_3-.Ltmp0, $4  }
0x6f: {  	v3 =	vld [tilespmem:s11+$0x2030];
	[tilespmem:s9+$0x2050] =	vst v2;
	v10 =	vmul.f32 v7, v0  }
0x70: {  	v1 =	vld [tilespmem:s11+$0x2040];
	[tilespmem:s9+$0x2060] =	vst v4;
	v0 =	vmov v8  }
0x71: {  	v7 =	vmul.f32 v6, v0;
	v2 =	vld [tilespmem:s11+$0x2050];
	[tilespmem:s9+$0x2070] =	vst v10;
	s9 =	smov.u32 s11  }
0x72: {  	s10 =	sadd.s32 $0x200, s10;
	v6 =	vmul.f32 v9, v0;
	v4 =	vld [tilespmem:s9+$0x2060]  }
0x73: {  	[tilespmem:s9+$0x2000] =	vst v7;
	v5 =	vmul.f32 v5, v0;
	v61 =	vld [tilespmem:s9+$0x2070]  }
0x74: {  	[tilespmem:s9+$0x2010] =	vst v6;
	v3 =	vmul.f32 v3, v0  }
0x75: {  	[tilespmem:s9+$0x2020] =	vst v5;
	v1 =	vmul.f32 v1, v0  }
0x76: {  	[tilespmem:s9+$0x2030] =	vst v3;
	v2 =	vmul.f32 v2, v0  }
0x77: {  	[tilespmem:s9+$0x2040] =	vst v1;
	v62 =	vmul.f32 v4, v0  }
0x78: {  	s8 =	sadd.s32 $0x1, s8;
	[tilespmem:s9+$0x2050] =	vst v2;
	v63 =	vmul.f32 v61, v0  }
0x79: {  	p0 =	sne.s32 s8, $0x7D;
	[tilespmem:s9+$0x2060] =	vst v62  }
.Ltmp1:
0x7a: {  	[tilespmem:s9+$0x2070] =	vst v63;
	(pc) =	sbr.rel @p0 .LBB2_2-.Ltmp1, $4  }
0x7b: {  	[spmem:s13] =	stream.indirect.scatter.add.f32 [tilespmem:s5], [sflag:$0x2], $0x80, s1, s4, $0xb8;
	[tilespmem:$0x18900] =	vst v63  }
0x7c: {  	_ =	swait.ge [sflag:s12], $0x1400  }
0x7d: {  	[sflag:s12] =	ssyncset.done $0x0  }
0x7e: {  	[sflag:s12] =	ssyncadd.s32 $0xFFFFEC00  }
0x7f: {  	[bflag:$0x0] =	sbarrier.arrive $0xFFFF  }
0x80: {  	[tilespmem:s2], [sflag:$0x2] =	stream.linear.gather [spmem:s20], $0x2000, $0x38;
	[tilespmem:$0x18900] =	vst v63  }
0x81: {  	_ =	swait.ge [sflag:s12], $0x2000  }
0x82: {  	[sflag:s12] =	ssyncset.done $0x0  }
0x83: {  	s8 =	rddreg [dreg:$0x4];
	[sflag:s12] =	ssyncadd.s32 $0xFFFFE000  }
0x84: {  	[hbm4b:s8+s2] =	stream.linear.scatter [tilespmem:s2], [sflag:$0x2], $0x2000, $0x38;
	[tilespmem:$0x18900] =	vst v63  }
0x85: {  	_ =	swait.ge [sflag:s12], $0x2000  }
0x86: {  	[sflag:s12] =	ssyncset.done $0x0  }
0x87: {  	[sflag:s12] =	ssyncadd.s32 $0xFFFFE000  }
0x88: {  	[tilespmem:s2], [sflag:$0x2] =	stream.linear.gather [spmem:s21], $0x2000, $0x38;
	[tilespmem:$0x18900] =	vst v63  }
0x89: {  	_ =	swait.ge [sflag:s12], $0x2000  }
0x8a: {  	[sflag:s12] =	ssyncset.done $0x0  }
0x8b: {  	s9 =	rddreg [dreg:$0x5];
	[sflag:s12] =	ssyncadd.s32 $0xFFFFE000  }
0x8c: {  	[hbm4b:s9+s2] =	stream.linear.scatter [tilespmem:s2], [sflag:$0x2], $0x2000, $0x38;
	[tilespmem:$0x18900] =	vst v63  }
0x8d: {  	_ =	swait.ge [sflag:s12], $0x2000  }
0x8e: {  	[sflag:s12] =	ssyncset.done $0x0  }
0x8f: {  	[sflag:s12] =	ssyncadd.s32 $0xFFFFE000  }
0x90: {  	[tilespmem:s2], [sflag:$0x2] =	stream.linear.gather [spmem:s22], $0x2000, $0x38;
	[tilespmem:$0x18900] =	vst v63  }
0x91: {  	_ =	swait.ge [sflag:s12], $0x2000  }
0x92: {  	[sflag:s12] =	ssyncset.done $0x0  }
0x93: {  	s10 =	rddreg [dreg:$0x6];
	[sflag:s12] =	ssyncadd.s32 $0xFFFFE000  }
0x94: {  	[hbm4b:s10+s2] =	stream.linear.scatter [tilespmem:s2], [sflag:$0x2], $0x2000, $0x38;
	[tilespmem:$0x18900] =	vst v63  }
0x95: {  	_ =	swait.ge [sflag:s12], $0x2000  }
0x96: {  	[sflag:s12] =	ssyncset.done $0x0  }
0x97: {  	[sflag:s12] =	ssyncadd.s32 $0xFFFFE000  }
0x98: {  	[tilespmem:s2], [sflag:$0x2] =	stream.linear.gather [spmem:s23], $0x2000, $0x38;
	[tilespmem:$0x18900] =	vst v63  }
0x99: {  	_ =	swait.ge [sflag:s12], $0x2000  }
0x9a: {  	[sflag:s12] =	ssyncset.done $0x0  }
0x9b: {  	s11 =	rddreg [dreg:$0x7];
	[sflag:s12] =	ssyncadd.s32 $0xFFFFE000  }
0x9c: {  	[hbm4b:s11+s2] =	stream.linear.scatter [tilespmem:s2], [sflag:$0x2], $0x2000, $0x38;
	[tilespmem:$0x18900] =	vst v63  }
0x9d: {  	_ =	swait.ge [sflag:s12], $0x2000  }
0x9e: {  	[sflag:s12] =	ssyncset.done $0x0  }
0x9f: {  	[sflag:s12] =	ssyncadd.s32 $0xFFFFE000  }
0xa0: {  	[tilespmem:s2], [sflag:$0x2] =	stream.linear.gather [spmem:s24], $0x2000, $0x38;
	[tilespmem:$0x18900] =	vst v63  }
0xa1: {  	_ =	swait.ge [sflag:s12], $0x2000  }
0xa2: {  	[sflag:s12] =	ssyncset.done $0x0  }
0xa3: {  	s9 =	rddreg [dreg:$0x8];
	[sflag:s12] =	ssyncadd.s32 $0xFFFFE000  }
0xa4: {  	[hbm4b:s9+s2] =	stream.linear.scatter [tilespmem:s2], [sflag:$0x2], $0x2000, $0x38;
	[tilespmem:$0x18900] =	vst v63  }
0xa5: {  	_ =	swait.ge [sflag:s12], $0x2000  }
0xa6: {  	[sflag:s12] =	ssyncset.done $0x0  }
0xa7: {  	[sflag:s12] =	ssyncadd.s32 $0xFFFFE000  }
0xa8: {  	[tilespmem:s2], [sflag:$0x2] =	stream.linear.gather [spmem:s25], $0x2000, $0x38;
	[tilespmem:$0x18900] =	vst v63  }
0xa9: {  	_ =	swait.ge [sflag:s12], $0x2000  }
0xaa: {  	[sflag:s12] =	ssyncset.done $0x0  }
0xab: {  	s10 =	rddreg [dreg:$0x9];
	[sflag:s12] =	ssyncadd.s32 $0xFFFFE000  }
0xac: {  	[hbm4b:s10+s2] =	stream.linear.scatter [tilespmem:s2], [sflag:$0x2], $0x2000, $0x38;
	[tilespmem:$0x18900] =	vst v63  }
0xad: {  	_ =	swait.ge [sflag:s12], $0x2000  }
0xae: {  	[sflag:s12] =	ssyncset.done $0x0  }
0xaf: {  	[sflag:s12] =	ssyncadd.s32 $0xFFFFE000  }
0xb0: {  	[tilespmem:s2], [sflag:$0x2] =	stream.linear.gather [spmem:s26], $0x2000, $0x38;
	[tilespmem:$0x18900] =	vst v63  }
0xb1: {  	_ =	swait.ge [sflag:s12], $0x2000  }
0xb2: {  	[sflag:s12] =	ssyncset.done $0x0  }
0xb3: {  	s11 =	rddreg [dreg:$0xa];
	[sflag:s12] =	ssyncadd.s32 $0xFFFFE000  }
0xb4: {  	[hbm4b:s11+s2] =	stream.linear.scatter [tilespmem:s2], [sflag:$0x2], $0x2000, $0x38;
	[tilespmem:$0x18900] =	vst v63  }
0xb5: {  	_ =	swait.ge [sflag:s12], $0x2000  }
0xb6: {  	[sflag:s12] =	ssyncset.done $0x0  }
0xb7: {  	[sflag:s12] =	ssyncadd.s32 $0xFFFFE000  }
0xb8: {  	[tilespmem:s2], [sflag:$0x2] =	stream.linear.gather [spmem:s28], $0x2000, $0x38;
	[tilespmem:$0x18900] =	vst v63  }
0xb9: {  	_ =	swait.ge [sflag:s12], $0x2000  }
0xba: {  	[sflag:s12] =	ssyncset.done $0x0  }
0xbb: {  	s9 =	rddreg [dreg:$0xb];
	[sflag:s12] =	ssyncadd.s32 $0xFFFFE000  }
0xbc: {  	[hbm4b:s9+s2] =	stream.linear.scatter [tilespmem:s2], [sflag:$0x2], $0x2000, $0x38;
	[tilespmem:$0x18900] =	vst v63  }
0xbd: {  	_ =	swait.ge [sflag:s12], $0x2000  }
0xbe: {  	[sflag:s12] =	ssyncset.done $0x0  }
0xbf: {  	[sflag:s12] =	ssyncadd.s32 $0xFFFFE000  }
0xc0: {  	[tilespmem:s2], [sflag:$0x2] =	stream.linear.gather [spmem:s29], $0x2000, $0x38;
	[tilespmem:$0x18900] =	vst v63  }
0xc1: {  	_ =	swait.ge [sflag:s12], $0x2000  }
0xc2: {  	[sflag:s12] =	ssyncset.done $0x0  }
0xc3: {  	s10 =	rddreg [dreg:$0xc];
	[sflag:s12] =	ssyncadd.s32 $0xFFFFE000  }
0xc4: {  	[hbm4b:s10+s2] =	stream.linear.scatter [tilespmem:s2], [sflag:$0x2], $0x2000, $0x38;
	[tilespmem:$0x18900] =	vst v63  }
0xc5: {  	_ =	swait.ge [sflag:s12], $0x2000  }
0xc6: {  	[sflag:s12] =	ssyncset.done $0x0  }
0xc7: {  	[sflag:s12] =	ssyncadd.s32 $0xFFFFE000  }
0xc8: {  	[tilespmem:s2], [sflag:$0x2] =	stream.linear.gather [spmem:s30], $0x2000, $0x38;
	[tilespmem:$0x18900] =	vst v63  }
0xc9: {  	s7 =	sadd.s32 $0x1, s7;
	_ =	swait.ge [sflag:s12], $0x2000  }
0xca: {  	p0 =	sne.s32 s7, s31;
	[sflag:s12] =	ssyncset.done $0x0  }
.Ltmp2:
0xcb: {  	s11 =	rddreg [dreg:$0xd];
	[sflag:s12] =	ssyncadd.s32 $0xFFFFE000;
	(pc) =	sbr.rel @p0 .LBB2_1-.Ltmp2, $4  }
0xcc: {  	[hbm4b:s11+s2] =	stream.linear.scatter [tilespmem:s2], [sflag:$0x2], $0x2000, $0x38;
	[tilespmem:$0x18900] =	vst v63  }
0xcd: {  	_ =	swait.ge [sflag:s12], $0x2000  }
0xce: {  	[sflag:s12] =	ssyncset.done $0x0  }
0xcf: {  	[sflag:s12] =	ssyncadd.s32 $0xFFFFE000  }
0xd0: {  	_ =	sfence.sel $0x180000  }
0xd1: {  	[bflag:$0x0] =	sbarrier.arrive $0xFFFF  }
0xd2: {  	_ =	strace $0x90000056  }
0xd3: {  	s0 =	stileid.u32;
	[bflag:$0x2] =	sbarrier.arrive $0xFFFF  }
0xd4: {  	p0 =	sne.s32 s0, $0x0;
	s0 =	rddreg [dreg:$0x3]  }
0xd5: {  	s0 =	sadd.s32 @!p0 $0x100000, s0  }
0xd6: {  	[sflag:s0] =	ssyncadd.tile.s32 @!p0 $0x1;
	_ =	shalt  }
.Lfunc_end2:
_tile_overlayer_lowered:
.L_overlay_start_2:
0xd7: {  	(tag) =	ssettag $0x2  }
0xd8: {  	s0 =	rddreg [dreg:$0x0];
	s2 =	stileid.u32  }
0xd9: {  	s1 =	rddreg [dreg:$0x1];
	p0 =	sne.s32 s2, $0x0  }
0xda: {  	s3 =	rddreg [dreg:$0x2];
	[bflag:$0x3] =	sbarrier.arrive $0xFFFF;
	s2 =	simm.s32 @!p0 $0x1C02  }
0xdb: {  	[timem:s3], [sflag:s2] =	dma.local @!p0 [hbm:s0], s1  }
0xdc: {  	s0 =	simm.s32 @!p0 $0x2  }
0xdd: {  	_ =	swait.ge @!p0 [sflag:s0], s1  }
0xde: {  	s1 =	ssub.s32 @!p0 $0x0, s1;
	[sflag:s0] =	ssyncset.done @!p0 $0x0  }
0xdf: {  	[sflag:s0] =	ssyncadd.s32 @!p0 s1  }
0xe0: {  	[bflag:$0x3] =	sbarrier.arrive $0xFFFF  }
0xe1: {  	_ =	shalt  }

// kernel: kernel.20.cloned.1.call-start
scs
__scs_entry_jumppad:
0x0: {  	(pc) =	sbr.rel $0x88, $3  }
0x1: {  	(tag) =	ssettag $0x0;
	lr =	simm.s32 $0x1  }
0x2: {  	[smem:$0x3F8F] =	sst lr;
	_ =	strace $0xD0000000  }
0x3: {  	_ = 	snop  }
0x4: {  	_ = 	snop  }
0x5: {  	_ = 	snop  }
0x6: {  	_ = 	snop  }
0x7: {  	_ = 	snop  }
__scs_overlays_trampoline_lowered:
0x8: {  	[smem:$0x3F9E] =	sst s0  }
0x9: {  	[smem:$0x3F9F] =	sst s1  }
0xa: {  	[smem:$0x3FA0] =	sst s2  }
0xb: {  	[smem:$0x3FA1] =	sst s3  }
0xc: {  	[smem:$0x3FA2] =	sst s4  }
0xd: {  	[smem:$0x3FA3] =	sst s5  }
0xe: {  	[smem:$0x3FA4] =	sst s6  }
0xf: {  	[smem:$0x3FA5] =	sst s7  }
0x10: {  	[smem:$0x3FA6] =	sst s8  }
0x11: {  	[smem:$0x3FA7] =	sst s9;
	s0 =	simm.s32 @!p0 $0x0  }
0x12: {  	s1 =	sld [smem:$0x3F8D];
	s0 =	simm.s32 @p0 $0x1  }
0x13: {  	[smem:$0x3FA8] =	sst s0;
	s0 =	simm.s32 @!p1 $0x0  }
0x14: {  	s2 =	sld [smem:$0x3F8C];
	s0 =	simm.s32 @p1 $0x1  }
0x15: {  	[smem:$0x3FA9] =	sst s0;
	s0 =	simm.s32 @!p2 $0x0  }
0x16: {  	s3 =	sld [smem:$0x3FDB];
	s0 =	simm.s32 @p2 $0x1  }
0x17: {  	s4 =	simm.s32 $0x1BF5;
	[smem:$0x3FAB] =	sst s0  }
0x18: {  	s0 =	sld [smem:$0x3F8E];
	_ =	swait.ge [sflag:s4], $0x0  }
0x19: {  	s7 =	sld [smem:$0x3F8F]  }
0x1a: {  	s8 =	sadd.s32 $0xFFFFE003, lr  }
0x1b: {  	s9 =	sadd.s32 $0xFFFFFEF7, lr;
	s5 =	simm.s32 $0xFFFFFFFF;
	p2 =	slt.u32 s8, $0xFFFFF086  }
0x1c: {  	p1 =	slt.u32 s9, $0xF7A;
	s5 =	simm.s32 @!p2 $0x0  }
0x1d: {  	s5 =	simm.s32 @p1 $0x1;
	p0 =	seq.s32 s7, s2  }
0x1e: {  	s7 =	smul.u32 @!p0 $0xF7A, s2;
	p2 =	seq.s32 @!p0 s5, $0x0  }
0x1f: {  	s9 =	smul.u32 $0xF7A, s1;
	s8 =	simm.s32 @!p0 $0x1BF5;
	p2 =	por !p2, p0  }
0x20: {  	[sflag:s8] =	ssyncset.s32 @!p0 $0xFFFFF086;
	s6 =	sadd.s32 @!p0 s3, s7;
	s7 =	simm.s32 @!p0 $0x108  }
0x21: {  	s3 =	sadd.s32 s3, s9;
	s6 =	sadd.s32 @!p0 $0x88, s6;
	s7 =	simm.s32 @p2 $0x1082  }
0x22: {  	[simem:s7], [sflag:s8] =	dma.local @!p0 [hbm:s6], $0xF7A  }
0x23: {  	s9 =	sor.u32 $0xD0000000, s2;
	s6 =	simm.s32 $0x108;
	_ =	swait.ge @!p0 [sflag:s8], $0x0  }
0x24: {  	s3 =	sadd.s32 $0x88, s3;
	s6 =	simm.s32 @!p1 $0x1082;
	[sflag:s4] =	ssyncset.s32 $0xFFFFF086  }
0x25: {  	[simem:s6], [sflag:s4] =	dma.local [hbm:s3], $0xF7A  }
0x26: {  	[smem:$0x3F8F] =	sst s1;
	(tag) =	ssettag s2;
	_ =	strace s9  }
0x27: {  	s1 =	sld [smem:$0x3F9F]  }
0x28: {  	s2 =	sld [smem:$0x3FA0]  }
0x29: {  	s4 =	sld [smem:$0x3FA2]  }
0x2a: {  	p0 =	seq.s32 s5, $0x0;
	s5 =	sld [smem:$0x3FA3]  }
0x2b: {  	s6 =	sld [smem:$0x3FA4]  }
0x2c: {  	s7 =	sld [smem:$0x3FA5]  }
0x2d: {  	s3 =	simm.s32 $0x108;
	s8 =	sld [smem:$0x3FA6]  }
0x2e: {  	s3 =	simm.s32 @!p0 $0x1082;
	s9 =	sld [smem:$0x3FA7]  }
0x2f: {  	lr =	sadd.s32 s0, s3;
	s0 =	sld [smem:$0x3F9E]  }
0x30: {  	s3 =	sld [smem:$0x3FA1]  }
0x31: {  	[smem:$0x3FAA] =	sst s10  }
0x32: {  	s10 =	sld [smem:$0x3FA8];
	_ =	sdelay $0x3  }
0x33: {  	p0 =	seq.s32 s10, $0x1;
	s10 =	sld [smem:$0x3FAA];
	_ =	sdelay $0x3  }
0x34: {  	[smem:$0x3FAA] =	sst s10  }
0x35: {  	s10 =	sld [smem:$0x3FA9];
	_ =	sdelay $0x3  }
0x36: {  	p1 =	seq.s32 s10, $0x1;
	s10 =	sld [smem:$0x3FAA];
	_ =	sdelay $0x3  }
0x37: {  	[smem:$0x3FAA] =	sst s10  }
0x38: {  	s10 =	sld [smem:$0x3FAB]  }
0x39: {  	_ = 	snop;
	(pc) =	sbr.ind lr, $3  }
0x3a: {  	_ = 	snop  }
0x3b: {  	_ = 	snop  }
0x3c: {  	p2 =	seq.s32 s10, $0x1;
	s10 =	sld [smem:$0x3FAA]  }
0x3d: {  	_ =	shalt  }
0x3e: {  	_ =	shalt  }
0x3f: {  	_ =	shalt  }
0x40: {  	_ =	shalt  }
0x41: {  	_ =	shalt  }
0x42: {  	_ =	shalt  }
0x43: {  	_ =	shalt  }
0x44: {  	_ =	shalt  }
0x45: {  	_ =	shalt  }
0x46: {  	_ =	shalt  }
0x47: {  	_ =	shalt  }
0x48: {  	_ =	shalt  }
0x49: {  	_ =	shalt  }
0x4a: {  	_ =	shalt  }
0x4b: {  	_ =	shalt  }
0x4c: {  	_ =	shalt  }
0x4d: {  	_ =	shalt  }
0x4e: {  	_ =	shalt  }
0x4f: {  	_ =	shalt  }
0x50: {  	_ =	shalt  }
0x51: {  	_ =	shalt  }
0x52: {  	_ =	shalt  }
0x53: {  	_ =	shalt  }
0x54: {  	_ =	shalt  }
0x55: {  	_ =	shalt  }
0x56: {  	_ =	shalt  }
0x57: {  	_ =	shalt  }
0x58: {  	_ =	shalt  }
0x59: {  	_ =	shalt  }
0x5a: {  	_ =	shalt  }
0x5b: {  	_ =	shalt  }
0x5c: {  	_ =	shalt  }
0x5d: {  	_ =	shalt  }
0x5e: {  	_ =	shalt  }
0x5f: {  	_ =	shalt  }
0x60: {  	_ =	shalt  }
0x61: {  	_ =	shalt  }
0x62: {  	_ =	shalt  }
0x63: {  	_ =	shalt  }
0x64: {  	_ =	shalt  }
0x65: {  	_ =	shalt  }
0x66: {  	_ =	shalt  }
0x67: {  	_ =	shalt  }
0x68: {  	_ =	shalt  }
0x69: {  	_ =	shalt  }
0x6a: {  	_ =	shalt  }
0x6b: {  	_ =	shalt  }
0x6c: {  	_ =	shalt  }
0x6d: {  	_ =	shalt  }
0x6e: {  	_ =	shalt  }
0x6f: {  	_ =	shalt  }
0x70: {  	_ =	shalt  }
0x71: {  	_ =	shalt  }
0x72: {  	_ =	shalt  }
0x73: {  	_ =	shalt  }
0x74: {  	_ =	shalt  }
0x75: {  	_ =	shalt  }
0x76: {  	_ =	shalt  }
0x77: {  	_ =	shalt  }
0x78: {  	_ =	shalt  }
0x79: {  	_ =	shalt  }
0x7a: {  	_ =	shalt  }
0x7b: {  	_ =	shalt  }
0x7c: {  	_ =	shalt  }
0x7d: {  	_ =	shalt  }
0x7e: {  	_ =	shalt  }
0x7f: {  	_ =	shalt  }
0x80: {  	_ =	shalt  }
0x81: {  	_ =	shalt  }
0x82: {  	_ =	shalt  }
0x83: {  	_ =	shalt  }
0x84: {  	_ =	shalt  }
0x85: {  	_ =	shalt  }
0x86: {  	_ =	shalt  }
0x87: {  	_ =	shalt  }
.Lfunc_end0:
.L_simem_size_0:
called_computation.5_lowered:
.L_overlay_start_0:
0x88: {  	s2 =	sld [smem:$0x3FD9]  }
0x89: {  	s3 =	sld [smem:$0x3FFE];
	_ =	sdelay $0x1  }
0x8a: {  	s1 =	srdreg.scid  }
0x8b: {  	s0 =	sand.u32 $0x1, s1  }
0x8c: {  	s17 =	sshll.u32 s0, $0xA;
	s2 =	sadd.s32 s3, s2  }
0x8d: {  	s2 =	sadd.s32 s2, s17  }
0x8e: {  	[smem:$0x3FB6] =	sst s2  }
0x8f: {  	_ = 	snop  }
0x90: {  	s18 =	sld [smem:$0x3FD0];
	(tm) =	ssettm $0x1  }
0x91: {  	s19 =	sld [smem:$0x3FFB];
	_ =	sdelay $0x3  }
0x92: {  	_ =	strace s19  }
0x93: {  	s2 =	sld [smem:$0x3FFC];
	_ =	sdelay $0x3  }
0x94: {  	_ =	strace s2  }
0x95: {  	s2 =	sld [smem:$0x3FFD];
	_ =	sdelay $0x3  }
0x96: {  	_ =	strace s2  }
0x97: {  	_ =	strace $0x8FFFFFFF  }
0x98: {  	s20 =	sld [smem:$0x3FDB];
	_ =	sdelay $0x1  }
0x99: {  	s4 =	simm.s32 $_scs_section_size  }
0x9a: {  	s5 =	simm.s32 $_size__tile_overlayer_lowered;
	s6 =	simm.s32 $_tile_overlayer_lowered  }
0x9b: {  	s7 =	simm.s32 $0x1BFF;
	s21 =	sshll.u32 s6, $0x1;
	s4 =	sadd.s32 s4, s20  }
0x9c: {  	s22 =	simm.s32 $0x0;
	s5 =	sshll.u32 s5, $0x1;
	s6 =	sadd.s32 s21, s4  }
0x9d: {  	[timem:s22], [sflag:s7] =	dma.local [hbm:s6], s5  }
0x9e: {  	_ =	swait.ge [sflag:s7], s5  }
0x9f: {  	s5 =	ssub.s32 $0x0, s5;
	[sflag:s7] =	ssyncset.done $0x0  }
0xa0: {  	[sflag:s7] =	ssyncadd.s32 s5;
	_ =	sdelay $0x1  }
0xa1: {  	s23 =	simm.s32 $0x1B8B  }
0xa2: {  	_ =	swait.ge [sflag:s23], $0x1  }
0xa3: {  	[sflag:s23] =	ssyncset.done $0x0  }
0xa4: {  	[sflag:s23] =	ssyncadd.s32 $0xFFFFFFFF  }
0xa5: {  	s5 =	sld [smem:$0x0]  }
0xa6: {  	s6 =	sand.u32 $0xFFFFFFFE, s1  }
0xa7: {  	p0 =	sne.s32 s1, s6  }
0xa8: {  	s6 =	sshll.u32 @p0 s6, $0xE  }
0xa9: {  	s6 =	sadd.s32 @p0 $0x11B8D, s6;
	s7 =	sshll.u32 @p0 s5, $0x11  }
0xaa: {  	s6 =	sor.u32 @p0 s7, s6  }
0xab: {  	[sflag:s6] =	ssyncadd.remote.s32 @p0 $0x1;
	_ =	sdelay $0x1  }
0xac: {  	s6 =	simm.s32 @p0 $0x1B8D  }
0xad: {  	_ =	swait.eq @p0 [sflag:s6], $0x1  }
0xae: {  	[sflag:s6] =	ssyncadd.s32 @p0 $0xFFFFFFFF  }
0xaf: {  	s7 =	sshll.u32 @!p0 s1, $0xE  }
0xb0: {  	s7 =	sor.u32 @!p0 $0x4000, s7;
	s6 =	simm.s32 @!p0 $0x1B8D  }
0xb1: {  	s5 =	sshll.u32 @!p0 s5, $0x11;
	s7 =	sadd.s32 @!p0 $0x11B8D, s7;
	_ =	swait.eq @!p0 [sflag:s6], $0x1  }
0xb2: {  	s5 =	sor.u32 @!p0 s5, s7;
	[sflag:s6] =	ssyncadd.s32 @!p0 $0xFFFFFFFF  }
0xb3: {  	s25 =	simm.s32 $0x1B8E;
	s24 =	sld [smem:$0x3FFE];
	[sflag:s5] =	ssyncadd.remote.s32 @!p0 $0x1  }
0xb4: {  	s26 =	simm.s32 $execute0_lowered;
	[smem:$0x3FD2] =	sst s25  }
0xb5: {  	s6 =	sshll.u32 s26, $0x1;
	_ =	strace $0x80000058;
	[dreg:$0x1] =	wrdreg $0xFFFFFFFF  }
0xb6: {  	s28 =	simm.s32 $_size_execute0_lowered;
	s4 =	sadd.s32 s4, s6;
	[dreg:$0x0] =	wrdreg $0x0  }
0xb7: {  	s6 =	sshll.u32 s28, $0x1;
	[dreg:$0x2] =	wrdreg s4  }
0xb8: {  	[dreg:$0x3] =	wrdreg s6  }
0xb9: {  	[dreg:$0x4] =	wrdreg $0xC0  }
0xba: {  	_ =	task [dreg:s22], $0x5FFFF  }
0xbb: {  	[dreg:$0x1] =	wrdreg $0xFFFFFFFF  }
0xbc: {  	[dreg:$0x0] =	wrdreg $0x60  }
0xbd: {  	[dreg:$0x2] =	wrdreg s24  }
0xbe: {  	[dreg:$0x3] =	wrdreg s18  }
0xbf: {  	[dreg:$0x4] =	wrdreg $0x49000  }
0xc0: {  	[dreg:$0x5] =	wrdreg $0xA  }
0xc1: {  	_ =	task.clear_ibuf [dreg:s22], $0x6FFFF;
	_ =	strace $0x90000058  }
0xc2: {  	s29 =	simm.s32 $0xA;
	_ =	strace $0x8000005A  }
0xc3: {  	_ =	swait.ge [sflag:s29], $0x1  }
0xc4: {  	[sflag:s29] =	ssyncadd.s32 $0xFFFFFFFF  }
0xc5: {  	_ =	strace $0x9000005A  }
0xc6: {  	_ =	sfence  }
0xc7: {  	s30 =	sld [smem:$0x0];
	_ =	sdelay $0x2  }
0xc8: {  	s31 =	sshll.u32 s1, $0xD;
	s1 =	sshrl.u32 s1, $0x2  }
0xc9: {  	s4 =	sand.u32 $0x4000, s31;
	s1 =	sadd.s32 s1, s30  }
0xca: {  	s0 =	sor.u32 s4, s0;
	s1 =	sshll.u32 s1, $0x11  }
0xcb: {  	s0 =	sor.u32 s1, s0  }
0xcc: {  	s0 =	sadd.s32 $0x8F2B, s0  }
0xcd: {  	[sflag:s0] =	ssyncadd.remote.s32 $0x1  }
0xce: {  	_ =	sfence.sel $0xFFFF  }
0xcf: {  	[dreg:$0x0] =	wrdreg $0xFFFFFFFF;
	(pc) =	sbr.abs _section_cstart, $3  }
0xd0: {  	[dreg:$0x1] =	wrdreg $0xFFFFFFFF  }
0xd1: {  	_ =	task.clear_ibuf [dreg:s22], $0x2FFFF;
	_ =	strace $0x9FFFFFFF  }
0xd2: {  	(tm) =	ssettm $0x7FFFFFFF  }
0xd3: {  	_ =	shalt  }
tec
execute0_lowered:
.L_overlay_start_1:
0x0: {  	(tag) =	ssettag $0x1  }
0x1: {  	s1 =	rddreg [dreg:$0x0];
	s0 =	srdreg.scid  }
0x2: {  	s14 =	stileid.u32;
	s2 =	simm.s32 $0x0;
	s3 =	sand.u32 $0x1, s0  }
0x3: {  	s4 =	smul.u32 $0x14000, s14;
	[smem:$0x7FF] =	sst s2;
	s5 =	sadd.s32 $0x553A00, s1  }
0x4: {  	s0 =	ssub.s32 $0x2, s3;
	s10 =	smul.u32 $0x140000, s3;
	s3 =	sshll.u32 s3, $0x4  }
0x5: {  	s6 =	sshrl.u32 s0, $0x1;
	s7 =	sadd.s32 $0x4000, s4;
	s8 =	sadd.s32 $0x6000, s4  }
0x6: {  	s9 =	sadd.s32 $0x8000, s4;
	s12 =	sadd.s32 $0xA000, s4;
	s26 =	sadd.s32 $0xC000, s4  }
0x7: {  	s28 =	sadd.s32 $0xE000, s4;
	s29 =	sadd.s32 $0x10000, s4;
	s30 =	sadd.s32 $0x12000, s4  }
0x8: {  	s3 =	sor.u32 s14, s3;
	s0 =	ssub.s32 s0, s6;
	s6 =	sor.u32 $0x2000, s4  }
0x9: {  	s4 =	sadd.s32 s4, s10;
	s13 =	sadd.s32 s10, s7;
	s23 =	sadd.s32 s10, s8  }
0xa: {  	s24 =	sadd.s32 s10, s9;
	s25 =	sadd.s32 s10, s12;
	s17 =	sadd.s32 s10, s26  }
0xb: {  	s18 =	sadd.s32 s10, s28;
	s19 =	sadd.s32 s10, s29;
	s4 =	sshrl.u32 s4, $0x3  }
0xc: {  	s11 =	sadd.s32 s10, s6;
	s21 =	sshrl.u32 s13, $0x3;
	s15 =	sshrl.u32 s25, $0x3  }
0xd: {  	s13 =	rddreg [dreg:$0x2];
	s31 =	smax.u32 s0, $0x1;
	s0 =	simm.s32 $0x3400  }
0xe: {  	s4 =	sadd.s32 s5, s4;
	s20 =	sshrl.u32 s11, $0x3;
	s22 =	sadd.s32 s5, s21  }
0xf: {  	s11 =	sshrl.u32 s24, $0x3;
	s16 =	sadd.s32 s5, s15;
	s24 =	smul.u32 $0x50000, s14  }
0x10: {  	s21 =	sshrl.u32 s19, $0x3;
	s15 =	sadd.s32 $0x3CB200, s1;
	s19 =	smul.u32 $0x1388, s3  }
0x11: {  	s26 =	sadd.s32 s26, s13;
	s28 =	sadd.s32 s28, s13;
	[dreg:$0x4] =	wrdreg s4  }
0x12: {  	s29 =	sadd.s32 s29, s13;
	s3 =	simm.s32 $0x3500;
	[dreg:$0x6] =	wrdreg s22  }
0x13: {  	s14 =	simm.s32 $0x0;
	s4 =	sadd.s32 s5, s20;
	[dreg:$0x9] =	wrdreg s16  }
0x14: {  	s20 =	sshrl.u32 s18, $0x3;
	s22 =	sadd.s32 s5, s21;
	s16 =	sadd.s32 $0x12A00, s1  }
0x15: {  	s18 =	sadd.s32 $0x17A00, s1;
	s21 =	sadd.s32 s6, s13;
	[dreg:$0x5] =	wrdreg s4  }
0x16: {  	s6 =	simm.s32 $0x1;
	s4 =	sshrl.u32 s23, $0x3;
	[dreg:$0xc] =	wrdreg s22  }
0x17: {  	s23 =	sadd.s32 s10, s30;
	s25 =	sshrl.u32 s24, $0x2;
	s4 =	sadd.s32 s5, s4  }
0x18: {  	s22 =	sadd.s32 s7, s13;
	[dreg:$0x7] =	wrdreg s4;
	s4 =	sadd.s32 s5, s11  }
0x19: {  	s24 =	sadd.s32 s9, s13;
	[dreg:$0x8] =	wrdreg s4;
	s4 =	sshrl.u32 s17, $0x3  }
0x1a: {  	s30 =	sadd.s32 s30, s13;
	s7 =	simm.s32 $0x0;
	s4 =	sadd.s32 s5, s4  }
0x1b: {  	s17 =	sadd.s32 $0x1200, s1;
	[dreg:$0xa] =	wrdreg s4;
	s4 =	sadd.s32 s5, s20  }
0x1c: {  	s1 =	simm.s32 $0x3480;
	[dreg:$0xb] =	wrdreg s4;
	s4 =	sshrl.u32 s23, $0x3  }
0x1d: {  	s20 =	sadd.s32 s25, s13;
	s25 =	sadd.s32 s12, s13;
	s4 =	sadd.s32 s5, s4  }
0x1e: {  	s12 =	simm.s32 $0x2;
	s23 =	sadd.s32 s8, s13;
	[dreg:$0xd] =	wrdreg s4  }
0x1f: {  	s5 =	simm.s32 $0x2000;
	s4 =	simm.s32 $0x28;
	_ =	strace $0x80000059  }
.LBB2_1:
0x20: {  	s8 =	rddreg [dreg:$0x1]  }
0x21: {  	[tilespmem:s2], [sflag:$0x2] =	stream.linear.gather [hbm4b:s8+s2], $0x2000, $0x38;
	[tilespmem:$0x18900] =	vst v63  }
0x22: {  	_ =	swait.ge [sflag:s12], $0x2000  }
0x23: {  	[sflag:s12] =	ssyncset.done $0x0  }
0x24: {  	[sflag:s12] =	ssyncadd.s32 $0xFFFFE000  }
0x25: {  	[spmem:s20] =	stream.linear.scatter [tilespmem:s2], [sflag:$0x2], $0x2000, $0x38;
	[tilespmem:$0x18900] =	vst v63  }
0x26: {  	_ =	swait.ge [sflag:s12], $0x2000  }
0x27: {  	[sflag:s12] =	ssyncset.done $0x0  }
0x28: {  	[sflag:s12] =	ssyncadd.s32 $0xFFFFE000  }
0x29: {  	[spmem:s21] =	stream.linear.scatter [tilespmem:s2], [sflag:$0x2], $0x2000, $0x38;
	[tilespmem:$0x18900] =	vst v63  }
0x2a: {  	_ =	swait.ge [sflag:s12], $0x2000  }
0x2b: {  	[sflag:s12] =	ssyncset.done $0x0  }
0x2c: {  	[sflag:s12] =	ssyncadd.s32 $0xFFFFE000  }
0x2d: {  	[spmem:s22] =	stream.linear.scatter [tilespmem:s2], [sflag:$0x2], $0x2000, $0x38;
	[tilespmem:$0x18900] =	vst v63  }
0x2e: {  	_ =	swait.ge [sflag:s12], $0x2000  }
0x2f: {  	[sflag:s12] =	ssyncset.done $0x0  }
0x30: {  	[sflag:s12] =	ssyncadd.s32 $0xFFFFE000  }
0x31: {  	[spmem:s23] =	stream.linear.scatter [tilespmem:s2], [sflag:$0x2], $0x2000, $0x38;
	[tilespmem:$0x18900] =	vst v63  }
0x32: {  	_ =	swait.ge [sflag:s12], $0x2000  }
0x33: {  	[sflag:s12] =	ssyncset.done $0x0  }
0x34: {  	[sflag:s12] =	ssyncadd.s32 $0xFFFFE000  }
0x35: {  	[spmem:s24] =	stream.linear.scatter [tilespmem:s2], [sflag:$0x2], $0x2000, $0x38;
	[tilespmem:$0x18900] =	vst v63  }
0x36: {  	_ =	swait.ge [sflag:s12], $0x2000  }
0x37: {  	[sflag:s12] =	ssyncset.done $0x0  }
0x38: {  	[sflag:s12] =	ssyncadd.s32 $0xFFFFE000  }
0x39: {  	[spmem:s25] =	stream.linear.scatter [tilespmem:s2], [sflag:$0x2], $0x2000, $0x38;
	[tilespmem:$0x18900] =	vst v63  }
0x3a: {  	_ =	swait.ge [sflag:s12], $0x2000  }
0x3b: {  	[sflag:s12] =	ssyncset.done $0x0  }
0x3c: {  	[sflag:s12] =	ssyncadd.s32 $0xFFFFE000  }
0x3d: {  	[spmem:s26] =	stream.linear.scatter [tilespmem:s2], [sflag:$0x2], $0x2000, $0x38;
	[tilespmem:$0x18900] =	vst v63  }
0x3e: {  	_ =	swait.ge [sflag:s12], $0x2000  }
0x3f: {  	[sflag:s12] =	ssyncset.done $0x0  }
0x40: {  	[sflag:s12] =	ssyncadd.s32 $0xFFFFE000  }
0x41: {  	[spmem:s28] =	stream.linear.scatter [tilespmem:s2], [sflag:$0x2], $0x2000, $0x38;
	[tilespmem:$0x18900] =	vst v63  }
0x42: {  	_ =	swait.ge [sflag:s12], $0x2000  }
0x43: {  	[sflag:s12] =	ssyncset.done $0x0  }
0x44: {  	[sflag:s12] =	ssyncadd.s32 $0xFFFFE000  }
0x45: {  	[spmem:s29] =	stream.linear.scatter [tilespmem:s2], [sflag:$0x2], $0x2000, $0x38;
	[tilespmem:$0x18900] =	vst v63  }
0x46: {  	_ =	swait.ge [sflag:s12], $0x2000  }
0x47: {  	[sflag:s12] =	ssyncset.done $0x0  }
0x48: {  	[sflag:s12] =	ssyncadd.s32 $0xFFFFE000  }
0x49: {  	[spmem:s30] =	stream.linear.scatter [tilespmem:s2], [sflag:$0x2], $0x2000, $0x38;
	[tilespmem:$0x18900] =	vst v63  }
0x4a: {  	_ =	swait.ge [sflag:s12], $0x2000  }
0x4b: {  	[sflag:s12] =	ssyncset.done $0x0  }
0x4c: {  	[sflag:s12] =	ssyncadd.s32 $0xFFFFE000  }
0x4d: {  	s8 =	simm.s32 $0x0;
	[bflag:$0x0] =	sbarrier.arrive $0xFFFF  }
.LBB2_2:
0x4e: {  	s9 =	smul.u32 $0x28, s8;
	_ =	sdelay $0x1  }
0x4f: {  	s9 =	sadd.s32 s19, s9  }
0x50: {  	s10 =	sshrl.u32 s9, $0x3  }
0x51: {  	s11 =	sadd.s32 s16, s10  }
0x52: {  	[tilespmem:s0], [sflag:$0x2] =	stream.linear.gather [hbm4b:s11+s14], $0x28, $0x38;
	[tilespmem:$0x18900] =	vst v63  }
0x53: {  	_ =	swait.ge [sflag:s12], $0x28  }
0x54: {  	[sflag:s12] =	ssyncset.done $0x0  }
0x55: {  	s10 =	sadd.s32 s17, s10;
	[sflag:s12] =	ssyncadd.s32 $0xFFFFFFD8  }
0x56: {  	[tilespmem:s1], [sflag:$0x2] =	stream.linear.gather [hbm4b:s10+s14], $0x28, $0x38;
	[tilespmem:$0x18900] =	vst v63  }
0x57: {  	_ =	swait.ge [sflag:s12], $0x28  }
0x58: {  	s9 =	sshll.u32 s9, $0x4;
	[sflag:s12] =	ssyncset.done $0x0  }
0x59: {  	s9 =	sadd.s32 s18, s9;
	[sflag:s12] =	ssyncadd.s32 $0xFFFFFFD8  }
0x5a: {  	[tilespmem:s3], [sflag:$0x2] =	stream.linear.gather [hbm4b:s9+s14], $0x1400, $0x38;
	[tilespmem:$0x18900] =	vst v63  }
0x5b: {  	_ =	swait.ge [sflag:s12], $0x1400  }
0x5c: {  	[sflag:s12] =	ssyncset.done $0x0  }
0x5d: {  	[sflag:s12] =	ssyncadd.s32 $0xFFFFEC00  }
0x5e: {  	[tilespmem:s5], [sflag:$0x1] =	stream.indirect.gather [hbm4b:s15+s4], $0x80, s0, s4, $0xb8;
	[tilespmem:$0x18900] =	vst v63  }
0x5f: {  	_ =	swait.ge [sflag:s6], $0x1400  }
0x60: {  	[sflag:s6] =	ssyncset.done $0x0  }
0x61: {  	s9 =	simm.s32 $0x0;
	[sflag:s6] =	ssyncadd.s32 $0xFFFFEC00  }
0x62: {  	v0 =	vld [tilespmem:s9+$0x3500]  }
0x63: {  	v4 =	vld [tilespmem:s9+$0x2000]  }
0x64: {  	v6 =	vld [tilespmem:s9+$0x2010]  }
0x65: {  	v5 =	vld [tilespmem:s9+$0x2020]  }
0x66: {  	v3 =	vld [tilespmem:s9+$0x2030]  }
0x67: {  	v1 =	vld [tilespmem:s9+$0x2040]  }
0x68: {  	v2 =	vld [tilespmem:s9+$0x2050];
	v7 =	vmul.f32 v4, v0  }
0x69: {  	s10 =	simm.s32 $0x200;
	v6 =	vmul.f32 v6, v0;
	v4 =	vld [tilespmem:s9+$0x2060]  }
.LBB2_3:
0x6a: {  	s11 =	sshra.s32 s10, $0x2;
	p0 =	sne.s32 s10, $0x4E00;
	[tilespmem:s9+$0x2000] =	vst v7;
	v5 =	vmul.f32 v5, v0;
	v7 =	vld [tilespmem:s9+$0x2070]  }
0x6b: {  	v8 =	vld [tilespmem:s11+$0x3500];
	[tilespmem:s9+$0x2010] =	vst v6;
	v3 =	vmul.f32 v3, v0  }
0x6c: {  	v6 =	vld [tilespmem:s11+$0x2000];
	[tilespmem:s9+$0x2020] =	vst v5;
	v1 =	vmul.f32 v1, v0  }
0x6d: {  	v9 =	vld [tilespmem:s11+$0x2010];
	[tilespmem:s9+$0x2030] =	vst v3;
	v2 =	vmul.f32 v2, v0  }
.Ltmp0:
0x6e: {  	v5 =	vld [tilespmem:s11+$0x2020];
	[tilespmem:s9+$0x2040] =	vst v1;
	v4 =	vmul.f32 v4, v0;
	(pc) =	sbr.rel @p0 .LBB2_3-.Ltmp0, $4  }
0x6f: {  	v3 =	vld [tilespmem:s11+$0x2030];
	[tilespmem:s9+$0x2050] =	vst v2;
	v10 =	vmul.f32 v7, v0  }
0x70: {  	v1 =	vld [tilespmem:s11+$0x2040];
	[tilespmem:s9+$0x2060] =	vst v4;
	v0 =	vmov v8  }
0x71: {  	v7 =	vmul.f32 v6, v0;
	v2 =	vld [tilespmem:s11+$0x2050];
	[tilespmem:s9+$0x2070] =	vst v10;
	s9 =	smov.u32 s11  }
0x72: {  	s10 =	sadd.s32 $0x200, s10;
	v6 =	vmul.f32 v9, v0;
	v4 =	vld [tilespmem:s9+$0x2060]  }
0x73: {  	[tilespmem:s9+$0x2000] =	vst v7;
	v5 =	vmul.f32 v5, v0;
	v61 =	vld [tilespmem:s9+$0x2070]  }
0x74: {  	[tilespmem:s9+$0x2010] =	vst v6;
	v3 =	vmul.f32 v3, v0  }
0x75: {  	[tilespmem:s9+$0x2020] =	vst v5;
	v1 =	vmul.f32 v1, v0  }
0x76: {  	[tilespmem:s9+$0x2030] =	vst v3;
	v2 =	vmul.f32 v2, v0  }
0x77: {  	[tilespmem:s9+$0x2040] =	vst v1;
	v62 =	vmul.f32 v4, v0  }
0x78: {  	s8 =	sadd.s32 $0x1, s8;
	[tilespmem:s9+$0x2050] =	vst v2;
	v63 =	vmul.f32 v61, v0  }
0x79: {  	p0 =	sne.s32 s8, $0x7D;
	[tilespmem:s9+$0x2060] =	vst v62  }
.Ltmp1:
0x7a: {  	[tilespmem:s9+$0x2070] =	vst v63;
	(pc) =	sbr.rel @p0 .LBB2_2-.Ltmp1, $4  }
0x7b: {  	[spmem:s13] =	stream.indirect.scatter.add.f32 [tilespmem:s5], [sflag:$0x2], $0x80, s1, s4, $0xb8;
	[tilespmem:$0x18900] =	vst v63  }
0x7c: {  	_ =	swait.ge [sflag:s12], $0x1400  }
0x7d: {  	[sflag:s12] =	ssyncset.done $0x0  }
0x7e: {  	[sflag:s12] =	ssyncadd.s32 $0xFFFFEC00  }
0x7f: {  	[bflag:$0x0] =	sbarrier.arrive $0xFFFF  }
0x80: {  	[tilespmem:s2], [sflag:$0x2] =	stream.linear.gather [spmem:s20], $0x2000, $0x38;
	[tilespmem:$0x18900] =	vst v63  }
0x81: {  	_ =	swait.ge [sflag:s12], $0x2000  }
0x82: {  	[sflag:s12] =	ssyncset.done $0x0  }
0x83: {  	s8 =	rddreg [dreg:$0x4];
	[sflag:s12] =	ssyncadd.s32 $0xFFFFE000  }
0x84: {  	[hbm4b:s8+s2] =	stream.linear.scatter [tilespmem:s2], [sflag:$0x2], $0x2000, $0x38;
	[tilespmem:$0x18900] =	vst v63  }
0x85: {  	_ =	swait.ge [sflag:s12], $0x2000  }
0x86: {  	[sflag:s12] =	ssyncset.done $0x0  }
0x87: {  	[sflag:s12] =	ssyncadd.s32 $0xFFFFE000  }
0x88: {  	[tilespmem:s2], [sflag:$0x2] =	stream.linear.gather [spmem:s21], $0x2000, $0x38;
	[tilespmem:$0x18900] =	vst v63  }
0x89: {  	_ =	swait.ge [sflag:s12], $0x2000  }
0x8a: {  	[sflag:s12] =	ssyncset.done $0x0  }
0x8b: {  	s9 =	rddreg [dreg:$0x5];
	[sflag:s12] =	ssyncadd.s32 $0xFFFFE000  }
0x8c: {  	[hbm4b:s9+s2] =	stream.linear.scatter [tilespmem:s2], [sflag:$0x2], $0x2000, $0x38;
	[tilespmem:$0x18900] =	vst v63  }
0x8d: {  	_ =	swait.ge [sflag:s12], $0x2000  }
0x8e: {  	[sflag:s12] =	ssyncset.done $0x0  }
0x8f: {  	[sflag:s12] =	ssyncadd.s32 $0xFFFFE000  }
0x90: {  	[tilespmem:s2], [sflag:$0x2] =	stream.linear.gather [spmem:s22], $0x2000, $0x38;
	[tilespmem:$0x18900] =	vst v63  }
0x91: {  	_ =	swait.ge [sflag:s12], $0x2000  }
0x92: {  	[sflag:s12] =	ssyncset.done $0x0  }
0x93: {  	s10 =	rddreg [dreg:$0x6];
	[sflag:s12] =	ssyncadd.s32 $0xFFFFE000  }
0x94: {  	[hbm4b:s10+s2] =	stream.linear.scatter [tilespmem:s2], [sflag:$0x2], $0x2000, $0x38;
	[tilespmem:$0x18900] =	vst v63  }
0x95: {  	_ =	swait.ge [sflag:s12], $0x2000  }
0x96: {  	[sflag:s12] =	ssyncset.done $0x0  }
0x97: {  	[sflag:s12] =	ssyncadd.s32 $0xFFFFE000  }
0x98: {  	[tilespmem:s2], [sflag:$0x2] =	stream.linear.gather [spmem:s23], $0x2000, $0x38;
	[tilespmem:$0x18900] =	vst v63  }
0x99: {  	_ =	swait.ge [sflag:s12], $0x2000  }
0x9a: {  	[sflag:s12] =	ssyncset.done $0x0  }
0x9b: {  	s11 =	rddreg [dreg:$0x7];
	[sflag:s12] =	ssyncadd.s32 $0xFFFFE000  }
0x9c: {  	[hbm4b:s11+s2] =	stream.linear.scatter [tilespmem:s2], [sflag:$0x2], $0x2000, $0x38;
	[tilespmem:$0x18900] =	vst v63  }
0x9d: {  	_ =	swait.ge [sflag:s12], $0x2000  }
0x9e: {  	[sflag:s12] =	ssyncset.done $0x0  }
0x9f: {  	[sflag:s12] =	ssyncadd.s32 $0xFFFFE000  }
0xa0: {  	[tilespmem:s2], [sflag:$0x2] =	stream.linear.gather [spmem:s24], $0x2000, $0x38;
	[tilespmem:$0x18900] =	vst v63  }
0xa1: {  	_ =	swait.ge [sflag:s12], $0x2000  }
0xa2: {  	[sflag:s12] =	ssyncset.done $0x0  }
0xa3: {  	s9 =	rddreg [dreg:$0x8];
	[sflag:s12] =	ssyncadd.s32 $0xFFFFE000  }
0xa4: {  	[hbm4b:s9+s2] =	stream.linear.scatter [tilespmem:s2], [sflag:$0x2], $0x2000, $0x38;
	[tilespmem:$0x18900] =	vst v63  }
0xa5: {  	_ =	swait.ge [sflag:s12], $0x2000  }
0xa6: {  	[sflag:s12] =	ssyncset.done $0x0  }
0xa7: {  	[sflag:s12] =	ssyncadd.s32 $0xFFFFE000  }
0xa8: {  	[tilespmem:s2], [sflag:$0x2] =	stream.linear.gather [spmem:s25], $0x2000, $0x38;
	[tilespmem:$0x18900] =	vst v63  }
0xa9: {  	_ =	swait.ge [sflag:s12], $0x2000  }
0xaa: {  	[sflag:s12] =	ssyncset.done $0x0  }
0xab: {  	s10 =	rddreg [dreg:$0x9];
	[sflag:s12] =	ssyncadd.s32 $0xFFFFE000  }
0xac: {  	[hbm4b:s10+s2] =	stream.linear.scatter [tilespmem:s2], [sflag:$0x2], $0x2000, $0x38;
	[tilespmem:$0x18900] =	vst v63  }
0xad: {  	_ =	swait.ge [sflag:s12], $0x2000  }
0xae: {  	[sflag:s12] =	ssyncset.done $0x0  }
0xaf: {  	[sflag:s12] =	ssyncadd.s32 $0xFFFFE000  }
0xb0: {  	[tilespmem:s2], [sflag:$0x2] =	stream.linear.gather [spmem:s26], $0x2000, $0x38;
	[tilespmem:$0x18900] =	vst v63  }
0xb1: {  	_ =	swait.ge [sflag:s12], $0x2000  }
0xb2: {  	[sflag:s12] =	ssyncset.done $0x0  }
0xb3: {  	s11 =	rddreg [dreg:$0xa];
	[sflag:s12] =	ssyncadd.s32 $0xFFFFE000  }
0xb4: {  	[hbm4b:s11+s2] =	stream.linear.scatter [tilespmem:s2], [sflag:$0x2], $0x2000, $0x38;
	[tilespmem:$0x18900] =	vst v63  }
0xb5: {  	_ =	swait.ge [sflag:s12], $0x2000  }
0xb6: {  	[sflag:s12] =	ssyncset.done $0x0  }
0xb7: {  	[sflag:s12] =	ssyncadd.s32 $0xFFFFE000  }
0xb8: {  	[tilespmem:s2], [sflag:$0x2] =	stream.linear.gather [spmem:s28], $0x2000, $0x38;
	[tilespmem:$0x18900] =	vst v63  }
0xb9: {  	_ =	swait.ge [sflag:s12], $0x2000  }
0xba: {  	[sflag:s12] =	ssyncset.done $0x0  }
0xbb: {  	s9 =	rddreg [dreg:$0xb];
	[sflag:s12] =	ssyncadd.s32 $0xFFFFE000  }
0xbc: {  	[hbm4b:s9+s2] =	stream.linear.scatter [tilespmem:s2], [sflag:$0x2], $0x2000, $0x38;
	[tilespmem:$0x18900] =	vst v63  }
0xbd: {  	_ =	swait.ge [sflag:s12], $0x2000  }
0xbe: {  	[sflag:s12] =	ssyncset.done $0x0  }
0xbf: {  	[sflag:s12] =	ssyncadd.s32 $0xFFFFE000  }
0xc0: {  	[tilespmem:s2], [sflag:$0x2] =	stream.linear.gather [spmem:s29], $0x2000, $0x38;
	[tilespmem:$0x18900] =	vst v63  }
0xc1: {  	_ =	swait.ge [sflag:s12], $0x2000  }
0xc2: {  	[sflag:s12] =	ssyncset.done $0x0  }
0xc3: {  	s10 =	rddreg [dreg:$0xc];
	[sflag:s12] =	ssyncadd.s32 $0xFFFFE000  }
0xc4: {  	[hbm4b:s10+s2] =	stream.linear.scatter [tilespmem:s2], [sflag:$0x2], $0x2000, $0x38;
	[tilespmem:$0x18900] =	vst v63  }
0xc5: {  	_ =	swait.ge [sflag:s12], $0x2000  }
0xc6: {  	[sflag:s12] =	ssyncset.done $0x0  }
0xc7: {  	[sflag:s12] =	ssyncadd.s32 $0xFFFFE000  }
0xc8: {  	[tilespmem:s2], [sflag:$0x2] =	stream.linear.gather [spmem:s30], $0x2000, $0x38;
	[tilespmem:$0x18900] =	vst v63  }
0xc9: {  	s7 =	sadd.s32 $0x1, s7;
	_ =	swait.ge [sflag:s12], $0x2000  }
0xca: {  	p0 =	sne.s32 s7, s31;
	[sflag:s12] =	ssyncset.done $0x0  }
.Ltmp2:
0xcb: {  	s11 =	rddreg [dreg:$0xd];
	[sflag:s12] =	ssyncadd.s32 $0xFFFFE000;
	(pc) =	sbr.rel @p0 .LBB2_1-.Ltmp2, $4  }
0xcc: {  	[hbm4b:s11+s2] =	stream.linear.scatter [tilespmem:s2], [sflag:$0x2], $0x2000, $0x38;
	[tilespmem:$0x18900] =	vst v63  }
0xcd: {  	_ =	swait.ge [sflag:s12], $0x2000  }
0xce: {  	[sflag:s12] =	ssyncset.done $0x0  }
0xcf: {  	[sflag:s12] =	ssyncadd.s32 $0xFFFFE000  }
0xd0: {  	_ =	sfence.sel $0x180000  }
0xd1: {  	[bflag:$0x0] =	sbarrier.arrive $0xFFFF  }
0xd2: {  	_ =	strace $0x90000059  }
0xd3: {  	s0 =	stileid.u32;
	[bflag:$0x2] =	sbarrier.arrive $0xFFFF  }
0xd4: {  	p0 =	sne.s32 s0, $0x0;
	s0 =	rddreg [dreg:$0x3]  }
0xd5: {  	s0 =	sadd.s32 @!p0 $0x100000, s0  }
0xd6: {  	[sflag:s0] =	ssyncadd.tile.s32 @!p0 $0x1;
	_ =	shalt  }
.Lfunc_end2:
_tile_overlayer_lowered:
.L_overlay_start_2:
0xd7: {  	(tag) =	ssettag $0x2  }
0xd8: {  	s0 =	rddreg [dreg:$0x0];
	s2 =	stileid.u32  }
0xd9: {  	s1 =	rddreg [dreg:$0x1];
	p0 =	sne.s32 s2, $0x0  }
0xda: {  	s3 =	rddreg [dreg:$0x2];
	[bflag:$0x3] =	sbarrier.arrive $0xFFFF;
	s2 =	simm.s32 @!p0 $0x1C02  }
0xdb: {  	[timem:s3], [sflag:s2] =	dma.local @!p0 [hbm:s0], s1  }
0xdc: {  	s0 =	simm.s32 @!p0 $0x2  }
0xdd: {  	_ =	swait.ge @!p0 [sflag:s0], s1  }
0xde: {  	s1 =	ssub.s32 @!p0 $0x0, s1;
	[sflag:s0] =	ssyncset.done @!p0 $0x0  }
0xdf: {  	[sflag:s0] =	ssyncadd.s32 @!p0 s1  }
0xe0: {  	[bflag:$0x3] =	sbarrier.arrive $0xFFFF  }
0xe1: {  	_ =	shalt  }

// kernel: scatter_offload_async_start.1
scs
__scs_entry_jumppad:
0x0: {  	(pc) =	sbr.rel $0x88, $3  }
0x1: {  	(tag) =	ssettag $0x0;
	lr =	simm.s32 $0x1  }
0x2: {  	[smem:$0x3F8F] =	sst lr;
	_ =	strace $0xD0000000  }
0x3: {  	_ = 	snop  }
0x4: {  	_ = 	snop  }
0x5: {  	_ = 	snop  }
0x6: {  	_ = 	snop  }
0x7: {  	_ = 	snop  }
__scs_overlays_trampoline_lowered:
0x8: {  	[smem:$0x3F9E] =	sst s0  }
0x9: {  	[smem:$0x3F9F] =	sst s1  }
0xa: {  	[smem:$0x3FA0] =	sst s2  }
0xb: {  	[smem:$0x3FA1] =	sst s3  }
0xc: {  	[smem:$0x3FA2] =	sst s4  }
0xd: {  	[smem:$0x3FA3] =	sst s5  }
0xe: {  	[smem:$0x3FA4] =	sst s6  }
0xf: {  	[smem:$0x3FA5] =	sst s7  }
0x10: {  	[smem:$0x3FA6] =	sst s8  }
0x11: {  	[smem:$0x3FA7] =	sst s9;
	s0 =	simm.s32 @!p0 $0x0  }
0x12: {  	s1 =	sld [smem:$0x3F8D];
	s0 =	simm.s32 @p0 $0x1  }
0x13: {  	[smem:$0x3FA8] =	sst s0;
	s0 =	simm.s32 @!p1 $0x0  }
0x14: {  	s2 =	sld [smem:$0x3F8C];
	s0 =	simm.s32 @p1 $0x1  }
0x15: {  	[smem:$0x3FA9] =	sst s0;
	s0 =	simm.s32 @!p2 $0x0  }
0x16: {  	s3 =	sld [smem:$0x3FDB];
	s0 =	simm.s32 @p2 $0x1  }
0x17: {  	s4 =	simm.s32 $0x1BF5;
	[smem:$0x3FAB] =	sst s0  }
0x18: {  	s0 =	sld [smem:$0x3F8E];
	_ =	swait.ge [sflag:s4], $0x0  }
0x19: {  	s7 =	sld [smem:$0x3F8F]  }
0x1a: {  	s8 =	sadd.s32 $0xFFFFE003, lr  }
0x1b: {  	s9 =	sadd.s32 $0xFFFFFEF7, lr;
	s5 =	simm.s32 $0xFFFFFFFF;
	p2 =	slt.u32 s8, $0xFFFFF086  }
0x1c: {  	p1 =	slt.u32 s9, $0xF7A;
	s5 =	simm.s32 @!p2 $0x0  }
0x1d: {  	s5 =	simm.s32 @p1 $0x1;
	p0 =	seq.s32 s7, s2  }
0x1e: {  	s7 =	smul.u32 @!p0 $0xF7A, s2;
	p2 =	seq.s32 @!p0 s5, $0x0  }
0x1f: {  	s9 =	smul.u32 $0xF7A, s1;
	s8 =	simm.s32 @!p0 $0x1BF5;
	p2 =	por !p2, p0  }
0x20: {  	[sflag:s8] =	ssyncset.s32 @!p0 $0xFFFFF086;
	s6 =	sadd.s32 @!p0 s3, s7;
	s7 =	simm.s32 @!p0 $0x108  }
0x21: {  	s3 =	sadd.s32 s3, s9;
	s6 =	sadd.s32 @!p0 $0x88, s6;
	s7 =	simm.s32 @p2 $0x1082  }
0x22: {  	[simem:s7], [sflag:s8] =	dma.local @!p0 [hbm:s6], $0xF7A  }
0x23: {  	s9 =	sor.u32 $0xD0000000, s2;
	s6 =	simm.s32 $0x108;
	_ =	swait.ge @!p0 [sflag:s8], $0x0  }
0x24: {  	s3 =	sadd.s32 $0x88, s3;
	s6 =	simm.s32 @!p1 $0x1082;
	[sflag:s4] =	ssyncset.s32 $0xFFFFF086  }
0x25: {  	[simem:s6], [sflag:s4] =	dma.local [hbm:s3], $0xF7A  }
0x26: {  	[smem:$0x3F8F] =	sst s1;
	(tag) =	ssettag s2;
	_ =	strace s9  }
0x27: {  	s1 =	sld [smem:$0x3F9F]  }
0x28: {  	s2 =	sld [smem:$0x3FA0]  }
0x29: {  	s4 =	sld [smem:$0x3FA2]  }
0x2a: {  	p0 =	seq.s32 s5, $0x0;
	s5 =	sld [smem:$0x3FA3]  }
0x2b: {  	s6 =	sld [smem:$0x3FA4]  }
0x2c: {  	s7 =	sld [smem:$0x3FA5]  }
0x2d: {  	s3 =	simm.s32 $0x108;
	s8 =	sld [smem:$0x3FA6]  }
0x2e: {  	s3 =	simm.s32 @!p0 $0x1082;
	s9 =	sld [smem:$0x3FA7]  }
0x2f: {  	lr =	sadd.s32 s0, s3;
	s0 =	sld [smem:$0x3F9E]  }
0x30: {  	s3 =	sld [smem:$0x3FA1]  }
0x31: {  	[smem:$0x3FAA] =	sst s10  }
0x32: {  	s10 =	sld [smem:$0x3FA8];
	_ =	sdelay $0x3  }
0x33: {  	p0 =	seq.s32 s10, $0x1;
	s10 =	sld [smem:$0x3FAA];
	_ =	sdelay $0x3  }
0x34: {  	[smem:$0x3FAA] =	sst s10  }
0x35: {  	s10 =	sld [smem:$0x3FA9];
	_ =	sdelay $0x3  }
0x36: {  	p1 =	seq.s32 s10, $0x1;
	s10 =	sld [smem:$0x3FAA];
	_ =	sdelay $0x3  }
0x37: {  	[smem:$0x3FAA] =	sst s10  }
0x38: {  	s10 =	sld [smem:$0x3FAB]  }
0x39: {  	_ = 	snop;
	(pc) =	sbr.ind lr, $3  }
0x3a: {  	_ = 	snop  }
0x3b: {  	_ = 	snop  }
0x3c: {  	p2 =	seq.s32 s10, $0x1;
	s10 =	sld [smem:$0x3FAA]  }
0x3d: {  	_ =	shalt  }
0x3e: {  	_ =	shalt  }
0x3f: {  	_ =	shalt  }
0x40: {  	_ =	shalt  }
0x41: {  	_ =	shalt  }
0x42: {  	_ =	shalt  }
0x43: {  	_ =	shalt  }
0x44: {  	_ =	shalt  }
0x45: {  	_ =	shalt  }
0x46: {  	_ =	shalt  }
0x47: {  	_ =	shalt  }
0x48: {  	_ =	shalt  }
0x49: {  	_ =	shalt  }
0x4a: {  	_ =	shalt  }
0x4b: {  	_ =	shalt  }
0x4c: {  	_ =	shalt  }
0x4d: {  	_ =	shalt  }
0x4e: {  	_ =	shalt  }
0x4f: {  	_ =	shalt  }
0x50: {  	_ =	shalt  }
0x51: {  	_ =	shalt  }
0x52: {  	_ =	shalt  }
0x53: {  	_ =	shalt  }
0x54: {  	_ =	shalt  }
0x55: {  	_ =	shalt  }
0x56: {  	_ =	shalt  }
0x57: {  	_ =	shalt  }
0x58: {  	_ =	shalt  }
0x59: {  	_ =	shalt  }
0x5a: {  	_ =	shalt  }
0x5b: {  	_ =	shalt  }
0x5c: {  	_ =	shalt  }
0x5d: {  	_ =	shalt  }
0x5e: {  	_ =	shalt  }
0x5f: {  	_ =	shalt  }
0x60: {  	_ =	shalt  }
0x61: {  	_ =	shalt  }
0x62: {  	_ =	shalt  }
0x63: {  	_ =	shalt  }
0x64: {  	_ =	shalt  }
0x65: {  	_ =	shalt  }
0x66: {  	_ =	shalt  }
0x67: {  	_ =	shalt  }
0x68: {  	_ =	shalt  }
0x69: {  	_ =	shalt  }
0x6a: {  	_ =	shalt  }
0x6b: {  	_ =	shalt  }
0x6c: {  	_ =	shalt  }
0x6d: {  	_ =	shalt  }
0x6e: {  	_ =	shalt  }
0x6f: {  	_ =	shalt  }
0x70: {  	_ =	shalt  }
0x71: {  	_ =	shalt  }
0x72: {  	_ =	shalt  }
0x73: {  	_ =	shalt  }
0x74: {  	_ =	shalt  }
0x75: {  	_ =	shalt  }
0x76: {  	_ =	shalt  }
0x77: {  	_ =	shalt  }
0x78: {  	_ =	shalt  }
0x79: {  	_ =	shalt  }
0x7a: {  	_ =	shalt  }
0x7b: {  	_ =	shalt  }
0x7c: {  	_ =	shalt  }
0x7d: {  	_ =	shalt  }
0x7e: {  	_ =	shalt  }
0x7f: {  	_ =	shalt  }
0x80: {  	_ =	shalt  }
0x81: {  	_ =	shalt  }
0x82: {  	_ =	shalt  }
0x83: {  	_ =	shalt  }
0x84: {  	_ =	shalt  }
0x85: {  	_ =	shalt  }
0x86: {  	_ =	shalt  }
0x87: {  	_ =	shalt  }
.Lfunc_end0:
.L_simem_size_0:
called_computation.1_lowered:
.L_overlay_start_0:
0x88: {  	s0 =	sld [smem:$0x3FD9]  }
0x89: {  	s1 =	sld [smem:$0x3FFE];
	_ =	sdelay $0x3  }
0x8a: {  	s0 =	sadd.s32 s1, s0  }
0x8b: {  	[smem:$0x3FB6] =	sst s0  }
0x8c: {  	_ = 	snop  }
0x8d: {  	(tm) =	ssettm $0x1  }
0x8e: {  	s15 =	sld [smem:$0x3FFB];
	_ =	sdelay $0x3  }
0x8f: {  	_ =	strace s15  }
0x90: {  	s0 =	sld [smem:$0x3FFC];
	_ =	sdelay $0x3  }
0x91: {  	_ =	strace s0  }
0x92: {  	s0 =	sld [smem:$0x3FFD];
	_ =	sdelay $0x3  }
0x93: {  	_ =	strace s0  }
0x94: {  	_ =	strace $0x8FFFFFFF  }
0x95: {  	s16 =	sld [smem:$0x3FDB];
	_ =	sdelay $0x1  }
0x96: {  	s17 =	simm.s32 $_scs_section_size  }
0x97: {  	s2 =	simm.s32 $_size__tile_overlayer_lowered;
	s3 =	simm.s32 $_tile_overlayer_lowered  }
0x98: {  	s20 =	simm.s32 $0x1BFF;
	s19 =	sshll.u32 s3, $0x1;
	s0 =	sadd.s32 s17, s16  }
0x99: {  	s4 =	simm.s32 $0x0;
	s18 =	sshll.u32 s2, $0x1;
	s2 =	sadd.s32 s19, s0  }
0x9a: {  	[timem:s4], [sflag:s20] =	dma.local [hbm:s2], s18  }
0x9b: {  	_ =	swait.ge [sflag:s20], s18  }
0x9c: {  	s1 =	ssub.s32 $0x0, s18;
	[sflag:s20] =	ssyncset.done $0x0  }
0x9d: {  	[sflag:s20] =	ssyncadd.s32 s1;
	_ =	sdelay $0x1  }
0x9e: {  	s21 =	simm.s32 $0x1B8B  }
0x9f: {  	_ =	swait.ge [sflag:s21], $0x1  }
0xa0: {  	[sflag:s21] =	ssyncset.done $0x0  }
0xa1: {  	s23 =	simm.s32 $0x1B8E;
	s22 =	sld [smem:$0x3FFE];
	[sflag:s21] =	ssyncadd.s32 $0xFFFFFFFF  }
0xa2: {  	s24 =	simm.s32 $execute0_lowered;
	[smem:$0x3FD2] =	sst s23  }
0xa3: {  	s2 =	sshll.u32 s24, $0x1;
	_ =	strace $0x80000052;
	[dreg:$0x1] =	wrdreg $0xFFFFFFFF  }
0xa4: {  	s25 =	simm.s32 $_size_execute0_lowered;
	s0 =	sadd.s32 s0, s2;
	[dreg:$0x0] =	wrdreg $0x0  }
0xa5: {  	s2 =	sshll.u32 s25, $0x1;
	[dreg:$0x2] =	wrdreg s0  }
0xa6: {  	[dreg:$0x3] =	wrdreg s2  }
0xa7: {  	[dreg:$0x4] =	wrdreg $0xC0  }
0xa8: {  	_ =	task [dreg:s4], $0x5FFFF  }
0xa9: {  	[dreg:$0x1] =	wrdreg $0xFFFFFFFF  }
0xaa: {  	[dreg:$0x0] =	wrdreg $0x60  }
0xab: {  	[dreg:$0x2] =	wrdreg s22  }
0xac: {  	[dreg:$0x3] =	wrdreg $0x9  }
0xad: {  	_ =	task.clear_ibuf [dreg:s4], $0x4FFFF;
	_ =	strace $0x90000052  }
0xae: {  	s26 =	simm.s32 $0x9;
	_ =	strace $0x80000054  }
0xaf: {  	_ =	swait.ge [sflag:s26], $0x1  }
0xb0: {  	[sflag:s26] =	ssyncadd.s32 $0xFFFFFFFF  }
0xb1: {  	_ =	strace $0x90000054  }
0xb2: {  	_ =	sfence  }
0xb3: {  	s28 =	sld [smem:$0x0];
	_ =	sdelay $0x1  }
0xb4: {  	s29 =	srdreg.scid  }
0xb5: {  	s30 =	sshll.u32 s29, $0xD;
	s31 =	sshrl.u32 s29, $0x2  }
0xb6: {  	s1 =	sand.u32 $0x1, s29;
	s2 =	sand.u32 $0x4000, s30;
	s0 =	sadd.s32 s31, s28  }
0xb7: {  	s1 =	sor.u32 s2, s1;
	s0 =	sshll.u32 s0, $0x11  }
0xb8: {  	s0 =	sor.u32 s0, s1  }
0xb9: {  	s0 =	sadd.s32 $0x8F2B, s0  }
0xba: {  	[sflag:s0] =	ssyncadd.remote.s32 $0x1  }
0xbb: {  	_ =	sfence.sel $0xFFFF  }
0xbc: {  	[dreg:$0x0] =	wrdreg $0xFFFFFFFF;
	(pc) =	sbr.abs _section_cstart, $3  }
0xbd: {  	[dreg:$0x1] =	wrdreg $0xFFFFFFFF  }
0xbe: {  	_ =	task.clear_ibuf [dreg:s4], $0x2FFFF;
	_ =	strace $0x9FFFFFFF  }
0xbf: {  	(tm) =	ssettm $0x7FFFFFFF  }
tec
execute0_lowered:
.L_overlay_start_1:
0x0: {  	(tag) =	ssettag $0x1  }
0x1: {  	s0 =	rddreg [dreg:$0x0]  }
0x2: {  	s14 =	stileid.u32;
	_ =	strace $0x80000053;
	s2 =	simm.s32 $0x1  }
0x3: {  	v1 =	vimm.s32 $0xFFFFFFFF;
	s1 =	smin.u32 s14, $0x4;
	[sflag:s2] =	ssyncpa.u1 $0x0  }
0x4: {  	s1 =	sadd.s32 s14, s1;
	[tilespmem:$0x10] =	vst v1  }
0x5: {  	v0 =	vimm.f32 $0.0e+00;
	p0 =	slt.u32 s14, $0x4;
	[tilespmem:$0x20] =	vst v1;
	s3 =	smul.u32 $0x1F40, s1;
	s1 =	simm.s32 $0x3E80  }
0x6: {  	[tilespmem:$0x30] =	vst v0;
	s1 =	simm.s32 @!p0 $0x1F40  }
0x7: {  	[tilespmem:$0x40] =	vst v0;
	s1 =	sadd.s32 s1, s3  }
0x8: {  	[tilespmem:$0x50] =	vst v0;
	s4 =	smin.u32 s1, $0x27100  }
0x9: {  	[tilespmem:$0x60] =	vst v1;
	s9 =	ssub.s32 s4, s3  }
0xa: {  	s7 =	simm.s32 $0x2;
	s8 =	simm.s32 $0x8;
	[tilespmem:$0x70] =	vst v1;
	p0 =	sgt.s32 s9, $0x0  }
0xb: {  	s31 =	simm.s32 $0x9;
	s16 =	simm.s32 $0x0;
	[tilespmem:$0x80] =	vst v1;
	s9 =	simm.s32 @!p0 $0x0  }
0xc: {  	s17 =	simm.s32 $0xF0;
	s18 =	simm.s32 $0xFFFFFFFF;
	v1 =	vimm.s32 $0x0;
	[tilespmem:$0xB0] =	vst v0;
	s5 =	smulhi.u32 $0x10624DD3, s9  }
0xd: {  	s19 =	simm.s32 $0xFFFFC280;
	s20 =	simm.s32 $0xFFFFFFFE;
	s21 =	simm.s32 $0xF;
	[tilespmem:$0x90] =	vst v1  }
0xe: {  	[tilespmem:$0xA0] =	vst v1;
	[sflag:s7] =	ssyncpa.u1 $0x0;
	s7 =	simm.s32 $0x7;
	s10 =	sshrl.u32 s5, $0x9  }
0xf: {  	s25 =	simm.s32 $0x0;
	[sflag:s7] =	ssyncpa.u1 $0x0;
	s11 =	smul.u32 $0x1F40, s10  }
0x10: {  	s24 =	simm.s32 $0x0;
	s6 =	sadd.s32 $0x1CA00, s0;
	[sflag:s8] =	ssyncpa.u1 $0x0  }
.Ltmp0:
0x11: {  	s23 =	smov.u32 s3;
	p0 =	sne.s32 s9, s11;
	(pc) =	sbr.rel .LBB2_1-.Ltmp0, $4  }
0x12: {  	s1 =	sadd.s32 $0x10200, s0;
	[sflag:s31] =	ssyncpa.u1 $0x0;
	s2 =	simm.s32 @!p0 $0x0  }
0x13: {  	s5 =	sadd.s32 $0x17A00, s0;
	p0 =	por $0x0, $0x0;
	s9 =	sadd.s32 s2, s10  }
0x14: {  	vm0 =	vmmov $0xffff;
	v2 =	vlaneseq.u32;
	s10 =	sshll.u32 s14, $0x1;
	s14 =	sshllo.u32 s14, $0x1;
	s11 =	sadd.s32 $0x1, s9  }
0x15: {  	vm1 =	vmxor vm1, vm1;
	vm2 =	vmmov $0x1;
	vm3 =	vcmask $0x3F3C;
	s12 =	sadd.s32 $0x2, s9;
	s13 =	sor.u32 $0x81, s10;
	s15 =	sor.u32 $0x80, s10  }
.LBB2_9:
0x16: {  	p1 =	slt.u32 s24, $0x3  }
0x17: {  	s0 =	simm.s32 @!p1 $0x2  }
0x18: {  	_ =	swait.ge @!p1 [sflag:s0], $0x1F40  }
0x19: {  	[sflag:s0] =	ssyncset.done @!p1 $0x0  }
0x1a: {  	[sflag:s0] =	ssyncadd.s32 @!p1 $0xFFFFE0C0;
	s0 =	simm.s32 @!p1 $0x9  }
0x1b: {  	_ =	swait.ge @!p1 [sflag:s0], $0x10  }
0x1c: {  	[sflag:s0] =	ssyncset.done @!p1 $0x0  }
0x1d: {  	[sflag:s0] =	ssyncadd.s32 @!p1 $0xFFFFFFF0;
	p1 =	sne.s32 s24, s12  }
.Ltmp1:
0x1e: {  	s2 =	sadd.s32 $0x1F40, s23;
	(pc) =	sbr.rel @!p1 .LBB2_10-.Ltmp1, $4  }
0x1f: {  	s22 =	smov.u32 s3;
	s31 =	sadd.s32 $0x1, s24;
	s17 =	sadd.s32 $0x1F40, s17  }
0x20: {  	s18 =	sadd.s32 $0x1, s18;
	s25 =	smov.u32 s23;
	p2 =	slt.s32 s2, s4  }
0x21: {  	p0 =	por !p0, !p0;
	s19 =	sadd.s32 $0x1F40, s19;
	s22 =	smov.u32 @p2 s2  }
0x22: {  	s20 =	sadd.s32 $0x1, s20;
	s23 =	smov.u32 s22;
	s24 =	smov.u32 s31  }
.LBB2_1:
0x23: {  	p1 =	sge.u32 s24, s9  }
0x24: {  	s0 =	smulhi.u32 @!p1 $0xAAAAAAAB, s24;
	_ =	sdelay $0x1  }
0x25: {  	s0 =	sshrl.u32 @!p1 s0, $0x1  }
0x26: {  	s0 =	smul.u32 @!p1 $0x3, s0;
	_ =	sdelay $0x1  }
0x27: {  	s0 =	ssub.s32 @!p1 s24, s0  }
0x28: {  	s0 =	smul.u32 @!p1 $0x7D00, s0;
	_ =	sdelay $0x1  }
0x29: {  	s2 =	sshrl.u32 @!p1 s23, $0x3;
	s0 =	sshrl.u32 @!p1 s0, $0x2  }
0x2a: {  	s22 =	sand.u32 @!p1 $0x7, s23;
	s2 =	sadd.s32 @!p1 s5, s2;
	s0 =	sadd.s32 @!p1 $0x100, s0  }
0x2b: {  	[tilespmem:s0], [sflag:$0x7] =	stream.linear.gather @!p1 [hbm4b:s2+s22], $0x1F40, $0x38;
	[tilespmem:$0x11A60] =	vst v63  }
0x2c: {  	s0 =	sadd.s32 $0xFFFFFFFF, s24  }
0x2d: {  	p1 =	sge.u32 s0, s9  }
.Ltmp2:
0x2e: {  	_ = 	snop;
	(pc) =	sbr.rel @p1 .LBB2_5-.Ltmp2, $1  }
0x2f: {  	_ =	sdelay $0x3  }
0x30: {  	s2 =	smulhi.u32 $0xAAAAAAAB, s0;
	_ =	sdelay $0x1  }
0x31: {  	s2 =	sshrl.u32 s2, $0x1  }
0x32: {  	s2 =	smul.u32 $0x3, s2;
	_ =	sdelay $0x1  }
0x33: {  	s2 =	ssub.s32 s0, s2  }
0x34: {  	s2 =	smul.u32 $0x7D00, s2  }
0x35: {  	_ =	swait.ge [sflag:s7], $0x1F40  }
0x36: {  	[sflag:s7] =	ssyncset.done $0x0;
	s2 =	sshrl.u32 s2, $0x2  }
0x37: {  	[sflag:s7] =	ssyncadd.s32 $0xFFFFE0C0;
	(ifvalue) =	ssetifvalue $0xFFFFFFFF;
	v3 =	vld.msk [tilespmem:s2+$0x100 ss:$0x1], $0xffff;
	_ =	sdelay $0x2  }
0x38: {  	s30 =	smulhi.u32 $0xAAAAAAAB, s18;
	p1 =	sne.s32 s24, $0x1  }
0x39: {  	v4 =	vimm.s32 @!p1 $0x0  }
0x3a: {  	s2 =	sshrl.u32 s30, $0x1;
	v4 =	vperm.xlane @!p1 v3, v4  }
0x3b: {  	s22 =	sshll.u32 s24, $0x4;
	s2 =	smul.u32 $0xFFFE8900, s2;
	vm4 =	vlt.u32 v3, $0x2800  }
0x3c: {  	s22 =	sand.u32 $0x10, s22;
	v3 =	vnsel vm4, $0xFFFFFFFE, v3;
	vm4 =	vlt.u32 @!p1 v4, $0x2800  }
0x3d: {  	s2 =	sshra.s32 s2, $0x2;
	[tilespmem:s22+$0x60] =	vst v3;
	v3 =	vnsel @!p1 vm4, $0xFFFFFFFE, v4  }
0x3e: {  	s28 =	sadd.s32 s2, s17;
	[tilespmem:$0x80] =	vst @!p1 v3  }
0x3f: {  	v3 =	vld.msk [tilespmem:s28+$0x0 ss:$0x1], $0xffff;
	_ =	sdelay $0x4  }
0x40: {  	(xrf1) =	vunique.msk.u32 $0xffff, v3;
	_ =	sdelay $0xd  }
0x41: {  	v4 =	vimm.s32 $0xFFFFFFFF;
	v5, _, _ =	vpop (xrf1)  }
0x42: {  	vm5 =	vne.s32 v3, v4;
	vm4 =	veq.s32 v5, v2  }
0x43: {  	vm6 =	vlt.u32 v3, $0x2800;
	vm4 =	vmand vm5, vm4  }
0x44: {  	vm4 =	vmand vm6, vm4  }
0x45: {  	v4 =	vnsel vm4, $0xFFFFFFFF, v3  }
0x46: {  	s31 =	sand.u32 $0x1, s0  }
0x47: {  	s0 =	simm.s32 $0x1F40;
	p1 =	seq.s32 s31, $0x1  }
0x48: {  	s0 =	simm.s32 @!p1 $0x0  }
0x49: {  	s26 =	sadd.s32 $0x7DF0, s0;
	(ifvalue) =	ssetifvalue $0xFFFFFFFF  }
0x4a: {  	v3 =	vperm.xlane v3, v1;
	[tilespmem:s26], [sflag:$0x8] =	stream.indirect_vreg.gather [hbm4b:s1+s16], $0x1, v4, vm0, $0x4038;
	v4 =	vnsel vm6, $0xFFFFFFFE, v4;
	[tilespmem:$0x11A60] =	vst v63  }
0x4b: {  	s2 =	simm.s32 $0x0;
	s22 =	sadd.s32 $0xFFFFFFF0, s28;
	[tilespmem:s28+$0x0] =	vst v4  }
.LBB2_3:
0x4c: {  	v4 =	vld.msk [tilespmem:s22+$0x0 ss:$0x1], $0xffff;
	s2 =	sadd.s32 $0x10, s2;
	v5 =	vmov v3;
	s28 =	smov.u32 s22  }
0x4d: {  	p1 =	slt.u32 s2, $0x1F30;
	_ =	sdelay $0x4  }
0x4e: {  	v3 =	vperm.xlane v4, v1;
	(xrf1) =	vunique.msk.u32 $0xffff, v4;
	_ =	sdelay $0xd  }
0x4f: {  	v6, _, _ =	vpop (xrf1)  }
0x50: {  	vm5 =	vne.s32 v4, v5;
	vm4 =	veq.s32 v6, v2  }
0x51: {  	vm6 =	vlt.u32 v4, $0x2800;
	vm4 =	vmand vm5, vm4  }
0x52: {  	vm4 =	vmand vm6, vm4  }
0x53: {  	v4 =	vnsel vm4, $0xFFFFFFFF, v4  }
.Ltmp3:
0x54: {  	v5 =	vnsel vm6, $0xFFFFFFFE, v4;
	(pc) =	sbr.rel @p1 .LBB2_3-.Ltmp3, $3  }
0x55: {  	_ =	sdelay $0x1  }
0x56: {  	s22 =	sadd.s32 $0xFFFFFFF0, s22;
	s26 =	sadd.s32 $0xFFFFFFF0, s26;
	(ifvalue) =	ssetifvalue $0xFFFFFFFF  }
0x57: {  	[tilespmem:s26], [sflag:$0x8] =	stream.indirect_vreg.gather [hbm4b:s1+s16], $0x1, v4, vm0, $0x4038;
	[tilespmem:s28+$0x0] =	vst v5  }
0x58: {  	s2 =	sshrl.u32 s25, $0x3  }
0x59: {  	s0 =	sadd.s32 $0x9D40, s0;
	s2 =	sadd.s32 s6, s2  }
0x5a: {  	[tilespmem:s0], [sflag:$0x8] =	stream.linear.gather [hbm:s2], $0x1F40, $0x38;
	[tilespmem:$0x11A60] =	vst v63  }
.LBB2_5:
0x5b: {  	p1 =	slt.u32 s24, $0x2  }
0x5c: {  	p2 =	sge.u32 @!p1 s24, s12  }
0x5d: {  	p1 =	por p1, p2  }
.Ltmp4:
0x5e: {  	_ = 	snop;
	(pc) =	sbr.rel @p1 .LBB2_9-.Ltmp4, $1  }
0x5f: {  	_ =	sdelay $0x3  }
0x60: {  	s0 =	sadd.s32 $0xFFFFFFFE, s24  }
0x61: {  	s2 =	smulhi.u32 $0xAAAAAAAB, s0;
	_ =	sdelay $0x1  }
0x62: {  	s2 =	sshrl.u32 s2, $0x1  }
0x63: {  	s2 =	smul.u32 $0x3, s2;
	_ =	sdelay $0x1  }
0x64: {  	s0 =	ssub.s32 s0, s2  }
0x65: {  	_ =	swait.ge [sflag:s8], $0x3E80;
	s0 =	smul.u32 $0x1F40, s0  }
0x66: {  	p1 =	sne.s32 s24, s11;
	[sflag:s8] =	ssyncset.done $0x0  }
0x67: {  	[sflag:s8] =	ssyncadd.s32 $0xFFFFC180;
	s2 =	sadd.s32 @!p1 $0x203F, s0  }
0x68: {  	[spmem:s13] =	stream.linear.scatter @!p1 [tilespmem:s2], [sflag:$0x1], $0x1, $0x38;
	[tilespmem:$0x11A60] =	vst v63  }
0x69: {  	s2 =	simm.s32 @!p1 $0x1  }
0x6a: {  	_ =	swait.ge @!p1 [sflag:s2], $0x1  }
0x6b: {  	s22 =	sshll.u32 s24, $0x4;
	[sflag:s2] =	ssyncset.done @!p1 $0x0  }
0x6c: {  	s25 =	sand.u32 $0x10, s22;
	[sflag:s2] =	ssyncadd.s32 @!p1 $0xFFFFFFFF  }
0x6d: {  	s2 =	sxor.u32 $0x10, s25;
	v4 =	vld [tilespmem:s25+$0x10]  }
0x6e: {  	v5 =	vld [tilespmem:s2+$0x60]  }
0x6f: {  	v3 =	vld [tilespmem:$0x80];
	_ =	sdelay $0x2  }
0x70: {  	(v2sf) =	vpush v4, $0x0  }
0x71: {  	(v2sf) =	vpush v5, $0x0  }
0x72: {  	(v2sf) =	vpush v3, $0x0;
	_ =	sdelay $0xc  }
0x73: {  	s22 =	spop (v2sf)  }
0x74: {  	s26 =	spop (v2sf)  }
0x75: {  	s28 =	spop (v2sf)  }
0x76: {  	p2 =	seq.s32 s22, s26;
	p3 =	seq.s32 s28, s22  }
0x77: {  	p3 =	por p2, p3  }
0x78: {  	s26 =	sand.u32 $0x1, s24;
	v4 =	vpsel p3, $0xFFFFFFFF, v4  }
0x79: {  	s29 =	smul.u32 $0x1F40, s26;
	[tilespmem:s25+$0x10] =	vst.msk $0x1, v4  }
0x7a: {  	v4 =	vld [tilespmem:$0x30]  }
0x7b: {  	v5 =	vld [tilespmem:s29+$0x9D40]  }
0x7c: {  	v6 =	vld [tilespmem:s25+$0x40];
	_ =	sdelay $0x3  }
0x7d: {  	vm4 =	vmmov vm1;
	v5 =	vadd.f32 v5, v4  }
0x7e: {  	vm5 =	vmmov vm2;
	vm4 =	vmmov @p2 vm2;
	s22 =	sshll.u32 s26, $0x4;
	v4 =	vadd.f32 v6, v4  }
0x7f: {  	s26 =	sor.u32 $0x11A40, s22;
	vm5 =	vmmov @p3 vm1;
	[tilespmem:s29+$0x9D40] =	vst.msk vm4, v5  }
0x80: {  	[tilespmem:s26+$0x0] =	vst.msk vm5, v4  }
0x81: {  	v4 =	vld [tilespmem:s29+$0x7DF0];
	_ =	sdelay $0x3  }
0x82: {  	v5 =	vimm.f32 $0.0e+00  }
0x83: {  	v4 =	vshift.insert v4, v5, s21  }
0x84: {  	s22 =	sor.u32 $0x40, s2  }
0x85: {  	[tilespmem:s22+$0x0] =	vst.msk $0x1, v4  }
0x86: {  	[tilespmem:s29+$0x7DFF] =	vst.msk $0x1, v5  }
0x87: {  	v4 =	vld [tilespmem:s0+$0x2030];
	_ =	sdelay $0x1  }
0x88: {  	s22 =	smulhi.u32 $0xAAAAAAAB, s20;
	s0 =	simm.s32 $0x1  }
0x89: {  	s0 =	simm.s32 @!p0 $0x0  }
0x8a: {  	s22 =	sshrl.u32 s22, $0x1;
	s0 =	smul.u32 $0x7D00, s0  }
0x8b: {  	s22 =	smul.u32 $0xFFFE8900, s22;
	v4 =	vshift.insert v4, v1, s21  }
0x8c: {  	s0 =	sshrl.u32 s0, $0x2  }
0x8d: {  	s22 =	sshra.s32 s22, $0x2;
	s30 =	sadd.s32 $0x9D40, s0;
	[tilespmem:s2+$0x10] =	vst.msk $0x1, v4  }
0x8e: {  	s22 =	sadd.s32 s22, s19;
	v6 =	vld [tilespmem:s30+$0x0]  }
0x8f: {  	v7 =	vld [tilespmem:s22+$0x0];
	_ =	sdelay $0x3  }
0x90: {  	v5 =	vadd.f32 v6, v5  }
0x91: {  	vm4 =	vne.s32 v7, $0xFFFFFFFF  }
0x92: {  	(xrf2) =	vadd.seg.scan.f32 vm4, v5;
	_ =	sdelay $0x3  }
0x93: {  	s31 =	sadd.s32 $0x5EC0, s0;
	v5 =	vperm.xlane v4, v1  }
0x94: {  	v6 =	vld [tilespmem:s31+$0x0]  }
0x95: {  	vm5 =	veq.s32 v7, v3;
	vm6 =	veq.s32 v7, v5  }
0x96: {  	vm7 =	vgt.u32 v7, $0xFFFFFFFD;
	vm6 =	vmor vm6, vm5  }
0x97: {  	vm6 =	vmor vm6, vm7  }
0x98: {  	v9 =	vld [tilespmem:$0xA0];
	v7 =	vsel vm6, $0xFFFFFFFF, v7  }
0x99: {  	v10 =	vld [tilespmem:$0x90];
	v6 =	vsel vm5, $0x0, v6;
	v8, _, _ =	vpop (xrf2)  }
0x9a: {  	v6 =	vadd.f32 v8, v6  }
0x9b: {  	s0 =	sadd.s32 $0xDBC0, s0  }
0x9c: {  	vm4 =	vmand vm4, vm3;
	[tilespmem:s0+$0x0] =	vst v6;
	(ifvalue) =	ssetifvalue $0xFFFFFFFF  }
0x9d: {  	vm6 =	veq.s32 v9, $0x1;
	[hbm4b:s1+s16] =	stream.indirect_vreg.scatter [tilespmem:s0], [sflag:$0x2], $0x1, v7, vm0, $0x4038;
	v7 =	vsel vm4, $0x0, v8;
	[tilespmem:$0x11A60] =	vst v63  }
0x9e: {  	s2 =	simm.s32 $0x0;
	s22 =	sadd.s32 $0x10, s22;
	vm4 =	vmor vm6, vm5;
	v6 =	vsel vm5, v8, v10;
	v7 =	vshift.insert v7, v0, s21  }
.LBB2_7:
0x9f: {  	v8 =	vld [tilespmem:s22+$0x0];
	s30 =	sadd.s32 $0x10, s30  }
0xa0: {  	s31 =	sadd.s32 $0x10, s31;
	v9 =	vld [tilespmem:s30+$0x0]  }
0xa1: {  	s2 =	sadd.s32 $0x10, s2;
	v10 =	vld [tilespmem:s31+$0x0]  }
0xa2: {  	p2 =	slt.u32 s2, $0x1F30;
	_ =	sdelay $0x2  }
0xa3: {  	v7 =	vadd.f32 v9, v7  }
0xa4: {  	vm5 =	vne.s32 v8, $0xFFFFFFFF  }
0xa5: {  	vm6 =	vmand vm5, vm3;
	(xrf2) =	vadd.seg.scan.f32 vm5, v7;
	_ =	sdelay $0x5  }
0xa6: {  	vm7 =	veq.s32 v8, v5;
	vm5 =	veq.s32 v8, v3  }
0xa7: {  	vm8 =	vgt.u32 v8, $0xFFFFFFFD;
	vm4 =	vmor vm4, vm5;
	vm7 =	vmor vm7, vm5  }
0xa8: {  	vm7 =	vmor vm7, vm8  }
0xa9: {  	v8 =	vsel vm7, $0xFFFFFFFF, v8  }
.Ltmp5:
0xaa: {  	v7 =	vsel vm5, $0x0, v10;
	v9, _, _ =	vpop (xrf2);
	(pc) =	sbr.rel @p2 .LBB2_7-.Ltmp5, $4  }
0xab: {  	v6 =	vsel vm5, v9, v6;
	v10 =	vadd.f32 v9, v7;
	v7 =	vsel vm6, $0x0, v9  }
0xac: {  	s0 =	sadd.s32 $0x10, s0;
	v7 =	vshift.insert v7, v0, s21  }
0xad: {  	s22 =	sadd.s32 $0x10, s22;
	[tilespmem:s0+$0x0] =	vst v10;
	(ifvalue) =	ssetifvalue $0xFFFFFFFF  }
0xae: {  	[hbm4b:s1+s16] =	stream.indirect_vreg.scatter [tilespmem:s0], [sflag:$0x2], $0x1, v8, vm0, $0x4038;
	[tilespmem:$0x11A60] =	vst v63  }
0xaf: {  	v3 =	vld [tilespmem:s29+$0xFAF0];
	_ =	sdelay $0x4  }
0xb0: {  	v3 =	vshift.insert v3, v0, s21  }
0xb1: {  	s0 =	simm.s32 $0x30  }
0xb2: {  	[tilespmem:s0+$0x0] =	vst.msk $0x1, v3  }
0xb3: {  	v3 =	vsel vm4, $0x1, v1;
	[tilespmem:$0x90] =	vst v6  }
0xb4: {  	s0 =	sadd.s32 @!p1 $0xFAFF, s29;
	[tilespmem:$0xA0] =	vst v3  }
0xb5: {  	[spmem:s14] =	stream.linear.scatter @!p1 [tilespmem:s0], [sflag:$0x1], $0x1, $0x38;
	[tilespmem:$0x11A60] =	vst v63  }
0xb6: {  	s0 =	simm.s32 @!p1 $0x1  }
0xb7: {  	v3 =	vmctz.xlane @!p1 vm4;
	_ =	swait.ge @!p1 [sflag:s0], $0x1  }
0xb8: {  	(v2sf) =	vpush @!p1 v4, $0x0  }
0xb9: {  	(v2sf) =	vpush @!p1 v3, $0x0;
	_ =	sdelay $0xd  }
0xba: {  	s2 =	spop @!p1 (v2sf)  }
0xbb: {  	s22 =	spop @!p1 (v2sf)  }
0xbc: {  	p2 =	sne.s32 @!p1 s28, s2;
	p3 =	slt.s32 @!p1 s22, $0xF  }
0xbd: {  	[sflag:s0] =	ssyncset.done @!p1 $0x0;
	p2 =	por p2, p1;
	p3 =	por !p3, p1  }
0xbe: {  	[sflag:s0] =	ssyncadd.s32 @!p1 $0xFFFFFFFF;
	v3 =	vimm.s32 @!p2 $0xFFFFFFFF;
	s22 =	simm.s32 @p3 $0xF  }
0xbf: {  	[tilespmem:$0x80] =	vst @!p2 v3;
	s2 =	sadd.s32 @!p1 $0x90, s22  }
0xc0: {  	[spmem:s10] =	stream.linear.scatter @!p1 [tilespmem:s2], [sflag:$0x1], $0x1, $0x38;
	[tilespmem:$0x11A60] =	vst v63  }
0xc1: {  	_ =	swait.ge @!p1 [sflag:s0], $0x1  }
0xc2: {  	[sflag:s0] =	ssyncset.done @!p1 $0x0  }
0xc3: {  	s2 =	simm.s32 @!p1 $0x80;
	[sflag:s0] =	ssyncadd.s32 @!p1 $0xFFFFFFFF  }
0xc4: {  	[spmem:s15] =	stream.linear.scatter @!p1 [tilespmem:s2], [sflag:$0x1], $0x1, $0x38;
	[tilespmem:$0x11A60] =	vst v63  }
0xc5: {  	_ =	swait.ge @!p1 [sflag:s0], $0x1  }
0xc6: {  	[sflag:s0] =	ssyncset.done @!p1 $0x0  }
0xc7: {  	[sflag:s0] =	ssyncadd.s32 @!p1 $0xFFFFFFFF;
	(ifvalue) =	ssetifvalue $0xFFFFFFFF;
	v3 =	vld [tilespmem:s25+$0x10];
	_ =	sdelay $0x3  }
.Ltmp6:
0xc8: {  	_ = 	snop;
	(pc) =	sbr.rel .LBB2_9-.Ltmp6, $3  }
0xc9: {  	_ =	sdelay $0x1  }
0xca: {  	(ifvalue) =	ssetifvalue $0xFFFFFFFF  }
0xcb: {  	[hbm4b:s1+s16] =	stream.indirect_vreg.scatter [tilespmem:s26], [sflag:$0x9], $0x1, v3, vm0, $0x4038;
	[tilespmem:$0x11A60] =	vst v63  }
.LBB2_10:
0xcc: {  	_ =	sfence.sel $0x180000  }
0xcd: {  	s0 =	simm.s32 $0x7;
	[bflag:$0x0] =	sbarrier.arrive $0xFFFF  }
0xce: {  	s26 =	simm.s32 $0x8;
	[sflag:s0] =	ssyncpa.u1 $0x1  }
0xcf: {  	s28 =	simm.s32 $0x9;
	[sflag:s26] =	ssyncpa.u1 $0x1  }
0xd0: {  	[sflag:s28] =	ssyncpa.u1 $0x1  }
0xd1: {  	_ =	sfence.stream.spmem  }
0xd2: {  	s29 =	simm.s32 $0x3;
	[bflag:$0x0] =	sbarrier.arrive $0xFFFF  }
0xd3: {  	s30 =	simm.s32 $0x4;
	[sflag:s29] =	ssyncpa.u1 $0x1  }
0xd4: {  	s31 =	simm.s32 $0x3C;
	s2 =	stileid.u32;
	[sflag:s30] =	ssyncpa.u1 $0x1  }
0xd5: {  	p0 =	sne.s32 s2, $0x0;
	[sflag:s31] =	ssyncpa.u1 $0x1  }
0xd6: {  	s0 =	simm.s32 @p0 $0x1;
	_ =	sfence @p0  }
0xd7: {  	[sflag:s0] =	ssyncpa.u1 @p0 $0x1;
	s0 =	simm.s32 @p0 $0x2  }
0xd8: {  	[sflag:s0] =	ssyncpa.u1 @p0 $0x1  }
0xd9: {  	_ =	strace @p0 $0x90000053  }
0xda: {  	[bflag:$0x2] =	sbarrier.arrive @p0 $0xFFFF  }
0xdb: {  	_ =	shalt @p0  }
.LBB2_11:
0xdc: {  	_ =	sfence.stream.spmem;
	s0 =	simm.s32 $0x5  }
0xdd: {  	s2 =	simm.s32 $0x80;
	s3 =	simm.s32 $0xC0;
	[sflag:s0] =	ssyncpa.u1 $0x0  }
0xde: {  	[tilespmem:s3], [sflag:$0x5] =	stream.linear.gather [spmem:s2], $0x20, $0x38;
	[tilespmem:$0x11A60] =	vst v63  }
0xdf: {  	s2 =	simm.s32 $0x0;
	s3 =	simm.s32 $0xE0  }
0xe0: {  	[tilespmem:s3], [sflag:$0x5] =	stream.linear.gather [spmem:s2], $0x20, $0x38;
	[tilespmem:$0x11A60] =	vst v63  }
.Ltmp7:
0xe1: {  	_ = 	snop;
	(pc) =	sbr.rel .LBB2_12-.Ltmp7, $4  }
0xe2: {  	_ =	swait.ge [sflag:s0], $0x40  }
0xe3: {  	[sflag:s0] =	ssyncset.done $0x0  }
0xe4: {  	s31 =	simm.s32 $0x6;
	[sflag:s0] =	ssyncadd.s32 $0xFFFFFFC0  }
0xe5: {  	s4 =	simm.s32 $0x0;
	[sflag:s31] =	ssyncpa.u1 $0x0  }
.LBB2_17:
0xe6: {  	p0 =	sgt.u32 s5, $0x27FF  }
0xe7: {  	s0 =	sshrl.u32 @!p0 s5, $0x3  }
0xe8: {  	s5 =	sand.u32 @!p0 $0x7, s5;
	s6 =	simm.s32 @!p0 $0xB0;
	s0 =	sadd.s32 @!p0 s1, s0  }
0xe9: {  	[tilespmem:s6], [sflag:$0x6] =	stream.linear.gather @!p0 [hbm4b:s0+s5], $0x1, $0x38;
	[tilespmem:$0x11A60] =	vst v63  }
0xea: {  	s0 =	simm.s32 @!p0 $0x6  }
0xeb: {  	_ =	swait.ge @!p0 [sflag:s0], $0x1  }
0xec: {  	[sflag:s0] =	ssyncset.done @!p0 $0x0  }
0xed: {  	[sflag:s0] =	ssyncadd.s32 @!p0 $0xFFFFFFFF  }
0xee: {  	v2 =	vmov @!p0 s4;
	v1 =	vld.msk @!p0 [tilespmem:$0xB0], $0x1;
	_ =	sdelay $0x3  }
0xef: {  	s0 =	simm.s32 @!p0 $0xE0  }
0xf0: {  	[tilespmem:v2+s0+$0x0], v1 =	vst.idx.ret.add.f32.msk @!p0 $0x1, v1  }
0xf1: {  	[tilespmem:s2+$0xC0] =	vst.msk $0x1, v0  }
0xf2: {  	v0 =	vld.msk [tilespmem:s4+$0xE0], $0x1;
	_ =	sdelay $0x4  }
0xf3: {  	[tilespmem:s2+$0xE0] =	vst.msk $0x1, v0;
	s2 =	sadd.s32 $0x1, s2  }
.LBB2_19:
0xf4: {  	s4 =	sadd.s32 $0x1, s4  }
0xf5: {  	p0 =	sne.s32 s4, $0x20  }
.Ltmp8:
0xf6: {  	_ = 	snop;
	(pc) =	sbr.rel @!p0 .LBB2_20-.Ltmp8, $1  }
0xf7: {  	_ =	sdelay $0x3  }
.LBB2_12:
0xf8: {  	v0 =	vld.msk [tilespmem:s4+$0xC0], $0x1;
	_ =	sdelay $0x4  }
0xf9: {  	(v2sf) =	vpush v0, $0x0;
	_ =	sdelay $0xe  }
0xfa: {  	s5 =	spop (v2sf)  }
0xfb: {  	p0 =	seq.s32 s5, $0xFFFFFFFF  }
.Ltmp9:
0xfc: {  	_ = 	snop;
	(pc) =	sbr.rel @p0 .LBB2_19-.Ltmp9, $1  }
0xfd: {  	_ =	sdelay $0x3  }
0xfe: {  	p0 =	slt.s32 s2, $0x1  }
.Ltmp10:
0xff: {  	_ = 	snop;
	(pc) =	sbr.rel @p0 .LBB2_17-.Ltmp10, $1  }
0x100: {  	_ =	sdelay $0x3  }
0x101: {  	s0 =	simm.s32 $0xC0;
	p0 =	por $0x0, $0x0  }
0x102: {  	v1 =	vld.msk @!p0 [tilespmem:s0+$0x0], $0x1;
	_ =	sdelay $0x4  }
0x103: {  	(v2sf) =	vpush @!p0 v1, $0x0;
	_ =	sdelay $0xd  }
0x104: {  	p2 =	sne.s32 s2, $0x1  }
.Ltmp11:
0x105: {  	s6 =	spop @!p0 (v2sf);
	(pc) =	sbr.rel @!p2 .LBB2_16-.Ltmp11, $4  }
0x106: {  	p1 =	seq.s32 @!p0 s5, s6  }
0x107: {  	s6 =	simm.s32 $0x0;
	p1 =	por !p1, p0  }
0x108: {  	s8 =	simm.s32 $0xFFFFFFFF;
	s6 =	simm.s32 @p1 $0xFFFFFFFF  }
0x109: {  	s7 =	simm.s32 $0x1;
	s6 =	smov.u32 @p0 s8  }
.LBB2_15:
0x10a: {  	s8 =	smov.u32 s6;
	p0 =	sne.s32 s6, $0xFFFFFFFF  }
0x10b: {  	s0 =	sadd.s32 $0x1, s0;
	s6 =	smov.u32 s7;
	s7 =	sadd.s32 $0x1, s7  }
0x10c: {  	p1 =	sne.s32 s2, s7;
	v1 =	vld.msk @!p0 [tilespmem:s0+$0x0], $0x1;
	_ =	sdelay $0x4  }
0x10d: {  	(v2sf) =	vpush @!p0 v1, $0x0;
	_ =	sdelay $0xe  }
.Ltmp12:
0x10e: {  	s9 =	spop @!p0 (v2sf);
	(pc) =	sbr.rel @p1 .LBB2_15-.Ltmp12, $4  }
0x10f: {  	p2 =	seq.s32 @!p0 s5, s9  }
0x110: {  	p2 =	por !p2, p0  }
0x111: {  	s6 =	simm.s32 @p2 $0xFFFFFFFF  }
0x112: {  	s6 =	smov.u32 @p0 s8  }
.LBB2_16:
0x113: {  	p0 =	sne.s32 s6, $0xFFFFFFFF  }
.Ltmp13:
0x114: {  	_ = 	snop;
	(pc) =	sbr.rel @!p0 .LBB2_17-.Ltmp13, $1  }
0x115: {  	_ =	sdelay $0x3  }
0x116: {  	v0 =	vld.msk [tilespmem:s4+$0xE0], $0x1;
	v1 =	vmov s6  }
.Ltmp14:
0x117: {  	_ = 	snop;
	(pc) =	sbr.rel .LBB2_19-.Ltmp14, $2  }
0x118: {  	_ =	sdelay $0x2  }
0x119: {  	[tilespmem:v1+s3+$0x0], v0 =	vst.idx.ret.add.f32.msk $0x1, v0  }
.LBB2_20:
0x11a: {  	p0 =	slt.s32 s2, $0x1  }
.Ltmp15:
0x11b: {  	_ = 	snop;
	(pc) =	sbr.rel @p0 .LBB2_24-.Ltmp15, $3  }
0x11c: {  	_ =	sdelay $0x1  }
0x11d: {  	s0 =	simm.s32 $0x6  }
0x11e: {  	s3 =	simm.s32 $0x0;
	[sflag:s0] =	ssyncpa.u1 $0x1  }
0x11f: {  	s0 =	simm.s32 $0xC0  }
0x120: {  	v0 =	vld.msk [tilespmem:s0+$0x0], $0x1;
	_ =	sdelay $0x4  }
0x121: {  	(v2sf) =	vpush v0, $0x0;
	_ =	sdelay $0xe  }
0x122: {  	s2 =	sadd.s32 $0xFFFFFFFF, s2;
	s4 =	spop (v2sf)  }
0x123: {  	p1 =	sne.s32 s2, $0x0;
	p0 =	sgt.u32 s4, $0x27FF  }
.Ltmp16:
0x124: {  	s5 =	sshrl.u32 @!p0 s4, $0x3;
	(pc) =	sbr.rel @!p1 .LBB2_23-.Ltmp16, $4  }
0x125: {  	s0 =	simm.s32 $0xE0;
	s4 =	sand.u32 @!p0 $0x7, s4;
	s5 =	sadd.s32 @!p0 s1, s5  }
0x126: {  	[hbm4b:s5+s4] =	stream.linear.scatter @!p0 [tilespmem:s0], [sflag:$0x5], $0x1, $0x38;
	[tilespmem:$0x11A60] =	vst v63  }
0x127: {  	s5 =	simm.s32 $0x0  }
0x128: {  	s4 =	simm.s32 $0xC1;
	s5 =	simm.s32 @!p0 $0x4  }
.LBB2_22:
0x129: {  	v0 =	vld.msk [tilespmem:s4+$0x0], $0x1;
	s2 =	sadd.s32 $0xFFFFFFFF, s2;
	s3 =	sadd.s32 s3, s5  }
0x12a: {  	p0 =	sne.s32 s2, $0x0;
	_ =	sdelay $0x3  }
0x12b: {  	(v2sf) =	vpush v0, $0x0;
	_ =	sdelay $0xe  }
.Ltmp17:
0x12c: {  	s6 =	spop (v2sf);
	(pc) =	sbr.rel @p0 .LBB2_22-.Ltmp17, $4  }
0x12d: {  	s5 =	simm.s32 $0x0;
	p1 =	sgt.u32 s6, $0x27FF  }
0x12e: {  	s0 =	sadd.s32 $0x1, s0;
	s5 =	simm.s32 @!p1 $0x4;
	s7 =	sshrl.u32 @!p1 s6, $0x3  }
0x12f: {  	s4 =	sadd.s32 $0x1, s4;
	s6 =	sand.u32 @!p1 $0x7, s6;
	s7 =	sadd.s32 @!p1 s1, s7  }
0x130: {  	[hbm4b:s7+s6] =	stream.linear.scatter @!p1 [tilespmem:s0], [sflag:$0x5], $0x1, $0x38;
	[tilespmem:$0x11A60] =	vst v63  }
.LBB2_23:
0x131: {  	s0 =	sadd.s32 s3, s5  }
0x132: {  	s3 =	sshrl.u32 s0, $0x2  }
.LBB2_24:
0x133: {  	s0 =	simm.s32 $0x5  }
0x134: {  	_ =	swait.ge [sflag:s0], s3  }
0x135: {  	s1 =	ssub.s32 $0x0, s3;
	[sflag:s0] =	ssyncset.done $0x0  }
0x136: {  	[sflag:s0] =	ssyncadd.s32 s1  }
0x137: {  	[sflag:s0] =	ssyncpa.u1 $0x1  }
0x138: {  	s29 =	simm.s32 $0x1;
	_ =	sfence  }
0x139: {  	s30 =	simm.s32 $0x2;
	[sflag:s29] =	ssyncpa.u1 $0x1  }
0x13a: {  	[sflag:s30] =	ssyncpa.u1 $0x1  }
0x13b: {  	_ =	strace $0x90000053  }
0x13c: {  	[bflag:$0x2] =	sbarrier.arrive $0xFFFF  }
0x13d: {  	s31 =	rddreg [dreg:$0x1]  }
0x13e: {  	s0 =	sadd.s32 $0x100000, s31  }
0x13f: {  	[sflag:s0] =	ssyncadd.tile.s32 $0x1;
	_ =	shalt  }
.Lfunc_end2:
_tile_overlayer_lowered:
.L_overlay_start_2:
0x140: {  	(tag) =	ssettag $0x2  }
0x141: {  	s0 =	rddreg [dreg:$0x0];
	s2 =	stileid.u32  }
0x142: {  	s1 =	rddreg [dreg:$0x1];
	p0 =	sne.s32 s2, $0x0  }
0x143: {  	s3 =	rddreg [dreg:$0x2];
	[bflag:$0x3] =	sbarrier.arrive $0xFFFF;
	s2 =	simm.s32 @!p0 $0x1C01  }
0x144: {  	[timem:s3], [sflag:s2] =	dma.local @!p0 [hbm:s0], s1  }
0x145: {  	s0 =	simm.s32 @!p0 $0x1  }
0x146: {  	_ =	swait.ge @!p0 [sflag:s0], s1  }
0x147: {  	s1 =	ssub.s32 @!p0 $0x0, s1;
	[sflag:s0] =	ssyncset.done @!p0 $0x0  }
0x148: {  	[sflag:s0] =	ssyncadd.s32 @!p0 s1  }
0x149: {  	[bflag:$0x3] =	sbarrier.arrive $0xFFFF  }
0x14a: {  	_ =	shalt  }

// kernel: scatter_offload_async_start
scs
__scs_entry_jumppad:
0x0: {  	(pc) =	sbr.rel $0x88, $3  }
0x1: {  	(tag) =	ssettag $0x0;
	lr =	simm.s32 $0x1  }
0x2: {  	[smem:$0x3F8F] =	sst lr;
	_ =	strace $0xD0000000  }
0x3: {  	_ = 	snop  }
0x4: {  	_ = 	snop  }
0x5: {  	_ = 	snop  }
0x6: {  	_ = 	snop  }
0x7: {  	_ = 	snop  }
__scs_overlays_trampoline_lowered:
0x8: {  	[smem:$0x3F9E] =	sst s0  }
0x9: {  	[smem:$0x3F9F] =	sst s1  }
0xa: {  	[smem:$0x3FA0] =	sst s2  }
0xb: {  	[smem:$0x3FA1] =	sst s3  }
0xc: {  	[smem:$0x3FA2] =	sst s4  }
0xd: {  	[smem:$0x3FA3] =	sst s5  }
0xe: {  	[smem:$0x3FA4] =	sst s6  }
0xf: {  	[smem:$0x3FA5] =	sst s7  }
0x10: {  	[smem:$0x3FA6] =	sst s8  }
0x11: {  	[smem:$0x3FA7] =	sst s9;
	s0 =	simm.s32 @!p0 $0x0  }
0x12: {  	s1 =	sld [smem:$0x3F8D];
	s0 =	simm.s32 @p0 $0x1  }
0x13: {  	[smem:$0x3FA8] =	sst s0;
	s0 =	simm.s32 @!p1 $0x0  }
0x14: {  	s2 =	sld [smem:$0x3F8C];
	s0 =	simm.s32 @p1 $0x1  }
0x15: {  	[smem:$0x3FA9] =	sst s0;
	s0 =	simm.s32 @!p2 $0x0  }
0x16: {  	s3 =	sld [smem:$0x3FDB];
	s0 =	simm.s32 @p2 $0x1  }
0x17: {  	s4 =	simm.s32 $0x1BF5;
	[smem:$0x3FAB] =	sst s0  }
0x18: {  	s0 =	sld [smem:$0x3F8E];
	_ =	swait.ge [sflag:s4], $0x0  }
0x19: {  	s7 =	sld [smem:$0x3F8F]  }
0x1a: {  	s8 =	sadd.s32 $0xFFFFE003, lr  }
0x1b: {  	s9 =	sadd.s32 $0xFFFFFEF7, lr;
	s5 =	simm.s32 $0xFFFFFFFF;
	p2 =	slt.u32 s8, $0xFFFFF086  }
0x1c: {  	p1 =	slt.u32 s9, $0xF7A;
	s5 =	simm.s32 @!p2 $0x0  }
0x1d: {  	s5 =	simm.s32 @p1 $0x1;
	p0 =	seq.s32 s7, s2  }
0x1e: {  	s7 =	smul.u32 @!p0 $0xF7A, s2;
	p2 =	seq.s32 @!p0 s5, $0x0  }
0x1f: {  	s9 =	smul.u32 $0xF7A, s1;
	s8 =	simm.s32 @!p0 $0x1BF5;
	p2 =	por !p2, p0  }
0x20: {  	[sflag:s8] =	ssyncset.s32 @!p0 $0xFFFFF086;
	s6 =	sadd.s32 @!p0 s3, s7;
	s7 =	simm.s32 @!p0 $0x108  }
0x21: {  	s3 =	sadd.s32 s3, s9;
	s6 =	sadd.s32 @!p0 $0x88, s6;
	s7 =	simm.s32 @p2 $0x1082  }
0x22: {  	[simem:s7], [sflag:s8] =	dma.local @!p0 [hbm:s6], $0xF7A  }
0x23: {  	s9 =	sor.u32 $0xD0000000, s2;
	s6 =	simm.s32 $0x108;
	_ =	swait.ge @!p0 [sflag:s8], $0x0  }
0x24: {  	s3 =	sadd.s32 $0x88, s3;
	s6 =	simm.s32 @!p1 $0x1082;
	[sflag:s4] =	ssyncset.s32 $0xFFFFF086  }
0x25: {  	[simem:s6], [sflag:s4] =	dma.local [hbm:s3], $0xF7A  }
0x26: {  	[smem:$0x3F8F] =	sst s1;
	(tag) =	ssettag s2;
	_ =	strace s9  }
0x27: {  	s1 =	sld [smem:$0x3F9F]  }
0x28: {  	s2 =	sld [smem:$0x3FA0]  }
0x29: {  	s4 =	sld [smem:$0x3FA2]  }
0x2a: {  	p0 =	seq.s32 s5, $0x0;
	s5 =	sld [smem:$0x3FA3]  }
0x2b: {  	s6 =	sld [smem:$0x3FA4]  }
0x2c: {  	s7 =	sld [smem:$0x3FA5]  }
0x2d: {  	s3 =	simm.s32 $0x108;
	s8 =	sld [smem:$0x3FA6]  }
0x2e: {  	s3 =	simm.s32 @!p0 $0x1082;
	s9 =	sld [smem:$0x3FA7]  }
0x2f: {  	lr =	sadd.s32 s0, s3;
	s0 =	sld [smem:$0x3F9E]  }
0x30: {  	s3 =	sld [smem:$0x3FA1]  }
0x31: {  	[smem:$0x3FAA] =	sst s10  }
0x32: {  	s10 =	sld [smem:$0x3FA8];
	_ =	sdelay $0x3  }
0x33: {  	p0 =	seq.s32 s10, $0x1;
	s10 =	sld [smem:$0x3FAA];
	_ =	sdelay $0x3  }
0x34: {  	[smem:$0x3FAA] =	sst s10  }
0x35: {  	s10 =	sld [smem:$0x3FA9];
	_ =	sdelay $0x3  }
0x36: {  	p1 =	seq.s32 s10, $0x1;
	s10 =	sld [smem:$0x3FAA];
	_ =	sdelay $0x3  }
0x37: {  	[smem:$0x3FAA] =	sst s10  }
0x38: {  	s10 =	sld [smem:$0x3FAB]  }
0x39: {  	_ = 	snop;
	(pc) =	sbr.ind lr, $3  }
0x3a: {  	_ = 	snop  }
0x3b: {  	_ = 	snop  }
0x3c: {  	p2 =	seq.s32 s10, $0x1;
	s10 =	sld [smem:$0x3FAA]  }
0x3d: {  	_ =	shalt  }
0x3e: {  	_ =	shalt  }
0x3f: {  	_ =	shalt  }
0x40: {  	_ =	shalt  }
0x41: {  	_ =	shalt  }
0x42: {  	_ =	shalt  }
0x43: {  	_ =	shalt  }
0x44: {  	_ =	shalt  }
0x45: {  	_ =	shalt  }
0x46: {  	_ =	shalt  }
0x47: {  	_ =	shalt  }
0x48: {  	_ =	shalt  }
0x49: {  	_ =	shalt  }
0x4a: {  	_ =	shalt  }
0x4b: {  	_ =	shalt  }
0x4c: {  	_ =	shalt  }
0x4d: {  	_ =	shalt  }
0x4e: {  	_ =	shalt  }
0x4f: {  	_ =	shalt  }
0x50: {  	_ =	shalt  }
0x51: {  	_ =	shalt  }
0x52: {  	_ =	shalt  }
0x53: {  	_ =	shalt  }
0x54: {  	_ =	shalt  }
0x55: {  	_ =	shalt  }
0x56: {  	_ =	shalt  }
0x57: {  	_ =	shalt  }
0x58: {  	_ =	shalt  }
0x59: {  	_ =	shalt  }
0x5a: {  	_ =	shalt  }
0x5b: {  	_ =	shalt  }
0x5c: {  	_ =	shalt  }
0x5d: {  	_ =	shalt  }
0x5e: {  	_ =	shalt  }
0x5f: {  	_ =	shalt  }
0x60: {  	_ =	shalt  }
0x61: {  	_ =	shalt  }
0x62: {  	_ =	shalt  }
0x63: {  	_ =	shalt  }
0x64: {  	_ =	shalt  }
0x65: {  	_ =	shalt  }
0x66: {  	_ =	shalt  }
0x67: {  	_ =	shalt  }
0x68: {  	_ =	shalt  }
0x69: {  	_ =	shalt  }
0x6a: {  	_ =	shalt  }
0x6b: {  	_ =	shalt  }
0x6c: {  	_ =	shalt  }
0x6d: {  	_ =	shalt  }
0x6e: {  	_ =	shalt  }
0x6f: {  	_ =	shalt  }
0x70: {  	_ =	shalt  }
0x71: {  	_ =	shalt  }
0x72: {  	_ =	shalt  }
0x73: {  	_ =	shalt  }
0x74: {  	_ =	shalt  }
0x75: {  	_ =	shalt  }
0x76: {  	_ =	shalt  }
0x77: {  	_ =	shalt  }
0x78: {  	_ =	shalt  }
0x79: {  	_ =	shalt  }
0x7a: {  	_ =	shalt  }
0x7b: {  	_ =	shalt  }
0x7c: {  	_ =	shalt  }
0x7d: {  	_ =	shalt  }
0x7e: {  	_ =	shalt  }
0x7f: {  	_ =	shalt  }
0x80: {  	_ =	shalt  }
0x81: {  	_ =	shalt  }
0x82: {  	_ =	shalt  }
0x83: {  	_ =	shalt  }
0x84: {  	_ =	shalt  }
0x85: {  	_ =	shalt  }
0x86: {  	_ =	shalt  }
0x87: {  	_ =	shalt  }
.Lfunc_end0:
.L_simem_size_0:
called_computation_lowered:
.L_overlay_start_0:
0x88: {  	s0 =	sld [smem:$0x3FD9]  }
0x89: {  	s1 =	sld [smem:$0x3FFE];
	_ =	sdelay $0x3  }
0x8a: {  	s0 =	sadd.s32 s1, s0  }
0x8b: {  	[smem:$0x3FB6] =	sst s0  }
0x8c: {  	_ = 	snop  }
0x8d: {  	(tm) =	ssettm $0x1  }
0x8e: {  	s14 =	sld [smem:$0x3FFB];
	_ =	sdelay $0x3  }
0x8f: {  	_ =	strace s14  }
0x90: {  	s0 =	sld [smem:$0x3FFC];
	_ =	sdelay $0x3  }
0x91: {  	_ =	strace s0  }
0x92: {  	s0 =	sld [smem:$0x3FFD];
	_ =	sdelay $0x3  }
0x93: {  	_ =	strace s0  }
0x94: {  	_ =	strace $0x8FFFFFFF  }
0x95: {  	s15 =	sld [smem:$0x3FDB];
	_ =	sdelay $0x1  }
0x96: {  	s16 =	simm.s32 $_scs_section_size  }
0x97: {  	s2 =	simm.s32 $_size__tile_overlayer_lowered;
	s3 =	simm.s32 $_tile_overlayer_lowered  }
0x98: {  	s4 =	simm.s32 $0x1BFF;
	s17 =	sshll.u32 s3, $0x1;
	s1 =	sadd.s32 s16, s15  }
0x99: {  	s18 =	simm.s32 $0x0;
	s2 =	sshll.u32 s2, $0x1;
	s3 =	sadd.s32 s17, s1  }
0x9a: {  	[timem:s18], [sflag:s4] =	dma.local [hbm:s3], s2  }
0x9b: {  	_ =	swait.ge [sflag:s4], s2  }
0x9c: {  	s2 =	ssub.s32 $0x0, s2;
	[sflag:s4] =	ssyncset.done $0x0  }
0x9d: {  	[sflag:s4] =	ssyncadd.s32 s2;
	_ =	sdelay $0x1  }
0x9e: {  	s19 =	simm.s32 $0x1B8B  }
0x9f: {  	_ =	swait.ge [sflag:s19], $0x1  }
0xa0: {  	[sflag:s19] =	ssyncset.done $0x0  }
0xa1: {  	s21 =	simm.s32 $0x1B8E;
	s20 =	sld [smem:$0x3FFE];
	[sflag:s19] =	ssyncadd.s32 $0xFFFFFFFF  }
0xa2: {  	s22 =	simm.s32 $execute0_lowered;
	[smem:$0x3FD2] =	sst s21  }
0xa3: {  	s3 =	sshll.u32 s22, $0x1;
	_ =	strace $0x80000046;
	[dreg:$0x1] =	wrdreg $0xFFFFFFFF  }
0xa4: {  	s23 =	simm.s32 $_size_execute0_lowered;
	s3 =	sadd.s32 s1, s3;
	[dreg:$0x0] =	wrdreg $0x0  }
0xa5: {  	s4 =	sshll.u32 s23, $0x1;
	[dreg:$0x2] =	wrdreg s3  }
0xa6: {  	[dreg:$0x3] =	wrdreg s4  }
0xa7: {  	[dreg:$0x4] =	wrdreg $0xC0  }
0xa8: {  	s24 =	simm.s32 $execute1_lowered;
	_ =	task [dreg:s18], $0x5FFFF  }
0xa9: {  	s3 =	sshll.u32 s24, $0x1;
	[dreg:$0x1] =	wrdreg $0xFFFFFFFF  }
0xaa: {  	s1 =	sadd.s32 s1, s3;
	[dreg:$0x0] =	wrdreg $0x60  }
0xab: {  	[dreg:$0x2] =	wrdreg s1  }
0xac: {  	[dreg:$0x3] =	wrdreg s20  }
0xad: {  	[dreg:$0x4] =	wrdreg $0x9  }
0xae: {  	_ =	task.clear_ibuf [dreg:s18], $0x5FFFF;
	_ =	strace $0x90000046  }
0xaf: {  	s25 =	simm.s32 $0x9;
	_ =	strace $0x80000048  }
0xb0: {  	_ =	swait.ge [sflag:s25], $0x1  }
0xb1: {  	[sflag:s25] =	ssyncadd.s32 $0xFFFFFFFF  }
0xb2: {  	_ =	strace $0x90000048  }
0xb3: {  	_ =	strace $0x80000049;
	[dreg:$0x1] =	wrdreg $0xFFFFFFFF  }
0xb4: {  	[dreg:$0x0] =	wrdreg $0x2030  }
0xb5: {  	[dreg:$0x2] =	wrdreg s20  }
0xb6: {  	[dreg:$0x3] =	wrdreg $0xA  }
0xb7: {  	_ =	task.clear_ibuf [dreg:s18], $0x4FFFF;
	_ =	strace $0x90000049  }
0xb8: {  	s26 =	simm.s32 $0xA;
	_ =	strace $0x8000004B  }
0xb9: {  	_ =	swait.ge [sflag:s26], $0x1  }
0xba: {  	[sflag:s26] =	ssyncadd.s32 $0xFFFFFFFF  }
0xbb: {  	_ =	strace $0x9000004B  }
0xbc: {  	_ =	sfence  }
0xbd: {  	s28 =	sld [smem:$0x0];
	_ =	sdelay $0x1  }
0xbe: {  	s29 =	srdreg.scid  }
0xbf: {  	s30 =	sshll.u32 s29, $0xD;
	s31 =	sshrl.u32 s29, $0x2  }
0xc0: {  	s2 =	sand.u32 $0x1, s29;
	s3 =	sand.u32 $0x4000, s30;
	s1 =	sadd.s32 s31, s28  }
0xc1: {  	s2 =	sor.u32 s3, s2;
	s1 =	sshll.u32 s1, $0x11  }
0xc2: {  	s1 =	sor.u32 s1, s2  }
0xc3: {  	s1 =	sadd.s32 $0x8F2B, s1  }
0xc4: {  	[sflag:s1] =	ssyncadd.remote.s32 $0x1  }
0xc5: {  	_ =	sfence.sel $0xFFFF  }
0xc6: {  	[dreg:$0x0] =	wrdreg $0xFFFFFFFF;
	(pc) =	sbr.abs _section_cstart, $3  }
0xc7: {  	[dreg:$0x1] =	wrdreg $0xFFFFFFFF  }
0xc8: {  	_ =	task.clear_ibuf [dreg:s18], $0x2FFFF;
	_ =	strace $0x9FFFFFFF  }
0xc9: {  	(tm) =	ssettm $0x7FFFFFFF  }
tec
execute0_lowered:
.L_overlay_start_1:
0x0: {  	(tag) =	ssettag $0x1  }
0x1: {  	s2 =	rddreg [dreg:$0x0]  }
0x2: {  	s4 =	rddreg [dreg:$0x1]  }
0x3: {  	s0 =	rddreg [dreg:$0x2];
	s3 =	stileid.u32  }
0x4: {  	[bflag:$0x3] =	sbarrier.arrive $0xFFFF;
	s1 =	simm.s32 $_size_execute1_lowered;
	p0 =	sne.s32 s3, $0x0  }
0x5: {  	s1 =	sshll.u32 s1, $0x1;
	s5 =	simm.s32 @!p0 $0x1C3F;
	s6 =	simm.s32 @!p0 $0x4060  }
0x6: {  	[timem:s6], [sflag:s5] =	dma.local @!p0 [hbm:s2], s1  }
0x7: {  	s2 =	smul.u32 $0x280, s3  }
.Ltmp0:
0x8: {  	s31 =	simm.s32 $0x2;
	s7 =	simm.s32 $0x280;
	(pc) =	sbr.rel .LBB2_1-.Ltmp0, $4  }
0x9: {  	s8 =	simm.s32 $0x780;
	s10 =	simm.s32 $0x0;
	s9 =	simm.s32 $0x0  }
0xa: {  	s3 =	simm.s32 $0x1;
	_ =	strace $0x80000047;
	s30 =	sshrl.u32 s2, $0x3  }
0xb: {  	s6 =	simm.s32 $0x0;
	[sflag:s3] =	ssyncpa.u1 $0x0;
	s5 =	sadd.s32 s30, s4  }
0xc: {  	s4 =	sadd.s32 $0x10800, s4;
	[sflag:s31] =	ssyncpa.u1 $0x0;
	s5 =	sadd.s32 $0x10200, s5  }
.LBB2_8:
0xd: {  	p1 =	seq.s32 s9, $0x2  }
.Ltmp1:
0xe: {  	_ = 	snop;
	(pc) =	sbr.rel @p1 .LBB2_10-.Ltmp1, $1  }
0xf: {  	_ =	sdelay $0x3  }
.LBB2_9:
0x10: {  	s9 =	sadd.s32 $0x1, s9;
	s10 =	smov.u32 s2  }
.LBB2_1:
0x11: {  	p1 =	sne.s32 s9, $0x0  }
.Ltmp2:
0x12: {  	_ = 	snop;
	(pc) =	sbr.rel @!p1 .LBB2_2-.Ltmp2, $1  }
0x13: {  	_ =	sdelay $0x3  }
0x14: {  	s11 =	sand.u32 $0x1, s9  }
0x15: {  	p1 =	seq.s32 s11, $0x0  }
.Ltmp3:
0x16: {  	_ = 	snop;
	(pc) =	sbr.rel @p1 .LBB2_8-.Ltmp3, $1  }
0x17: {  	_ =	sdelay $0x3  }
0x18: {  	_ =	swait.ge [sflag:s3], $0x280  }
0x19: {  	[sflag:s3] =	ssyncset.done $0x0  }
0x1a: {  	s11 =	simm.s32 $0x0;
	p1 =	por $0x1, $0x1;
	[sflag:s3] =	ssyncadd.s32 $0xFFFFFD80  }
.LBB2_5:
0x1b: {  	v0 =	vld [tilespmem:s11+$0x280]  }
0x1c: {  	v1 =	vld [tilespmem:s11+$0x290]  }
0x1d: {  	v2 =	vld [tilespmem:s11+$0x2A0]  }
0x1e: {  	v3 =	vld [tilespmem:s11+$0x2B0]  }
0x1f: {  	v4 =	vld [tilespmem:s11+$0x2C0]  }
0x20: {  	v53 =	vld [tilespmem:s11+$0x2D0];
	[tilespmem:s11+$0x780] =	vst v0  }
0x21: {  	v54 =	vld [tilespmem:s11+$0x2E0];
	[tilespmem:s11+$0x790] =	vst v1  }
0x22: {  	v55 =	vld [tilespmem:s11+$0x2F0];
	[tilespmem:s11+$0x7A0] =	vst v2  }
0x23: {  	v56 =	vld [tilespmem:s11+$0x300];
	[tilespmem:s11+$0x7B0] =	vst v3  }
0x24: {  	v57 =	vld [tilespmem:s11+$0x310];
	[tilespmem:s11+$0x7C0] =	vst v4  }
0x25: {  	v58 =	vld [tilespmem:s11+$0x320];
	[tilespmem:s11+$0x7D0] =	vst v53  }
0x26: {  	v59 =	vld [tilespmem:s11+$0x330];
	[tilespmem:s11+$0x7E0] =	vst v54  }
0x27: {  	v60 =	vld [tilespmem:s11+$0x340];
	[tilespmem:s11+$0x7F0] =	vst v55  }
0x28: {  	v61 =	vld [tilespmem:s11+$0x350];
	[tilespmem:s11+$0x800] =	vst v56  }
0x29: {  	v62 =	vld [tilespmem:s11+$0x360];
	[tilespmem:s11+$0x810] =	vst v57  }
0x2a: {  	v63 =	vld [tilespmem:s11+$0x370];
	p2 =	por p1, p1;
	[tilespmem:s11+$0x820] =	vst v58  }
.Ltmp4:
0x2b: {  	[tilespmem:s11+$0x830] =	vst v59;
	(pc) =	sbr.rel @p2 .LBB2_5-.Ltmp4, $4  }
0x2c: {  	[tilespmem:s11+$0x840] =	vst v60  }
0x2d: {  	[tilespmem:s11+$0x850] =	vst v61  }
0x2e: {  	s12 =	simm.s32 $0x1F0;
	s13 =	simm.s32 $0x980;
	[tilespmem:s11+$0x860] =	vst v62  }
0x2f: {  	s14 =	simm.s32 $0x480;
	p1 =	por $0x0, $0x0;
	[tilespmem:s11+$0x870] =	vst v63;
	s11 =	simm.s32 $0x100  }
.LBB2_6:
0x30: {  	s12 =	sadd.s32 $0x10, s12  }
0x31: {  	v0 =	vld [tilespmem:s14+$0x0];
	p1 =	slt.u32 s12, $0x270  }
.Ltmp5:
0x32: {  	_ = 	snop;
	(pc) =	sbr.rel @p1 .LBB2_6-.Ltmp5, $2  }
0x33: {  	_ =	sdelay $0x2  }
0x34: {  	s14 =	sadd.s32 $0x10, s14;
	[tilespmem:s13+$0x0] =	vst v0;
	s13 =	sadd.s32 $0x10, s13  }
.Ltmp6:
0x35: {  	(pc) =	sbr.rel .LBB2_8-.Ltmp6, $4  }
0x36: {  	_ = 	snop  }
0x37: {  	s10 =	sshrl.u32 s10, $0x3  }
0x38: {  	s10 =	sadd.s32 s4, s10  }
0x39: {  	[hbm4b:s10+s6] =	stream.linear.scatter [tilespmem:s8], [sflag:$0x2], $0x280, $0x38;
	[tilespmem:$0xA00] =	vst v63  }
.LBB2_2:
.Ltmp7:
0x3a: {  	(pc) =	sbr.rel .LBB2_9-.Ltmp7, $2  }
0x3b: {  	_ =	sdelay $0x2  }
0x3c: {  	[tilespmem:s7], [sflag:$0x1] =	stream.linear.gather [hbm4b:s5+s6], $0x280, $0x38;
	[tilespmem:$0xA00] =	vst v63  }
.LBB2_10:
0x3d: {  	s2 =	simm.s32 $0x2  }
0x3e: {  	_ =	swait.ge [sflag:s2], $0x280  }
0x3f: {  	[sflag:s2] =	ssyncset.done $0x0  }
0x40: {  	[sflag:s2] =	ssyncadd.s32 $0xFFFFFD80  }
0x41: {  	_ =	sfence.sel $0x180000  }
0x42: {  	s3 =	simm.s32 $0x1;
	[bflag:$0x0] =	sbarrier.arrive $0xFFFF  }
0x43: {  	[sflag:s3] =	ssyncpa.u1 $0x1  }
0x44: {  	[sflag:s2] =	ssyncpa.u1 $0x1  }
0x45: {  	_ =	strace $0x90000047  }
0x46: {  	s0 =	sadd.s32 @!p0 $0x100000, s0;
	[bflag:$0x2] =	sbarrier.arrive $0xFFFF  }
0x47: {  	[sflag:s0] =	ssyncadd.tile.s32 @!p0 $0x1;
	s0 =	simm.s32 @!p0 $0x3F  }
0x48: {  	_ =	swait.ge @!p0 [sflag:s0], s1  }
0x49: {  	s1 =	ssub.s32 @!p0 $0x0, s1;
	[sflag:s0] =	ssyncset.done @!p0 $0x0  }
0x4a: {  	[sflag:s0] =	ssyncadd.s32 @!p0 s1  }
0x4b: {  	[bflag:$0x3] =	sbarrier.arrive $0xFFFF  }
0x4c: {  	_ =	shalt  }
.Lfunc_end2:
execute1_lowered:
.L_overlay_start_2:
0x4d: {  	(tag) =	ssettag $0x2  }
0x4e: {  	s0 =	rddreg [dreg:$0x0]  }
0x4f: {  	s14 =	stileid.u32;
	_ =	strace $0x8000004A;
	s2 =	simm.s32 $0x1  }
0x50: {  	v1 =	vimm.s32 $0xFFFFFFFF;
	s1 =	smin.u32 s14, $0x4;
	[sflag:s2] =	ssyncpa.u1 $0x0  }
0x51: {  	s1 =	sadd.s32 s14, s1;
	[tilespmem:$0x10] =	vst v1  }
0x52: {  	v0 =	vimm.f32 $0.0e+00;
	p0 =	slt.u32 s14, $0x4;
	[tilespmem:$0x20] =	vst v1;
	s3 =	smul.u32 $0x1F40, s1;
	s1 =	simm.s32 $0x3E80  }
0x53: {  	[tilespmem:$0x30] =	vst v0;
	s1 =	simm.s32 @!p0 $0x1F40  }
0x54: {  	[tilespmem:$0x40] =	vst v0;
	s1 =	sadd.s32 s1, s3  }
0x55: {  	[tilespmem:$0x50] =	vst v0;
	s4 =	smin.u32 s1, $0x27100  }
0x56: {  	[tilespmem:$0x60] =	vst v1;
	s9 =	ssub.s32 s4, s3  }
0x57: {  	s7 =	simm.s32 $0x2;
	s8 =	simm.s32 $0x8;
	[tilespmem:$0x70] =	vst v1;
	p0 =	sgt.s32 s9, $0x0  }
0x58: {  	s31 =	simm.s32 $0x9;
	s16 =	simm.s32 $0x0;
	[tilespmem:$0x80] =	vst v1;
	s9 =	simm.s32 @!p0 $0x0  }
0x59: {  	s17 =	simm.s32 $0xF0;
	s18 =	simm.s32 $0xFFFFFFFF;
	v1 =	vimm.s32 $0x0;
	[tilespmem:$0xB0] =	vst v0;
	s5 =	smulhi.u32 $0x10624DD3, s9  }
0x5a: {  	s19 =	simm.s32 $0xFFFFC280;
	s20 =	simm.s32 $0xFFFFFFFE;
	s21 =	simm.s32 $0xF;
	[tilespmem:$0x90] =	vst v1  }
0x5b: {  	[tilespmem:$0xA0] =	vst v1;
	[sflag:s7] =	ssyncpa.u1 $0x0;
	s7 =	simm.s32 $0x7;
	s10 =	sshrl.u32 s5, $0x9  }
0x5c: {  	s25 =	simm.s32 $0x0;
	[sflag:s7] =	ssyncpa.u1 $0x0;
	s11 =	smul.u32 $0x1F40, s10  }
0x5d: {  	s24 =	simm.s32 $0x0;
	s6 =	sadd.s32 $0x26A00, s0;
	[sflag:s8] =	ssyncpa.u1 $0x0  }
.Ltmp8:
0x5e: {  	s23 =	smov.u32 s3;
	p0 =	sne.s32 s9, s11;
	(pc) =	sbr.rel .LBB3_1-.Ltmp8, $4  }
0x5f: {  	s1 =	sadd.s32 $0x10800, s0;
	[sflag:s31] =	ssyncpa.u1 $0x0;
	s2 =	simm.s32 @!p0 $0x0  }
0x60: {  	s5 =	sadd.s32 $0x21A00, s0;
	p0 =	por $0x0, $0x0;
	s9 =	sadd.s32 s2, s10  }
0x61: {  	vm0 =	vmmov $0xffff;
	v2 =	vlaneseq.u32;
	s10 =	sshll.u32 s14, $0x1;
	s14 =	sshllo.u32 s14, $0x1;
	s11 =	sadd.s32 $0x1, s9  }
0x62: {  	vm1 =	vmxor vm1, vm1;
	vm2 =	vmmov $0x1;
	vm3 =	vcmask $0x3F3C;
	s12 =	sadd.s32 $0x2, s9;
	s13 =	sor.u32 $0x81, s10;
	s15 =	sor.u32 $0x80, s10  }
.LBB3_9:
0x63: {  	p1 =	slt.u32 s24, $0x3  }
0x64: {  	s0 =	simm.s32 @!p1 $0x2  }
0x65: {  	_ =	swait.ge @!p1 [sflag:s0], $0x1F40  }
0x66: {  	[sflag:s0] =	ssyncset.done @!p1 $0x0  }
0x67: {  	[sflag:s0] =	ssyncadd.s32 @!p1 $0xFFFFE0C0;
	s0 =	simm.s32 @!p1 $0x9  }
0x68: {  	_ =	swait.ge @!p1 [sflag:s0], $0x10  }
0x69: {  	[sflag:s0] =	ssyncset.done @!p1 $0x0  }
0x6a: {  	[sflag:s0] =	ssyncadd.s32 @!p1 $0xFFFFFFF0;
	p1 =	sne.s32 s24, s12  }
.Ltmp9:
0x6b: {  	s2 =	sadd.s32 $0x1F40, s23;
	(pc) =	sbr.rel @!p1 .LBB3_10-.Ltmp9, $4  }
0x6c: {  	s22 =	smov.u32 s3;
	s31 =	sadd.s32 $0x1, s24;
	s17 =	sadd.s32 $0x1F40, s17  }
0x6d: {  	s18 =	sadd.s32 $0x1, s18;
	s25 =	smov.u32 s23;
	p2 =	slt.s32 s2, s4  }
0x6e: {  	p0 =	por !p0, !p0;
	s19 =	sadd.s32 $0x1F40, s19;
	s22 =	smov.u32 @p2 s2  }
0x6f: {  	s20 =	sadd.s32 $0x1, s20;
	s23 =	smov.u32 s22;
	s24 =	smov.u32 s31  }
.LBB3_1:
0x70: {  	p1 =	sge.u32 s24, s9  }
0x71: {  	s0 =	smulhi.u32 @!p1 $0xAAAAAAAB, s24;
	_ =	sdelay $0x1  }
0x72: {  	s0 =	sshrl.u32 @!p1 s0, $0x1  }
0x73: {  	s0 =	smul.u32 @!p1 $0x3, s0;
	_ =	sdelay $0x1  }
0x74: {  	s0 =	ssub.s32 @!p1 s24, s0  }
0x75: {  	s0 =	smul.u32 @!p1 $0x7D00, s0;
	_ =	sdelay $0x1  }
0x76: {  	s2 =	sshrl.u32 @!p1 s23, $0x3;
	s0 =	sshrl.u32 @!p1 s0, $0x2  }
0x77: {  	s22 =	sand.u32 @!p1 $0x7, s23;
	s2 =	sadd.s32 @!p1 s5, s2;
	s0 =	sadd.s32 @!p1 $0x100, s0  }
0x78: {  	[tilespmem:s0], [sflag:$0x7] =	stream.linear.gather @!p1 [hbm4b:s2+s22], $0x1F40, $0x38;
	[tilespmem:$0x11A60] =	vst v63  }
0x79: {  	s0 =	sadd.s32 $0xFFFFFFFF, s24  }
0x7a: {  	p1 =	sge.u32 s0, s9  }
.Ltmp10:
0x7b: {  	_ = 	snop;
	(pc) =	sbr.rel @p1 .LBB3_5-.Ltmp10, $1  }
0x7c: {  	_ =	sdelay $0x3  }
0x7d: {  	s2 =	smulhi.u32 $0xAAAAAAAB, s0;
	_ =	sdelay $0x1  }
0x7e: {  	s2 =	sshrl.u32 s2, $0x1  }
0x7f: {  	s2 =	smul.u32 $0x3, s2;
	_ =	sdelay $0x1  }
0x80: {  	s2 =	ssub.s32 s0, s2  }
0x81: {  	s2 =	smul.u32 $0x7D00, s2  }
0x82: {  	_ =	swait.ge [sflag:s7], $0x1F40  }
0x83: {  	[sflag:s7] =	ssyncset.done $0x0;
	s2 =	sshrl.u32 s2, $0x2  }
0x84: {  	[sflag:s7] =	ssyncadd.s32 $0xFFFFE0C0;
	(ifvalue) =	ssetifvalue $0xFFFFFFFF;
	v3 =	vld.msk [tilespmem:s2+$0x100 ss:$0x1], $0xffff;
	_ =	sdelay $0x2  }
0x85: {  	s30 =	smulhi.u32 $0xAAAAAAAB, s18;
	p1 =	sne.s32 s24, $0x1  }
0x86: {  	v4 =	vimm.s32 @!p1 $0x0  }
0x87: {  	s2 =	sshrl.u32 s30, $0x1;
	v4 =	vperm.xlane @!p1 v3, v4  }
0x88: {  	s22 =	sshll.u32 s24, $0x4;
	s2 =	smul.u32 $0xFFFE8900, s2;
	vm4 =	vlt.u32 v3, $0x2800  }
0x89: {  	s22 =	sand.u32 $0x10, s22;
	v3 =	vnsel vm4, $0xFFFFFFFE, v3;
	vm4 =	vlt.u32 @!p1 v4, $0x2800  }
0x8a: {  	s2 =	sshra.s32 s2, $0x2;
	[tilespmem:s22+$0x60] =	vst v3;
	v3 =	vnsel @!p1 vm4, $0xFFFFFFFE, v4  }
0x8b: {  	s28 =	sadd.s32 s2, s17;
	[tilespmem:$0x80] =	vst @!p1 v3  }
0x8c: {  	v3 =	vld.msk [tilespmem:s28+$0x0 ss:$0x1], $0xffff;
	_ =	sdelay $0x4  }
0x8d: {  	(xrf1) =	vunique.msk.u32 $0xffff, v3;
	_ =	sdelay $0xd  }
0x8e: {  	v4 =	vimm.s32 $0xFFFFFFFF;
	v5, _, _ =	vpop (xrf1)  }
0x8f: {  	vm5 =	vne.s32 v3, v4;
	vm4 =	veq.s32 v5, v2  }
0x90: {  	vm6 =	vlt.u32 v3, $0x2800;
	vm4 =	vmand vm5, vm4  }
0x91: {  	vm4 =	vmand vm6, vm4  }
0x92: {  	v4 =	vnsel vm4, $0xFFFFFFFF, v3  }
0x93: {  	s31 =	sand.u32 $0x1, s0  }
0x94: {  	s0 =	simm.s32 $0x1F40;
	p1 =	seq.s32 s31, $0x1  }
0x95: {  	s0 =	simm.s32 @!p1 $0x0  }
0x96: {  	s26 =	sadd.s32 $0x7DF0, s0;
	(ifvalue) =	ssetifvalue $0xFFFFFFFF  }
0x97: {  	v3 =	vperm.xlane v3, v1;
	[tilespmem:s26], [sflag:$0x8] =	stream.indirect_vreg.gather [hbm4b:s1+s16], $0x1, v4, vm0, $0x4038;
	v4 =	vnsel vm6, $0xFFFFFFFE, v4;
	[tilespmem:$0x11A60] =	vst v63  }
0x98: {  	s2 =	simm.s32 $0x0;
	s22 =	sadd.s32 $0xFFFFFFF0, s28;
	[tilespmem:s28+$0x0] =	vst v4  }
.LBB3_3:
0x99: {  	v4 =	vld.msk [tilespmem:s22+$0x0 ss:$0x1], $0xffff;
	s2 =	sadd.s32 $0x10, s2;
	v5 =	vmov v3;
	s28 =	smov.u32 s22  }
0x9a: {  	p1 =	slt.u32 s2, $0x1F30;
	_ =	sdelay $0x4  }
0x9b: {  	v3 =	vperm.xlane v4, v1;
	(xrf1) =	vunique.msk.u32 $0xffff, v4;
	_ =	sdelay $0xd  }
0x9c: {  	v6, _, _ =	vpop (xrf1)  }
0x9d: {  	vm5 =	vne.s32 v4, v5;
	vm4 =	veq.s32 v6, v2  }
0x9e: {  	vm6 =	vlt.u32 v4, $0x2800;
	vm4 =	vmand vm5, vm4  }
0x9f: {  	vm4 =	vmand vm6, vm4  }
0xa0: {  	v4 =	vnsel vm4, $0xFFFFFFFF, v4  }
.Ltmp11:
0xa1: {  	v5 =	vnsel vm6, $0xFFFFFFFE, v4;
	(pc) =	sbr.rel @p1 .LBB3_3-.Ltmp11, $3  }
0xa2: {  	_ =	sdelay $0x1  }
0xa3: {  	s22 =	sadd.s32 $0xFFFFFFF0, s22;
	s26 =	sadd.s32 $0xFFFFFFF0, s26;
	(ifvalue) =	ssetifvalue $0xFFFFFFFF  }
0xa4: {  	[tilespmem:s26], [sflag:$0x8] =	stream.indirect_vreg.gather [hbm4b:s1+s16], $0x1, v4, vm0, $0x4038;
	[tilespmem:s28+$0x0] =	vst v5  }
0xa5: {  	s2 =	sshrl.u32 s25, $0x3  }
0xa6: {  	s0 =	sadd.s32 $0x9D40, s0;
	s2 =	sadd.s32 s6, s2  }
0xa7: {  	[tilespmem:s0], [sflag:$0x8] =	stream.linear.gather [hbm:s2], $0x1F40, $0x38;
	[tilespmem:$0x11A60] =	vst v63  }
.LBB3_5:
0xa8: {  	p1 =	slt.u32 s24, $0x2  }
0xa9: {  	p2 =	sge.u32 @!p1 s24, s12  }
0xaa: {  	p1 =	por p1, p2  }
.Ltmp12:
0xab: {  	_ = 	snop;
	(pc) =	sbr.rel @p1 .LBB3_9-.Ltmp12, $1  }
0xac: {  	_ =	sdelay $0x3  }
0xad: {  	s0 =	sadd.s32 $0xFFFFFFFE, s24  }
0xae: {  	s2 =	smulhi.u32 $0xAAAAAAAB, s0;
	_ =	sdelay $0x1  }
0xaf: {  	s2 =	sshrl.u32 s2, $0x1  }
0xb0: {  	s2 =	smul.u32 $0x3, s2;
	_ =	sdelay $0x1  }
0xb1: {  	s0 =	ssub.s32 s0, s2  }
0xb2: {  	_ =	swait.ge [sflag:s8], $0x3E80;
	s0 =	smul.u32 $0x1F40, s0  }
0xb3: {  	p1 =	sne.s32 s24, s11;
	[sflag:s8] =	ssyncset.done $0x0  }
0xb4: {  	[sflag:s8] =	ssyncadd.s32 $0xFFFFC180;
	s2 =	sadd.s32 @!p1 $0x203F, s0  }
0xb5: {  	[spmem:s13] =	stream.linear.scatter @!p1 [tilespmem:s2], [sflag:$0x1], $0x1, $0x38;
	[tilespmem:$0x11A60] =	vst v63  }
0xb6: {  	s2 =	simm.s32 @!p1 $0x1  }
0xb7: {  	_ =	swait.ge @!p1 [sflag:s2], $0x1  }
0xb8: {  	s22 =	sshll.u32 s24, $0x4;
	[sflag:s2] =	ssyncset.done @!p1 $0x0  }
0xb9: {  	s25 =	sand.u32 $0x10, s22;
	[sflag:s2] =	ssyncadd.s32 @!p1 $0xFFFFFFFF  }
0xba: {  	s2 =	sxor.u32 $0x10, s25;
	v4 =	vld [tilespmem:s25+$0x10]  }
0xbb: {  	v5 =	vld [tilespmem:s2+$0x60]  }
0xbc: {  	v3 =	vld [tilespmem:$0x80];
	_ =	sdelay $0x2  }
0xbd: {  	(v2sf) =	vpush v4, $0x0  }
0xbe: {  	(v2sf) =	vpush v5, $0x0  }
0xbf: {  	(v2sf) =	vpush v3, $0x0;
	_ =	sdelay $0xc  }
0xc0: {  	s22 =	spop (v2sf)  }
0xc1: {  	s26 =	spop (v2sf)  }
0xc2: {  	s28 =	spop (v2sf)  }
0xc3: {  	p2 =	seq.s32 s22, s26;
	p3 =	seq.s32 s28, s22  }
0xc4: {  	p3 =	por p2, p3  }
0xc5: {  	s26 =	sand.u32 $0x1, s24;
	v4 =	vpsel p3, $0xFFFFFFFF, v4  }
0xc6: {  	s29 =	smul.u32 $0x1F40, s26;
	[tilespmem:s25+$0x10] =	vst.msk $0x1, v4  }
0xc7: {  	v4 =	vld [tilespmem:$0x30]  }
0xc8: {  	v5 =	vld [tilespmem:s29+$0x9D40]  }
0xc9: {  	v6 =	vld [tilespmem:s25+$0x40];
	_ =	sdelay $0x3  }
0xca: {  	vm4 =	vmmov vm1;
	v5 =	vadd.f32 v5, v4  }
0xcb: {  	vm5 =	vmmov vm2;
	vm4 =	vmmov @p2 vm2;
	s22 =	sshll.u32 s26, $0x4;
	v4 =	vadd.f32 v6, v4  }
0xcc: {  	s26 =	sor.u32 $0x11A40, s22;
	vm5 =	vmmov @p3 vm1;
	[tilespmem:s29+$0x9D40] =	vst.msk vm4, v5  }
0xcd: {  	[tilespmem:s26+$0x0] =	vst.msk vm5, v4  }
0xce: {  	v4 =	vld [tilespmem:s29+$0x7DF0];
	_ =	sdelay $0x3  }
0xcf: {  	v5 =	vimm.f32 $0.0e+00  }
0xd0: {  	v4 =	vshift.insert v4, v5, s21  }
0xd1: {  	s22 =	sor.u32 $0x40, s2  }
0xd2: {  	[tilespmem:s22+$0x0] =	vst.msk $0x1, v4  }
0xd3: {  	[tilespmem:s29+$0x7DFF] =	vst.msk $0x1, v5  }
0xd4: {  	v4 =	vld [tilespmem:s0+$0x2030];
	_ =	sdelay $0x1  }
0xd5: {  	s22 =	smulhi.u32 $0xAAAAAAAB, s20;
	s0 =	simm.s32 $0x1  }
0xd6: {  	s0 =	simm.s32 @!p0 $0x0  }
0xd7: {  	s22 =	sshrl.u32 s22, $0x1;
	s0 =	smul.u32 $0x7D00, s0  }
0xd8: {  	s22 =	smul.u32 $0xFFFE8900, s22;
	v4 =	vshift.insert v4, v1, s21  }
0xd9: {  	s0 =	sshrl.u32 s0, $0x2  }
0xda: {  	s22 =	sshra.s32 s22, $0x2;
	s30 =	sadd.s32 $0x9D40, s0;
	[tilespmem:s2+$0x10] =	vst.msk $0x1, v4  }
0xdb: {  	s22 =	sadd.s32 s22, s19;
	v6 =	vld [tilespmem:s30+$0x0]  }
0xdc: {  	v7 =	vld [tilespmem:s22+$0x0];
	_ =	sdelay $0x3  }
0xdd: {  	v5 =	vadd.f32 v6, v5  }
0xde: {  	vm4 =	vne.s32 v7, $0xFFFFFFFF  }
0xdf: {  	(xrf2) =	vadd.seg.scan.f32 vm4, v5;
	_ =	sdelay $0x3  }
0xe0: {  	s31 =	sadd.s32 $0x5EC0, s0;
	v5 =	vperm.xlane v4, v1  }
0xe1: {  	v6 =	vld [tilespmem:s31+$0x0]  }
0xe2: {  	vm5 =	veq.s32 v7, v3;
	vm6 =	veq.s32 v7, v5  }
0xe3: {  	vm7 =	vgt.u32 v7, $0xFFFFFFFD;
	vm6 =	vmor vm6, vm5  }
0xe4: {  	vm6 =	vmor vm6, vm7  }
0xe5: {  	v9 =	vld [tilespmem:$0xA0];
	v7 =	vsel vm6, $0xFFFFFFFF, v7  }
0xe6: {  	v10 =	vld [tilespmem:$0x90];
	v6 =	vsel vm5, $0x0, v6;
	v8, _, _ =	vpop (xrf2)  }
0xe7: {  	v6 =	vadd.f32 v8, v6  }
0xe8: {  	s0 =	sadd.s32 $0xDBC0, s0  }
0xe9: {  	vm4 =	vmand vm4, vm3;
	[tilespmem:s0+$0x0] =	vst v6;
	(ifvalue) =	ssetifvalue $0xFFFFFFFF  }
0xea: {  	vm6 =	veq.s32 v9, $0x1;
	[hbm4b:s1+s16] =	stream.indirect_vreg.scatter [tilespmem:s0], [sflag:$0x2], $0x1, v7, vm0, $0x4038;
	v7 =	vsel vm4, $0x0, v8;
	[tilespmem:$0x11A60] =	vst v63  }
0xeb: {  	s2 =	simm.s32 $0x0;
	s22 =	sadd.s32 $0x10, s22;
	vm4 =	vmor vm6, vm5;
	v6 =	vsel vm5, v8, v10;
	v7 =	vshift.insert v7, v0, s21  }
.LBB3_7:
0xec: {  	v8 =	vld [tilespmem:s22+$0x0];
	s30 =	sadd.s32 $0x10, s30  }
0xed: {  	s31 =	sadd.s32 $0x10, s31;
	v9 =	vld [tilespmem:s30+$0x0]  }
0xee: {  	s2 =	sadd.s32 $0x10, s2;
	v10 =	vld [tilespmem:s31+$0x0]  }
0xef: {  	p2 =	slt.u32 s2, $0x1F30;
	_ =	sdelay $0x2  }
0xf0: {  	v7 =	vadd.f32 v9, v7  }
0xf1: {  	vm5 =	vne.s32 v8, $0xFFFFFFFF  }
0xf2: {  	vm6 =	vmand vm5, vm3;
	(xrf2) =	vadd.seg.scan.f32 vm5, v7;
	_ =	sdelay $0x5  }
0xf3: {  	vm7 =	veq.s32 v8, v5;
	vm5 =	veq.s32 v8, v3  }
0xf4: {  	vm8 =	vgt.u32 v8, $0xFFFFFFFD;
	vm4 =	vmor vm4, vm5;
	vm7 =	vmor vm7, vm5  }
0xf5: {  	vm7 =	vmor vm7, vm8  }
0xf6: {  	v8 =	vsel vm7, $0xFFFFFFFF, v8  }
.Ltmp13:
0xf7: {  	v7 =	vsel vm5, $0x0, v10;
	v9, _, _ =	vpop (xrf2);
	(pc) =	sbr.rel @p2 .LBB3_7-.Ltmp13, $4  }
0xf8: {  	v6 =	vsel vm5, v9, v6;
	v10 =	vadd.f32 v9, v7;
	v7 =	vsel vm6, $0x0, v9  }
0xf9: {  	s0 =	sadd.s32 $0x10, s0;
	v7 =	vshift.insert v7, v0, s21  }
0xfa: {  	s22 =	sadd.s32 $0x10, s22;
	[tilespmem:s0+$0x0] =	vst v10;
	(ifvalue) =	ssetifvalue $0xFFFFFFFF  }
0xfb: {  	[hbm4b:s1+s16] =	stream.indirect_vreg.scatter [tilespmem:s0], [sflag:$0x2], $0x1, v8, vm0, $0x4038;
	[tilespmem:$0x11A60] =	vst v63  }
0xfc: {  	v3 =	vld [tilespmem:s29+$0xFAF0];
	_ =	sdelay $0x4  }
0xfd: {  	v3 =	vshift.insert v3, v0, s21  }
0xfe: {  	s0 =	simm.s32 $0x30  }
0xff: {  	[tilespmem:s0+$0x0] =	vst.msk $0x1, v3  }
0x100: {  	v3 =	vsel vm4, $0x1, v1;
	[tilespmem:$0x90] =	vst v6  }
0x101: {  	s0 =	sadd.s32 @!p1 $0xFAFF, s29;
	[tilespmem:$0xA0] =	vst v3  }
0x102: {  	[spmem:s14] =	stream.linear.scatter @!p1 [tilespmem:s0], [sflag:$0x1], $0x1, $0x38;
	[tilespmem:$0x11A60] =	vst v63  }
0x103: {  	s0 =	simm.s32 @!p1 $0x1  }
0x104: {  	v3 =	vmctz.xlane @!p1 vm4;
	_ =	swait.ge @!p1 [sflag:s0], $0x1  }
0x105: {  	(v2sf) =	vpush @!p1 v4, $0x0  }
0x106: {  	(v2sf) =	vpush @!p1 v3, $0x0;
	_ =	sdelay $0xd  }
0x107: {  	s2 =	spop @!p1 (v2sf)  }
0x108: {  	s22 =	spop @!p1 (v2sf)  }
0x109: {  	p2 =	sne.s32 @!p1 s28, s2;
	p3 =	slt.s32 @!p1 s22, $0xF  }
0x10a: {  	[sflag:s0] =	ssyncset.done @!p1 $0x0;
	p2 =	por p2, p1;
	p3 =	por !p3, p1  }
0x10b: {  	[sflag:s0] =	ssyncadd.s32 @!p1 $0xFFFFFFFF;
	v3 =	vimm.s32 @!p2 $0xFFFFFFFF;
	s22 =	simm.s32 @p3 $0xF  }
0x10c: {  	[tilespmem:$0x80] =	vst @!p2 v3;
	s2 =	sadd.s32 @!p1 $0x90, s22  }
0x10d: {  	[spmem:s10] =	stream.linear.scatter @!p1 [tilespmem:s2], [sflag:$0x1], $0x1, $0x38;
	[tilespmem:$0x11A60] =	vst v63  }
0x10e: {  	_ =	swait.ge @!p1 [sflag:s0], $0x1  }
0x10f: {  	[sflag:s0] =	ssyncset.done @!p1 $0x0  }
0x110: {  	s2 =	simm.s32 @!p1 $0x80;
	[sflag:s0] =	ssyncadd.s32 @!p1 $0xFFFFFFFF  }
0x111: {  	[spmem:s15] =	stream.linear.scatter @!p1 [tilespmem:s2], [sflag:$0x1], $0x1, $0x38;
	[tilespmem:$0x11A60] =	vst v63  }
0x112: {  	_ =	swait.ge @!p1 [sflag:s0], $0x1  }
0x113: {  	[sflag:s0] =	ssyncset.done @!p1 $0x0  }
0x114: {  	[sflag:s0] =	ssyncadd.s32 @!p1 $0xFFFFFFFF;
	(ifvalue) =	ssetifvalue $0xFFFFFFFF;
	v3 =	vld [tilespmem:s25+$0x10];
	_ =	sdelay $0x3  }
.Ltmp14:
0x115: {  	_ = 	snop;
	(pc) =	sbr.rel .LBB3_9-.Ltmp14, $3  }
0x116: {  	_ =	sdelay $0x1  }
0x117: {  	(ifvalue) =	ssetifvalue $0xFFFFFFFF  }
0x118: {  	[hbm4b:s1+s16] =	stream.indirect_vreg.scatter [tilespmem:s26], [sflag:$0x9], $0x1, v3, vm0, $0x4038;
	[tilespmem:$0x11A60] =	vst v63  }
.LBB3_10:
0x119: {  	_ =	sfence.sel $0x180000  }
0x11a: {  	s0 =	simm.s32 $0x7;
	[bflag:$0x0] =	sbarrier.arrive $0xFFFF  }
0x11b: {  	s26 =	simm.s32 $0x8;
	[sflag:s0] =	ssyncpa.u1 $0x1  }
0x11c: {  	s28 =	simm.s32 $0x9;
	[sflag:s26] =	ssyncpa.u1 $0x1  }
0x11d: {  	[sflag:s28] =	ssyncpa.u1 $0x1  }
0x11e: {  	_ =	sfence.stream.spmem  }
0x11f: {  	s29 =	simm.s32 $0x3;
	[bflag:$0x0] =	sbarrier.arrive $0xFFFF  }
0x120: {  	s30 =	simm.s32 $0x4;
	[sflag:s29] =	ssyncpa.u1 $0x1  }
0x121: {  	s31 =	simm.s32 $0x3C;
	s2 =	stileid.u32;
	[sflag:s30] =	ssyncpa.u1 $0x1  }
0x122: {  	p0 =	sne.s32 s2, $0x0;
	[sflag:s31] =	ssyncpa.u1 $0x1  }
0x123: {  	s0 =	simm.s32 @p0 $0x1;
	_ =	sfence @p0  }
0x124: {  	[sflag:s0] =	ssyncpa.u1 @p0 $0x1;
	s0 =	simm.s32 @p0 $0x2  }
0x125: {  	[sflag:s0] =	ssyncpa.u1 @p0 $0x1  }
0x126: {  	_ =	strace @p0 $0x9000004A  }
0x127: {  	[bflag:$0x2] =	sbarrier.arrive @p0 $0xFFFF  }
0x128: {  	_ =	shalt @p0  }
.LBB3_11:
0x129: {  	_ =	sfence.stream.spmem;
	s0 =	simm.s32 $0x5  }
0x12a: {  	s2 =	simm.s32 $0x80;
	s3 =	simm.s32 $0xC0;
	[sflag:s0] =	ssyncpa.u1 $0x0  }
0x12b: {  	[tilespmem:s3], [sflag:$0x5] =	stream.linear.gather [spmem:s2], $0x20, $0x38;
	[tilespmem:$0x11A60] =	vst v63  }
0x12c: {  	s2 =	simm.s32 $0x0;
	s3 =	simm.s32 $0xE0  }
0x12d: {  	[tilespmem:s3], [sflag:$0x5] =	stream.linear.gather [spmem:s2], $0x20, $0x38;
	[tilespmem:$0x11A60] =	vst v63  }
.Ltmp15:
0x12e: {  	_ = 	snop;
	(pc) =	sbr.rel .LBB3_12-.Ltmp15, $4  }
0x12f: {  	_ =	swait.ge [sflag:s0], $0x40  }
0x130: {  	[sflag:s0] =	ssyncset.done $0x0  }
0x131: {  	s31 =	simm.s32 $0x6;
	[sflag:s0] =	ssyncadd.s32 $0xFFFFFFC0  }
0x132: {  	s4 =	simm.s32 $0x0;
	[sflag:s31] =	ssyncpa.u1 $0x0  }
.LBB3_17:
0x133: {  	p0 =	sgt.u32 s5, $0x27FF  }
0x134: {  	s0 =	sshrl.u32 @!p0 s5, $0x3  }
0x135: {  	s5 =	sand.u32 @!p0 $0x7, s5;
	s6 =	simm.s32 @!p0 $0xB0;
	s0 =	sadd.s32 @!p0 s1, s0  }
0x136: {  	[tilespmem:s6], [sflag:$0x6] =	stream.linear.gather @!p0 [hbm4b:s0+s5], $0x1, $0x38;
	[tilespmem:$0x11A60] =	vst v63  }
0x137: {  	s0 =	simm.s32 @!p0 $0x6  }
0x138: {  	_ =	swait.ge @!p0 [sflag:s0], $0x1  }
0x139: {  	[sflag:s0] =	ssyncset.done @!p0 $0x0  }
0x13a: {  	[sflag:s0] =	ssyncadd.s32 @!p0 $0xFFFFFFFF  }
0x13b: {  	v2 =	vmov @!p0 s4;
	v1 =	vld.msk @!p0 [tilespmem:$0xB0], $0x1;
	_ =	sdelay $0x3  }
0x13c: {  	s0 =	simm.s32 @!p0 $0xE0  }
0x13d: {  	[tilespmem:v2+s0+$0x0], v1 =	vst.idx.ret.add.f32.msk @!p0 $0x1, v1  }
0x13e: {  	[tilespmem:s2+$0xC0] =	vst.msk $0x1, v0  }
0x13f: {  	v0 =	vld.msk [tilespmem:s4+$0xE0], $0x1;
	_ =	sdelay $0x4  }
0x140: {  	[tilespmem:s2+$0xE0] =	vst.msk $0x1, v0;
	s2 =	sadd.s32 $0x1, s2  }
.LBB3_19:
0x141: {  	s4 =	sadd.s32 $0x1, s4  }
0x142: {  	p0 =	sne.s32 s4, $0x20  }
.Ltmp16:
0x143: {  	_ = 	snop;
	(pc) =	sbr.rel @!p0 .LBB3_20-.Ltmp16, $1  }
0x144: {  	_ =	sdelay $0x3  }
.LBB3_12:
0x145: {  	v0 =	vld.msk [tilespmem:s4+$0xC0], $0x1;
	_ =	sdelay $0x4  }
0x146: {  	(v2sf) =	vpush v0, $0x0;
	_ =	sdelay $0xe  }
0x147: {  	s5 =	spop (v2sf)  }
0x148: {  	p0 =	seq.s32 s5, $0xFFFFFFFF  }
.Ltmp17:
0x149: {  	_ = 	snop;
	(pc) =	sbr.rel @p0 .LBB3_19-.Ltmp17, $1  }
0x14a: {  	_ =	sdelay $0x3  }
0x14b: {  	p0 =	slt.s32 s2, $0x1  }
.Ltmp18:
0x14c: {  	_ = 	snop;
	(pc) =	sbr.rel @p0 .LBB3_17-.Ltmp18, $1  }
0x14d: {  	_ =	sdelay $0x3  }
0x14e: {  	s0 =	simm.s32 $0xC0;
	p0 =	por $0x0, $0x0  }
0x14f: {  	v1 =	vld.msk @!p0 [tilespmem:s0+$0x0], $0x1;
	_ =	sdelay $0x4  }
0x150: {  	(v2sf) =	vpush @!p0 v1, $0x0;
	_ =	sdelay $0xd  }
0x151: {  	p2 =	sne.s32 s2, $0x1  }
.Ltmp19:
0x152: {  	s6 =	spop @!p0 (v2sf);
	(pc) =	sbr.rel @!p2 .LBB3_16-.Ltmp19, $4  }
0x153: {  	p1 =	seq.s32 @!p0 s5, s6  }
0x154: {  	s6 =	simm.s32 $0x0;
	p1 =	por !p1, p0  }
0x155: {  	s8 =	simm.s32 $0xFFFFFFFF;
	s6 =	simm.s32 @p1 $0xFFFFFFFF  }
0x156: {  	s7 =	simm.s32 $0x1;
	s6 =	smov.u32 @p0 s8  }
.LBB3_15:
0x157: {  	s8 =	smov.u32 s6;
	p0 =	sne.s32 s6, $0xFFFFFFFF  }
0x158: {  	s0 =	sadd.s32 $0x1, s0;
	s6 =	smov.u32 s7;
	s7 =	sadd.s32 $0x1, s7  }
0x159: {  	p1 =	sne.s32 s2, s7;
	v1 =	vld.msk @!p0 [tilespmem:s0+$0x0], $0x1;
	_ =	sdelay $0x4  }
0x15a: {  	(v2sf) =	vpush @!p0 v1, $0x0;
	_ =	sdelay $0xe  }
.Ltmp20:
0x15b: {  	s9 =	spop @!p0 (v2sf);
	(pc) =	sbr.rel @p1 .LBB3_15-.Ltmp20, $4  }
0x15c: {  	p2 =	seq.s32 @!p0 s5, s9  }
0x15d: {  	p2 =	por !p2, p0  }
0x15e: {  	s6 =	simm.s32 @p2 $0xFFFFFFFF  }
0x15f: {  	s6 =	smov.u32 @p0 s8  }
.LBB3_16:
0x160: {  	p0 =	sne.s32 s6, $0xFFFFFFFF  }
.Ltmp21:
0x161: {  	_ = 	snop;
	(pc) =	sbr.rel @!p0 .LBB3_17-.Ltmp21, $1  }
0x162: {  	_ =	sdelay $0x3  }
0x163: {  	v0 =	vld.msk [tilespmem:s4+$0xE0], $0x1;
	v1 =	vmov s6  }
.Ltmp22:
0x164: {  	_ = 	snop;
	(pc) =	sbr.rel .LBB3_19-.Ltmp22, $2  }
0x165: {  	_ =	sdelay $0x2  }
0x166: {  	[tilespmem:v1+s3+$0x0], v0 =	vst.idx.ret.add.f32.msk $0x1, v0  }
.LBB3_20:
0x167: {  	p0 =	slt.s32 s2, $0x1  }
.Ltmp23:
0x168: {  	_ = 	snop;
	(pc) =	sbr.rel @p0 .LBB3_24-.Ltmp23, $3  }
0x169: {  	_ =	sdelay $0x1  }
0x16a: {  	s0 =	simm.s32 $0x6  }
0x16b: {  	s3 =	simm.s32 $0x0;
	[sflag:s0] =	ssyncpa.u1 $0x1  }
0x16c: {  	s0 =	simm.s32 $0xC0  }
0x16d: {  	v0 =	vld.msk [tilespmem:s0+$0x0], $0x1;
	_ =	sdelay $0x4  }
0x16e: {  	(v2sf) =	vpush v0, $0x0;
	_ =	sdelay $0xe  }
0x16f: {  	s2 =	sadd.s32 $0xFFFFFFFF, s2;
	s4 =	spop (v2sf)  }
0x170: {  	p1 =	sne.s32 s2, $0x0;
	p0 =	sgt.u32 s4, $0x27FF  }
.Ltmp24:
0x171: {  	s5 =	sshrl.u32 @!p0 s4, $0x3;
	(pc) =	sbr.rel @!p1 .LBB3_23-.Ltmp24, $4  }
0x172: {  	s0 =	simm.s32 $0xE0;
	s4 =	sand.u32 @!p0 $0x7, s4;
	s5 =	sadd.s32 @!p0 s1, s5  }
0x173: {  	[hbm4b:s5+s4] =	stream.linear.scatter @!p0 [tilespmem:s0], [sflag:$0x5], $0x1, $0x38;
	[tilespmem:$0x11A60] =	vst v63  }
0x174: {  	s5 =	simm.s32 $0x0  }
0x175: {  	s4 =	simm.s32 $0xC1;
	s5 =	simm.s32 @!p0 $0x4  }
.LBB3_22:
0x176: {  	v0 =	vld.msk [tilespmem:s4+$0x0], $0x1;
	s2 =	sadd.s32 $0xFFFFFFFF, s2;
	s3 =	sadd.s32 s3, s5  }
0x177: {  	p0 =	sne.s32 s2, $0x0;
	_ =	sdelay $0x3  }
0x178: {  	(v2sf) =	vpush v0, $0x0;
	_ =	sdelay $0xe  }
.Ltmp25:
0x179: {  	s6 =	spop (v2sf);
	(pc) =	sbr.rel @p0 .LBB3_22-.Ltmp25, $4  }
0x17a: {  	s5 =	simm.s32 $0x0;
	p1 =	sgt.u32 s6, $0x27FF  }
0x17b: {  	s0 =	sadd.s32 $0x1, s0;
	s5 =	simm.s32 @!p1 $0x4;
	s7 =	sshrl.u32 @!p1 s6, $0x3  }
0x17c: {  	s4 =	sadd.s32 $0x1, s4;
	s6 =	sand.u32 @!p1 $0x7, s6;
	s7 =	sadd.s32 @!p1 s1, s7  }
0x17d: {  	[hbm4b:s7+s6] =	stream.linear.scatter @!p1 [tilespmem:s0], [sflag:$0x5], $0x1, $0x38;
	[tilespmem:$0x11A60] =	vst v63  }
.LBB3_23:
0x17e: {  	s0 =	sadd.s32 s3, s5  }
0x17f: {  	s3 =	sshrl.u32 s0, $0x2  }
.LBB3_24:
0x180: {  	s0 =	simm.s32 $0x5  }
0x181: {  	_ =	swait.ge [sflag:s0], s3  }
0x182: {  	s1 =	ssub.s32 $0x0, s3;
	[sflag:s0] =	ssyncset.done $0x0  }
0x183: {  	[sflag:s0] =	ssyncadd.s32 s1  }
0x184: {  	[sflag:s0] =	ssyncpa.u1 $0x1  }
0x185: {  	s29 =	simm.s32 $0x1;
	_ =	sfence  }
0x186: {  	s30 =	simm.s32 $0x2;
	[sflag:s29] =	ssyncpa.u1 $0x1  }
0x187: {  	[sflag:s30] =	ssyncpa.u1 $0x1  }
0x188: {  	_ =	strace $0x9000004A  }
0x189: {  	[bflag:$0x2] =	sbarrier.arrive $0xFFFF  }
0x18a: {  	s31 =	rddreg [dreg:$0x1]  }
0x18b: {  	s0 =	sadd.s32 $0x100000, s31  }
0x18c: {  	[sflag:s0] =	ssyncadd.tile.s32 $0x1;
	_ =	shalt  }
.Lfunc_end3:
_tile_overlayer_lowered:
.L_overlay_start_3:
0x18d: {  	(tag) =	ssettag $0x3  }
0x18e: {  	s0 =	rddreg [dreg:$0x0];
	s2 =	stileid.u32  }
0x18f: {  	s1 =	rddreg [dreg:$0x1];
	p0 =	sne.s32 s2, $0x0  }
0x190: {  	s3 =	rddreg [dreg:$0x2];
	[bflag:$0x3] =	sbarrier.arrive $0xFFFF;
	s2 =	simm.s32 @!p0 $0x1C01  }
0x191: {  	[timem:s3], [sflag:s2] =	dma.local @!p0 [hbm:s0], s1  }
0x192: {  	s0 =	simm.s32 @!p0 $0x1  }
0x193: {  	_ =	swait.ge @!p0 [sflag:s0], s1  }
0x194: {  	s1 =	ssub.s32 @!p0 $0x0, s1;
	[sflag:s0] =	ssyncset.done @!p0 $0x0  }
0x195: {  	[sflag:s0] =	ssyncadd.s32 @!p0 s1  }
0x196: {  	[bflag:$0x3] =	sbarrier.arrive $0xFFFF  }
0x197: {  	_ =	shalt  }

</sc_bundles>
